<compile_context>
chip_gen: v7x
topology: tpu7x:2x2x1
jax: 0.10.2.dev20260603
libtpu: 0.0.44.dev20260713+nightly
codegen_flags: <defaults>
</compile_context>

<pallas_src>
import dataclasses
import functools

import jax
import jax.numpy as jnp
from jax import lax
from jax.experimental import pallas as pl
from jax.experimental.pallas import tpu as pltpu
from jax.experimental.pallas import tpu_sc as plsc

N = 10000
D = 128
E = 320000
NC = 2
NS = 16
NW = NC * NS
EPW = E // NW
CHUNK = 80
NCHUNK = EPW // CHUNK
STRIPE = 640

MM_BLOCK = 2000


def _mm_body(x_ref, w_ref, h_ref):
    h_ref[...] = jnp.dot(x_ref[...], w_ref[...],
                         preferred_element_type=jnp.float32)


def _matmul(x, W):
    return pl.pallas_call(
        _mm_body,
        grid=(N // MM_BLOCK,),
        in_specs=[
            pl.BlockSpec((MM_BLOCK, D), lambda i: (i, 0)),
            pl.BlockSpec((D, D), lambda i: (0, 0)),
        ],
        out_specs=pl.BlockSpec((MM_BLOCK, D), lambda i: (i, 0)),
        out_shape=jax.ShapeDtypeStruct((N, D), jnp.float32),
    )(x, W)


NBUF = 4
NPAD = -(-NCHUNK // NBUF) * NBUF
HALF = CHUNK // 2


def _sc_edges(h, src, dst, vals):
    mesh = plsc.VectorSubcoreMesh(core_axis_name="c", subcore_axis_name="s")
    cp = pltpu.CompilerParams()
    if "needs_layout_passes" in pltpu.CompilerParams.__dataclass_fields__:
        cp = dataclasses.replace(cp, needs_layout_passes=False)

    @functools.partial(
        pl.kernel,
        out_type=jax.ShapeDtypeStruct((NC, N, D), jnp.float32),
        mesh=mesh,
        compiler_params=cp,
        scratch_types=(
            [pltpu.VMEM((CHUNK,), jnp.int32)] * NBUF
            + [pltpu.VMEM((HALF,), jnp.int32)] * (2 * NBUF)
            + [pltpu.VMEM((CHUNK,), jnp.float32)] * NBUF
            + [pltpu.VMEM((CHUNK, D), jnp.float32)] * NBUF
            + [pltpu.VMEM_SHARED((N, D), jnp.float32)]
            + [pltpu.SemaphoreType.DMA] * (7 * NBUF)
        ),
    )
    def k(h_hbm, src_hbm, dst_hbm, vals_hbm, out_hbm, *rest):
        srcb = rest[0 * NBUF:1 * NBUF]
        dstb = rest[1 * NBUF:3 * NBUF]
        valb = rest[3 * NBUF:4 * NBUF]
        rows = rest[4 * NBUF:5 * NBUF]
        acc_sh = rest[5 * NBUF]
        sems = rest[5 * NBUF + 1:]
        s_src = sems[0 * NBUF:1 * NBUF]
        s_dst = sems[1 * NBUF:3 * NBUF]
        s_val = sems[3 * NBUF:4 * NBUF]
        s_g = sems[4 * NBUF:5 * NBUF]
        s_s = sems[5 * NBUF:7 * NBUF]
        cid = lax.axis_index("c")
        sid = lax.axis_index("s")
        wid = cid * NS + sid
        base = wid * EPW

        def src_load(c, b):
            pltpu.async_copy(
                src_hbm.at[pl.ds(base + c * CHUNK, CHUNK)], srcb[b], s_src[b])

        def val_load(c, b):
            pltpu.async_copy(
                vals_hbm.at[pl.ds(base + c * CHUNK, CHUNK)], valb[b], s_val[b])

        def dst_load(c, b):
            for hh in range(2):
                pltpu.async_copy(
                    dst_hbm.at[pl.ds(base + c * CHUNK + hh * HALF, HALF)],
                    dstb[2 * b + hh], s_dst[2 * b + hh])

        def src_wait(c, b):
            pltpu.make_async_copy(
                src_hbm.at[pl.ds(base + c * CHUNK, CHUNK)], srcb[b],
                s_src[b]).wait()

        def val_wait(c, b):
            pltpu.make_async_copy(
                vals_hbm.at[pl.ds(base + c * CHUNK, CHUNK)], valb[b],
                s_val[b]).wait()

        def dst_wait(c, b, hh):
            pltpu.make_async_copy(
                dst_hbm.at[pl.ds(base + c * CHUNK + hh * HALF, HALF)],
                dstb[2 * b + hh], s_dst[2 * b + hh]).wait()

        def gather_start(b):
            pltpu.async_copy(h_hbm.at[srcb[b]], rows[b], s_g[b])

        def gather_wait(b):
            pltpu.make_async_copy(h_hbm.at[srcb[b]], rows[b], s_g[b]).wait()

        def scatter_start(b, hh):
            pltpu.async_copy(rows[b].at[pl.ds(hh * HALF, HALF)],
                             acc_sh.at[dstb[2 * b + hh]],
                             s_s[2 * b + hh], add=True)

        def scatter_wait(b):
            for hh in range(2):
                pltpu.make_async_copy(
                    rows[b].at[pl.ds(hh * HALF, HALF)],
                    acc_sh.at[dstb[2 * b + hh]], s_s[2 * b + hh]).wait()

        for b in range(NBUF):
            src_load(b, b)
            val_load(b, b)
        dst_load(0, 0)
        dst_load(1, 1)

        zero16 = jnp.zeros((16,), jnp.float32)

        @pl.loop(0, CHUNK)
        def _zero_rows(e):
            for j in range(D // 16):
                rows[0][e, pl.ds(16 * j, 16)] = zero16

        row0 = sid * STRIPE
        nchunks = jnp.where(sid < NS - 1, STRIPE // CHUNK,
                            (N - (NS - 1) * STRIPE) // CHUNK)
        NZC = STRIPE // CHUNK

        for j in range(NZC):
            @pl.when(j < nchunks)
            def _():
                pltpu.async_copy(rows[0],
                                 acc_sh.at[pl.ds(row0 + j * CHUNK, CHUNK)],
                                 s_s[j])
        for j in range(NZC):
            @pl.when(j < nchunks)
            def _():
                pltpu.make_async_copy(
                    rows[0], acc_sh.at[pl.ds(row0 + j * CHUNK, CHUNK)],
                    s_s[j]).wait()

        plsc.subcore_barrier()

        src_wait(0, 0)
        src_wait(1, 1)
        gather_start(0)
        gather_start(1)

        @pl.loop(0, NPAD, step=NBUF)
        def _pipe(c0):
            for b in range(NBUF):
                c = c0 + b
                b2 = (b + 2) % NBUF

                @pl.when(c + 2 < NCHUNK)
                def _():
                    @pl.when(c >= 2)
                    def _():
                        scatter_wait(b2)

                    dst_load(c + 2, b2)
                    src_wait(c + 2, b2)
                    gather_start(b2)

                @pl.when(c < NCHUNK)
                def _():
                    gather_wait(b)
                    val_wait(c, b)

                    for hh in range(2):
                        @pl.loop(hh * HALF, (hh + 1) * HALF, step=4)
                        def _scale(e0):
                            for i in range(4):
                                e = e0 + i
                                vv = plsc.load_gather(
                                    valb[b], [jnp.full((16,), e, jnp.int32)])
                                for j in range(D // 16):
                                    sl = pl.ds(16 * j, 16)
                                    rows[b][e, sl] = rows[b][e, sl] * vv

                        dst_wait(c, b, hh)
                        scatter_start(b, hh)

                    @pl.when(c + 4 < NCHUNK)
                    def _():
                        src_load(c + 4, b)
                        val_load(c + 4, b)

        for c in range(NCHUNK - NBUF, NCHUNK):
            scatter_wait(c % NBUF)

        plsc.subcore_barrier()

        for j in range(NZC):
            @pl.when(j < nchunks)
            def _():
                r = row0 + j * CHUNK
                pltpu.async_copy(acc_sh.at[pl.ds(r, CHUNK)],
                                 out_hbm.at[cid].at[pl.ds(r, CHUNK)],
                                 s_s[j])
        for j in range(NZC):
            @pl.when(j < nchunks)
            def _():
                r = row0 + j * CHUNK
                pltpu.make_async_copy(
                    acc_sh.at[pl.ds(r, CHUNK)],
                    out_hbm.at[cid].at[pl.ds(r, CHUNK)], s_s[j]).wait()

    return k(h, src, dst, vals)


def _comb_body(p_ref, o_ref):
    o_ref[...] = jnp.maximum(p_ref[0] + p_ref[1], 0.0)


def _combine(partials):
    return pl.pallas_call(
        _comb_body,
        grid=(N // MM_BLOCK,),
        in_specs=[pl.BlockSpec((NC, MM_BLOCK, D), lambda i: (0, i, 0))],
        out_specs=pl.BlockSpec((MM_BLOCK, D), lambda i: (i, 0)),
        out_shape=jax.ShapeDtypeStruct((N, D), jnp.float32),
    )(partials)


def kernel(inputs, edge_index, edge_vals, W):
    h = _matmul(inputs, W)
    src = edge_index[0].astype(jnp.int32)
    dst = edge_index[1].astype(jnp.int32)
    partials = _sc_edges(h, src, dst, edge_vals)
    return _combine(partials)

# --- scband reference (transcript-rebuilt; emitter-appended) ---
"""Pipeline reference for scband-graph-convolution-1297080124150 (READ-ONLY COPY).

The authoritative reference and input builder live on the scoring server;
editing this copy changes nothing except your own understanding.
"""

import jax, jax.numpy as jnp
import numpy as np

N = 10000
E = 320000
D_IN = 128
D_OUT = 128

def setup_inputs(seed: int = 0) -> dict:
    key = jax.random.key(seed)
    k1, k2, k3, k4 = jax.random.split(key, 4)
    inputs = jax.random.normal(k1, (N, D_IN), dtype=jnp.float32)
    edge_index = jax.random.randint(k2, (2, E), 0, N, dtype=jnp.int64)
    edge_vals = jax.random.uniform(k3, (E,), dtype=jnp.float32)
    # glorot-uniform weight as in weight_variable_glorot
    init_range = np.sqrt(6.0 / (D_IN + D_OUT))
    W = jax.random.uniform(k4, (D_IN, D_OUT), dtype=jnp.float32, minval=-init_range, maxval=init_range)
    return {"inputs": inputs, "edge_index": edge_index, "edge_vals": edge_vals, "W": W}

def reference(inputs, edge_index, edge_vals, W):
    # dropout in the original module is a no-op bug (module constructed, never applied); treat as identity
    h = inputs @ W                               # dense mm: [N, D_out]
    src = edge_index[0]
    dst = edge_index[1]
    msg = jnp.take(h, src, axis=0) * edge_vals[:, None]   # gather over edges
    agg = jax.ops.segment_sum(msg, dst, num_segments=N)   # spmm(adj, h) as scatter-add
    return jax.nn.relu(agg)

if __name__ == "__main__":
    import jax
    _d = setup_inputs()
    print(jax.jit(kernel)(*tuple(_d.values())))

</pallas_src>

<mosaic_0001>
#map = affine_map<(d0, d1) -> (0, 0)>
#map1 = affine_map<(d0, d1) -> (0)>
#map2 = affine_map<(d0, d1) -> (0, 0, 0)>
module attributes {stable_mosaic.version = 14 : i64} {
  func.func @k(%arg0: i32, %arg1: i32, %arg2: memref<10000x128xf32, #tpu.memory_space<hbm>>, %arg3: memref<320000xi32, #tpu.memory_space<hbm>>, %arg4: memref<320000xi32, #tpu.memory_space<hbm>>, %arg5: memref<320000xf32, #tpu.memory_space<hbm>>, %arg6: memref<2x10000x128xf32, #tpu.memory_space<hbm>>, %arg7: memref<80xi32, #tpu.memory_space<vmem>>, %arg8: memref<80xi32, #tpu.memory_space<vmem>>, %arg9: memref<80xi32, #tpu.memory_space<vmem>>, %arg10: memref<80xi32, #tpu.memory_space<vmem>>, %arg11: memref<40xi32, #tpu.memory_space<vmem>>, %arg12: memref<40xi32, #tpu.memory_space<vmem>>, %arg13: memref<40xi32, #tpu.memory_space<vmem>>, %arg14: memref<40xi32, #tpu.memory_space<vmem>>, %arg15: memref<40xi32, #tpu.memory_space<vmem>>, %arg16: memref<40xi32, #tpu.memory_space<vmem>>, %arg17: memref<40xi32, #tpu.memory_space<vmem>>, %arg18: memref<40xi32, #tpu.memory_space<vmem>>, %arg19: memref<80xf32, #tpu.memory_space<vmem>>, %arg20: memref<80xf32, #tpu.memory_space<vmem>>, %arg21: memref<80xf32, #tpu.memory_space<vmem>>, %arg22: memref<80xf32, #tpu.memory_space<vmem>>, %arg23: memref<80x128xf32, #tpu.memory_space<vmem>>, %arg24: memref<80x128xf32, #tpu.memory_space<vmem>>, %arg25: memref<80x128xf32, #tpu.memory_space<vmem>>, %arg26: memref<80x128xf32, #tpu.memory_space<vmem>>, %arg27: memref<10000x128xf32, #tpu.memory_space<vmem_shared>>, %arg28: memref<!tpu.dma_semaphore, #tpu.memory_space<semaphore_mem>>, %arg29: memref<!tpu.dma_semaphore, #tpu.memory_space<semaphore_mem>>, %arg30: memref<!tpu.dma_semaphore, #tpu.memory_space<semaphore_mem>>, %arg31: memref<!tpu.dma_semaphore, #tpu.memory_space<semaphore_mem>>, %arg32: memref<!tpu.dma_semaphore, #tpu.memory_space<semaphore_mem>>, %arg33: memref<!tpu.dma_semaphore, #tpu.memory_space<semaphore_mem>>, %arg34: memref<!tpu.dma_semaphore, #tpu.memory_space<semaphore_mem>>, %arg35: memref<!tpu.dma_semaphore, #tpu.memory_space<semaphore_mem>>, %arg36: memref<!tpu.dma_semaphore, #tpu.memory_space<semaphore_mem>>, %arg37: memref<!tpu.dma_semaphore, #tpu.memory_space<semaphore_mem>>, %arg38: memref<!tpu.dma_semaphore, #tpu.memory_space<semaphore_mem>>, %arg39: memref<!tpu.dma_semaphore, #tpu.memory_space<semaphore_mem>>, %arg40: memref<!tpu.dma_semaphore, #tpu.memory_space<semaphore_mem>>, %arg41: memref<!tpu.dma_semaphore, #tpu.memory_space<semaphore_mem>>, %arg42: memref<!tpu.dma_semaphore, #tpu.memory_space<semaphore_mem>>, %arg43: memref<!tpu.dma_semaphore, #tpu.memory_space<semaphore_mem>>, %arg44: memref<!tpu.dma_semaphore, #tpu.memory_space<semaphore_mem>>, %arg45: memref<!tpu.dma_semaphore, #tpu.memory_space<semaphore_mem>>, %arg46: memref<!tpu.dma_semaphore, #tpu.memory_space<semaphore_mem>>, %arg47: memref<!tpu.dma_semaphore, #tpu.memory_space<semaphore_mem>>, %arg48: memref<!tpu.dma_semaphore, #tpu.memory_space<semaphore_mem>>, %arg49: memref<!tpu.dma_semaphore, #tpu.memory_space<semaphore_mem>>, %arg50: memref<!tpu.dma_semaphore, #tpu.memory_space<semaphore_mem>>, %arg51: memref<!tpu.dma_semaphore, #tpu.memory_space<semaphore_mem>>, %arg52: memref<!tpu.dma_semaphore, #tpu.memory_space<semaphore_mem>>, %arg53: memref<!tpu.dma_semaphore, #tpu.memory_space<semaphore_mem>>, %arg54: memref<!tpu.dma_semaphore, #tpu.memory_space<semaphore_mem>>, %arg55: memref<!tpu.dma_semaphore, #tpu.memory_space<semaphore_mem>>) attributes {dimension_semantics = [#tpu.dimension_semantics<core_parallel>, #tpu.dimension_semantics<subcore_parallel>], iteration_bounds = array<i64: 2, 16>, scalar_prefetch = 0 : i64, scratch_operands = 49 : i64, tpu.core_type = #tpu.core_type<sc_vector_subcore>, window_params = [{transform_indices = #map}, {transform_indices = #map1}, {transform_indices = #map1}, {transform_indices = #map1}, {transform_indices = #map2}]} {
    %mul3A = arith.constant 16 : i32
    %mul3A_0 = arith.muli %arg0, %mul3A : i32
    %add3A = arith.addi %mul3A_0, %arg1 : i32
    %mul3A_1 = arith.constant 10000 : i32
    %mul3A_2 = arith.muli %add3A, %mul3A_1 : i32
    %add3A_3 = arith.constant 0 : i32
    %add3A_4 = arith.addi %mul3A_2, %add3A_3 : i32
    %dma_start3A = tpu.memref_slice %arg3[%add3A_4] : memref<320000xi32, #tpu.memory_space<hbm>> -> memref<80xi32, #tpu.memory_space<hbm>>
    %dma_start3A_5 = tpu.memref_slice %arg3[%add3A_4] : memref<320000xi32, #tpu.memory_space<hbm>> -> memref<80xi32, #tpu.memory_space<hbm>>
    tpu.enqueue_dma source(%dma_start3A_5 : memref<80xi32, #tpu.memory_space<hbm>>) target(%arg7 : memref<80xi32, #tpu.memory_space<vmem>>) target_semaphore(%arg28 : memref<!tpu.dma_semaphore, #tpu.memory_space<semaphore_mem>>)
    %add3A_6 = arith.constant 0 : i32
    %add3A_7 = arith.addi %mul3A_2, %add3A_6 : i32
    %dma_start3A_8 = tpu.memref_slice %arg5[%add3A_7] : memref<320000xf32, #tpu.memory_space<hbm>> -> memref<80xf32, #tpu.memory_space<hbm>>
    %dma_start3A_9 = tpu.memref_slice %arg5[%add3A_7] : memref<320000xf32, #tpu.memory_space<hbm>> -> memref<80xf32, #tpu.memory_space<hbm>>
    tpu.enqueue_dma source(%dma_start3A_9 : memref<80xf32, #tpu.memory_space<hbm>>) target(%arg19 : memref<80xf32, #tpu.memory_space<vmem>>) target_semaphore(%arg40 : memref<!tpu.dma_semaphore, #tpu.memory_space<semaphore_mem>>)
    %add3A_10 = arith.constant 80 : i32
    %add3A_11 = arith.addi %mul3A_2, %add3A_10 : i32
    %dma_start3A_12 = tpu.memref_slice %arg3[%add3A_11] : memref<320000xi32, #tpu.memory_space<hbm>> -> memref<80xi32, #tpu.memory_space<hbm>>
    %dma_start3A_13 = tpu.memref_slice %arg3[%add3A_11] : memref<320000xi32, #tpu.memory_space<hbm>> -> memref<80xi32, #tpu.memory_space<hbm>>
    tpu.enqueue_dma source(%dma_start3A_13 : memref<80xi32, #tpu.memory_space<hbm>>) target(%arg8 : memref<80xi32, #tpu.memory_space<vmem>>) target_semaphore(%arg29 : memref<!tpu.dma_semaphore, #tpu.memory_space<semaphore_mem>>)
    %add3A_14 = arith.constant 80 : i32
    %add3A_15 = arith.addi %mul3A_2, %add3A_14 : i32
    %dma_start3A_16 = tpu.memref_slice %arg5[%add3A_15] : memref<320000xf32, #tpu.memory_space<hbm>> -> memref<80xf32, #tpu.memory_space<hbm>>
    %dma_start3A_17 = tpu.memref_slice %arg5[%add3A_15] : memref<320000xf32, #tpu.memory_space<hbm>> -> memref<80xf32, #tpu.memory_space<hbm>>
    tpu.enqueue_dma source(%dma_start3A_17 : memref<80xf32, #tpu.memory_space<hbm>>) target(%arg20 : memref<80xf32, #tpu.memory_space<vmem>>) target_semaphore(%arg41 : memref<!tpu.dma_semaphore, #tpu.memory_space<semaphore_mem>>)
    %add3A_18 = arith.constant 160 : i32
    %add3A_19 = arith.addi %mul3A_2, %add3A_18 : i32
    %dma_start3A_20 = tpu.memref_slice %arg3[%add3A_19] : memref<320000xi32, #tpu.memory_space<hbm>> -> memref<80xi32, #tpu.memory_space<hbm>>
    %dma_start3A_21 = tpu.memref_slice %arg3[%add3A_19] : memref<320000xi32, #tpu.memory_space<hbm>> -> memref<80xi32, #tpu.memory_space<hbm>>
    tpu.enqueue_dma source(%dma_start3A_21 : memref<80xi32, #tpu.memory_space<hbm>>) target(%arg9 : memref<80xi32, #tpu.memory_space<vmem>>) target_semaphore(%arg30 : memref<!tpu.dma_semaphore, #tpu.memory_space<semaphore_mem>>)
    %add3A_22 = arith.constant 160 : i32
    %add3A_23 = arith.addi %mul3A_2, %add3A_22 : i32
    %dma_start3A_24 = tpu.memref_slice %arg5[%add3A_23] : memref<320000xf32, #tpu.memory_space<hbm>> -> memref<80xf32, #tpu.memory_space<hbm>>
    %dma_start3A_25 = tpu.memref_slice %arg5[%add3A_23] : memref<320000xf32, #tpu.memory_space<hbm>> -> memref<80xf32, #tpu.memory_space<hbm>>
    tpu.enqueue_dma source(%dma_start3A_25 : memref<80xf32, #tpu.memory_space<hbm>>) target(%arg21 : memref<80xf32, #tpu.memory_space<vmem>>) target_semaphore(%arg42 : memref<!tpu.dma_semaphore, #tpu.memory_space<semaphore_mem>>)
    %add3A_26 = arith.constant 240 : i32
    %add3A_27 = arith.addi %mul3A_2, %add3A_26 : i32
    %dma_start3A_28 = tpu.memref_slice %arg3[%add3A_27] : memref<320000xi32, #tpu.memory_space<hbm>> -> memref<80xi32, #tpu.memory_space<hbm>>
    %dma_start3A_29 = tpu.memref_slice %arg3[%add3A_27] : memref<320000xi32, #tpu.memory_space<hbm>> -> memref<80xi32, #tpu.memory_space<hbm>>
    tpu.enqueue_dma source(%dma_start3A_29 : memref<80xi32, #tpu.memory_space<hbm>>) target(%arg10 : memref<80xi32, #tpu.memory_space<vmem>>) target_semaphore(%arg31 : memref<!tpu.dma_semaphore, #tpu.memory_space<semaphore_mem>>)
    %add3A_30 = arith.constant 240 : i32
    %add3A_31 = arith.addi %mul3A_2, %add3A_30 : i32
    %dma_start3A_32 = tpu.memref_slice %arg5[%add3A_31] : memref<320000xf32, #tpu.memory_space<hbm>> -> memref<80xf32, #tpu.memory_space<hbm>>
    %dma_start3A_33 = tpu.memref_slice %arg5[%add3A_31] : memref<320000xf32, #tpu.memory_space<hbm>> -> memref<80xf32, #tpu.memory_space<hbm>>
    tpu.enqueue_dma source(%dma_start3A_33 : memref<80xf32, #tpu.memory_space<hbm>>) target(%arg22 : memref<80xf32, #tpu.memory_space<vmem>>) target_semaphore(%arg43 : memref<!tpu.dma_semaphore, #tpu.memory_space<semaphore_mem>>)
    %add3A_34 = arith.constant 0 : i32
    %add3A_35 = arith.addi %mul3A_2, %add3A_34 : i32
    %add3A_36 = arith.constant 0 : i32
    %add3A_37 = arith.addi %add3A_35, %add3A_36 : i32
    %dma_start3A_38 = tpu.memref_slice %arg4[%add3A_37] : memref<320000xi32, #tpu.memory_space<hbm>> -> memref<40xi32, #tpu.memory_space<hbm>>
    %dma_start3A_39 = tpu.memref_slice %arg4[%add3A_37] : memref<320000xi32, #tpu.memory_space<hbm>> -> memref<40xi32, #tpu.memory_space<hbm>>
    tpu.enqueue_dma source(%dma_start3A_39 : memref<40xi32, #tpu.memory_space<hbm>>) target(%arg11 : memref<40xi32, #tpu.memory_space<vmem>>) target_semaphore(%arg32 : memref<!tpu.dma_semaphore, #tpu.memory_space<semaphore_mem>>)
    %add3A_40 = arith.constant 0 : i32
    %add3A_41 = arith.addi %mul3A_2, %add3A_40 : i32
    %add3A_42 = arith.constant 40 : i32
    %add3A_43 = arith.addi %add3A_41, %add3A_42 : i32
    %dma_start3A_44 = tpu.memref_slice %arg4[%add3A_43] : memref<320000xi32, #tpu.memory_space<hbm>> -> memref<40xi32, #tpu.memory_space<hbm>>
    %dma_start3A_45 = tpu.memref_slice %arg4[%add3A_43] : memref<320000xi32, #tpu.memory_space<hbm>> -> memref<40xi32, #tpu.memory_space<hbm>>
    tpu.enqueue_dma source(%dma_start3A_45 : memref<40xi32, #tpu.memory_space<hbm>>) target(%arg12 : memref<40xi32, #tpu.memory_space<vmem>>) target_semaphore(%arg33 : memref<!tpu.dma_semaphore, #tpu.memory_space<semaphore_mem>>)
    %add3A_46 = arith.constant 80 : i32
    %add3A_47 = arith.addi %mul3A_2, %add3A_46 : i32
    %add3A_48 = arith.constant 0 : i32
    %add3A_49 = arith.addi %add3A_47, %add3A_48 : i32
    %dma_start3A_50 = tpu.memref_slice %arg4[%add3A_49] : memref<320000xi32, #tpu.memory_space<hbm>> -> memref<40xi32, #tpu.memory_space<hbm>>
    %dma_start3A_51 = tpu.memref_slice %arg4[%add3A_49] : memref<320000xi32, #tpu.memory_space<hbm>> -> memref<40xi32, #tpu.memory_space<hbm>>
    tpu.enqueue_dma source(%dma_start3A_51 : memref<40xi32, #tpu.memory_space<hbm>>) target(%arg13 : memref<40xi32, #tpu.memory_space<vmem>>) target_semaphore(%arg34 : memref<!tpu.dma_semaphore, #tpu.memory_space<semaphore_mem>>)
    %add3A_52 = arith.constant 80 : i32
    %add3A_53 = arith.addi %mul3A_2, %add3A_52 : i32
    %add3A_54 = arith.constant 40 : i32
    %add3A_55 = arith.addi %add3A_53, %add3A_54 : i32
    %dma_start3A_56 = tpu.memref_slice %arg4[%add3A_55] : memref<320000xi32, #tpu.memory_space<hbm>> -> memref<40xi32, #tpu.memory_space<hbm>>
    %dma_start3A_57 = tpu.memref_slice %arg4[%add3A_55] : memref<320000xi32, #tpu.memory_space<hbm>> -> memref<40xi32, #tpu.memory_space<hbm>>
    tpu.enqueue_dma source(%dma_start3A_57 : memref<40xi32, #tpu.memory_space<hbm>>) target(%arg14 : memref<40xi32, #tpu.memory_space<vmem>>) target_semaphore(%arg35 : memref<!tpu.dma_semaphore, #tpu.memory_space<semaphore_mem>>)
    %broadcast_in_dim3A = arith.constant 0.000000e+00 : f32
    %broadcast_in_dim3A_58 = vector.broadcast %broadcast_in_dim3A : f32 to vector<16xf32>
    %scan3A = arith.constant 0 : i32
    %scan3A_59 = arith.constant 80 : i32
    %scan3A_60 = arith.addi %scan3A, %scan3A_59 : i32
    %scan3A_61 = arith.constant 1 : i32
    scf.for %scan3A_291 = %scan3A to %scan3A_60 step %scan3A_61  : i32 {
      %mul3A_292 = arith.constant 1 : i32
      %mul3A_293 = arith.muli %scan3A_291, %mul3A_292 : i32
      %add3A_294 = arith.constant 0 : i32
      %add3A_295 = arith.addi %add3A_294, %mul3A_293 : i32
      %swap3A = arith.index_cast %add3A_295 : i32 to index
      %swap3A_296 = arith.constant 0 : index
      %swap3A_297 = tpu.vector_load %arg23[%swap3A, %swap3A_296] {strides = array<i32>} : memref<80x128xf32, #tpu.memory_space<vmem>>, vector<16xf32>,
      tpu.vector_store %arg23[%swap3A, %swap3A_296], %broadcast_in_dim3A_58 {strides = array<i32>} : memref<80x128xf32, #tpu.memory_space<vmem>>, vector<16xf32>,
      %swap3A_298 = arith.index_cast %add3A_295 : i32 to index
      %swap3A_299 = arith.constant 16 : index
      %swap3A_300 = tpu.vector_load %arg23[%swap3A_298, %swap3A_299] {strides = array<i32>} : memref<80x128xf32, #tpu.memory_space<vmem>>, vector<16xf32>,
      tpu.vector_store %arg23[%swap3A_298, %swap3A_299], %broadcast_in_dim3A_58 {strides = array<i32>} : memref<80x128xf32, #tpu.memory_space<vmem>>, vector<16xf32>,
      %swap3A_301 = arith.index_cast %add3A_295 : i32 to index
      %swap3A_302 = arith.constant 32 : index
      %swap3A_303 = tpu.vector_load %arg23[%swap3A_301, %swap3A_302] {strides = array<i32>} : memref<80x128xf32, #tpu.memory_space<vmem>>, vector<16xf32>,
      tpu.vector_store %arg23[%swap3A_301, %swap3A_302], %broadcast_in_dim3A_58 {strides = array<i32>} : memref<80x128xf32, #tpu.memory_space<vmem>>, vector<16xf32>,
      %swap3A_304 = arith.index_cast %add3A_295 : i32 to index
      %swap3A_305 = arith.constant 48 : index
      %swap3A_306 = tpu.vector_load %arg23[%swap3A_304, %swap3A_305] {strides = array<i32>} : memref<80x128xf32, #tpu.memory_space<vmem>>, vector<16xf32>,
      tpu.vector_store %arg23[%swap3A_304, %swap3A_305], %broadcast_in_dim3A_58 {strides = array<i32>} : memref<80x128xf32, #tpu.memory_space<vmem>>, vector<16xf32>,
      %swap3A_307 = arith.index_cast %add3A_295 : i32 to index
      %swap3A_308 = arith.constant 64 : index
      %swap3A_309 = tpu.vector_load %arg23[%swap3A_307, %swap3A_308] {strides = array<i32>} : memref<80x128xf32, #tpu.memory_space<vmem>>, vector<16xf32>,
      tpu.vector_store %arg23[%swap3A_307, %swap3A_308], %broadcast_in_dim3A_58 {strides = array<i32>} : memref<80x128xf32, #tpu.memory_space<vmem>>, vector<16xf32>,
      %swap3A_310 = arith.index_cast %add3A_295 : i32 to index
      %swap3A_311 = arith.constant 80 : index
      %swap3A_312 = tpu.vector_load %arg23[%swap3A_310, %swap3A_311] {strides = array<i32>} : memref<80x128xf32, #tpu.memory_space<vmem>>, vector<16xf32>,
      tpu.vector_store %arg23[%swap3A_310, %swap3A_311], %broadcast_in_dim3A_58 {strides = array<i32>} : memref<80x128xf32, #tpu.memory_space<vmem>>, vector<16xf32>,
      %swap3A_313 = arith.index_cast %add3A_295 : i32 to index
      %swap3A_314 = arith.constant 96 : index
      %swap3A_315 = tpu.vector_load %arg23[%swap3A_313, %swap3A_314] {strides = array<i32>} : memref<80x128xf32, #tpu.memory_space<vmem>>, vector<16xf32>,
      tpu.vector_store %arg23[%swap3A_313, %swap3A_314], %broadcast_in_dim3A_58 {strides = array<i32>} : memref<80x128xf32, #tpu.memory_space<vmem>>, vector<16xf32>,
      %swap3A_316 = arith.index_cast %add3A_295 : i32 to index
      %swap3A_317 = arith.constant 112 : index
      %swap3A_318 = tpu.vector_load %arg23[%swap3A_316, %swap3A_317] {strides = array<i32>} : memref<80x128xf32, #tpu.memory_space<vmem>>, vector<16xf32>,
      tpu.vector_store %arg23[%swap3A_316, %swap3A_317], %broadcast_in_dim3A_58 {strides = array<i32>} : memref<80x128xf32, #tpu.memory_space<vmem>>, vector<16xf32>,
    }
    %scan3A_62 = arith.constant 80 : i32
    %mul3A_63 = arith.constant 640 : i32
    %mul3A_64 = arith.muli %arg1, %mul3A_63 : i32
    %lt3A = arith.constant 15 : i32
    %lt3A_65 = arith.cmpi slt, %arg1, %lt3A : i32
    %jit3A = arith.constant 8 : i32
    %jit3A_66 = arith.constant 5 : i32
    %select_n3A = arith.select %lt3A_65, %jit3A, %jit3A_66 : i32
    %gt3A = arith.constant 0 : i32
    %gt3A_67 = arith.cmpi sgt, %select_n3A, %gt3A : i32
    %convert_element_type3A = arith.extui %gt3A_67 : i1 to i32
    %cond3A = arith.constant 0 : i32
    %cond3A_68 = arith.cmpi ne, %convert_element_type3A, %cond3A : i32
    scf.if %cond3A_68 {
      %add3A_291 = arith.constant 0 : i32
      %add3A_292 = arith.addi %mul3A_64, %add3A_291 : i32
      %dma_start3A_293 = arith.constant 0 : i32
      %dma_start3A_294 = tpu.memref_slice %arg27[%add3A_292, %dma_start3A_293] : memref<10000x128xf32, #tpu.memory_space<vmem_shared>> -> memref<80x128xf32, #tpu.memory_space<vmem_shared>>
      %dma_start3A_295 = arith.constant 0 : i32
      %dma_start3A_296 = tpu.memref_slice %arg27[%add3A_292, %dma_start3A_295] : memref<10000x128xf32, #tpu.memory_space<vmem_shared>> -> memref<80x128xf32, #tpu.memory_space<vmem_shared>>
      tpu.enqueue_dma source(%arg23 : memref<80x128xf32, #tpu.memory_space<vmem>>) target(%dma_start3A_296 : memref<80x128xf32, #tpu.memory_space<vmem_shared>>) target_semaphore(%arg48 : memref<!tpu.dma_semaphore, #tpu.memory_space<semaphore_mem>>)
    } else {
    }
    %gt3A_69 = arith.constant 1 : i32
    %gt3A_70 = arith.cmpi sgt, %select_n3A, %gt3A_69 : i32
    %convert_element_type3A_71 = arith.extui %gt3A_70 : i1 to i32
    %cond3A_72 = arith.constant 0 : i32
    %cond3A_73 = arith.cmpi ne, %convert_element_type3A_71, %cond3A_72 : i32
    scf.if %cond3A_73 {
      %add3A_291 = arith.constant 80 : i32
      %add3A_292 = arith.addi %mul3A_64, %add3A_291 : i32
      %dma_start3A_293 = arith.constant 0 : i32
      %dma_start3A_294 = tpu.memref_slice %arg27[%add3A_292, %dma_start3A_293] : memref<10000x128xf32, #tpu.memory_space<vmem_shared>> -> memref<80x128xf32, #tpu.memory_space<vmem_shared>>
      %dma_start3A_295 = arith.constant 0 : i32
      %dma_start3A_296 = tpu.memref_slice %arg27[%add3A_292, %dma_start3A_295] : memref<10000x128xf32, #tpu.memory_space<vmem_shared>> -> memref<80x128xf32, #tpu.memory_space<vmem_shared>>
      tpu.enqueue_dma source(%arg23 : memref<80x128xf32, #tpu.memory_space<vmem>>) target(%dma_start3A_296 : memref<80x128xf32, #tpu.memory_space<vmem_shared>>) target_semaphore(%arg49 : memref<!tpu.dma_semaphore, #tpu.memory_space<semaphore_mem>>)
    } else {
    }
    %gt3A_74 = arith.constant 2 : i32
    %gt3A_75 = arith.cmpi sgt, %select_n3A, %gt3A_74 : i32
    %convert_element_type3A_76 = arith.extui %gt3A_75 : i1 to i32
    %cond3A_77 = arith.constant 0 : i32
    %cond3A_78 = arith.cmpi ne, %convert_element_type3A_76, %cond3A_77 : i32
    scf.if %cond3A_78 {
      %add3A_291 = arith.constant 160 : i32
      %add3A_292 = arith.addi %mul3A_64, %add3A_291 : i32
      %dma_start3A_293 = arith.constant 0 : i32
      %dma_start3A_294 = tpu.memref_slice %arg27[%add3A_292, %dma_start3A_293] : memref<10000x128xf32, #tpu.memory_space<vmem_shared>> -> memref<80x128xf32, #tpu.memory_space<vmem_shared>>
      %dma_start3A_295 = arith.constant 0 : i32
      %dma_start3A_296 = tpu.memref_slice %arg27[%add3A_292, %dma_start3A_295] : memref<10000x128xf32, #tpu.memory_space<vmem_shared>> -> memref<80x128xf32, #tpu.memory_space<vmem_shared>>
      tpu.enqueue_dma source(%arg23 : memref<80x128xf32, #tpu.memory_space<vmem>>) target(%dma_start3A_296 : memref<80x128xf32, #tpu.memory_space<vmem_shared>>) target_semaphore(%arg50 : memref<!tpu.dma_semaphore, #tpu.memory_space<semaphore_mem>>)
    } else {
    }
    %gt3A_79 = arith.constant 3 : i32
    %gt3A_80 = arith.cmpi sgt, %select_n3A, %gt3A_79 : i32
    %convert_element_type3A_81 = arith.extui %gt3A_80 : i1 to i32
    %cond3A_82 = arith.constant 0 : i32
    %cond3A_83 = arith.cmpi ne, %convert_element_type3A_81, %cond3A_82 : i32
    scf.if %cond3A_83 {
      %add3A_291 = arith.constant 240 : i32
      %add3A_292 = arith.addi %mul3A_64, %add3A_291 : i32
      %dma_start3A_293 = arith.constant 0 : i32
      %dma_start3A_294 = tpu.memref_slice %arg27[%add3A_292, %dma_start3A_293] : memref<10000x128xf32, #tpu.memory_space<vmem_shared>> -> memref<80x128xf32, #tpu.memory_space<vmem_shared>>
      %dma_start3A_295 = arith.constant 0 : i32
      %dma_start3A_296 = tpu.memref_slice %arg27[%add3A_292, %dma_start3A_295] : memref<10000x128xf32, #tpu.memory_space<vmem_shared>> -> memref<80x128xf32, #tpu.memory_space<vmem_shared>>
      tpu.enqueue_dma source(%arg23 : memref<80x128xf32, #tpu.memory_space<vmem>>) target(%dma_start3A_296 : memref<80x128xf32, #tpu.memory_space<vmem_shared>>) target_semaphore(%arg51 : memref<!tpu.dma_semaphore, #tpu.memory_space<semaphore_mem>>)
    } else {
    }
    %gt3A_84 = arith.constant 4 : i32
    %gt3A_85 = arith.cmpi sgt, %select_n3A, %gt3A_84 : i32
    %convert_element_type3A_86 = arith.extui %gt3A_85 : i1 to i32
    %cond3A_87 = arith.constant 0 : i32
    %cond3A_88 = arith.cmpi ne, %convert_element_type3A_86, %cond3A_87 : i32
    scf.if %cond3A_88 {
      %add3A_291 = arith.constant 320 : i32
      %add3A_292 = arith.addi %mul3A_64, %add3A_291 : i32
      %dma_start3A_293 = arith.constant 0 : i32
      %dma_start3A_294 = tpu.memref_slice %arg27[%add3A_292, %dma_start3A_293] : memref<10000x128xf32, #tpu.memory_space<vmem_shared>> -> memref<80x128xf32, #tpu.memory_space<vmem_shared>>
      %dma_start3A_295 = arith.constant 0 : i32
      %dma_start3A_296 = tpu.memref_slice %arg27[%add3A_292, %dma_start3A_295] : memref<10000x128xf32, #tpu.memory_space<vmem_shared>> -> memref<80x128xf32, #tpu.memory_space<vmem_shared>>
      tpu.enqueue_dma source(%arg23 : memref<80x128xf32, #tpu.memory_space<vmem>>) target(%dma_start3A_296 : memref<80x128xf32, #tpu.memory_space<vmem_shared>>) target_semaphore(%arg52 : memref<!tpu.dma_semaphore, #tpu.memory_space<semaphore_mem>>)
    } else {
    }
    %gt3A_89 = arith.constant 5 : i32
    %gt3A_90 = arith.cmpi sgt, %select_n3A, %gt3A_89 : i32
    %convert_element_type3A_91 = arith.extui %gt3A_90 : i1 to i32
    %cond3A_92 = arith.constant 0 : i32
    %cond3A_93 = arith.cmpi ne, %convert_element_type3A_91, %cond3A_92 : i32
    scf.if %cond3A_93 {
      %add3A_291 = arith.constant 400 : i32
      %add3A_292 = arith.addi %mul3A_64, %add3A_291 : i32
      %dma_start3A_293 = arith.constant 0 : i32
      %dma_start3A_294 = tpu.memref_slice %arg27[%add3A_292, %dma_start3A_293] : memref<10000x128xf32, #tpu.memory_space<vmem_shared>> -> memref<80x128xf32, #tpu.memory_space<vmem_shared>>
      %dma_start3A_295 = arith.constant 0 : i32
      %dma_start3A_296 = tpu.memref_slice %arg27[%add3A_292, %dma_start3A_295] : memref<10000x128xf32, #tpu.memory_space<vmem_shared>> -> memref<80x128xf32, #tpu.memory_space<vmem_shared>>
      tpu.enqueue_dma source(%arg23 : memref<80x128xf32, #tpu.memory_space<vmem>>) target(%dma_start3A_296 : memref<80x128xf32, #tpu.memory_space<vmem_shared>>) target_semaphore(%arg53 : memref<!tpu.dma_semaphore, #tpu.memory_space<semaphore_mem>>)
    } else {
    }
    %gt3A_94 = arith.constant 6 : i32
    %gt3A_95 = arith.cmpi sgt, %select_n3A, %gt3A_94 : i32
    %convert_element_type3A_96 = arith.extui %gt3A_95 : i1 to i32
    %cond3A_97 = arith.constant 0 : i32
    %cond3A_98 = arith.cmpi ne, %convert_element_type3A_96, %cond3A_97 : i32
    scf.if %cond3A_98 {
      %add3A_291 = arith.constant 480 : i32
      %add3A_292 = arith.addi %mul3A_64, %add3A_291 : i32
      %dma_start3A_293 = arith.constant 0 : i32
      %dma_start3A_294 = tpu.memref_slice %arg27[%add3A_292, %dma_start3A_293] : memref<10000x128xf32, #tpu.memory_space<vmem_shared>> -> memref<80x128xf32, #tpu.memory_space<vmem_shared>>
      %dma_start3A_295 = arith.constant 0 : i32
      %dma_start3A_296 = tpu.memref_slice %arg27[%add3A_292, %dma_start3A_295] : memref<10000x128xf32, #tpu.memory_space<vmem_shared>> -> memref<80x128xf32, #tpu.memory_space<vmem_shared>>
      tpu.enqueue_dma source(%arg23 : memref<80x128xf32, #tpu.memory_space<vmem>>) target(%dma_start3A_296 : memref<80x128xf32, #tpu.memory_space<vmem_shared>>) target_semaphore(%arg54 : memref<!tpu.dma_semaphore, #tpu.memory_space<semaphore_mem>>)
    } else {
    }
    %gt3A_99 = arith.constant 7 : i32
    %gt3A_100 = arith.cmpi sgt, %select_n3A, %gt3A_99 : i32
    %convert_element_type3A_101 = arith.extui %gt3A_100 : i1 to i32
    %cond3A_102 = arith.constant 0 : i32
    %cond3A_103 = arith.cmpi ne, %convert_element_type3A_101, %cond3A_102 : i32
    scf.if %cond3A_103 {
      %add3A_291 = arith.constant 560 : i32
      %add3A_292 = arith.addi %mul3A_64, %add3A_291 : i32
      %dma_start3A_293 = arith.constant 0 : i32
      %dma_start3A_294 = tpu.memref_slice %arg27[%add3A_292, %dma_start3A_293] : memref<10000x128xf32, #tpu.memory_space<vmem_shared>> -> memref<80x128xf32, #tpu.memory_space<vmem_shared>>
      %dma_start3A_295 = arith.constant 0 : i32
      %dma_start3A_296 = tpu.memref_slice %arg27[%add3A_292, %dma_start3A_295] : memref<10000x128xf32, #tpu.memory_space<vmem_shared>> -> memref<80x128xf32, #tpu.memory_space<vmem_shared>>
      tpu.enqueue_dma source(%arg23 : memref<80x128xf32, #tpu.memory_space<vmem>>) target(%dma_start3A_296 : memref<80x128xf32, #tpu.memory_space<vmem_shared>>) target_semaphore(%arg55 : memref<!tpu.dma_semaphore, #tpu.memory_space<semaphore_mem>>)
    } else {
    }
    %gt3A_104 = arith.constant 0 : i32
    %gt3A_105 = arith.cmpi sgt, %select_n3A, %gt3A_104 : i32
    %convert_element_type3A_106 = arith.extui %gt3A_105 : i1 to i32
    %cond3A_107 = arith.constant 0 : i32
    %cond3A_108 = arith.cmpi ne, %convert_element_type3A_106, %cond3A_107 : i32
    scf.if %cond3A_108 {
      %add3A_291 = arith.constant 0 : i32
      %add3A_292 = arith.addi %mul3A_64, %add3A_291 : i32
      %dma_wait3A_293 = arith.constant 0 : i32
      %dma_wait3A_294 = tpu.memref_slice %arg27[%add3A_292, %dma_wait3A_293] : memref<10000x128xf32, #tpu.memory_space<vmem_shared>> -> memref<80x128xf32, #tpu.memory_space<vmem_shared>>
      %dma_wait3A_295 = arith.constant 0 : i32
      %dma_wait3A_296 = tpu.memref_slice %arg27[%add3A_292, %dma_wait3A_295] : memref<10000x128xf32, #tpu.memory_space<vmem_shared>> -> memref<80x128xf32, #tpu.memory_space<vmem_shared>>
      tpu.wait_dma2 semaphore(%arg48 : memref<!tpu.dma_semaphore, #tpu.memory_space<semaphore_mem>>) src(%arg23 : memref<80x128xf32, #tpu.memory_space<vmem>>) dst(%dma_wait3A_296 : memref<80x128xf32, #tpu.memory_space<vmem_shared>>)
    } else {
    }
    %gt3A_109 = arith.constant 1 : i32
    %gt3A_110 = arith.cmpi sgt, %select_n3A, %gt3A_109 : i32
    %convert_element_type3A_111 = arith.extui %gt3A_110 : i1 to i32
    %cond3A_112 = arith.constant 0 : i32
    %cond3A_113 = arith.cmpi ne, %convert_element_type3A_111, %cond3A_112 : i32
    scf.if %cond3A_113 {
      %add3A_291 = arith.constant 80 : i32
      %add3A_292 = arith.addi %mul3A_64, %add3A_291 : i32
      %dma_wait3A_293 = arith.constant 0 : i32
      %dma_wait3A_294 = tpu.memref_slice %arg27[%add3A_292, %dma_wait3A_293] : memref<10000x128xf32, #tpu.memory_space<vmem_shared>> -> memref<80x128xf32, #tpu.memory_space<vmem_shared>>
      %dma_wait3A_295 = arith.constant 0 : i32
      %dma_wait3A_296 = tpu.memref_slice %arg27[%add3A_292, %dma_wait3A_295] : memref<10000x128xf32, #tpu.memory_space<vmem_shared>> -> memref<80x128xf32, #tpu.memory_space<vmem_shared>>
      tpu.wait_dma2 semaphore(%arg49 : memref<!tpu.dma_semaphore, #tpu.memory_space<semaphore_mem>>) src(%arg23 : memref<80x128xf32, #tpu.memory_space<vmem>>) dst(%dma_wait3A_296 : memref<80x128xf32, #tpu.memory_space<vmem_shared>>)
    } else {
    }
    %gt3A_114 = arith.constant 2 : i32
    %gt3A_115 = arith.cmpi sgt, %select_n3A, %gt3A_114 : i32
    %convert_element_type3A_116 = arith.extui %gt3A_115 : i1 to i32
    %cond3A_117 = arith.constant 0 : i32
    %cond3A_118 = arith.cmpi ne, %convert_element_type3A_116, %cond3A_117 : i32
    scf.if %cond3A_118 {
      %add3A_291 = arith.constant 160 : i32
      %add3A_292 = arith.addi %mul3A_64, %add3A_291 : i32
      %dma_wait3A_293 = arith.constant 0 : i32
      %dma_wait3A_294 = tpu.memref_slice %arg27[%add3A_292, %dma_wait3A_293] : memref<10000x128xf32, #tpu.memory_space<vmem_shared>> -> memref<80x128xf32, #tpu.memory_space<vmem_shared>>
      %dma_wait3A_295 = arith.constant 0 : i32
      %dma_wait3A_296 = tpu.memref_slice %arg27[%add3A_292, %dma_wait3A_295] : memref<10000x128xf32, #tpu.memory_space<vmem_shared>> -> memref<80x128xf32, #tpu.memory_space<vmem_shared>>
      tpu.wait_dma2 semaphore(%arg50 : memref<!tpu.dma_semaphore, #tpu.memory_space<semaphore_mem>>) src(%arg23 : memref<80x128xf32, #tpu.memory_space<vmem>>) dst(%dma_wait3A_296 : memref<80x128xf32, #tpu.memory_space<vmem_shared>>)
    } else {
    }
    %gt3A_119 = arith.constant 3 : i32
    %gt3A_120 = arith.cmpi sgt, %select_n3A, %gt3A_119 : i32
    %convert_element_type3A_121 = arith.extui %gt3A_120 : i1 to i32
    %cond3A_122 = arith.constant 0 : i32
    %cond3A_123 = arith.cmpi ne, %convert_element_type3A_121, %cond3A_122 : i32
    scf.if %cond3A_123 {
      %add3A_291 = arith.constant 240 : i32
      %add3A_292 = arith.addi %mul3A_64, %add3A_291 : i32
      %dma_wait3A_293 = arith.constant 0 : i32
      %dma_wait3A_294 = tpu.memref_slice %arg27[%add3A_292, %dma_wait3A_293] : memref<10000x128xf32, #tpu.memory_space<vmem_shared>> -> memref<80x128xf32, #tpu.memory_space<vmem_shared>>
      %dma_wait3A_295 = arith.constant 0 : i32
      %dma_wait3A_296 = tpu.memref_slice %arg27[%add3A_292, %dma_wait3A_295] : memref<10000x128xf32, #tpu.memory_space<vmem_shared>> -> memref<80x128xf32, #tpu.memory_space<vmem_shared>>
      tpu.wait_dma2 semaphore(%arg51 : memref<!tpu.dma_semaphore, #tpu.memory_space<semaphore_mem>>) src(%arg23 : memref<80x128xf32, #tpu.memory_space<vmem>>) dst(%dma_wait3A_296 : memref<80x128xf32, #tpu.memory_space<vmem_shared>>)
    } else {
    }
    %gt3A_124 = arith.constant 4 : i32
    %gt3A_125 = arith.cmpi sgt, %select_n3A, %gt3A_124 : i32
    %convert_element_type3A_126 = arith.extui %gt3A_125 : i1 to i32
    %cond3A_127 = arith.constant 0 : i32
    %cond3A_128 = arith.cmpi ne, %convert_element_type3A_126, %cond3A_127 : i32
    scf.if %cond3A_128 {
      %add3A_291 = arith.constant 320 : i32
      %add3A_292 = arith.addi %mul3A_64, %add3A_291 : i32
      %dma_wait3A_293 = arith.constant 0 : i32
      %dma_wait3A_294 = tpu.memref_slice %arg27[%add3A_292, %dma_wait3A_293] : memref<10000x128xf32, #tpu.memory_space<vmem_shared>> -> memref<80x128xf32, #tpu.memory_space<vmem_shared>>
      %dma_wait3A_295 = arith.constant 0 : i32
      %dma_wait3A_296 = tpu.memref_slice %arg27[%add3A_292, %dma_wait3A_295] : memref<10000x128xf32, #tpu.memory_space<vmem_shared>> -> memref<80x128xf32, #tpu.memory_space<vmem_shared>>
      tpu.wait_dma2 semaphore(%arg52 : memref<!tpu.dma_semaphore, #tpu.memory_space<semaphore_mem>>) src(%arg23 : memref<80x128xf32, #tpu.memory_space<vmem>>) dst(%dma_wait3A_296 : memref<80x128xf32, #tpu.memory_space<vmem_shared>>)
    } else {
    }
    %gt3A_129 = arith.constant 5 : i32
    %gt3A_130 = arith.cmpi sgt, %select_n3A, %gt3A_129 : i32
    %convert_element_type3A_131 = arith.extui %gt3A_130 : i1 to i32
    %cond3A_132 = arith.constant 0 : i32
    %cond3A_133 = arith.cmpi ne, %convert_element_type3A_131, %cond3A_132 : i32
    scf.if %cond3A_133 {
      %add3A_291 = arith.constant 400 : i32
      %add3A_292 = arith.addi %mul3A_64, %add3A_291 : i32
      %dma_wait3A_293 = arith.constant 0 : i32
      %dma_wait3A_294 = tpu.memref_slice %arg27[%add3A_292, %dma_wait3A_293] : memref<10000x128xf32, #tpu.memory_space<vmem_shared>> -> memref<80x128xf32, #tpu.memory_space<vmem_shared>>
      %dma_wait3A_295 = arith.constant 0 : i32
      %dma_wait3A_296 = tpu.memref_slice %arg27[%add3A_292, %dma_wait3A_295] : memref<10000x128xf32, #tpu.memory_space<vmem_shared>> -> memref<80x128xf32, #tpu.memory_space<vmem_shared>>
      tpu.wait_dma2 semaphore(%arg53 : memref<!tpu.dma_semaphore, #tpu.memory_space<semaphore_mem>>) src(%arg23 : memref<80x128xf32, #tpu.memory_space<vmem>>) dst(%dma_wait3A_296 : memref<80x128xf32, #tpu.memory_space<vmem_shared>>)
    } else {
    }
    %gt3A_134 = arith.constant 6 : i32
    %gt3A_135 = arith.cmpi sgt, %select_n3A, %gt3A_134 : i32
    %convert_element_type3A_136 = arith.extui %gt3A_135 : i1 to i32
    %cond3A_137 = arith.constant 0 : i32
    %cond3A_138 = arith.cmpi ne, %convert_element_type3A_136, %cond3A_137 : i32
    scf.if %cond3A_138 {
      %add3A_291 = arith.constant 480 : i32
      %add3A_292 = arith.addi %mul3A_64, %add3A_291 : i32
      %dma_wait3A_293 = arith.constant 0 : i32
      %dma_wait3A_294 = tpu.memref_slice %arg27[%add3A_292, %dma_wait3A_293] : memref<10000x128xf32, #tpu.memory_space<vmem_shared>> -> memref<80x128xf32, #tpu.memory_space<vmem_shared>>
      %dma_wait3A_295 = arith.constant 0 : i32
      %dma_wait3A_296 = tpu.memref_slice %arg27[%add3A_292, %dma_wait3A_295] : memref<10000x128xf32, #tpu.memory_space<vmem_shared>> -> memref<80x128xf32, #tpu.memory_space<vmem_shared>>
      tpu.wait_dma2 semaphore(%arg54 : memref<!tpu.dma_semaphore, #tpu.memory_space<semaphore_mem>>) src(%arg23 : memref<80x128xf32, #tpu.memory_space<vmem>>) dst(%dma_wait3A_296 : memref<80x128xf32, #tpu.memory_space<vmem_shared>>)
    } else {
    }
    %gt3A_139 = arith.constant 7 : i32
    %gt3A_140 = arith.cmpi sgt, %select_n3A, %gt3A_139 : i32
    %convert_element_type3A_141 = arith.extui %gt3A_140 : i1 to i32
    %cond3A_142 = arith.constant 0 : i32
    %cond3A_143 = arith.cmpi ne, %convert_element_type3A_141, %cond3A_142 : i32
    scf.if %cond3A_143 {
      %add3A_291 = arith.constant 560 : i32
      %add3A_292 = arith.addi %mul3A_64, %add3A_291 : i32
      %dma_wait3A_293 = arith.constant 0 : i32
      %dma_wait3A_294 = tpu.memref_slice %arg27[%add3A_292, %dma_wait3A_293] : memref<10000x128xf32, #tpu.memory_space<vmem_shared>> -> memref<80x128xf32, #tpu.memory_space<vmem_shared>>
      %dma_wait3A_295 = arith.constant 0 : i32
      %dma_wait3A_296 = tpu.memref_slice %arg27[%add3A_292, %dma_wait3A_295] : memref<10000x128xf32, #tpu.memory_space<vmem_shared>> -> memref<80x128xf32, #tpu.memory_space<vmem_shared>>
      tpu.wait_dma2 semaphore(%arg55 : memref<!tpu.dma_semaphore, #tpu.memory_space<semaphore_mem>>) src(%arg23 : memref<80x128xf32, #tpu.memory_space<vmem>>) dst(%dma_wait3A_296 : memref<80x128xf32, #tpu.memory_space<vmem_shared>>)
    } else {
    }
    %barrier3A = arith.constant 0 : index
    tpu.barrier barrier_id(%barrier3A)
    %add3A_144 = arith.constant 0 : i32
    %add3A_145 = arith.addi %mul3A_2, %add3A_144 : i32
    %dma_wait3A = tpu.memref_slice %arg3[%add3A_145] : memref<320000xi32, #tpu.memory_space<hbm>> -> memref<80xi32, #tpu.memory_space<hbm>>
    %dma_wait3A_146 = tpu.memref_slice %arg3[%add3A_145] : memref<320000xi32, #tpu.memory_space<hbm>> -> memref<80xi32, #tpu.memory_space<hbm>>
    tpu.wait_dma2 semaphore(%arg28 : memref<!tpu.dma_semaphore, #tpu.memory_space<semaphore_mem>>) src(%dma_wait3A_146 : memref<80xi32, #tpu.memory_space<hbm>>) dst(%arg7 : memref<80xi32, #tpu.memory_space<vmem>>)
    %add3A_147 = arith.constant 80 : i32
    %add3A_148 = arith.addi %mul3A_2, %add3A_147 : i32
    %dma_wait3A_149 = tpu.memref_slice %arg3[%add3A_148] : memref<320000xi32, #tpu.memory_space<hbm>> -> memref<80xi32, #tpu.memory_space<hbm>>
    %dma_wait3A_150 = tpu.memref_slice %arg3[%add3A_148] : memref<320000xi32, #tpu.memory_space<hbm>> -> memref<80xi32, #tpu.memory_space<hbm>>
    tpu.wait_dma2 semaphore(%arg29 : memref<!tpu.dma_semaphore, #tpu.memory_space<semaphore_mem>>) src(%dma_wait3A_150 : memref<80xi32, #tpu.memory_space<hbm>>) dst(%arg8 : memref<80xi32, #tpu.memory_space<vmem>>)
    %dma_start3A_151 = arith.constant 0 : i32
    %dma_start3A_152 = arith.constant 0 : i32
    %dma_start3A_153 = tpu.memref_slice %arg2[%dma_start3A_151, %dma_start3A_152] : memref<10000x128xf32, #tpu.memory_space<hbm>> -> memref<10000x128xf32, #tpu.memory_space<hbm>>
    tpu.enqueue_indirect_dma source(%dma_start3A_153 : memref<10000x128xf32, #tpu.memory_space<hbm>>) target(%arg23 : memref<80x128xf32, #tpu.memory_space<vmem>>) offsets(%arg7 : memref<80xi32, #tpu.memory_space<vmem>>) semaphore(%arg44 : memref<!tpu.dma_semaphore, #tpu.memory_space<semaphore_mem>>)
    %dma_start3A_154 = arith.constant 0 : i32
    %dma_start3A_155 = arith.constant 0 : i32
    %dma_start3A_156 = tpu.memref_slice %arg2[%dma_start3A_154, %dma_start3A_155] : memref<10000x128xf32, #tpu.memory_space<hbm>> -> memref<10000x128xf32, #tpu.memory_space<hbm>>
    tpu.enqueue_indirect_dma source(%dma_start3A_156 : memref<10000x128xf32, #tpu.memory_space<hbm>>) target(%arg24 : memref<80x128xf32, #tpu.memory_space<vmem>>) offsets(%arg8 : memref<80xi32, #tpu.memory_space<vmem>>) semaphore(%arg45 : memref<!tpu.dma_semaphore, #tpu.memory_space<semaphore_mem>>)
    %scan3A_157 = arith.constant 0 : i32
    %scan3A_158 = arith.constant 32 : i32
    %scan3A_159 = arith.addi %scan3A_157, %scan3A_158 : i32
    %scan3A_160 = arith.constant 1 : i32
    scf.for %scan3A_291 = %scan3A_157 to %scan3A_159 step %scan3A_160  : i32 {
      %mul3A_292 = arith.constant 4 : i32
      %mul3A_293 = arith.muli %scan3A_291, %mul3A_292 : i32
      %add3A_294 = arith.constant 0 : i32
      %add3A_295 = arith.addi %add3A_294, %mul3A_293 : i32
      %add3A_296 = arith.constant 0 : i32
      %add3A_297 = arith.addi %add3A_295, %add3A_296 : i32
      %add3A_298 = arith.constant 2 : i32
      %add3A_299 = arith.addi %add3A_297, %add3A_298 : i32
      %lt3A_300 = arith.constant 125 : i32
      %lt3A_301 = arith.cmpi slt, %add3A_299, %lt3A_300 : i32
      %convert_element_type3A_302 = arith.extui %lt3A_301 : i1 to i32
      %cond3A_303 = arith.constant 0 : i32
      %cond3A_304 = arith.cmpi ne, %convert_element_type3A_302, %cond3A_303 : i32
      scf.if %cond3A_304 {
        %ge3A = arith.constant 2 : i32
        %ge3A_352 = arith.cmpi sge, %add3A_297, %ge3A : i32
        %convert_element_type3A_353 = arith.extui %ge3A_352 : i1 to i32
        %cond3A_354 = arith.constant 0 : i32
        %cond3A_355 = arith.cmpi ne, %convert_element_type3A_353, %cond3A_354 : i32
        scf.if %cond3A_355 {
          %dma_wait3A_382 = arith.constant 0 : i32
          %dma_wait3A_383 = arith.constant 0 : i32
          %dma_wait3A_384 = tpu.memref_slice %arg25[%dma_wait3A_382, %dma_wait3A_383] : memref<80x128xf32, #tpu.memory_space<vmem>> -> memref<40x128xf32, #tpu.memory_space<vmem>>
          %dma_wait3A_385 = arith.constant 0 : i32
          %dma_wait3A_386 = arith.constant 0 : i32
          %dma_wait3A_387 = tpu.memref_slice %arg27[%dma_wait3A_385, %dma_wait3A_386] : memref<10000x128xf32, #tpu.memory_space<vmem_shared>> -> memref<10000x128xf32, #tpu.memory_space<vmem_shared>>
          tpu.wait_indirect_dma semaphore(%arg52 : memref<!tpu.dma_semaphore, #tpu.memory_space<semaphore_mem>>) src(%dma_wait3A_384 : memref<40x128xf32, #tpu.memory_space<vmem>>) dst(%dma_wait3A_387 : memref<10000x128xf32, #tpu.memory_space<vmem_shared>>)
          %dma_wait3A_388 = arith.constant 40 : i32
          %dma_wait3A_389 = arith.constant 0 : i32
          %dma_wait3A_390 = tpu.memref_slice %arg25[%dma_wait3A_388, %dma_wait3A_389] : memref<80x128xf32, #tpu.memory_space<vmem>> -> memref<40x128xf32, #tpu.memory_space<vmem>>
          %dma_wait3A_391 = arith.constant 0 : i32
          %dma_wait3A_392 = arith.constant 0 : i32
          %dma_wait3A_393 = tpu.memref_slice %arg27[%dma_wait3A_391, %dma_wait3A_392] : memref<10000x128xf32, #tpu.memory_space<vmem_shared>> -> memref<10000x128xf32, #tpu.memory_space<vmem_shared>>
          tpu.wait_indirect_dma semaphore(%arg53 : memref<!tpu.dma_semaphore, #tpu.memory_space<semaphore_mem>>) src(%dma_wait3A_390 : memref<40x128xf32, #tpu.memory_space<vmem>>) dst(%dma_wait3A_393 : memref<10000x128xf32, #tpu.memory_space<vmem_shared>>)
        } else {
        }
        %add3A_356 = arith.constant 2 : i32
        %add3A_357 = arith.addi %add3A_297, %add3A_356 : i32
        %mul3A_358 = arith.constant 80 : i32
        %mul3A_359 = arith.muli %add3A_357, %mul3A_358 : i32
        %add3A_360 = arith.addi %mul3A_2, %mul3A_359 : i32
        %add3A_361 = arith.constant 0 : i32
        %add3A_362 = arith.addi %add3A_360, %add3A_361 : i32
        %dma_start3A_363 = tpu.memref_slice %arg4[%add3A_362] : memref<320000xi32, #tpu.memory_space<hbm>> -> memref<40xi32, #tpu.memory_space<hbm>>
        %dma_start3A_364 = tpu.memref_slice %arg4[%add3A_362] : memref<320000xi32, #tpu.memory_space<hbm>> -> memref<40xi32, #tpu.memory_space<hbm>>
        tpu.enqueue_dma source(%dma_start3A_364 : memref<40xi32, #tpu.memory_space<hbm>>) target(%arg15 : memref<40xi32, #tpu.memory_space<vmem>>) target_semaphore(%arg36 : memref<!tpu.dma_semaphore, #tpu.memory_space<semaphore_mem>>)
        %mul3A_365 = arith.constant 80 : i32
        %mul3A_366 = arith.muli %add3A_357, %mul3A_365 : i32
        %add3A_367 = arith.addi %mul3A_2, %mul3A_366 : i32
        %add3A_368 = arith.constant 40 : i32
        %add3A_369 = arith.addi %add3A_367, %add3A_368 : i32
        %dma_start3A_370 = tpu.memref_slice %arg4[%add3A_369] : memref<320000xi32, #tpu.memory_space<hbm>> -> memref<40xi32, #tpu.memory_space<hbm>>
        %dma_start3A_371 = tpu.memref_slice %arg4[%add3A_369] : memref<320000xi32, #tpu.memory_space<hbm>> -> memref<40xi32, #tpu.memory_space<hbm>>
        tpu.enqueue_dma source(%dma_start3A_371 : memref<40xi32, #tpu.memory_space<hbm>>) target(%arg16 : memref<40xi32, #tpu.memory_space<vmem>>) target_semaphore(%arg37 : memref<!tpu.dma_semaphore, #tpu.memory_space<semaphore_mem>>)
        %add3A_372 = arith.constant 2 : i32
        %add3A_373 = arith.addi %add3A_297, %add3A_372 : i32
        %mul3A_374 = arith.constant 80 : i32
        %mul3A_375 = arith.muli %add3A_373, %mul3A_374 : i32
        %add3A_376 = arith.addi %mul3A_2, %mul3A_375 : i32
        %dma_wait3A_377 = tpu.memref_slice %arg3[%add3A_376] : memref<320000xi32, #tpu.memory_space<hbm>> -> memref<80xi32, #tpu.memory_space<hbm>>
        %dma_wait3A_378 = tpu.memref_slice %arg3[%add3A_376] : memref<320000xi32, #tpu.memory_space<hbm>> -> memref<80xi32, #tpu.memory_space<hbm>>
        tpu.wait_dma2 semaphore(%arg30 : memref<!tpu.dma_semaphore, #tpu.memory_space<semaphore_mem>>) src(%dma_wait3A_378 : memref<80xi32, #tpu.memory_space<hbm>>) dst(%arg9 : memref<80xi32, #tpu.memory_space<vmem>>)
        %dma_start3A_379 = arith.constant 0 : i32
        %dma_start3A_380 = arith.constant 0 : i32
        %dma_start3A_381 = tpu.memref_slice %arg2[%dma_start3A_379, %dma_start3A_380] : memref<10000x128xf32, #tpu.memory_space<hbm>> -> memref<10000x128xf32, #tpu.memory_space<hbm>>
        tpu.enqueue_indirect_dma source(%dma_start3A_381 : memref<10000x128xf32, #tpu.memory_space<hbm>>) target(%arg25 : memref<80x128xf32, #tpu.memory_space<vmem>>) offsets(%arg9 : memref<80xi32, #tpu.memory_space<vmem>>) semaphore(%arg46 : memref<!tpu.dma_semaphore, #tpu.memory_space<semaphore_mem>>)
      } else {
      }
      %lt3A_305 = arith.constant 125 : i32
      %lt3A_306 = arith.cmpi slt, %add3A_297, %lt3A_305 : i32
      %convert_element_type3A_307 = arith.extui %lt3A_306 : i1 to i32
      %cond3A_308 = arith.constant 0 : i32
      %cond3A_309 = arith.cmpi ne, %convert_element_type3A_307, %cond3A_308 : i32
      scf.if %cond3A_309 {
        %dma_wait3A_352 = arith.constant 0 : i32
        %dma_wait3A_353 = arith.constant 0 : i32
        %dma_wait3A_354 = tpu.memref_slice %arg2[%dma_wait3A_352, %dma_wait3A_353] : memref<10000x128xf32, #tpu.memory_space<hbm>> -> memref<10000x128xf32, #tpu.memory_space<hbm>>
        tpu.wait_indirect_dma semaphore(%arg44 : memref<!tpu.dma_semaphore, #tpu.memory_space<semaphore_mem>>) src(%dma_wait3A_354 : memref<10000x128xf32, #tpu.memory_space<hbm>>) dst(%arg23 : memref<80x128xf32, #tpu.memory_space<vmem>>)
        %mul3A_355 = arith.constant 80 : i32
        %mul3A_356 = arith.muli %add3A_297, %mul3A_355 : i32
        %add3A_357 = arith.addi %mul3A_2, %mul3A_356 : i32
        %dma_wait3A_358 = tpu.memref_slice %arg5[%add3A_357] : memref<320000xf32, #tpu.memory_space<hbm>> -> memref<80xf32, #tpu.memory_space<hbm>>
        %dma_wait3A_359 = tpu.memref_slice %arg5[%add3A_357] : memref<320000xf32, #tpu.memory_space<hbm>> -> memref<80xf32, #tpu.memory_space<hbm>>
        tpu.wait_dma2 semaphore(%arg40 : memref<!tpu.dma_semaphore, #tpu.memory_space<semaphore_mem>>) src(%dma_wait3A_359 : memref<80xf32, #tpu.memory_space<hbm>>) dst(%arg19 : memref<80xf32, #tpu.memory_space<vmem>>)
        %scan3A_360 = arith.constant 0 : i32
        %scan3A_361 = arith.constant 10 : i32
        %scan3A_362 = arith.addi %scan3A_360, %scan3A_361 : i32
        %scan3A_363 = arith.constant 1 : i32
        scf.for %scan3A_403 = %scan3A_360 to %scan3A_362 step %scan3A_363  : i32 {
          %mul3A_404 = arith.constant 4 : i32
          %mul3A_405 = arith.muli %scan3A_403, %mul3A_404 : i32
          %add3A_406 = arith.constant 0 : i32
          %add3A_407 = arith.addi %add3A_406, %mul3A_405 : i32
          %add3A_408 = arith.constant 0 : i32
          %add3A_409 = arith.addi %add3A_407, %add3A_408 : i32
          %broadcast_in_dim3A_410 = vector.broadcast %add3A_409 : i32 to vector<16xi32>
          %gather3A = tpu.vector_load_idx %arg19[%broadcast_in_dim3A_410] : memref<80xf32, #tpu.memory_space<vmem>>[vector<16xi32>], vector<16xf32>,
          %get3A = arith.index_cast %add3A_409 : i32 to index
          %get3A_411 = arith.constant 0 : index
          %get3A_412 = tpu.vector_load %arg23[%get3A, %get3A_411] {strides = array<i32>} : memref<80x128xf32, #tpu.memory_space<vmem>>, vector<16xf32>,
          %mul3A_413 = arith.mulf %get3A_412, %gather3A : vector<16xf32>
          %swap3A = arith.index_cast %add3A_409 : i32 to index
          %swap3A_414 = arith.constant 0 : index
          %swap3A_415 = tpu.vector_load %arg23[%swap3A, %swap3A_414] {strides = array<i32>} : memref<80x128xf32, #tpu.memory_space<vmem>>, vector<16xf32>,
          tpu.vector_store %arg23[%swap3A, %swap3A_414], %mul3A_413 {strides = array<i32>} : memref<80x128xf32, #tpu.memory_space<vmem>>, vector<16xf32>,
          %get3A_416 = arith.index_cast %add3A_409 : i32 to index
          %get3A_417 = arith.constant 16 : index
          %get3A_418 = tpu.vector_load %arg23[%get3A_416, %get3A_417] {strides = array<i32>} : memref<80x128xf32, #tpu.memory_space<vmem>>, vector<16xf32>,
          %mul3A_419 = arith.mulf %get3A_418, %gather3A : vector<16xf32>
          %swap3A_420 = arith.index_cast %add3A_409 : i32 to index
          %swap3A_421 = arith.constant 16 : index
          %swap3A_422 = tpu.vector_load %arg23[%swap3A_420, %swap3A_421] {strides = array<i32>} : memref<80x128xf32, #tpu.memory_space<vmem>>, vector<16xf32>,
          tpu.vector_store %arg23[%swap3A_420, %swap3A_421], %mul3A_419 {strides = array<i32>} : memref<80x128xf32, #tpu.memory_space<vmem>>, vector<16xf32>,
          %get3A_423 = arith.index_cast %add3A_409 : i32 to index
          %get3A_424 = arith.constant 32 : index
          %get3A_425 = tpu.vector_load %arg23[%get3A_423, %get3A_424] {strides = array<i32>} : memref<80x128xf32, #tpu.memory_space<vmem>>, vector<16xf32>,
          %mul3A_426 = arith.mulf %get3A_425, %gather3A : vector<16xf32>
          %swap3A_427 = arith.index_cast %add3A_409 : i32 to index
          %swap3A_428 = arith.constant 32 : index
          %swap3A_429 = tpu.vector_load %arg23[%swap3A_427, %swap3A_428] {strides = array<i32>} : memref<80x128xf32, #tpu.memory_space<vmem>>, vector<16xf32>,
          tpu.vector_store %arg23[%swap3A_427, %swap3A_428], %mul3A_426 {strides = array<i32>} : memref<80x128xf32, #tpu.memory_space<vmem>>, vector<16xf32>,
          %get3A_430 = arith.index_cast %add3A_409 : i32 to index
          %get3A_431 = arith.constant 48 : index
          %get3A_432 = tpu.vector_load %arg23[%get3A_430, %get3A_431] {strides = array<i32>} : memref<80x128xf32, #tpu.memory_space<vmem>>, vector<16xf32>,
          %mul3A_433 = arith.mulf %get3A_432, %gather3A : vector<16xf32>
          %swap3A_434 = arith.index_cast %add3A_409 : i32 to index
          %swap3A_435 = arith.constant 48 : index
          %swap3A_436 = tpu.vector_load %arg23[%swap3A_434, %swap3A_435] {strides = array<i32>} : memref<80x128xf32, #tpu.memory_space<vmem>>, vector<16xf32>,
          tpu.vector_store %arg23[%swap3A_434, %swap3A_435], %mul3A_433 {strides = array<i32>} : memref<80x128xf32, #tpu.memory_space<vmem>>, vector<16xf32>,
          %get3A_437 = arith.index_cast %add3A_409 : i32 to index
          %get3A_438 = arith.constant 64 : index
          %get3A_439 = tpu.vector_load %arg23[%get3A_437, %get3A_438] {strides = array<i32>} : memref<80x128xf32, #tpu.memory_space<vmem>>, vector<16xf32>,
          %mul3A_440 = arith.mulf %get3A_439, %gather3A : vector<16xf32>
          %swap3A_441 = arith.index_cast %add3A_409 : i32 to index
          %swap3A_442 = arith.constant 64 : index
          %swap3A_443 = tpu.vector_load %arg23[%swap3A_441, %swap3A_442] {strides = array<i32>} : memref<80x128xf32, #tpu.memory_space<vmem>>, vector<16xf32>,
          tpu.vector_store %arg23[%swap3A_441, %swap3A_442], %mul3A_440 {strides = array<i32>} : memref<80x128xf32, #tpu.memory_space<vmem>>, vector<16xf32>,
          %get3A_444 = arith.index_cast %add3A_409 : i32 to index
          %get3A_445 = arith.constant 80 : index
          %get3A_446 = tpu.vector_load %arg23[%get3A_444, %get3A_445] {strides = array<i32>} : memref<80x128xf32, #tpu.memory_space<vmem>>, vector<16xf32>,
          %mul3A_447 = arith.mulf %get3A_446, %gather3A : vector<16xf32>
          %swap3A_448 = arith.index_cast %add3A_409 : i32 to index
          %swap3A_449 = arith.constant 80 : index
          %swap3A_450 = tpu.vector_load %arg23[%swap3A_448, %swap3A_449] {strides = array<i32>} : memref<80x128xf32, #tpu.memory_space<vmem>>, vector<16xf32>,
          tpu.vector_store %arg23[%swap3A_448, %swap3A_449], %mul3A_447 {strides = array<i32>} : memref<80x128xf32, #tpu.memory_space<vmem>>, vector<16xf32>,
          %get3A_451 = arith.index_cast %add3A_409 : i32 to index
          %get3A_452 = arith.constant 96 : index
          %get3A_453 = tpu.vector_load %arg23[%get3A_451, %get3A_452] {strides = array<i32>} : memref<80x128xf32, #tpu.memory_space<vmem>>, vector<16xf32>,
          %mul3A_454 = arith.mulf %get3A_453, %gather3A : vector<16xf32>
          %swap3A_455 = arith.index_cast %add3A_409 : i32 to index
          %swap3A_456 = arith.constant 96 : index
          %swap3A_457 = tpu.vector_load %arg23[%swap3A_455, %swap3A_456] {strides = array<i32>} : memref<80x128xf32, #tpu.memory_space<vmem>>, vector<16xf32>,
          tpu.vector_store %arg23[%swap3A_455, %swap3A_456], %mul3A_454 {strides = array<i32>} : memref<80x128xf32, #tpu.memory_space<vmem>>, vector<16xf32>,
          %get3A_458 = arith.index_cast %add3A_409 : i32 to index
          %get3A_459 = arith.constant 112 : index
          %get3A_460 = tpu.vector_load %arg23[%get3A_458, %get3A_459] {strides = array<i32>} : memref<80x128xf32, #tpu.memory_space<vmem>>, vector<16xf32>,
          %mul3A_461 = arith.mulf %get3A_460, %gather3A : vector<16xf32>
          %swap3A_462 = arith.index_cast %add3A_409 : i32 to index
          %swap3A_463 = arith.constant 112 : index
          %swap3A_464 = tpu.vector_load %arg23[%swap3A_462, %swap3A_463] {strides = array<i32>} : memref<80x128xf32, #tpu.memory_space<vmem>>, vector<16xf32>,
          tpu.vector_store %arg23[%swap3A_462, %swap3A_463], %mul3A_461 {strides = array<i32>} : memref<80x128xf32, #tpu.memory_space<vmem>>, vector<16xf32>,
          %add3A_465 = arith.constant 1 : i32
          %add3A_466 = arith.addi %add3A_407, %add3A_465 : i32
          %broadcast_in_dim3A_467 = vector.broadcast %add3A_466 : i32 to vector<16xi32>
          %gather3A_468 = tpu.vector_load_idx %arg19[%broadcast_in_dim3A_467] : memref<80xf32, #tpu.memory_space<vmem>>[vector<16xi32>], vector<16xf32>,
          %get3A_469 = arith.index_cast %add3A_466 : i32 to index
          %get3A_470 = arith.constant 0 : index
          %get3A_471 = tpu.vector_load %arg23[%get3A_469, %get3A_470] {strides = array<i32>} : memref<80x128xf32, #tpu.memory_space<vmem>>, vector<16xf32>,
          %mul3A_472 = arith.mulf %get3A_471, %gather3A_468 : vector<16xf32>
          %swap3A_473 = arith.index_cast %add3A_466 : i32 to index
          %swap3A_474 = arith.constant 0 : index
          %swap3A_475 = tpu.vector_load %arg23[%swap3A_473, %swap3A_474] {strides = array<i32>} : memref<80x128xf32, #tpu.memory_space<vmem>>, vector<16xf32>,
          tpu.vector_store %arg23[%swap3A_473, %swap3A_474], %mul3A_472 {strides = array<i32>} : memref<80x128xf32, #tpu.memory_space<vmem>>, vector<16xf32>,
          %get3A_476 = arith.index_cast %add3A_466 : i32 to index
          %get3A_477 = arith.constant 16 : index
          %get3A_478 = tpu.vector_load %arg23[%get3A_476, %get3A_477] {strides = array<i32>} : memref<80x128xf32, #tpu.memory_space<vmem>>, vector<16xf32>,
          %mul3A_479 = arith.mulf %get3A_478, %gather3A_468 : vector<16xf32>
          %swap3A_480 = arith.index_cast %add3A_466 : i32 to index
          %swap3A_481 = arith.constant 16 : index
          %swap3A_482 = tpu.vector_load %arg23[%swap3A_480, %swap3A_481] {strides = array<i32>} : memref<80x128xf32, #tpu.memory_space<vmem>>, vector<16xf32>,
          tpu.vector_store %arg23[%swap3A_480, %swap3A_481], %mul3A_479 {strides = array<i32>} : memref<80x128xf32, #tpu.memory_space<vmem>>, vector<16xf32>,
          %get3A_483 = arith.index_cast %add3A_466 : i32 to index
          %get3A_484 = arith.constant 32 : index
          %get3A_485 = tpu.vector_load %arg23[%get3A_483, %get3A_484] {strides = array<i32>} : memref<80x128xf32, #tpu.memory_space<vmem>>, vector<16xf32>,
          %mul3A_486 = arith.mulf %get3A_485, %gather3A_468 : vector<16xf32>
          %swap3A_487 = arith.index_cast %add3A_466 : i32 to index
          %swap3A_488 = arith.constant 32 : index
          %swap3A_489 = tpu.vector_load %arg23[%swap3A_487, %swap3A_488] {strides = array<i32>} : memref<80x128xf32, #tpu.memory_space<vmem>>, vector<16xf32>,
          tpu.vector_store %arg23[%swap3A_487, %swap3A_488], %mul3A_486 {strides = array<i32>} : memref<80x128xf32, #tpu.memory_space<vmem>>, vector<16xf32>,
          %get3A_490 = arith.index_cast %add3A_466 : i32 to index
          %get3A_491 = arith.constant 48 : index
          %get3A_492 = tpu.vector_load %arg23[%get3A_490, %get3A_491] {strides = array<i32>} : memref<80x128xf32, #tpu.memory_space<vmem>>, vector<16xf32>,
          %mul3A_493 = arith.mulf %get3A_492, %gather3A_468 : vector<16xf32>
          %swap3A_494 = arith.index_cast %add3A_466 : i32 to index
          %swap3A_495 = arith.constant 48 : index
          %swap3A_496 = tpu.vector_load %arg23[%swap3A_494, %swap3A_495] {strides = array<i32>} : memref<80x128xf32, #tpu.memory_space<vmem>>, vector<16xf32>,
          tpu.vector_store %arg23[%swap3A_494, %swap3A_495], %mul3A_493 {strides = array<i32>} : memref<80x128xf32, #tpu.memory_space<vmem>>, vector<16xf32>,
          %get3A_497 = arith.index_cast %add3A_466 : i32 to index
          %get3A_498 = arith.constant 64 : index
          %get3A_499 = tpu.vector_load %arg23[%get3A_497, %get3A_498] {strides = array<i32>} : memref<80x128xf32, #tpu.memory_space<vmem>>, vector<16xf32>,
          %mul3A_500 = arith.mulf %get3A_499, %gather3A_468 : vector<16xf32>
          %swap3A_501 = arith.index_cast %add3A_466 : i32 to index
          %swap3A_502 = arith.constant 64 : index
          %swap3A_503 = tpu.vector_load %arg23[%swap3A_501, %swap3A_502] {strides = array<i32>} : memref<80x128xf32, #tpu.memory_space<vmem>>, vector<16xf32>,
          tpu.vector_store %arg23[%swap3A_501, %swap3A_502], %mul3A_500 {strides = array<i32>} : memref<80x128xf32, #tpu.memory_space<vmem>>, vector<16xf32>,
          %get3A_504 = arith.index_cast %add3A_466 : i32 to index
          %get3A_505 = arith.constant 80 : index
          %get3A_506 = tpu.vector_load %arg23[%get3A_504, %get3A_505] {strides = array<i32>} : memref<80x128xf32, #tpu.memory_space<vmem>>, vector<16xf32>,
          %mul3A_507 = arith.mulf %get3A_506, %gather3A_468 : vector<16xf32>
          %swap3A_508 = arith.index_cast %add3A_466 : i32 to index
          %swap3A_509 = arith.constant 80 : index
          %swap3A_510 = tpu.vector_load %arg23[%swap3A_508, %swap3A_509] {strides = array<i32>} : memref<80x128xf32, #tpu.memory_space<vmem>>, vector<16xf32>,
          tpu.vector_store %arg23[%swap3A_508, %swap3A_509], %mul3A_507 {strides = array<i32>} : memref<80x128xf32, #tpu.memory_space<vmem>>, vector<16xf32>,
          %get3A_511 = arith.index_cast %add3A_466 : i32 to index
          %get3A_512 = arith.constant 96 : index
          %get3A_513 = tpu.vector_load %arg23[%get3A_511, %get3A_512] {strides = array<i32>} : memref<80x128xf32, #tpu.memory_space<vmem>>, vector<16xf32>,
          %mul3A_514 = arith.mulf %get3A_513, %gather3A_468 : vector<16xf32>
          %swap3A_515 = arith.index_cast %add3A_466 : i32 to index
          %swap3A_516 = arith.constant 96 : index
          %swap3A_517 = tpu.vector_load %arg23[%swap3A_515, %swap3A_516] {strides = array<i32>} : memref<80x128xf32, #tpu.memory_space<vmem>>, vector<16xf32>,
          tpu.vector_store %arg23[%swap3A_515, %swap3A_516], %mul3A_514 {strides = array<i32>} : memref<80x128xf32, #tpu.memory_space<vmem>>, vector<16xf32>,
          %get3A_518 = arith.index_cast %add3A_466 : i32 to index
          %get3A_519 = arith.constant 112 : index
          %get3A_520 = tpu.vector_load %arg23[%get3A_518, %get3A_519] {strides = array<i32>} : memref<80x128xf32, #tpu.memory_space<vmem>>, vector<16xf32>,
          %mul3A_521 = arith.mulf %get3A_520, %gather3A_468 : vector<16xf32>
          %swap3A_522 = arith.index_cast %add3A_466 : i32 to index
          %swap3A_523 = arith.constant 112 : index
          %swap3A_524 = tpu.vector_load %arg23[%swap3A_522, %swap3A_523] {strides = array<i32>} : memref<80x128xf32, #tpu.memory_space<vmem>>, vector<16xf32>,
          tpu.vector_store %arg23[%swap3A_522, %swap3A_523], %mul3A_521 {strides = array<i32>} : memref<80x128xf32, #tpu.memory_space<vmem>>, vector<16xf32>,
          %add3A_525 = arith.constant 2 : i32
          %add3A_526 = arith.addi %add3A_407, %add3A_525 : i32
          %broadcast_in_dim3A_527 = vector.broadcast %add3A_526 : i32 to vector<16xi32>
          %gather3A_528 = tpu.vector_load_idx %arg19[%broadcast_in_dim3A_527] : memref<80xf32, #tpu.memory_space<vmem>>[vector<16xi32>], vector<16xf32>,
          %get3A_529 = arith.index_cast %add3A_526 : i32 to index
          %get3A_530 = arith.constant 0 : index
          %get3A_531 = tpu.vector_load %arg23[%get3A_529, %get3A_530] {strides = array<i32>} : memref<80x128xf32, #tpu.memory_space<vmem>>, vector<16xf32>,
          %mul3A_532 = arith.mulf %get3A_531, %gather3A_528 : vector<16xf32>
          %swap3A_533 = arith.index_cast %add3A_526 : i32 to index
          %swap3A_534 = arith.constant 0 : index
          %swap3A_535 = tpu.vector_load %arg23[%swap3A_533, %swap3A_534] {strides = array<i32>} : memref<80x128xf32, #tpu.memory_space<vmem>>, vector<16xf32>,
          tpu.vector_store %arg23[%swap3A_533, %swap3A_534], %mul3A_532 {strides = array<i32>} : memref<80x128xf32, #tpu.memory_space<vmem>>, vector<16xf32>,
          %get3A_536 = arith.index_cast %add3A_526 : i32 to index
          %get3A_537 = arith.constant 16 : index
          %get3A_538 = tpu.vector_load %arg23[%get3A_536, %get3A_537] {strides = array<i32>} : memref<80x128xf32, #tpu.memory_space<vmem>>, vector<16xf32>,
          %mul3A_539 = arith.mulf %get3A_538, %gather3A_528 : vector<16xf32>
          %swap3A_540 = arith.index_cast %add3A_526 : i32 to index
          %swap3A_541 = arith.constant 16 : index
          %swap3A_542 = tpu.vector_load %arg23[%swap3A_540, %swap3A_541] {strides = array<i32>} : memref<80x128xf32, #tpu.memory_space<vmem>>, vector<16xf32>,
          tpu.vector_store %arg23[%swap3A_540, %swap3A_541], %mul3A_539 {strides = array<i32>} : memref<80x128xf32, #tpu.memory_space<vmem>>, vector<16xf32>,
          %get3A_543 = arith.index_cast %add3A_526 : i32 to index
          %get3A_544 = arith.constant 32 : index
          %get3A_545 = tpu.vector_load %arg23[%get3A_543, %get3A_544] {strides = array<i32>} : memref<80x128xf32, #tpu.memory_space<vmem>>, vector<16xf32>,
          %mul3A_546 = arith.mulf %get3A_545, %gather3A_528 : vector<16xf32>
          %swap3A_547 = arith.index_cast %add3A_526 : i32 to index
          %swap3A_548 = arith.constant 32 : index
          %swap3A_549 = tpu.vector_load %arg23[%swap3A_547, %swap3A_548] {strides = array<i32>} : memref<80x128xf32, #tpu.memory_space<vmem>>, vector<16xf32>,
          tpu.vector_store %arg23[%swap3A_547, %swap3A_548], %mul3A_546 {strides = array<i32>} : memref<80x128xf32, #tpu.memory_space<vmem>>, vector<16xf32>,
          %get3A_550 = arith.index_cast %add3A_526 : i32 to index
          %get3A_551 = arith.constant 48 : index
          %get3A_552 = tpu.vector_load %arg23[%get3A_550, %get3A_551] {strides = array<i32>} : memref<80x128xf32, #tpu.memory_space<vmem>>, vector<16xf32>,
          %mul3A_553 = arith.mulf %get3A_552, %gather3A_528 : vector<16xf32>
          %swap3A_554 = arith.index_cast %add3A_526 : i32 to index
          %swap3A_555 = arith.constant 48 : index
          %swap3A_556 = tpu.vector_load %arg23[%swap3A_554, %swap3A_555] {strides = array<i32>} : memref<80x128xf32, #tpu.memory_space<vmem>>, vector<16xf32>,
          tpu.vector_store %arg23[%swap3A_554, %swap3A_555], %mul3A_553 {strides = array<i32>} : memref<80x128xf32, #tpu.memory_space<vmem>>, vector<16xf32>,
          %get3A_557 = arith.index_cast %add3A_526 : i32 to index
          %get3A_558 = arith.constant 64 : index
          %get3A_559 = tpu.vector_load %arg23[%get3A_557, %get3A_558] {strides = array<i32>} : memref<80x128xf32, #tpu.memory_space<vmem>>, vector<16xf32>,
          %mul3A_560 = arith.mulf %get3A_559, %gather3A_528 : vector<16xf32>
          %swap3A_561 = arith.index_cast %add3A_526 : i32 to index
          %swap3A_562 = arith.constant 64 : index
          %swap3A_563 = tpu.vector_load %arg23[%swap3A_561, %swap3A_562] {strides = array<i32>} : memref<80x128xf32, #tpu.memory_space<vmem>>, vector<16xf32>,
          tpu.vector_store %arg23[%swap3A_561, %swap3A_562], %mul3A_560 {strides = array<i32>} : memref<80x128xf32, #tpu.memory_space<vmem>>, vector<16xf32>,
          %get3A_564 = arith.index_cast %add3A_526 : i32 to index
          %get3A_565 = arith.constant 80 : index
          %get3A_566 = tpu.vector_load %arg23[%get3A_564, %get3A_565] {strides = array<i32>} : memref<80x128xf32, #tpu.memory_space<vmem>>, vector<16xf32>,
          %mul3A_567 = arith.mulf %get3A_566, %gather3A_528 : vector<16xf32>
          %swap3A_568 = arith.index_cast %add3A_526 : i32 to index
          %swap3A_569 = arith.constant 80 : index
          %swap3A_570 = tpu.vector_load %arg23[%swap3A_568, %swap3A_569] {strides = array<i32>} : memref<80x128xf32, #tpu.memory_space<vmem>>, vector<16xf32>,
          tpu.vector_store %arg23[%swap3A_568, %swap3A_569], %mul3A_567 {strides = array<i32>} : memref<80x128xf32, #tpu.memory_space<vmem>>, vector<16xf32>,
          %get3A_571 = arith.index_cast %add3A_526 : i32 to index
          %get3A_572 = arith.constant 96 : index
          %get3A_573 = tpu.vector_load %arg23[%get3A_571, %get3A_572] {strides = array<i32>} : memref<80x128xf32, #tpu.memory_space<vmem>>, vector<16xf32>,
          %mul3A_574 = arith.mulf %get3A_573, %gather3A_528 : vector<16xf32>
          %swap3A_575 = arith.index_cast %add3A_526 : i32 to index
          %swap3A_576 = arith.constant 96 : index
          %swap3A_577 = tpu.vector_load %arg23[%swap3A_575, %swap3A_576] {strides = array<i32>} : memref<80x128xf32, #tpu.memory_space<vmem>>, vector<16xf32>,
          tpu.vector_store %arg23[%swap3A_575, %swap3A_576], %mul3A_574 {strides = array<i32>} : memref<80x128xf32, #tpu.memory_space<vmem>>, vector<16xf32>,
          %get3A_578 = arith.index_cast %add3A_526 : i32 to index
          %get3A_579 = arith.constant 112 : index
          %get3A_580 = tpu.vector_load %arg23[%get3A_578, %get3A_579] {strides = array<i32>} : memref<80x128xf32, #tpu.memory_space<vmem>>, vector<16xf32>,
          %mul3A_581 = arith.mulf %get3A_580, %gather3A_528 : vector<16xf32>
          %swap3A_582 = arith.index_cast %add3A_526 : i32 to index
          %swap3A_583 = arith.constant 112 : index
          %swap3A_584 = tpu.vector_load %arg23[%swap3A_582, %swap3A_583] {strides = array<i32>} : memref<80x128xf32, #tpu.memory_space<vmem>>, vector<16xf32>,
          tpu.vector_store %arg23[%swap3A_582, %swap3A_583], %mul3A_581 {strides = array<i32>} : memref<80x128xf32, #tpu.memory_space<vmem>>, vector<16xf32>,
          %add3A_585 = arith.constant 3 : i32
          %add3A_586 = arith.addi %add3A_407, %add3A_585 : i32
          %broadcast_in_dim3A_587 = vector.broadcast %add3A_586 : i32 to vector<16xi32>
          %gather3A_588 = tpu.vector_load_idx %arg19[%broadcast_in_dim3A_587] : memref<80xf32, #tpu.memory_space<vmem>>[vector<16xi32>], vector<16xf32>,
          %get3A_589 = arith.index_cast %add3A_586 : i32 to index
          %get3A_590 = arith.constant 0 : index
          %get3A_591 = tpu.vector_load %arg23[%get3A_589, %get3A_590] {strides = array<i32>} : memref<80x128xf32, #tpu.memory_space<vmem>>, vector<16xf32>,
          %mul3A_592 = arith.mulf %get3A_591, %gather3A_588 : vector<16xf32>
          %swap3A_593 = arith.index_cast %add3A_586 : i32 to index
          %swap3A_594 = arith.constant 0 : index
          %swap3A_595 = tpu.vector_load %arg23[%swap3A_593, %swap3A_594] {strides = array<i32>} : memref<80x128xf32, #tpu.memory_space<vmem>>, vector<16xf32>,
          tpu.vector_store %arg23[%swap3A_593, %swap3A_594], %mul3A_592 {strides = array<i32>} : memref<80x128xf32, #tpu.memory_space<vmem>>, vector<16xf32>,
          %get3A_596 = arith.index_cast %add3A_586 : i32 to index
          %get3A_597 = arith.constant 16 : index
          %get3A_598 = tpu.vector_load %arg23[%get3A_596, %get3A_597] {strides = array<i32>} : memref<80x128xf32, #tpu.memory_space<vmem>>, vector<16xf32>,
          %mul3A_599 = arith.mulf %get3A_598, %gather3A_588 : vector<16xf32>
          %swap3A_600 = arith.index_cast %add3A_586 : i32 to index
          %swap3A_601 = arith.constant 16 : index
          %swap3A_602 = tpu.vector_load %arg23[%swap3A_600, %swap3A_601] {strides = array<i32>} : memref<80x128xf32, #tpu.memory_space<vmem>>, vector<16xf32>,
          tpu.vector_store %arg23[%swap3A_600, %swap3A_601], %mul3A_599 {strides = array<i32>} : memref<80x128xf32, #tpu.memory_space<vmem>>, vector<16xf32>,
          %get3A_603 = arith.index_cast %add3A_586 : i32 to index
          %get3A_604 = arith.constant 32 : index
          %get3A_605 = tpu.vector_load %arg23[%get3A_603, %get3A_604] {strides = array<i32>} : memref<80x128xf32, #tpu.memory_space<vmem>>, vector<16xf32>,
          %mul3A_606 = arith.mulf %get3A_605, %gather3A_588 : vector<16xf32>
          %swap3A_607 = arith.index_cast %add3A_586 : i32 to index
          %swap3A_608 = arith.constant 32 : index
          %swap3A_609 = tpu.vector_load %arg23[%swap3A_607, %swap3A_608] {strides = array<i32>} : memref<80x128xf32, #tpu.memory_space<vmem>>, vector<16xf32>,
          tpu.vector_store %arg23[%swap3A_607, %swap3A_608], %mul3A_606 {strides = array<i32>} : memref<80x128xf32, #tpu.memory_space<vmem>>, vector<16xf32>,
          %get3A_610 = arith.index_cast %add3A_586 : i32 to index
          %get3A_611 = arith.constant 48 : index
          %get3A_612 = tpu.vector_load %arg23[%get3A_610, %get3A_611] {strides = array<i32>} : memref<80x128xf32, #tpu.memory_space<vmem>>, vector<16xf32>,
          %mul3A_613 = arith.mulf %get3A_612, %gather3A_588 : vector<16xf32>
          %swap3A_614 = arith.index_cast %add3A_586 : i32 to index
          %swap3A_615 = arith.constant 48 : index
          %swap3A_616 = tpu.vector_load %arg23[%swap3A_614, %swap3A_615] {strides = array<i32>} : memref<80x128xf32, #tpu.memory_space<vmem>>, vector<16xf32>,
          tpu.vector_store %arg23[%swap3A_614, %swap3A_615], %mul3A_613 {strides = array<i32>} : memref<80x128xf32, #tpu.memory_space<vmem>>, vector<16xf32>,
          %get3A_617 = arith.index_cast %add3A_586 : i32 to index
          %get3A_618 = arith.constant 64 : index
          %get3A_619 = tpu.vector_load %arg23[%get3A_617, %get3A_618] {strides = array<i32>} : memref<80x128xf32, #tpu.memory_space<vmem>>, vector<16xf32>,
          %mul3A_620 = arith.mulf %get3A_619, %gather3A_588 : vector<16xf32>
          %swap3A_621 = arith.index_cast %add3A_586 : i32 to index
          %swap3A_622 = arith.constant 64 : index
          %swap3A_623 = tpu.vector_load %arg23[%swap3A_621, %swap3A_622] {strides = array<i32>} : memref<80x128xf32, #tpu.memory_space<vmem>>, vector<16xf32>,
          tpu.vector_store %arg23[%swap3A_621, %swap3A_622], %mul3A_620 {strides = array<i32>} : memref<80x128xf32, #tpu.memory_space<vmem>>, vector<16xf32>,
          %get3A_624 = arith.index_cast %add3A_586 : i32 to index
          %get3A_625 = arith.constant 80 : index
          %get3A_626 = tpu.vector_load %arg23[%get3A_624, %get3A_625] {strides = array<i32>} : memref<80x128xf32, #tpu.memory_space<vmem>>, vector<16xf32>,
          %mul3A_627 = arith.mulf %get3A_626, %gather3A_588 : vector<16xf32>
          %swap3A_628 = arith.index_cast %add3A_586 : i32 to index
          %swap3A_629 = arith.constant 80 : index
          %swap3A_630 = tpu.vector_load %arg23[%swap3A_628, %swap3A_629] {strides = array<i32>} : memref<80x128xf32, #tpu.memory_space<vmem>>, vector<16xf32>,
          tpu.vector_store %arg23[%swap3A_628, %swap3A_629], %mul3A_627 {strides = array<i32>} : memref<80x128xf32, #tpu.memory_space<vmem>>, vector<16xf32>,
          %get3A_631 = arith.index_cast %add3A_586 : i32 to index
          %get3A_632 = arith.constant 96 : index
          %get3A_633 = tpu.vector_load %arg23[%get3A_631, %get3A_632] {strides = array<i32>} : memref<80x128xf32, #tpu.memory_space<vmem>>, vector<16xf32>,
          %mul3A_634 = arith.mulf %get3A_633, %gather3A_588 : vector<16xf32>
          %swap3A_635 = arith.index_cast %add3A_586 : i32 to index
          %swap3A_636 = arith.constant 96 : index
          %swap3A_637 = tpu.vector_load %arg23[%swap3A_635, %swap3A_636] {strides = array<i32>} : memref<80x128xf32, #tpu.memory_space<vmem>>, vector<16xf32>,
          tpu.vector_store %arg23[%swap3A_635, %swap3A_636], %mul3A_634 {strides = array<i32>} : memref<80x128xf32, #tpu.memory_space<vmem>>, vector<16xf32>,
          %get3A_638 = arith.index_cast %add3A_586 : i32 to index
          %get3A_639 = arith.constant 112 : index
          %get3A_640 = tpu.vector_load %arg23[%get3A_638, %get3A_639] {strides = array<i32>} : memref<80x128xf32, #tpu.memory_space<vmem>>, vector<16xf32>,
          %mul3A_641 = arith.mulf %get3A_640, %gather3A_588 : vector<16xf32>
          %swap3A_642 = arith.index_cast %add3A_586 : i32 to index
          %swap3A_643 = arith.constant 112 : index
          %swap3A_644 = tpu.vector_load %arg23[%swap3A_642, %swap3A_643] {strides = array<i32>} : memref<80x128xf32, #tpu.memory_space<vmem>>, vector<16xf32>,
          tpu.vector_store %arg23[%swap3A_642, %swap3A_643], %mul3A_641 {strides = array<i32>} : memref<80x128xf32, #tpu.memory_space<vmem>>, vector<16xf32>,
        }
        %scan3A_364 = arith.constant 10 : i32
        %mul3A_365 = arith.constant 80 : i32
        %mul3A_366 = arith.muli %add3A_297, %mul3A_365 : i32
        %add3A_367 = arith.addi %mul3A_2, %mul3A_366 : i32
        %add3A_368 = arith.constant 0 : i32
        %add3A_369 = arith.addi %add3A_367, %add3A_368 : i32
        %dma_wait3A_370 = tpu.memref_slice %arg4[%add3A_369] : memref<320000xi32, #tpu.memory_space<hbm>> -> memref<40xi32, #tpu.memory_space<hbm>>
        %dma_wait3A_371 = tpu.memref_slice %arg4[%add3A_369] : memref<320000xi32, #tpu.memory_space<hbm>> -> memref<40xi32, #tpu.memory_space<hbm>>
        tpu.wait_dma2 semaphore(%arg32 : memref<!tpu.dma_semaphore, #tpu.memory_space<semaphore_mem>>) src(%dma_wait3A_371 : memref<40xi32, #tpu.memory_space<hbm>>) dst(%arg11 : memref<40xi32, #tpu.memory_space<vmem>>)
        %dma_start3A_372 = arith.constant 0 : i32
        %dma_start3A_373 = arith.constant 0 : i32
        %dma_start3A_374 = tpu.memref_slice %arg23[%dma_start3A_372, %dma_start3A_373] : memref<80x128xf32, #tpu.memory_space<vmem>> -> memref<40x128xf32, #tpu.memory_space<vmem>>
        %dma_start3A_375 = arith.constant 0 : i32
        %dma_start3A_376 = arith.constant 0 : i32
        %dma_start3A_377 = tpu.memref_slice %arg27[%dma_start3A_375, %dma_start3A_376] : memref<10000x128xf32, #tpu.memory_space<vmem_shared>> -> memref<10000x128xf32, #tpu.memory_space<vmem_shared>>
        tpu.enqueue_indirect_dma source(%dma_start3A_374 : memref<40x128xf32, #tpu.memory_space<vmem>>) target(%dma_start3A_377 : memref<10000x128xf32, #tpu.memory_space<vmem_shared>>) offsets(%arg11 : memref<40xi32, #tpu.memory_space<vmem>>) semaphore(%arg48 : memref<!tpu.dma_semaphore, #tpu.memory_space<semaphore_mem>>) {add = true}
        %scan3A_378 = arith.constant 0 : i32
        %scan3A_379 = arith.constant 10 : i32
        %scan3A_380 = arith.addi %scan3A_378, %scan3A_379 : i32
        %scan3A_381 = arith.constant 1 : i32
        scf.for %scan3A_403 = %scan3A_378 to %scan3A_380 step %scan3A_381  : i32 {
          %mul3A_404 = arith.constant 4 : i32
          %mul3A_405 = arith.muli %scan3A_403, %mul3A_404 : i32
          %add3A_406 = arith.constant 40 : i32
          %add3A_407 = arith.addi %add3A_406, %mul3A_405 : i32
          %add3A_408 = arith.constant 0 : i32
          %add3A_409 = arith.addi %add3A_407, %add3A_408 : i32
          %broadcast_in_dim3A_410 = vector.broadcast %add3A_409 : i32 to vector<16xi32>
          %gather3A = tpu.vector_load_idx %arg19[%broadcast_in_dim3A_410] : memref<80xf32, #tpu.memory_space<vmem>>[vector<16xi32>], vector<16xf32>,
          %get3A = arith.index_cast %add3A_409 : i32 to index
          %get3A_411 = arith.constant 0 : index
          %get3A_412 = tpu.vector_load %arg23[%get3A, %get3A_411] {strides = array<i32>} : memref<80x128xf32, #tpu.memory_space<vmem>>, vector<16xf32>,
          %mul3A_413 = arith.mulf %get3A_412, %gather3A : vector<16xf32>
          %swap3A = arith.index_cast %add3A_409 : i32 to index
          %swap3A_414 = arith.constant 0 : index
          %swap3A_415 = tpu.vector_load %arg23[%swap3A, %swap3A_414] {strides = array<i32>} : memref<80x128xf32, #tpu.memory_space<vmem>>, vector<16xf32>,
          tpu.vector_store %arg23[%swap3A, %swap3A_414], %mul3A_413 {strides = array<i32>} : memref<80x128xf32, #tpu.memory_space<vmem>>, vector<16xf32>,
          %get3A_416 = arith.index_cast %add3A_409 : i32 to index
          %get3A_417 = arith.constant 16 : index
          %get3A_418 = tpu.vector_load %arg23[%get3A_416, %get3A_417] {strides = array<i32>} : memref<80x128xf32, #tpu.memory_space<vmem>>, vector<16xf32>,
          %mul3A_419 = arith.mulf %get3A_418, %gather3A : vector<16xf32>
          %swap3A_420 = arith.index_cast %add3A_409 : i32 to index
          %swap3A_421 = arith.constant 16 : index
          %swap3A_422 = tpu.vector_load %arg23[%swap3A_420, %swap3A_421] {strides = array<i32>} : memref<80x128xf32, #tpu.memory_space<vmem>>, vector<16xf32>,
          tpu.vector_store %arg23[%swap3A_420, %swap3A_421], %mul3A_419 {strides = array<i32>} : memref<80x128xf32, #tpu.memory_space<vmem>>, vector<16xf32>,
          %get3A_423 = arith.index_cast %add3A_409 : i32 to index
          %get3A_424 = arith.constant 32 : index
          %get3A_425 = tpu.vector_load %arg23[%get3A_423, %get3A_424] {strides = array<i32>} : memref<80x128xf32, #tpu.memory_space<vmem>>, vector<16xf32>,
          %mul3A_426 = arith.mulf %get3A_425, %gather3A : vector<16xf32>
          %swap3A_427 = arith.index_cast %add3A_409 : i32 to index
          %swap3A_428 = arith.constant 32 : index
          %swap3A_429 = tpu.vector_load %arg23[%swap3A_427, %swap3A_428] {strides = array<i32>} : memref<80x128xf32, #tpu.memory_space<vmem>>, vector<16xf32>,
          tpu.vector_store %arg23[%swap3A_427, %swap3A_428], %mul3A_426 {strides = array<i32>} : memref<80x128xf32, #tpu.memory_space<vmem>>, vector<16xf32>,
          %get3A_430 = arith.index_cast %add3A_409 : i32 to index
          %get3A_431 = arith.constant 48 : index
          %get3A_432 = tpu.vector_load %arg23[%get3A_430, %get3A_431] {strides = array<i32>} : memref<80x128xf32, #tpu.memory_space<vmem>>, vector<16xf32>,
          %mul3A_433 = arith.mulf %get3A_432, %gather3A : vector<16xf32>
          %swap3A_434 = arith.index_cast %add3A_409 : i32 to index
          %swap3A_435 = arith.constant 48 : index
          %swap3A_436 = tpu.vector_load %arg23[%swap3A_434, %swap3A_435] {strides = array<i32>} : memref<80x128xf32, #tpu.memory_space<vmem>>, vector<16xf32>,
          tpu.vector_store %arg23[%swap3A_434, %swap3A_435], %mul3A_433 {strides = array<i32>} : memref<80x128xf32, #tpu.memory_space<vmem>>, vector<16xf32>,
          %get3A_437 = arith.index_cast %add3A_409 : i32 to index
          %get3A_438 = arith.constant 64 : index
          %get3A_439 = tpu.vector_load %arg23[%get3A_437, %get3A_438] {strides = array<i32>} : memref<80x128xf32, #tpu.memory_space<vmem>>, vector<16xf32>,
          %mul3A_440 = arith.mulf %get3A_439, %gather3A : vector<16xf32>
          %swap3A_441 = arith.index_cast %add3A_409 : i32 to index
          %swap3A_442 = arith.constant 64 : index
          %swap3A_443 = tpu.vector_load %arg23[%swap3A_441, %swap3A_442] {strides = array<i32>} : memref<80x128xf32, #tpu.memory_space<vmem>>, vector<16xf32>,
          tpu.vector_store %arg23[%swap3A_441, %swap3A_442], %mul3A_440 {strides = array<i32>} : memref<80x128xf32, #tpu.memory_space<vmem>>, vector<16xf32>,
          %get3A_444 = arith.index_cast %add3A_409 : i32 to index
          %get3A_445 = arith.constant 80 : index
          %get3A_446 = tpu.vector_load %arg23[%get3A_444, %get3A_445] {strides = array<i32>} : memref<80x128xf32, #tpu.memory_space<vmem>>, vector<16xf32>,
          %mul3A_447 = arith.mulf %get3A_446, %gather3A : vector<16xf32>
          %swap3A_448 = arith.index_cast %add3A_409 : i32 to index
          %swap3A_449 = arith.constant 80 : index
          %swap3A_450 = tpu.vector_load %arg23[%swap3A_448, %swap3A_449] {strides = array<i32>} : memref<80x128xf32, #tpu.memory_space<vmem>>, vector<16xf32>,
          tpu.vector_store %arg23[%swap3A_448, %swap3A_449], %mul3A_447 {strides = array<i32>} : memref<80x128xf32, #tpu.memory_space<vmem>>, vector<16xf32>,
          %get3A_451 = arith.index_cast %add3A_409 : i32 to index
          %get3A_452 = arith.constant 96 : index
          %get3A_453 = tpu.vector_load %arg23[%get3A_451, %get3A_452] {strides = array<i32>} : memref<80x128xf32, #tpu.memory_space<vmem>>, vector<16xf32>,
          %mul3A_454 = arith.mulf %get3A_453, %gather3A : vector<16xf32>
          %swap3A_455 = arith.index_cast %add3A_409 : i32 to index
          %swap3A_456 = arith.constant 96 : index
          %swap3A_457 = tpu.vector_load %arg23[%swap3A_455, %swap3A_456] {strides = array<i32>} : memref<80x128xf32, #tpu.memory_space<vmem>>, vector<16xf32>,
          tpu.vector_store %arg23[%swap3A_455, %swap3A_456], %mul3A_454 {strides = array<i32>} : memref<80x128xf32, #tpu.memory_space<vmem>>, vector<16xf32>,
          %get3A_458 = arith.index_cast %add3A_409 : i32 to index
          %get3A_459 = arith.constant 112 : index
          %get3A_460 = tpu.vector_load %arg23[%get3A_458, %get3A_459] {strides = array<i32>} : memref<80x128xf32, #tpu.memory_space<vmem>>, vector<16xf32>,
          %mul3A_461 = arith.mulf %get3A_460, %gather3A : vector<16xf32>
          %swap3A_462 = arith.index_cast %add3A_409 : i32 to index
          %swap3A_463 = arith.constant 112 : index
          %swap3A_464 = tpu.vector_load %arg23[%swap3A_462, %swap3A_463] {strides = array<i32>} : memref<80x128xf32, #tpu.memory_space<vmem>>, vector<16xf32>,
          tpu.vector_store %arg23[%swap3A_462, %swap3A_463], %mul3A_461 {strides = array<i32>} : memref<80x128xf32, #tpu.memory_space<vmem>>, vector<16xf32>,
          %add3A_465 = arith.constant 1 : i32
          %add3A_466 = arith.addi %add3A_407, %add3A_465 : i32
          %broadcast_in_dim3A_467 = vector.broadcast %add3A_466 : i32 to vector<16xi32>
          %gather3A_468 = tpu.vector_load_idx %arg19[%broadcast_in_dim3A_467] : memref<80xf32, #tpu.memory_space<vmem>>[vector<16xi32>], vector<16xf32>,
          %get3A_469 = arith.index_cast %add3A_466 : i32 to index
          %get3A_470 = arith.constant 0 : index
          %get3A_471 = tpu.vector_load %arg23[%get3A_469, %get3A_470] {strides = array<i32>} : memref<80x128xf32, #tpu.memory_space<vmem>>, vector<16xf32>,
          %mul3A_472 = arith.mulf %get3A_471, %gather3A_468 : vector<16xf32>
          %swap3A_473 = arith.index_cast %add3A_466 : i32 to index
          %swap3A_474 = arith.constant 0 : index
          %swap3A_475 = tpu.vector_load %arg23[%swap3A_473, %swap3A_474] {strides = array<i32>} : memref<80x128xf32, #tpu.memory_space<vmem>>, vector<16xf32>,
          tpu.vector_store %arg23[%swap3A_473, %swap3A_474], %mul3A_472 {strides = array<i32>} : memref<80x128xf32, #tpu.memory_space<vmem>>, vector<16xf32>,
          %get3A_476 = arith.index_cast %add3A_466 : i32 to index
          %get3A_477 = arith.constant 16 : index
          %get3A_478 = tpu.vector_load %arg23[%get3A_476, %get3A_477] {strides = array<i32>} : memref<80x128xf32, #tpu.memory_space<vmem>>, vector<16xf32>,
          %mul3A_479 = arith.mulf %get3A_478, %gather3A_468 : vector<16xf32>
          %swap3A_480 = arith.index_cast %add3A_466 : i32 to index
          %swap3A_481 = arith.constant 16 : index
          %swap3A_482 = tpu.vector_load %arg23[%swap3A_480, %swap3A_481] {strides = array<i32>} : memref<80x128xf32, #tpu.memory_space<vmem>>, vector<16xf32>,
          tpu.vector_store %arg23[%swap3A_480, %swap3A_481], %mul3A_479 {strides = array<i32>} : memref<80x128xf32, #tpu.memory_space<vmem>>, vector<16xf32>,
          %get3A_483 = arith.index_cast %add3A_466 : i32 to index
          %get3A_484 = arith.constant 32 : index
          %get3A_485 = tpu.vector_load %arg23[%get3A_483, %get3A_484] {strides = array<i32>} : memref<80x128xf32, #tpu.memory_space<vmem>>, vector<16xf32>,
          %mul3A_486 = arith.mulf %get3A_485, %gather3A_468 : vector<16xf32>
          %swap3A_487 = arith.index_cast %add3A_466 : i32 to index
          %swap3A_488 = arith.constant 32 : index
          %swap3A_489 = tpu.vector_load %arg23[%swap3A_487, %swap3A_488] {strides = array<i32>} : memref<80x128xf32, #tpu.memory_space<vmem>>, vector<16xf32>,
          tpu.vector_store %arg23[%swap3A_487, %swap3A_488], %mul3A_486 {strides = array<i32>} : memref<80x128xf32, #tpu.memory_space<vmem>>, vector<16xf32>,
          %get3A_490 = arith.index_cast %add3A_466 : i32 to index
          %get3A_491 = arith.constant 48 : index
          %get3A_492 = tpu.vector_load %arg23[%get3A_490, %get3A_491] {strides = array<i32>} : memref<80x128xf32, #tpu.memory_space<vmem>>, vector<16xf32>,
          %mul3A_493 = arith.mulf %get3A_492, %gather3A_468 : vector<16xf32>
          %swap3A_494 = arith.index_cast %add3A_466 : i32 to index
          %swap3A_495 = arith.constant 48 : index
          %swap3A_496 = tpu.vector_load %arg23[%swap3A_494, %swap3A_495] {strides = array<i32>} : memref<80x128xf32, #tpu.memory_space<vmem>>, vector<16xf32>,
          tpu.vector_store %arg23[%swap3A_494, %swap3A_495], %mul3A_493 {strides = array<i32>} : memref<80x128xf32, #tpu.memory_space<vmem>>, vector<16xf32>,
          %get3A_497 = arith.index_cast %add3A_466 : i32 to index
          %get3A_498 = arith.constant 64 : index
          %get3A_499 = tpu.vector_load %arg23[%get3A_497, %get3A_498] {strides = array<i32>} : memref<80x128xf32, #tpu.memory_space<vmem>>, vector<16xf32>,
          %mul3A_500 = arith.mulf %get3A_499, %gather3A_468 : vector<16xf32>
          %swap3A_501 = arith.index_cast %add3A_466 : i32 to index
          %swap3A_502 = arith.constant 64 : index
          %swap3A_503 = tpu.vector_load %arg23[%swap3A_501, %swap3A_502] {strides = array<i32>} : memref<80x128xf32, #tpu.memory_space<vmem>>, vector<16xf32>,
          tpu.vector_store %arg23[%swap3A_501, %swap3A_502], %mul3A_500 {strides = array<i32>} : memref<80x128xf32, #tpu.memory_space<vmem>>, vector<16xf32>,
          %get3A_504 = arith.index_cast %add3A_466 : i32 to index
          %get3A_505 = arith.constant 80 : index
          %get3A_506 = tpu.vector_load %arg23[%get3A_504, %get3A_505] {strides = array<i32>} : memref<80x128xf32, #tpu.memory_space<vmem>>, vector<16xf32>,
          %mul3A_507 = arith.mulf %get3A_506, %gather3A_468 : vector<16xf32>
          %swap3A_508 = arith.index_cast %add3A_466 : i32 to index
          %swap3A_509 = arith.constant 80 : index
          %swap3A_510 = tpu.vector_load %arg23[%swap3A_508, %swap3A_509] {strides = array<i32>} : memref<80x128xf32, #tpu.memory_space<vmem>>, vector<16xf32>,
          tpu.vector_store %arg23[%swap3A_508, %swap3A_509], %mul3A_507 {strides = array<i32>} : memref<80x128xf32, #tpu.memory_space<vmem>>, vector<16xf32>,
          %get3A_511 = arith.index_cast %add3A_466 : i32 to index
          %get3A_512 = arith.constant 96 : index
          %get3A_513 = tpu.vector_load %arg23[%get3A_511, %get3A_512] {strides = array<i32>} : memref<80x128xf32, #tpu.memory_space<vmem>>, vector<16xf32>,
          %mul3A_514 = arith.mulf %get3A_513, %gather3A_468 : vector<16xf32>
          %swap3A_515 = arith.index_cast %add3A_466 : i32 to index
          %swap3A_516 = arith.constant 96 : index
          %swap3A_517 = tpu.vector_load %arg23[%swap3A_515, %swap3A_516] {strides = array<i32>} : memref<80x128xf32, #tpu.memory_space<vmem>>, vector<16xf32>,
          tpu.vector_store %arg23[%swap3A_515, %swap3A_516], %mul3A_514 {strides = array<i32>} : memref<80x128xf32, #tpu.memory_space<vmem>>, vector<16xf32>,
          %get3A_518 = arith.index_cast %add3A_466 : i32 to index
          %get3A_519 = arith.constant 112 : index
          %get3A_520 = tpu.vector_load %arg23[%get3A_518, %get3A_519] {strides = array<i32>} : memref<80x128xf32, #tpu.memory_space<vmem>>, vector<16xf32>,
          %mul3A_521 = arith.mulf %get3A_520, %gather3A_468 : vector<16xf32>
          %swap3A_522 = arith.index_cast %add3A_466 : i32 to index
          %swap3A_523 = arith.constant 112 : index
          %swap3A_524 = tpu.vector_load %arg23[%swap3A_522, %swap3A_523] {strides = array<i32>} : memref<80x128xf32, #tpu.memory_space<vmem>>, vector<16xf32>,
          tpu.vector_store %arg23[%swap3A_522, %swap3A_523], %mul3A_521 {strides = array<i32>} : memref<80x128xf32, #tpu.memory_space<vmem>>, vector<16xf32>,
          %add3A_525 = arith.constant 2 : i32
          %add3A_526 = arith.addi %add3A_407, %add3A_525 : i32
          %broadcast_in_dim3A_527 = vector.broadcast %add3A_526 : i32 to vector<16xi32>
          %gather3A_528 = tpu.vector_load_idx %arg19[%broadcast_in_dim3A_527] : memref<80xf32, #tpu.memory_space<vmem>>[vector<16xi32>], vector<16xf32>,
          %get3A_529 = arith.index_cast %add3A_526 : i32 to index
          %get3A_530 = arith.constant 0 : index
          %get3A_531 = tpu.vector_load %arg23[%get3A_529, %get3A_530] {strides = array<i32>} : memref<80x128xf32, #tpu.memory_space<vmem>>, vector<16xf32>,
          %mul3A_532 = arith.mulf %get3A_531, %gather3A_528 : vector<16xf32>
          %swap3A_533 = arith.index_cast %add3A_526 : i32 to index
          %swap3A_534 = arith.constant 0 : index
          %swap3A_535 = tpu.vector_load %arg23[%swap3A_533, %swap3A_534] {strides = array<i32>} : memref<80x128xf32, #tpu.memory_space<vmem>>, vector<16xf32>,
          tpu.vector_store %arg23[%swap3A_533, %swap3A_534], %mul3A_532 {strides = array<i32>} : memref<80x128xf32, #tpu.memory_space<vmem>>, vector<16xf32>,
          %get3A_536 = arith.index_cast %add3A_526 : i32 to index
          %get3A_537 = arith.constant 16 : index
          %get3A_538 = tpu.vector_load %arg23[%get3A_536, %get3A_537] {strides = array<i32>} : memref<80x128xf32, #tpu.memory_space<vmem>>, vector<16xf32>,
          %mul3A_539 = arith.mulf %get3A_538, %gather3A_528 : vector<16xf32>
          %swap3A_540 = arith.index_cast %add3A_526 : i32 to index
          %swap3A_541 = arith.constant 16 : index
          %swap3A_542 = tpu.vector_load %arg23[%swap3A_540, %swap3A_541] {strides = array<i32>} : memref<80x128xf32, #tpu.memory_space<vmem>>, vector<16xf32>,
          tpu.vector_store %arg23[%swap3A_540, %swap3A_541], %mul3A_539 {strides = array<i32>} : memref<80x128xf32, #tpu.memory_space<vmem>>, vector<16xf32>,
          %get3A_543 = arith.index_cast %add3A_526 : i32 to index
          %get3A_544 = arith.constant 32 : index
          %get3A_545 = tpu.vector_load %arg23[%get3A_543, %get3A_544] {strides = array<i32>} : memref<80x128xf32, #tpu.memory_space<vmem>>, vector<16xf32>,
          %mul3A_546 = arith.mulf %get3A_545, %gather3A_528 : vector<16xf32>
          %swap3A_547 = arith.index_cast %add3A_526 : i32 to index
          %swap3A_548 = arith.constant 32 : index
          %swap3A_549 = tpu.vector_load %arg23[%swap3A_547, %swap3A_548] {strides = array<i32>} : memref<80x128xf32, #tpu.memory_space<vmem>>, vector<16xf32>,
          tpu.vector_store %arg23[%swap3A_547, %swap3A_548], %mul3A_546 {strides = array<i32>} : memref<80x128xf32, #tpu.memory_space<vmem>>, vector<16xf32>,
          %get3A_550 = arith.index_cast %add3A_526 : i32 to index
          %get3A_551 = arith.constant 48 : index
          %get3A_552 = tpu.vector_load %arg23[%get3A_550, %get3A_551] {strides = array<i32>} : memref<80x128xf32, #tpu.memory_space<vmem>>, vector<16xf32>,
          %mul3A_553 = arith.mulf %get3A_552, %gather3A_528 : vector<16xf32>
          %swap3A_554 = arith.index_cast %add3A_526 : i32 to index
          %swap3A_555 = arith.constant 48 : index
          %swap3A_556 = tpu.vector_load %arg23[%swap3A_554, %swap3A_555] {strides = array<i32>} : memref<80x128xf32, #tpu.memory_space<vmem>>, vector<16xf32>,
          tpu.vector_store %arg23[%swap3A_554, %swap3A_555], %mul3A_553 {strides = array<i32>} : memref<80x128xf32, #tpu.memory_space<vmem>>, vector<16xf32>,
          %get3A_557 = arith.index_cast %add3A_526 : i32 to index
          %get3A_558 = arith.constant 64 : index
          %get3A_559 = tpu.vector_load %arg23[%get3A_557, %get3A_558] {strides = array<i32>} : memref<80x128xf32, #tpu.memory_space<vmem>>, vector<16xf32>,
          %mul3A_560 = arith.mulf %get3A_559, %gather3A_528 : vector<16xf32>
          %swap3A_561 = arith.index_cast %add3A_526 : i32 to index
          %swap3A_562 = arith.constant 64 : index
          %swap3A_563 = tpu.vector_load %arg23[%swap3A_561, %swap3A_562] {strides = array<i32>} : memref<80x128xf32, #tpu.memory_space<vmem>>, vector<16xf32>,
          tpu.vector_store %arg23[%swap3A_561, %swap3A_562], %mul3A_560 {strides = array<i32>} : memref<80x128xf32, #tpu.memory_space<vmem>>, vector<16xf32>,
          %get3A_564 = arith.index_cast %add3A_526 : i32 to index
          %get3A_565 = arith.constant 80 : index
          %get3A_566 = tpu.vector_load %arg23[%get3A_564, %get3A_565] {strides = array<i32>} : memref<80x128xf32, #tpu.memory_space<vmem>>, vector<16xf32>,
          %mul3A_567 = arith.mulf %get3A_566, %gather3A_528 : vector<16xf32>
          %swap3A_568 = arith.index_cast %add3A_526 : i32 to index
          %swap3A_569 = arith.constant 80 : index
          %swap3A_570 = tpu.vector_load %arg23[%swap3A_568, %swap3A_569] {strides = array<i32>} : memref<80x128xf32, #tpu.memory_space<vmem>>, vector<16xf32>,
          tpu.vector_store %arg23[%swap3A_568, %swap3A_569], %mul3A_567 {strides = array<i32>} : memref<80x128xf32, #tpu.memory_space<vmem>>, vector<16xf32>,
          %get3A_571 = arith.index_cast %add3A_526 : i32 to index
          %get3A_572 = arith.constant 96 : index
          %get3A_573 = tpu.vector_load %arg23[%get3A_571, %get3A_572] {strides = array<i32>} : memref<80x128xf32, #tpu.memory_space<vmem>>, vector<16xf32>,
          %mul3A_574 = arith.mulf %get3A_573, %gather3A_528 : vector<16xf32>
          %swap3A_575 = arith.index_cast %add3A_526 : i32 to index
          %swap3A_576 = arith.constant 96 : index
          %swap3A_577 = tpu.vector_load %arg23[%swap3A_575, %swap3A_576] {strides = array<i32>} : memref<80x128xf32, #tpu.memory_space<vmem>>, vector<16xf32>,
          tpu.vector_store %arg23[%swap3A_575, %swap3A_576], %mul3A_574 {strides = array<i32>} : memref<80x128xf32, #tpu.memory_space<vmem>>, vector<16xf32>,
          %get3A_578 = arith.index_cast %add3A_526 : i32 to index
          %get3A_579 = arith.constant 112 : index
          %get3A_580 = tpu.vector_load %arg23[%get3A_578, %get3A_579] {strides = array<i32>} : memref<80x128xf32, #tpu.memory_space<vmem>>, vector<16xf32>,
          %mul3A_581 = arith.mulf %get3A_580, %gather3A_528 : vector<16xf32>
          %swap3A_582 = arith.index_cast %add3A_526 : i32 to index
          %swap3A_583 = arith.constant 112 : index
          %swap3A_584 = tpu.vector_load %arg23[%swap3A_582, %swap3A_583] {strides = array<i32>} : memref<80x128xf32, #tpu.memory_space<vmem>>, vector<16xf32>,
          tpu.vector_store %arg23[%swap3A_582, %swap3A_583], %mul3A_581 {strides = array<i32>} : memref<80x128xf32, #tpu.memory_space<vmem>>, vector<16xf32>,
          %add3A_585 = arith.constant 3 : i32
          %add3A_586 = arith.addi %add3A_407, %add3A_585 : i32
          %broadcast_in_dim3A_587 = vector.broadcast %add3A_586 : i32 to vector<16xi32>
          %gather3A_588 = tpu.vector_load_idx %arg19[%broadcast_in_dim3A_587] : memref<80xf32, #tpu.memory_space<vmem>>[vector<16xi32>], vector<16xf32>,
          %get3A_589 = arith.index_cast %add3A_586 : i32 to index
          %get3A_590 = arith.constant 0 : index
          %get3A_591 = tpu.vector_load %arg23[%get3A_589, %get3A_590] {strides = array<i32>} : memref<80x128xf32, #tpu.memory_space<vmem>>, vector<16xf32>,
          %mul3A_592 = arith.mulf %get3A_591, %gather3A_588 : vector<16xf32>
          %swap3A_593 = arith.index_cast %add3A_586 : i32 to index
          %swap3A_594 = arith.constant 0 : index
          %swap3A_595 = tpu.vector_load %arg23[%swap3A_593, %swap3A_594] {strides = array<i32>} : memref<80x128xf32, #tpu.memory_space<vmem>>, vector<16xf32>,
          tpu.vector_store %arg23[%swap3A_593, %swap3A_594], %mul3A_592 {strides = array<i32>} : memref<80x128xf32, #tpu.memory_space<vmem>>, vector<16xf32>,
          %get3A_596 = arith.index_cast %add3A_586 : i32 to index
          %get3A_597 = arith.constant 16 : index
          %get3A_598 = tpu.vector_load %arg23[%get3A_596, %get3A_597] {strides = array<i32>} : memref<80x128xf32, #tpu.memory_space<vmem>>, vector<16xf32>,
          %mul3A_599 = arith.mulf %get3A_598, %gather3A_588 : vector<16xf32>
          %swap3A_600 = arith.index_cast %add3A_586 : i32 to index
          %swap3A_601 = arith.constant 16 : index
          %swap3A_602 = tpu.vector_load %arg23[%swap3A_600, %swap3A_601] {strides = array<i32>} : memref<80x128xf32, #tpu.memory_space<vmem>>, vector<16xf32>,
          tpu.vector_store %arg23[%swap3A_600, %swap3A_601], %mul3A_599 {strides = array<i32>} : memref<80x128xf32, #tpu.memory_space<vmem>>, vector<16xf32>,
          %get3A_603 = arith.index_cast %add3A_586 : i32 to index
          %get3A_604 = arith.constant 32 : index
          %get3A_605 = tpu.vector_load %arg23[%get3A_603, %get3A_604] {strides = array<i32>} : memref<80x128xf32, #tpu.memory_space<vmem>>, vector<16xf32>,
          %mul3A_606 = arith.mulf %get3A_605, %gather3A_588 : vector<16xf32>
          %swap3A_607 = arith.index_cast %add3A_586 : i32 to index
          %swap3A_608 = arith.constant 32 : index
          %swap3A_609 = tpu.vector_load %arg23[%swap3A_607, %swap3A_608] {strides = array<i32>} : memref<80x128xf32, #tpu.memory_space<vmem>>, vector<16xf32>,
          tpu.vector_store %arg23[%swap3A_607, %swap3A_608], %mul3A_606 {strides = array<i32>} : memref<80x128xf32, #tpu.memory_space<vmem>>, vector<16xf32>,
          %get3A_610 = arith.index_cast %add3A_586 : i32 to index
          %get3A_611 = arith.constant 48 : index
          %get3A_612 = tpu.vector_load %arg23[%get3A_610, %get3A_611] {strides = array<i32>} : memref<80x128xf32, #tpu.memory_space<vmem>>, vector<16xf32>,
          %mul3A_613 = arith.mulf %get3A_612, %gather3A_588 : vector<16xf32>
          %swap3A_614 = arith.index_cast %add3A_586 : i32 to index
          %swap3A_615 = arith.constant 48 : index
          %swap3A_616 = tpu.vector_load %arg23[%swap3A_614, %swap3A_615] {strides = array<i32>} : memref<80x128xf32, #tpu.memory_space<vmem>>, vector<16xf32>,
          tpu.vector_store %arg23[%swap3A_614, %swap3A_615], %mul3A_613 {strides = array<i32>} : memref<80x128xf32, #tpu.memory_space<vmem>>, vector<16xf32>,
          %get3A_617 = arith.index_cast %add3A_586 : i32 to index
          %get3A_618 = arith.constant 64 : index
          %get3A_619 = tpu.vector_load %arg23[%get3A_617, %get3A_618] {strides = array<i32>} : memref<80x128xf32, #tpu.memory_space<vmem>>, vector<16xf32>,
          %mul3A_620 = arith.mulf %get3A_619, %gather3A_588 : vector<16xf32>
          %swap3A_621 = arith.index_cast %add3A_586 : i32 to index
          %swap3A_622 = arith.constant 64 : index
          %swap3A_623 = tpu.vector_load %arg23[%swap3A_621, %swap3A_622] {strides = array<i32>} : memref<80x128xf32, #tpu.memory_space<vmem>>, vector<16xf32>,
          tpu.vector_store %arg23[%swap3A_621, %swap3A_622], %mul3A_620 {strides = array<i32>} : memref<80x128xf32, #tpu.memory_space<vmem>>, vector<16xf32>,
          %get3A_624 = arith.index_cast %add3A_586 : i32 to index
          %get3A_625 = arith.constant 80 : index
          %get3A_626 = tpu.vector_load %arg23[%get3A_624, %get3A_625] {strides = array<i32>} : memref<80x128xf32, #tpu.memory_space<vmem>>, vector<16xf32>,
          %mul3A_627 = arith.mulf %get3A_626, %gather3A_588 : vector<16xf32>
          %swap3A_628 = arith.index_cast %add3A_586 : i32 to index
          %swap3A_629 = arith.constant 80 : index
          %swap3A_630 = tpu.vector_load %arg23[%swap3A_628, %swap3A_629] {strides = array<i32>} : memref<80x128xf32, #tpu.memory_space<vmem>>, vector<16xf32>,
          tpu.vector_store %arg23[%swap3A_628, %swap3A_629], %mul3A_627 {strides = array<i32>} : memref<80x128xf32, #tpu.memory_space<vmem>>, vector<16xf32>,
          %get3A_631 = arith.index_cast %add3A_586 : i32 to index
          %get3A_632 = arith.constant 96 : index
          %get3A_633 = tpu.vector_load %arg23[%get3A_631, %get3A_632] {strides = array<i32>} : memref<80x128xf32, #tpu.memory_space<vmem>>, vector<16xf32>,
          %mul3A_634 = arith.mulf %get3A_633, %gather3A_588 : vector<16xf32>
          %swap3A_635 = arith.index_cast %add3A_586 : i32 to index
          %swap3A_636 = arith.constant 96 : index
          %swap3A_637 = tpu.vector_load %arg23[%swap3A_635, %swap3A_636] {strides = array<i32>} : memref<80x128xf32, #tpu.memory_space<vmem>>, vector<16xf32>,
          tpu.vector_store %arg23[%swap3A_635, %swap3A_636], %mul3A_634 {strides = array<i32>} : memref<80x128xf32, #tpu.memory_space<vmem>>, vector<16xf32>,
          %get3A_638 = arith.index_cast %add3A_586 : i32 to index
          %get3A_639 = arith.constant 112 : index
          %get3A_640 = tpu.vector_load %arg23[%get3A_638, %get3A_639] {strides = array<i32>} : memref<80x128xf32, #tpu.memory_space<vmem>>, vector<16xf32>,
          %mul3A_641 = arith.mulf %get3A_640, %gather3A_588 : vector<16xf32>
          %swap3A_642 = arith.index_cast %add3A_586 : i32 to index
          %swap3A_643 = arith.constant 112 : index
          %swap3A_644 = tpu.vector_load %arg23[%swap3A_642, %swap3A_643] {strides = array<i32>} : memref<80x128xf32, #tpu.memory_space<vmem>>, vector<16xf32>,
          tpu.vector_store %arg23[%swap3A_642, %swap3A_643], %mul3A_641 {strides = array<i32>} : memref<80x128xf32, #tpu.memory_space<vmem>>, vector<16xf32>,
        }
        %scan3A_382 = arith.constant 10 : i32
        %mul3A_383 = arith.constant 80 : i32
        %mul3A_384 = arith.muli %add3A_297, %mul3A_383 : i32
        %add3A_385 = arith.addi %mul3A_2, %mul3A_384 : i32
        %add3A_386 = arith.constant 40 : i32
        %add3A_387 = arith.addi %add3A_385, %add3A_386 : i32
        %dma_wait3A_388 = tpu.memref_slice %arg4[%add3A_387] : memref<320000xi32, #tpu.memory_space<hbm>> -> memref<40xi32, #tpu.memory_space<hbm>>
        %dma_wait3A_389 = tpu.memref_slice %arg4[%add3A_387] : memref<320000xi32, #tpu.memory_space<hbm>> -> memref<40xi32, #tpu.memory_space<hbm>>
        tpu.wait_dma2 semaphore(%arg33 : memref<!tpu.dma_semaphore, #tpu.memory_space<semaphore_mem>>) src(%dma_wait3A_389 : memref<40xi32, #tpu.memory_space<hbm>>) dst(%arg12 : memref<40xi32, #tpu.memory_space<vmem>>)
        %dma_start3A_390 = arith.constant 40 : i32
        %dma_start3A_391 = arith.constant 0 : i32
        %dma_start3A_392 = tpu.memref_slice %arg23[%dma_start3A_390, %dma_start3A_391] : memref<80x128xf32, #tpu.memory_space<vmem>> -> memref<40x128xf32, #tpu.memory_space<vmem>>
        %dma_start3A_393 = arith.constant 0 : i32
        %dma_start3A_394 = arith.constant 0 : i32
        %dma_start3A_395 = tpu.memref_slice %arg27[%dma_start3A_393, %dma_start3A_394] : memref<10000x128xf32, #tpu.memory_space<vmem_shared>> -> memref<10000x128xf32, #tpu.memory_space<vmem_shared>>
        tpu.enqueue_indirect_dma source(%dma_start3A_392 : memref<40x128xf32, #tpu.memory_space<vmem>>) target(%dma_start3A_395 : memref<10000x128xf32, #tpu.memory_space<vmem_shared>>) offsets(%arg12 : memref<40xi32, #tpu.memory_space<vmem>>) semaphore(%arg49 : memref<!tpu.dma_semaphore, #tpu.memory_space<semaphore_mem>>) {add = true}
        %add3A_396 = arith.constant 4 : i32
        %add3A_397 = arith.addi %add3A_297, %add3A_396 : i32
        %lt3A_398 = arith.constant 125 : i32
        %lt3A_399 = arith.cmpi slt, %add3A_397, %lt3A_398 : i32
        %convert_element_type3A_400 = arith.extui %lt3A_399 : i1 to i32
        %cond3A_401 = arith.constant 0 : i32
        %cond3A_402 = arith.cmpi ne, %convert_element_type3A_400, %cond3A_401 : i32
        scf.if %cond3A_402 {
          %add3A_403 = arith.constant 4 : i32
          %add3A_404 = arith.addi %add3A_297, %add3A_403 : i32
          %mul3A_405 = arith.constant 80 : i32
          %mul3A_406 = arith.muli %add3A_404, %mul3A_405 : i32
          %add3A_407 = arith.addi %mul3A_2, %mul3A_406 : i32
          %dma_start3A_408 = tpu.memref_slice %arg3[%add3A_407] : memref<320000xi32, #tpu.memory_space<hbm>> -> memref<80xi32, #tpu.memory_space<hbm>>
          %dma_start3A_409 = tpu.memref_slice %arg3[%add3A_407] : memref<320000xi32, #tpu.memory_space<hbm>> -> memref<80xi32, #tpu.memory_space<hbm>>
          tpu.enqueue_dma source(%dma_start3A_409 : memref<80xi32, #tpu.memory_space<hbm>>) target(%arg7 : memref<80xi32, #tpu.memory_space<vmem>>) target_semaphore(%arg28 : memref<!tpu.dma_semaphore, #tpu.memory_space<semaphore_mem>>)
          %add3A_410 = arith.constant 4 : i32
          %add3A_411 = arith.addi %add3A_297, %add3A_410 : i32
          %mul3A_412 = arith.constant 80 : i32
          %mul3A_413 = arith.muli %add3A_411, %mul3A_412 : i32
          %add3A_414 = arith.addi %mul3A_2, %mul3A_413 : i32
          %dma_start3A_415 = tpu.memref_slice %arg5[%add3A_414] : memref<320000xf32, #tpu.memory_space<hbm>> -> memref<80xf32, #tpu.memory_space<hbm>>
          %dma_start3A_416 = tpu.memref_slice %arg5[%add3A_414] : memref<320000xf32, #tpu.memory_space<hbm>> -> memref<80xf32, #tpu.memory_space<hbm>>
          tpu.enqueue_dma source(%dma_start3A_416 : memref<80xf32, #tpu.memory_space<hbm>>) target(%arg19 : memref<80xf32, #tpu.memory_space<vmem>>) target_semaphore(%arg40 : memref<!tpu.dma_semaphore, #tpu.memory_space<semaphore_mem>>)
        } else {
        }
      } else {
      }
      %add3A_310 = arith.constant 1 : i32
      %add3A_311 = arith.addi %add3A_295, %add3A_310 : i32
      %add3A_312 = arith.constant 2 : i32
      %add3A_313 = arith.addi %add3A_311, %add3A_312 : i32
      %lt3A_314 = arith.constant 125 : i32
      %lt3A_315 = arith.cmpi slt, %add3A_313, %lt3A_314 : i32
      %convert_element_type3A_316 = arith.extui %lt3A_315 : i1 to i32
      %cond3A_317 = arith.constant 0 : i32
      %cond3A_318 = arith.cmpi ne, %convert_element_type3A_316, %cond3A_317 : i32
      scf.if %cond3A_318 {
        %ge3A = arith.constant 2 : i32
        %ge3A_352 = arith.cmpi sge, %add3A_311, %ge3A : i32
        %convert_element_type3A_353 = arith.extui %ge3A_352 : i1 to i32
        %cond3A_354 = arith.constant 0 : i32
        %cond3A_355 = arith.cmpi ne, %convert_element_type3A_353, %cond3A_354 : i32
        scf.if %cond3A_355 {
          %dma_wait3A_382 = arith.constant 0 : i32
          %dma_wait3A_383 = arith.constant 0 : i32
          %dma_wait3A_384 = tpu.memref_slice %arg26[%dma_wait3A_382, %dma_wait3A_383] : memref<80x128xf32, #tpu.memory_space<vmem>> -> memref<40x128xf32, #tpu.memory_space<vmem>>
          %dma_wait3A_385 = arith.constant 0 : i32
          %dma_wait3A_386 = arith.constant 0 : i32
          %dma_wait3A_387 = tpu.memref_slice %arg27[%dma_wait3A_385, %dma_wait3A_386] : memref<10000x128xf32, #tpu.memory_space<vmem_shared>> -> memref<10000x128xf32, #tpu.memory_space<vmem_shared>>
          tpu.wait_indirect_dma semaphore(%arg54 : memref<!tpu.dma_semaphore, #tpu.memory_space<semaphore_mem>>) src(%dma_wait3A_384 : memref<40x128xf32, #tpu.memory_space<vmem>>) dst(%dma_wait3A_387 : memref<10000x128xf32, #tpu.memory_space<vmem_shared>>)
          %dma_wait3A_388 = arith.constant 40 : i32
          %dma_wait3A_389 = arith.constant 0 : i32
          %dma_wait3A_390 = tpu.memref_slice %arg26[%dma_wait3A_388, %dma_wait3A_389] : memref<80x128xf32, #tpu.memory_space<vmem>> -> memref<40x128xf32, #tpu.memory_space<vmem>>
          %dma_wait3A_391 = arith.constant 0 : i32
          %dma_wait3A_392 = arith.constant 0 : i32
          %dma_wait3A_393 = tpu.memref_slice %arg27[%dma_wait3A_391, %dma_wait3A_392] : memref<10000x128xf32, #tpu.memory_space<vmem_shared>> -> memref<10000x128xf32, #tpu.memory_space<vmem_shared>>
          tpu.wait_indirect_dma semaphore(%arg55 : memref<!tpu.dma_semaphore, #tpu.memory_space<semaphore_mem>>) src(%dma_wait3A_390 : memref<40x128xf32, #tpu.memory_space<vmem>>) dst(%dma_wait3A_393 : memref<10000x128xf32, #tpu.memory_space<vmem_shared>>)
        } else {
        }
        %add3A_356 = arith.constant 2 : i32
        %add3A_357 = arith.addi %add3A_311, %add3A_356 : i32
        %mul3A_358 = arith.constant 80 : i32
        %mul3A_359 = arith.muli %add3A_357, %mul3A_358 : i32
        %add3A_360 = arith.addi %mul3A_2, %mul3A_359 : i32
        %add3A_361 = arith.constant 0 : i32
        %add3A_362 = arith.addi %add3A_360, %add3A_361 : i32
        %dma_start3A_363 = tpu.memref_slice %arg4[%add3A_362] : memref<320000xi32, #tpu.memory_space<hbm>> -> memref<40xi32, #tpu.memory_space<hbm>>
        %dma_start3A_364 = tpu.memref_slice %arg4[%add3A_362] : memref<320000xi32, #tpu.memory_space<hbm>> -> memref<40xi32, #tpu.memory_space<hbm>>
        tpu.enqueue_dma source(%dma_start3A_364 : memref<40xi32, #tpu.memory_space<hbm>>) target(%arg17 : memref<40xi32, #tpu.memory_space<vmem>>) target_semaphore(%arg38 : memref<!tpu.dma_semaphore, #tpu.memory_space<semaphore_mem>>)
        %mul3A_365 = arith.constant 80 : i32
        %mul3A_366 = arith.muli %add3A_357, %mul3A_365 : i32
        %add3A_367 = arith.addi %mul3A_2, %mul3A_366 : i32
        %add3A_368 = arith.constant 40 : i32
        %add3A_369 = arith.addi %add3A_367, %add3A_368 : i32
        %dma_start3A_370 = tpu.memref_slice %arg4[%add3A_369] : memref<320000xi32, #tpu.memory_space<hbm>> -> memref<40xi32, #tpu.memory_space<hbm>>
        %dma_start3A_371 = tpu.memref_slice %arg4[%add3A_369] : memref<320000xi32, #tpu.memory_space<hbm>> -> memref<40xi32, #tpu.memory_space<hbm>>
        tpu.enqueue_dma source(%dma_start3A_371 : memref<40xi32, #tpu.memory_space<hbm>>) target(%arg18 : memref<40xi32, #tpu.memory_space<vmem>>) target_semaphore(%arg39 : memref<!tpu.dma_semaphore, #tpu.memory_space<semaphore_mem>>)
        %add3A_372 = arith.constant 2 : i32
        %add3A_373 = arith.addi %add3A_311, %add3A_372 : i32
        %mul3A_374 = arith.constant 80 : i32
        %mul3A_375 = arith.muli %add3A_373, %mul3A_374 : i32
        %add3A_376 = arith.addi %mul3A_2, %mul3A_375 : i32
        %dma_wait3A_377 = tpu.memref_slice %arg3[%add3A_376] : memref<320000xi32, #tpu.memory_space<hbm>> -> memref<80xi32, #tpu.memory_space<hbm>>
        %dma_wait3A_378 = tpu.memref_slice %arg3[%add3A_376] : memref<320000xi32, #tpu.memory_space<hbm>> -> memref<80xi32, #tpu.memory_space<hbm>>
        tpu.wait_dma2 semaphore(%arg31 : memref<!tpu.dma_semaphore, #tpu.memory_space<semaphore_mem>>) src(%dma_wait3A_378 : memref<80xi32, #tpu.memory_space<hbm>>) dst(%arg10 : memref<80xi32, #tpu.memory_space<vmem>>)
        %dma_start3A_379 = arith.constant 0 : i32
        %dma_start3A_380 = arith.constant 0 : i32
        %dma_start3A_381 = tpu.memref_slice %arg2[%dma_start3A_379, %dma_start3A_380] : memref<10000x128xf32, #tpu.memory_space<hbm>> -> memref<10000x128xf32, #tpu.memory_space<hbm>>
        tpu.enqueue_indirect_dma source(%dma_start3A_381 : memref<10000x128xf32, #tpu.memory_space<hbm>>) target(%arg26 : memref<80x128xf32, #tpu.memory_space<vmem>>) offsets(%arg10 : memref<80xi32, #tpu.memory_space<vmem>>) semaphore(%arg47 : memref<!tpu.dma_semaphore, #tpu.memory_space<semaphore_mem>>)
      } else {
      }
      %lt3A_319 = arith.constant 125 : i32
      %lt3A_320 = arith.cmpi slt, %add3A_311, %lt3A_319 : i32
      %convert_element_type3A_321 = arith.extui %lt3A_320 : i1 to i32
      %cond3A_322 = arith.constant 0 : i32
      %cond3A_323 = arith.cmpi ne, %convert_element_type3A_321, %cond3A_322 : i32
      scf.if %cond3A_323 {
        %dma_wait3A_352 = arith.constant 0 : i32
        %dma_wait3A_353 = arith.constant 0 : i32
        %dma_wait3A_354 = tpu.memref_slice %arg2[%dma_wait3A_352, %dma_wait3A_353] : memref<10000x128xf32, #tpu.memory_space<hbm>> -> memref<10000x128xf32, #tpu.memory_space<hbm>>
        tpu.wait_indirect_dma semaphore(%arg45 : memref<!tpu.dma_semaphore, #tpu.memory_space<semaphore_mem>>) src(%dma_wait3A_354 : memref<10000x128xf32, #tpu.memory_space<hbm>>) dst(%arg24 : memref<80x128xf32, #tpu.memory_space<vmem>>)
        %mul3A_355 = arith.constant 80 : i32
        %mul3A_356 = arith.muli %add3A_311, %mul3A_355 : i32
        %add3A_357 = arith.addi %mul3A_2, %mul3A_356 : i32
        %dma_wait3A_358 = tpu.memref_slice %arg5[%add3A_357] : memref<320000xf32, #tpu.memory_space<hbm>> -> memref<80xf32, #tpu.memory_space<hbm>>
        %dma_wait3A_359 = tpu.memref_slice %arg5[%add3A_357] : memref<320000xf32, #tpu.memory_space<hbm>> -> memref<80xf32, #tpu.memory_space<hbm>>
        tpu.wait_dma2 semaphore(%arg41 : memref<!tpu.dma_semaphore, #tpu.memory_space<semaphore_mem>>) src(%dma_wait3A_359 : memref<80xf32, #tpu.memory_space<hbm>>) dst(%arg20 : memref<80xf32, #tpu.memory_space<vmem>>)
        %scan3A_360 = arith.constant 0 : i32
        %scan3A_361 = arith.constant 10 : i32
        %scan3A_362 = arith.addi %scan3A_360, %scan3A_361 : i32
        %scan3A_363 = arith.constant 1 : i32
        scf.for %scan3A_403 = %scan3A_360 to %scan3A_362 step %scan3A_363  : i32 {
          %mul3A_404 = arith.constant 4 : i32
          %mul3A_405 = arith.muli %scan3A_403, %mul3A_404 : i32
          %add3A_406 = arith.constant 0 : i32
          %add3A_407 = arith.addi %add3A_406, %mul3A_405 : i32
          %add3A_408 = arith.constant 0 : i32
          %add3A_409 = arith.addi %add3A_407, %add3A_408 : i32
          %broadcast_in_dim3A_410 = vector.broadcast %add3A_409 : i32 to vector<16xi32>
          %gather3A = tpu.vector_load_idx %arg20[%broadcast_in_dim3A_410] : memref<80xf32, #tpu.memory_space<vmem>>[vector<16xi32>], vector<16xf32>,
          %get3A = arith.index_cast %add3A_409 : i32 to index
          %get3A_411 = arith.constant 0 : index
          %get3A_412 = tpu.vector_load %arg24[%get3A, %get3A_411] {strides = array<i32>} : memref<80x128xf32, #tpu.memory_space<vmem>>, vector<16xf32>,
          %mul3A_413 = arith.mulf %get3A_412, %gather3A : vector<16xf32>
          %swap3A = arith.index_cast %add3A_409 : i32 to index
          %swap3A_414 = arith.constant 0 : index
          %swap3A_415 = tpu.vector_load %arg24[%swap3A, %swap3A_414] {strides = array<i32>} : memref<80x128xf32, #tpu.memory_space<vmem>>, vector<16xf32>,
          tpu.vector_store %arg24[%swap3A, %swap3A_414], %mul3A_413 {strides = array<i32>} : memref<80x128xf32, #tpu.memory_space<vmem>>, vector<16xf32>,
          %get3A_416 = arith.index_cast %add3A_409 : i32 to index
          %get3A_417 = arith.constant 16 : index
          %get3A_418 = tpu.vector_load %arg24[%get3A_416, %get3A_417] {strides = array<i32>} : memref<80x128xf32, #tpu.memory_space<vmem>>, vector<16xf32>,
          %mul3A_419 = arith.mulf %get3A_418, %gather3A : vector<16xf32>
          %swap3A_420 = arith.index_cast %add3A_409 : i32 to index
          %swap3A_421 = arith.constant 16 : index
          %swap3A_422 = tpu.vector_load %arg24[%swap3A_420, %swap3A_421] {strides = array<i32>} : memref<80x128xf32, #tpu.memory_space<vmem>>, vector<16xf32>,
          tpu.vector_store %arg24[%swap3A_420, %swap3A_421], %mul3A_419 {strides = array<i32>} : memref<80x128xf32, #tpu.memory_space<vmem>>, vector<16xf32>,
          %get3A_423 = arith.index_cast %add3A_409 : i32 to index
          %get3A_424 = arith.constant 32 : index
          %get3A_425 = tpu.vector_load %arg24[%get3A_423, %get3A_424] {strides = array<i32>} : memref<80x128xf32, #tpu.memory_space<vmem>>, vector<16xf32>,
          %mul3A_426 = arith.mulf %get3A_425, %gather3A : vector<16xf32>
          %swap3A_427 = arith.index_cast %add3A_409 : i32 to index
          %swap3A_428 = arith.constant 32 : index
          %swap3A_429 = tpu.vector_load %arg24[%swap3A_427, %swap3A_428] {strides = array<i32>} : memref<80x128xf32, #tpu.memory_space<vmem>>, vector<16xf32>,
          tpu.vector_store %arg24[%swap3A_427, %swap3A_428], %mul3A_426 {strides = array<i32>} : memref<80x128xf32, #tpu.memory_space<vmem>>, vector<16xf32>,
          %get3A_430 = arith.index_cast %add3A_409 : i32 to index
          %get3A_431 = arith.constant 48 : index
          %get3A_432 = tpu.vector_load %arg24[%get3A_430, %get3A_431] {strides = array<i32>} : memref<80x128xf32, #tpu.memory_space<vmem>>, vector<16xf32>,
          %mul3A_433 = arith.mulf %get3A_432, %gather3A : vector<16xf32>
          %swap3A_434 = arith.index_cast %add3A_409 : i32 to index
          %swap3A_435 = arith.constant 48 : index
          %swap3A_436 = tpu.vector_load %arg24[%swap3A_434, %swap3A_435] {strides = array<i32>} : memref<80x128xf32, #tpu.memory_space<vmem>>, vector<16xf32>,
          tpu.vector_store %arg24[%swap3A_434, %swap3A_435], %mul3A_433 {strides = array<i32>} : memref<80x128xf32, #tpu.memory_space<vmem>>, vector<16xf32>,
          %get3A_437 = arith.index_cast %add3A_409 : i32 to index
          %get3A_438 = arith.constant 64 : index
          %get3A_439 = tpu.vector_load %arg24[%get3A_437, %get3A_438] {strides = array<i32>} : memref<80x128xf32, #tpu.memory_space<vmem>>, vector<16xf32>,
          %mul3A_440 = arith.mulf %get3A_439, %gather3A : vector<16xf32>
          %swap3A_441 = arith.index_cast %add3A_409 : i32 to index
          %swap3A_442 = arith.constant 64 : index
          %swap3A_443 = tpu.vector_load %arg24[%swap3A_441, %swap3A_442] {strides = array<i32>} : memref<80x128xf32, #tpu.memory_space<vmem>>, vector<16xf32>,
          tpu.vector_store %arg24[%swap3A_441, %swap3A_442], %mul3A_440 {strides = array<i32>} : memref<80x128xf32, #tpu.memory_space<vmem>>, vector<16xf32>,
          %get3A_444 = arith.index_cast %add3A_409 : i32 to index
          %get3A_445 = arith.constant 80 : index
          %get3A_446 = tpu.vector_load %arg24[%get3A_444, %get3A_445] {strides = array<i32>} : memref<80x128xf32, #tpu.memory_space<vmem>>, vector<16xf32>,
          %mul3A_447 = arith.mulf %get3A_446, %gather3A : vector<16xf32>
          %swap3A_448 = arith.index_cast %add3A_409 : i32 to index
          %swap3A_449 = arith.constant 80 : index
          %swap3A_450 = tpu.vector_load %arg24[%swap3A_448, %swap3A_449] {strides = array<i32>} : memref<80x128xf32, #tpu.memory_space<vmem>>, vector<16xf32>,
          tpu.vector_store %arg24[%swap3A_448, %swap3A_449], %mul3A_447 {strides = array<i32>} : memref<80x128xf32, #tpu.memory_space<vmem>>, vector<16xf32>,
          %get3A_451 = arith.index_cast %add3A_409 : i32 to index
          %get3A_452 = arith.constant 96 : index
          %get3A_453 = tpu.vector_load %arg24[%get3A_451, %get3A_452] {strides = array<i32>} : memref<80x128xf32, #tpu.memory_space<vmem>>, vector<16xf32>,
          %mul3A_454 = arith.mulf %get3A_453, %gather3A : vector<16xf32>
          %swap3A_455 = arith.index_cast %add3A_409 : i32 to index
          %swap3A_456 = arith.constant 96 : index
          %swap3A_457 = tpu.vector_load %arg24[%swap3A_455, %swap3A_456] {strides = array<i32>} : memref<80x128xf32, #tpu.memory_space<vmem>>, vector<16xf32>,
          tpu.vector_store %arg24[%swap3A_455, %swap3A_456], %mul3A_454 {strides = array<i32>} : memref<80x128xf32, #tpu.memory_space<vmem>>, vector<16xf32>,
          %get3A_458 = arith.index_cast %add3A_409 : i32 to index
          %get3A_459 = arith.constant 112 : index
          %get3A_460 = tpu.vector_load %arg24[%get3A_458, %get3A_459] {strides = array<i32>} : memref<80x128xf32, #tpu.memory_space<vmem>>, vector<16xf32>,
          %mul3A_461 = arith.mulf %get3A_460, %gather3A : vector<16xf32>
          %swap3A_462 = arith.index_cast %add3A_409 : i32 to index
          %swap3A_463 = arith.constant 112 : index
          %swap3A_464 = tpu.vector_load %arg24[%swap3A_462, %swap3A_463] {strides = array<i32>} : memref<80x128xf32, #tpu.memory_space<vmem>>, vector<16xf32>,
          tpu.vector_store %arg24[%swap3A_462, %swap3A_463], %mul3A_461 {strides = array<i32>} : memref<80x128xf32, #tpu.memory_space<vmem>>, vector<16xf32>,
          %add3A_465 = arith.constant 1 : i32
          %add3A_466 = arith.addi %add3A_407, %add3A_465 : i32
          %broadcast_in_dim3A_467 = vector.broadcast %add3A_466 : i32 to vector<16xi32>
          %gather3A_468 = tpu.vector_load_idx %arg20[%broadcast_in_dim3A_467] : memref<80xf32, #tpu.memory_space<vmem>>[vector<16xi32>], vector<16xf32>,
          %get3A_469 = arith.index_cast %add3A_466 : i32 to index
          %get3A_470 = arith.constant 0 : index
          %get3A_471 = tpu.vector_load %arg24[%get3A_469, %get3A_470] {strides = array<i32>} : memref<80x128xf32, #tpu.memory_space<vmem>>, vector<16xf32>,
          %mul3A_472 = arith.mulf %get3A_471, %gather3A_468 : vector<16xf32>
          %swap3A_473 = arith.index_cast %add3A_466 : i32 to index
          %swap3A_474 = arith.constant 0 : index
          %swap3A_475 = tpu.vector_load %arg24[%swap3A_473, %swap3A_474] {strides = array<i32>} : memref<80x128xf32, #tpu.memory_space<vmem>>, vector<16xf32>,
          tpu.vector_store %arg24[%swap3A_473, %swap3A_474], %mul3A_472 {strides = array<i32>} : memref<80x128xf32, #tpu.memory_space<vmem>>, vector<16xf32>,
          %get3A_476 = arith.index_cast %add3A_466 : i32 to index
          %get3A_477 = arith.constant 16 : index
          %get3A_478 = tpu.vector_load %arg24[%get3A_476, %get3A_477] {strides = array<i32>} : memref<80x128xf32, #tpu.memory_space<vmem>>, vector<16xf32>,
          %mul3A_479 = arith.mulf %get3A_478, %gather3A_468 : vector<16xf32>
          %swap3A_480 = arith.index_cast %add3A_466 : i32 to index
          %swap3A_481 = arith.constant 16 : index
          %swap3A_482 = tpu.vector_load %arg24[%swap3A_480, %swap3A_481] {strides = array<i32>} : memref<80x128xf32, #tpu.memory_space<vmem>>, vector<16xf32>,
          tpu.vector_store %arg24[%swap3A_480, %swap3A_481], %mul3A_479 {strides = array<i32>} : memref<80x128xf32, #tpu.memory_space<vmem>>, vector<16xf32>,
          %get3A_483 = arith.index_cast %add3A_466 : i32 to index
          %get3A_484 = arith.constant 32 : index
          %get3A_485 = tpu.vector_load %arg24[%get3A_483, %get3A_484] {strides = array<i32>} : memref<80x128xf32, #tpu.memory_space<vmem>>, vector<16xf32>,
          %mul3A_486 = arith.mulf %get3A_485, %gather3A_468 : vector<16xf32>
          %swap3A_487 = arith.index_cast %add3A_466 : i32 to index
          %swap3A_488 = arith.constant 32 : index
          %swap3A_489 = tpu.vector_load %arg24[%swap3A_487, %swap3A_488] {strides = array<i32>} : memref<80x128xf32, #tpu.memory_space<vmem>>, vector<16xf32>,
          tpu.vector_store %arg24[%swap3A_487, %swap3A_488], %mul3A_486 {strides = array<i32>} : memref<80x128xf32, #tpu.memory_space<vmem>>, vector<16xf32>,
          %get3A_490 = arith.index_cast %add3A_466 : i32 to index
          %get3A_491 = arith.constant 48 : index
          %get3A_492 = tpu.vector_load %arg24[%get3A_490, %get3A_491] {strides = array<i32>} : memref<80x128xf32, #tpu.memory_space<vmem>>, vector<16xf32>,
          %mul3A_493 = arith.mulf %get3A_492, %gather3A_468 : vector<16xf32>
          %swap3A_494 = arith.index_cast %add3A_466 : i32 to index
          %swap3A_495 = arith.constant 48 : index
          %swap3A_496 = tpu.vector_load %arg24[%swap3A_494, %swap3A_495] {strides = array<i32>} : memref<80x128xf32, #tpu.memory_space<vmem>>, vector<16xf32>,
          tpu.vector_store %arg24[%swap3A_494, %swap3A_495], %mul3A_493 {strides = array<i32>} : memref<80x128xf32, #tpu.memory_space<vmem>>, vector<16xf32>,
          %get3A_497 = arith.index_cast %add3A_466 : i32 to index
          %get3A_498 = arith.constant 64 : index
          %get3A_499 = tpu.vector_load %arg24[%get3A_497, %get3A_498] {strides = array<i32>} : memref<80x128xf32, #tpu.memory_space<vmem>>, vector<16xf32>,
          %mul3A_500 = arith.mulf %get3A_499, %gather3A_468 : vector<16xf32>
          %swap3A_501 = arith.index_cast %add3A_466 : i32 to index
          %swap3A_502 = arith.constant 64 : index
          %swap3A_503 = tpu.vector_load %arg24[%swap3A_501, %swap3A_502] {strides = array<i32>} : memref<80x128xf32, #tpu.memory_space<vmem>>, vector<16xf32>,
          tpu.vector_store %arg24[%swap3A_501, %swap3A_502], %mul3A_500 {strides = array<i32>} : memref<80x128xf32, #tpu.memory_space<vmem>>, vector<16xf32>,
          %get3A_504 = arith.index_cast %add3A_466 : i32 to index
          %get3A_505 = arith.constant 80 : index
          %get3A_506 = tpu.vector_load %arg24[%get3A_504, %get3A_505] {strides = array<i32>} : memref<80x128xf32, #tpu.memory_space<vmem>>, vector<16xf32>,
          %mul3A_507 = arith.mulf %get3A_506, %gather3A_468 : vector<16xf32>
          %swap3A_508 = arith.index_cast %add3A_466 : i32 to index
          %swap3A_509 = arith.constant 80 : index
          %swap3A_510 = tpu.vector_load %arg24[%swap3A_508, %swap3A_509] {strides = array<i32>} : memref<80x128xf32, #tpu.memory_space<vmem>>, vector<16xf32>,
          tpu.vector_store %arg24[%swap3A_508, %swap3A_509], %mul3A_507 {strides = array<i32>} : memref<80x128xf32, #tpu.memory_space<vmem>>, vector<16xf32>,
          %get3A_511 = arith.index_cast %add3A_466 : i32 to index
          %get3A_512 = arith.constant 96 : index
          %get3A_513 = tpu.vector_load %arg24[%get3A_511, %get3A_512] {strides = array<i32>} : memref<80x128xf32, #tpu.memory_space<vmem>>, vector<16xf32>,
          %mul3A_514 = arith.mulf %get3A_513, %gather3A_468 : vector<16xf32>
          %swap3A_515 = arith.index_cast %add3A_466 : i32 to index
          %swap3A_516 = arith.constant 96 : index
          %swap3A_517 = tpu.vector_load %arg24[%swap3A_515, %swap3A_516] {strides = array<i32>} : memref<80x128xf32, #tpu.memory_space<vmem>>, vector<16xf32>,
          tpu.vector_store %arg24[%swap3A_515, %swap3A_516], %mul3A_514 {strides = array<i32>} : memref<80x128xf32, #tpu.memory_space<vmem>>, vector<16xf32>,
          %get3A_518 = arith.index_cast %add3A_466 : i32 to index
          %get3A_519 = arith.constant 112 : index
          %get3A_520 = tpu.vector_load %arg24[%get3A_518, %get3A_519] {strides = array<i32>} : memref<80x128xf32, #tpu.memory_space<vmem>>, vector<16xf32>,
          %mul3A_521 = arith.mulf %get3A_520, %gather3A_468 : vector<16xf32>
          %swap3A_522 = arith.index_cast %add3A_466 : i32 to index
          %swap3A_523 = arith.constant 112 : index
          %swap3A_524 = tpu.vector_load %arg24[%swap3A_522, %swap3A_523] {strides = array<i32>} : memref<80x128xf32, #tpu.memory_space<vmem>>, vector<16xf32>,
          tpu.vector_store %arg24[%swap3A_522, %swap3A_523], %mul3A_521 {strides = array<i32>} : memref<80x128xf32, #tpu.memory_space<vmem>>, vector<16xf32>,
          %add3A_525 = arith.constant 2 : i32
          %add3A_526 = arith.addi %add3A_407, %add3A_525 : i32
          %broadcast_in_dim3A_527 = vector.broadcast %add3A_526 : i32 to vector<16xi32>
          %gather3A_528 = tpu.vector_load_idx %arg20[%broadcast_in_dim3A_527] : memref<80xf32, #tpu.memory_space<vmem>>[vector<16xi32>], vector<16xf32>,
          %get3A_529 = arith.index_cast %add3A_526 : i32 to index
          %get3A_530 = arith.constant 0 : index
          %get3A_531 = tpu.vector_load %arg24[%get3A_529, %get3A_530] {strides = array<i32>} : memref<80x128xf32, #tpu.memory_space<vmem>>, vector<16xf32>,
          %mul3A_532 = arith.mulf %get3A_531, %gather3A_528 : vector<16xf32>
          %swap3A_533 = arith.index_cast %add3A_526 : i32 to index
          %swap3A_534 = arith.constant 0 : index
          %swap3A_535 = tpu.vector_load %arg24[%swap3A_533, %swap3A_534] {strides = array<i32>} : memref<80x128xf32, #tpu.memory_space<vmem>>, vector<16xf32>,
          tpu.vector_store %arg24[%swap3A_533, %swap3A_534], %mul3A_532 {strides = array<i32>} : memref<80x128xf32, #tpu.memory_space<vmem>>, vector<16xf32>,
          %get3A_536 = arith.index_cast %add3A_526 : i32 to index
          %get3A_537 = arith.constant 16 : index
          %get3A_538 = tpu.vector_load %arg24[%get3A_536, %get3A_537] {strides = array<i32>} : memref<80x128xf32, #tpu.memory_space<vmem>>, vector<16xf32>,
          %mul3A_539 = arith.mulf %get3A_538, %gather3A_528 : vector<16xf32>
          %swap3A_540 = arith.index_cast %add3A_526 : i32 to index
          %swap3A_541 = arith.constant 16 : index
          %swap3A_542 = tpu.vector_load %arg24[%swap3A_540, %swap3A_541] {strides = array<i32>} : memref<80x128xf32, #tpu.memory_space<vmem>>, vector<16xf32>,
          tpu.vector_store %arg24[%swap3A_540, %swap3A_541], %mul3A_539 {strides = array<i32>} : memref<80x128xf32, #tpu.memory_space<vmem>>, vector<16xf32>,
          %get3A_543 = arith.index_cast %add3A_526 : i32 to index
          %get3A_544 = arith.constant 32 : index
          %get3A_545 = tpu.vector_load %arg24[%get3A_543, %get3A_544] {strides = array<i32>} : memref<80x128xf32, #tpu.memory_space<vmem>>, vector<16xf32>,
          %mul3A_546 = arith.mulf %get3A_545, %gather3A_528 : vector<16xf32>
          %swap3A_547 = arith.index_cast %add3A_526 : i32 to index
          %swap3A_548 = arith.constant 32 : index
          %swap3A_549 = tpu.vector_load %arg24[%swap3A_547, %swap3A_548] {strides = array<i32>} : memref<80x128xf32, #tpu.memory_space<vmem>>, vector<16xf32>,
          tpu.vector_store %arg24[%swap3A_547, %swap3A_548], %mul3A_546 {strides = array<i32>} : memref<80x128xf32, #tpu.memory_space<vmem>>, vector<16xf32>,
          %get3A_550 = arith.index_cast %add3A_526 : i32 to index
          %get3A_551 = arith.constant 48 : index
          %get3A_552 = tpu.vector_load %arg24[%get3A_550, %get3A_551] {strides = array<i32>} : memref<80x128xf32, #tpu.memory_space<vmem>>, vector<16xf32>,
          %mul3A_553 = arith.mulf %get3A_552, %gather3A_528 : vector<16xf32>
          %swap3A_554 = arith.index_cast %add3A_526 : i32 to index
          %swap3A_555 = arith.constant 48 : index
          %swap3A_556 = tpu.vector_load %arg24[%swap3A_554, %swap3A_555] {strides = array<i32>} : memref<80x128xf32, #tpu.memory_space<vmem>>, vector<16xf32>,
          tpu.vector_store %arg24[%swap3A_554, %swap3A_555], %mul3A_553 {strides = array<i32>} : memref<80x128xf32, #tpu.memory_space<vmem>>, vector<16xf32>,
          %get3A_557 = arith.index_cast %add3A_526 : i32 to index
          %get3A_558 = arith.constant 64 : index
          %get3A_559 = tpu.vector_load %arg24[%get3A_557, %get3A_558] {strides = array<i32>} : memref<80x128xf32, #tpu.memory_space<vmem>>, vector<16xf32>,
          %mul3A_560 = arith.mulf %get3A_559, %gather3A_528 : vector<16xf32>
          %swap3A_561 = arith.index_cast %add3A_526 : i32 to index
          %swap3A_562 = arith.constant 64 : index
          %swap3A_563 = tpu.vector_load %arg24[%swap3A_561, %swap3A_562] {strides = array<i32>} : memref<80x128xf32, #tpu.memory_space<vmem>>, vector<16xf32>,
          tpu.vector_store %arg24[%swap3A_561, %swap3A_562], %mul3A_560 {strides = array<i32>} : memref<80x128xf32, #tpu.memory_space<vmem>>, vector<16xf32>,
          %get3A_564 = arith.index_cast %add3A_526 : i32 to index
          %get3A_565 = arith.constant 80 : index
          %get3A_566 = tpu.vector_load %arg24[%get3A_564, %get3A_565] {strides = array<i32>} : memref<80x128xf32, #tpu.memory_space<vmem>>, vector<16xf32>,
          %mul3A_567 = arith.mulf %get3A_566, %gather3A_528 : vector<16xf32>
          %swap3A_568 = arith.index_cast %add3A_526 : i32 to index
          %swap3A_569 = arith.constant 80 : index
          %swap3A_570 = tpu.vector_load %arg24[%swap3A_568, %swap3A_569] {strides = array<i32>} : memref<80x128xf32, #tpu.memory_space<vmem>>, vector<16xf32>,
          tpu.vector_store %arg24[%swap3A_568, %swap3A_569], %mul3A_567 {strides = array<i32>} : memref<80x128xf32, #tpu.memory_space<vmem>>, vector<16xf32>,
          %get3A_571 = arith.index_cast %add3A_526 : i32 to index
          %get3A_572 = arith.constant 96 : index
          %get3A_573 = tpu.vector_load %arg24[%get3A_571, %get3A_572] {strides = array<i32>} : memref<80x128xf32, #tpu.memory_space<vmem>>, vector<16xf32>,
          %mul3A_574 = arith.mulf %get3A_573, %gather3A_528 : vector<16xf32>
          %swap3A_575 = arith.index_cast %add3A_526 : i32 to index
          %swap3A_576 = arith.constant 96 : index
          %swap3A_577 = tpu.vector_load %arg24[%swap3A_575, %swap3A_576] {strides = array<i32>} : memref<80x128xf32, #tpu.memory_space<vmem>>, vector<16xf32>,
          tpu.vector_store %arg24[%swap3A_575, %swap3A_576], %mul3A_574 {strides = array<i32>} : memref<80x128xf32, #tpu.memory_space<vmem>>, vector<16xf32>,
          %get3A_578 = arith.index_cast %add3A_526 : i32 to index
          %get3A_579 = arith.constant 112 : index
          %get3A_580 = tpu.vector_load %arg24[%get3A_578, %get3A_579] {strides = array<i32>} : memref<80x128xf32, #tpu.memory_space<vmem>>, vector<16xf32>,
          %mul3A_581 = arith.mulf %get3A_580, %gather3A_528 : vector<16xf32>
          %swap3A_582 = arith.index_cast %add3A_526 : i32 to index
          %swap3A_583 = arith.constant 112 : index
          %swap3A_584 = tpu.vector_load %arg24[%swap3A_582, %swap3A_583] {strides = array<i32>} : memref<80x128xf32, #tpu.memory_space<vmem>>, vector<16xf32>,
          tpu.vector_store %arg24[%swap3A_582, %swap3A_583], %mul3A_581 {strides = array<i32>} : memref<80x128xf32, #tpu.memory_space<vmem>>, vector<16xf32>,
          %add3A_585 = arith.constant 3 : i32
          %add3A_586 = arith.addi %add3A_407, %add3A_585 : i32
          %broadcast_in_dim3A_587 = vector.broadcast %add3A_586 : i32 to vector<16xi32>
          %gather3A_588 = tpu.vector_load_idx %arg20[%broadcast_in_dim3A_587] : memref<80xf32, #tpu.memory_space<vmem>>[vector<16xi32>], vector<16xf32>,
          %get3A_589 = arith.index_cast %add3A_586 : i32 to index
          %get3A_590 = arith.constant 0 : index
          %get3A_591 = tpu.vector_load %arg24[%get3A_589, %get3A_590] {strides = array<i32>} : memref<80x128xf32, #tpu.memory_space<vmem>>, vector<16xf32>,
          %mul3A_592 = arith.mulf %get3A_591, %gather3A_588 : vector<16xf32>
          %swap3A_593 = arith.index_cast %add3A_586 : i32 to index
          %swap3A_594 = arith.constant 0 : index
          %swap3A_595 = tpu.vector_load %arg24[%swap3A_593, %swap3A_594] {strides = array<i32>} : memref<80x128xf32, #tpu.memory_space<vmem>>, vector<16xf32>,
          tpu.vector_store %arg24[%swap3A_593, %swap3A_594], %mul3A_592 {strides = array<i32>} : memref<80x128xf32, #tpu.memory_space<vmem>>, vector<16xf32>,
          %get3A_596 = arith.index_cast %add3A_586 : i32 to index
          %get3A_597 = arith.constant 16 : index
          %get3A_598 = tpu.vector_load %arg24[%get3A_596, %get3A_597] {strides = array<i32>} : memref<80x128xf32, #tpu.memory_space<vmem>>, vector<16xf32>,
          %mul3A_599 = arith.mulf %get3A_598, %gather3A_588 : vector<16xf32>
          %swap3A_600 = arith.index_cast %add3A_586 : i32 to index
          %swap3A_601 = arith.constant 16 : index
          %swap3A_602 = tpu.vector_load %arg24[%swap3A_600, %swap3A_601] {strides = array<i32>} : memref<80x128xf32, #tpu.memory_space<vmem>>, vector<16xf32>,
          tpu.vector_store %arg24[%swap3A_600, %swap3A_601], %mul3A_599 {strides = array<i32>} : memref<80x128xf32, #tpu.memory_space<vmem>>, vector<16xf32>,
          %get3A_603 = arith.index_cast %add3A_586 : i32 to index
          %get3A_604 = arith.constant 32 : index
          %get3A_605 = tpu.vector_load %arg24[%get3A_603, %get3A_604] {strides = array<i32>} : memref<80x128xf32, #tpu.memory_space<vmem>>, vector<16xf32>,
          %mul3A_606 = arith.mulf %get3A_605, %gather3A_588 : vector<16xf32>
          %swap3A_607 = arith.index_cast %add3A_586 : i32 to index
          %swap3A_608 = arith.constant 32 : index
          %swap3A_609 = tpu.vector_load %arg24[%swap3A_607, %swap3A_608] {strides = array<i32>} : memref<80x128xf32, #tpu.memory_space<vmem>>, vector<16xf32>,
          tpu.vector_store %arg24[%swap3A_607, %swap3A_608], %mul3A_606 {strides = array<i32>} : memref<80x128xf32, #tpu.memory_space<vmem>>, vector<16xf32>,
          %get3A_610 = arith.index_cast %add3A_586 : i32 to index
          %get3A_611 = arith.constant 48 : index
          %get3A_612 = tpu.vector_load %arg24[%get3A_610, %get3A_611] {strides = array<i32>} : memref<80x128xf32, #tpu.memory_space<vmem>>, vector<16xf32>,
          %mul3A_613 = arith.mulf %get3A_612, %gather3A_588 : vector<16xf32>
          %swap3A_614 = arith.index_cast %add3A_586 : i32 to index
          %swap3A_615 = arith.constant 48 : index
          %swap3A_616 = tpu.vector_load %arg24[%swap3A_614, %swap3A_615] {strides = array<i32>} : memref<80x128xf32, #tpu.memory_space<vmem>>, vector<16xf32>,
          tpu.vector_store %arg24[%swap3A_614, %swap3A_615], %mul3A_613 {strides = array<i32>} : memref<80x128xf32, #tpu.memory_space<vmem>>, vector<16xf32>,
          %get3A_617 = arith.index_cast %add3A_586 : i32 to index
          %get3A_618 = arith.constant 64 : index
          %get3A_619 = tpu.vector_load %arg24[%get3A_617, %get3A_618] {strides = array<i32>} : memref<80x128xf32, #tpu.memory_space<vmem>>, vector<16xf32>,
          %mul3A_620 = arith.mulf %get3A_619, %gather3A_588 : vector<16xf32>
          %swap3A_621 = arith.index_cast %add3A_586 : i32 to index
          %swap3A_622 = arith.constant 64 : index
          %swap3A_623 = tpu.vector_load %arg24[%swap3A_621, %swap3A_622] {strides = array<i32>} : memref<80x128xf32, #tpu.memory_space<vmem>>, vector<16xf32>,
          tpu.vector_store %arg24[%swap3A_621, %swap3A_622], %mul3A_620 {strides = array<i32>} : memref<80x128xf32, #tpu.memory_space<vmem>>, vector<16xf32>,
          %get3A_624 = arith.index_cast %add3A_586 : i32 to index
          %get3A_625 = arith.constant 80 : index
          %get3A_626 = tpu.vector_load %arg24[%get3A_624, %get3A_625] {strides = array<i32>} : memref<80x128xf32, #tpu.memory_space<vmem>>, vector<16xf32>,
          %mul3A_627 = arith.mulf %get3A_626, %gather3A_588 : vector<16xf32>
          %swap3A_628 = arith.index_cast %add3A_586 : i32 to index
          %swap3A_629 = arith.constant 80 : index
          %swap3A_630 = tpu.vector_load %arg24[%swap3A_628, %swap3A_629] {strides = array<i32>} : memref<80x128xf32, #tpu.memory_space<vmem>>, vector<16xf32>,
          tpu.vector_store %arg24[%swap3A_628, %swap3A_629], %mul3A_627 {strides = array<i32>} : memref<80x128xf32, #tpu.memory_space<vmem>>, vector<16xf32>,
          %get3A_631 = arith.index_cast %add3A_586 : i32 to index
          %get3A_632 = arith.constant 96 : index
          %get3A_633 = tpu.vector_load %arg24[%get3A_631, %get3A_632] {strides = array<i32>} : memref<80x128xf32, #tpu.memory_space<vmem>>, vector<16xf32>,
          %mul3A_634 = arith.mulf %get3A_633, %gather3A_588 : vector<16xf32>
          %swap3A_635 = arith.index_cast %add3A_586 : i32 to index
          %swap3A_636 = arith.constant 96 : index
          %swap3A_637 = tpu.vector_load %arg24[%swap3A_635, %swap3A_636] {strides = array<i32>} : memref<80x128xf32, #tpu.memory_space<vmem>>, vector<16xf32>,
          tpu.vector_store %arg24[%swap3A_635, %swap3A_636], %mul3A_634 {strides = array<i32>} : memref<80x128xf32, #tpu.memory_space<vmem>>, vector<16xf32>,
          %get3A_638 = arith.index_cast %add3A_586 : i32 to index
          %get3A_639 = arith.constant 112 : index
          %get3A_640 = tpu.vector_load %arg24[%get3A_638, %get3A_639] {strides = array<i32>} : memref<80x128xf32, #tpu.memory_space<vmem>>, vector<16xf32>,
          %mul3A_641 = arith.mulf %get3A_640, %gather3A_588 : vector<16xf32>
          %swap3A_642 = arith.index_cast %add3A_586 : i32 to index
          %swap3A_643 = arith.constant 112 : index
          %swap3A_644 = tpu.vector_load %arg24[%swap3A_642, %swap3A_643] {strides = array<i32>} : memref<80x128xf32, #tpu.memory_space<vmem>>, vector<16xf32>,
          tpu.vector_store %arg24[%swap3A_642, %swap3A_643], %mul3A_641 {strides = array<i32>} : memref<80x128xf32, #tpu.memory_space<vmem>>, vector<16xf32>,
        }
        %scan3A_364 = arith.constant 10 : i32
        %mul3A_365 = arith.constant 80 : i32
        %mul3A_366 = arith.muli %add3A_311, %mul3A_365 : i32
        %add3A_367 = arith.addi %mul3A_2, %mul3A_366 : i32
        %add3A_368 = arith.constant 0 : i32
        %add3A_369 = arith.addi %add3A_367, %add3A_368 : i32
        %dma_wait3A_370 = tpu.memref_slice %arg4[%add3A_369] : memref<320000xi32, #tpu.memory_space<hbm>> -> memref<40xi32, #tpu.memory_space<hbm>>
        %dma_wait3A_371 = tpu.memref_slice %arg4[%add3A_369] : memref<320000xi32, #tpu.memory_space<hbm>> -> memref<40xi32, #tpu.memory_space<hbm>>
        tpu.wait_dma2 semaphore(%arg34 : memref<!tpu.dma_semaphore, #tpu.memory_space<semaphore_mem>>) src(%dma_wait3A_371 : memref<40xi32, #tpu.memory_space<hbm>>) dst(%arg13 : memref<40xi32, #tpu.memory_space<vmem>>)
        %dma_start3A_372 = arith.constant 0 : i32
        %dma_start3A_373 = arith.constant 0 : i32
        %dma_start3A_374 = tpu.memref_slice %arg24[%dma_start3A_372, %dma_start3A_373] : memref<80x128xf32, #tpu.memory_space<vmem>> -> memref<40x128xf32, #tpu.memory_space<vmem>>
        %dma_start3A_375 = arith.constant 0 : i32
        %dma_start3A_376 = arith.constant 0 : i32
        %dma_start3A_377 = tpu.memref_slice %arg27[%dma_start3A_375, %dma_start3A_376] : memref<10000x128xf32, #tpu.memory_space<vmem_shared>> -> memref<10000x128xf32, #tpu.memory_space<vmem_shared>>
        tpu.enqueue_indirect_dma source(%dma_start3A_374 : memref<40x128xf32, #tpu.memory_space<vmem>>) target(%dma_start3A_377 : memref<10000x128xf32, #tpu.memory_space<vmem_shared>>) offsets(%arg13 : memref<40xi32, #tpu.memory_space<vmem>>) semaphore(%arg50 : memref<!tpu.dma_semaphore, #tpu.memory_space<semaphore_mem>>) {add = true}
        %scan3A_378 = arith.constant 0 : i32
        %scan3A_379 = arith.constant 10 : i32
        %scan3A_380 = arith.addi %scan3A_378, %scan3A_379 : i32
        %scan3A_381 = arith.constant 1 : i32
        scf.for %scan3A_403 = %scan3A_378 to %scan3A_380 step %scan3A_381  : i32 {
          %mul3A_404 = arith.constant 4 : i32
          %mul3A_405 = arith.muli %scan3A_403, %mul3A_404 : i32
          %add3A_406 = arith.constant 40 : i32
          %add3A_407 = arith.addi %add3A_406, %mul3A_405 : i32
          %add3A_408 = arith.constant 0 : i32
          %add3A_409 = arith.addi %add3A_407, %add3A_408 : i32
          %broadcast_in_dim3A_410 = vector.broadcast %add3A_409 : i32 to vector<16xi32>
          %gather3A = tpu.vector_load_idx %arg20[%broadcast_in_dim3A_410] : memref<80xf32, #tpu.memory_space<vmem>>[vector<16xi32>], vector<16xf32>,
          %get3A = arith.index_cast %add3A_409 : i32 to index
          %get3A_411 = arith.constant 0 : index
          %get3A_412 = tpu.vector_load %arg24[%get3A, %get3A_411] {strides = array<i32>} : memref<80x128xf32, #tpu.memory_space<vmem>>, vector<16xf32>,
          %mul3A_413 = arith.mulf %get3A_412, %gather3A : vector<16xf32>
          %swap3A = arith.index_cast %add3A_409 : i32 to index
          %swap3A_414 = arith.constant 0 : index
          %swap3A_415 = tpu.vector_load %arg24[%swap3A, %swap3A_414] {strides = array<i32>} : memref<80x128xf32, #tpu.memory_space<vmem>>, vector<16xf32>,
          tpu.vector_store %arg24[%swap3A, %swap3A_414], %mul3A_413 {strides = array<i32>} : memref<80x128xf32, #tpu.memory_space<vmem>>, vector<16xf32>,
          %get3A_416 = arith.index_cast %add3A_409 : i32 to index
          %get3A_417 = arith.constant 16 : index
          %get3A_418 = tpu.vector_load %arg24[%get3A_416, %get3A_417] {strides = array<i32>} : memref<80x128xf32, #tpu.memory_space<vmem>>, vector<16xf32>,
          %mul3A_419 = arith.mulf %get3A_418, %gather3A : vector<16xf32>
          %swap3A_420 = arith.index_cast %add3A_409 : i32 to index
          %swap3A_421 = arith.constant 16 : index
          %swap3A_422 = tpu.vector_load %arg24[%swap3A_420, %swap3A_421] {strides = array<i32>} : memref<80x128xf32, #tpu.memory_space<vmem>>, vector<16xf32>,
          tpu.vector_store %arg24[%swap3A_420, %swap3A_421], %mul3A_419 {strides = array<i32>} : memref<80x128xf32, #tpu.memory_space<vmem>>, vector<16xf32>,
          %get3A_423 = arith.index_cast %add3A_409 : i32 to index
          %get3A_424 = arith.constant 32 : index
          %get3A_425 = tpu.vector_load %arg24[%get3A_423, %get3A_424] {strides = array<i32>} : memref<80x128xf32, #tpu.memory_space<vmem>>, vector<16xf32>,
          %mul3A_426 = arith.mulf %get3A_425, %gather3A : vector<16xf32>
          %swap3A_427 = arith.index_cast %add3A_409 : i32 to index
          %swap3A_428 = arith.constant 32 : index
          %swap3A_429 = tpu.vector_load %arg24[%swap3A_427, %swap3A_428] {strides = array<i32>} : memref<80x128xf32, #tpu.memory_space<vmem>>, vector<16xf32>,
          tpu.vector_store %arg24[%swap3A_427, %swap3A_428], %mul3A_426 {strides = array<i32>} : memref<80x128xf32, #tpu.memory_space<vmem>>, vector<16xf32>,
          %get3A_430 = arith.index_cast %add3A_409 : i32 to index
          %get3A_431 = arith.constant 48 : index
          %get3A_432 = tpu.vector_load %arg24[%get3A_430, %get3A_431] {strides = array<i32>} : memref<80x128xf32, #tpu.memory_space<vmem>>, vector<16xf32>,
          %mul3A_433 = arith.mulf %get3A_432, %gather3A : vector<16xf32>
          %swap3A_434 = arith.index_cast %add3A_409 : i32 to index
          %swap3A_435 = arith.constant 48 : index
          %swap3A_436 = tpu.vector_load %arg24[%swap3A_434, %swap3A_435] {strides = array<i32>} : memref<80x128xf32, #tpu.memory_space<vmem>>, vector<16xf32>,
          tpu.vector_store %arg24[%swap3A_434, %swap3A_435], %mul3A_433 {strides = array<i32>} : memref<80x128xf32, #tpu.memory_space<vmem>>, vector<16xf32>,
          %get3A_437 = arith.index_cast %add3A_409 : i32 to index
          %get3A_438 = arith.constant 64 : index
          %get3A_439 = tpu.vector_load %arg24[%get3A_437, %get3A_438] {strides = array<i32>} : memref<80x128xf32, #tpu.memory_space<vmem>>, vector<16xf32>,
          %mul3A_440 = arith.mulf %get3A_439, %gather3A : vector<16xf32>
          %swap3A_441 = arith.index_cast %add3A_409 : i32 to index
          %swap3A_442 = arith.constant 64 : index
          %swap3A_443 = tpu.vector_load %arg24[%swap3A_441, %swap3A_442] {strides = array<i32>} : memref<80x128xf32, #tpu.memory_space<vmem>>, vector<16xf32>,
          tpu.vector_store %arg24[%swap3A_441, %swap3A_442], %mul3A_440 {strides = array<i32>} : memref<80x128xf32, #tpu.memory_space<vmem>>, vector<16xf32>,
          %get3A_444 = arith.index_cast %add3A_409 : i32 to index
          %get3A_445 = arith.constant 80 : index
          %get3A_446 = tpu.vector_load %arg24[%get3A_444, %get3A_445] {strides = array<i32>} : memref<80x128xf32, #tpu.memory_space<vmem>>, vector<16xf32>,
          %mul3A_447 = arith.mulf %get3A_446, %gather3A : vector<16xf32>
          %swap3A_448 = arith.index_cast %add3A_409 : i32 to index
          %swap3A_449 = arith.constant 80 : index
          %swap3A_450 = tpu.vector_load %arg24[%swap3A_448, %swap3A_449] {strides = array<i32>} : memref<80x128xf32, #tpu.memory_space<vmem>>, vector<16xf32>,
          tpu.vector_store %arg24[%swap3A_448, %swap3A_449], %mul3A_447 {strides = array<i32>} : memref<80x128xf32, #tpu.memory_space<vmem>>, vector<16xf32>,
          %get3A_451 = arith.index_cast %add3A_409 : i32 to index
          %get3A_452 = arith.constant 96 : index
          %get3A_453 = tpu.vector_load %arg24[%get3A_451, %get3A_452] {strides = array<i32>} : memref<80x128xf32, #tpu.memory_space<vmem>>, vector<16xf32>,
          %mul3A_454 = arith.mulf %get3A_453, %gather3A : vector<16xf32>
          %swap3A_455 = arith.index_cast %add3A_409 : i32 to index
          %swap3A_456 = arith.constant 96 : index
          %swap3A_457 = tpu.vector_load %arg24[%swap3A_455, %swap3A_456] {strides = array<i32>} : memref<80x128xf32, #tpu.memory_space<vmem>>, vector<16xf32>,
          tpu.vector_store %arg24[%swap3A_455, %swap3A_456], %mul3A_454 {strides = array<i32>} : memref<80x128xf32, #tpu.memory_space<vmem>>, vector<16xf32>,
          %get3A_458 = arith.index_cast %add3A_409 : i32 to index
          %get3A_459 = arith.constant 112 : index
          %get3A_460 = tpu.vector_load %arg24[%get3A_458, %get3A_459] {strides = array<i32>} : memref<80x128xf32, #tpu.memory_space<vmem>>, vector<16xf32>,
          %mul3A_461 = arith.mulf %get3A_460, %gather3A : vector<16xf32>
          %swap3A_462 = arith.index_cast %add3A_409 : i32 to index
          %swap3A_463 = arith.constant 112 : index
          %swap3A_464 = tpu.vector_load %arg24[%swap3A_462, %swap3A_463] {strides = array<i32>} : memref<80x128xf32, #tpu.memory_space<vmem>>, vector<16xf32>,
          tpu.vector_store %arg24[%swap3A_462, %swap3A_463], %mul3A_461 {strides = array<i32>} : memref<80x128xf32, #tpu.memory_space<vmem>>, vector<16xf32>,
          %add3A_465 = arith.constant 1 : i32
          %add3A_466 = arith.addi %add3A_407, %add3A_465 : i32
          %broadcast_in_dim3A_467 = vector.broadcast %add3A_466 : i32 to vector<16xi32>
          %gather3A_468 = tpu.vector_load_idx %arg20[%broadcast_in_dim3A_467] : memref<80xf32, #tpu.memory_space<vmem>>[vector<16xi32>], vector<16xf32>,
          %get3A_469 = arith.index_cast %add3A_466 : i32 to index
          %get3A_470 = arith.constant 0 : index
          %get3A_471 = tpu.vector_load %arg24[%get3A_469, %get3A_470] {strides = array<i32>} : memref<80x128xf32, #tpu.memory_space<vmem>>, vector<16xf32>,
          %mul3A_472 = arith.mulf %get3A_471, %gather3A_468 : vector<16xf32>
          %swap3A_473 = arith.index_cast %add3A_466 : i32 to index
          %swap3A_474 = arith.constant 0 : index
          %swap3A_475 = tpu.vector_load %arg24[%swap3A_473, %swap3A_474] {strides = array<i32>} : memref<80x128xf32, #tpu.memory_space<vmem>>, vector<16xf32>,
          tpu.vector_store %arg24[%swap3A_473, %swap3A_474], %mul3A_472 {strides = array<i32>} : memref<80x128xf32, #tpu.memory_space<vmem>>, vector<16xf32>,
          %get3A_476 = arith.index_cast %add3A_466 : i32 to index
          %get3A_477 = arith.constant 16 : index
          %get3A_478 = tpu.vector_load %arg24[%get3A_476, %get3A_477] {strides = array<i32>} : memref<80x128xf32, #tpu.memory_space<vmem>>, vector<16xf32>,
          %mul3A_479 = arith.mulf %get3A_478, %gather3A_468 : vector<16xf32>
          %swap3A_480 = arith.index_cast %add3A_466 : i32 to index
          %swap3A_481 = arith.constant 16 : index
          %swap3A_482 = tpu.vector_load %arg24[%swap3A_480, %swap3A_481] {strides = array<i32>} : memref<80x128xf32, #tpu.memory_space<vmem>>, vector<16xf32>,
          tpu.vector_store %arg24[%swap3A_480, %swap3A_481], %mul3A_479 {strides = array<i32>} : memref<80x128xf32, #tpu.memory_space<vmem>>, vector<16xf32>,
          %get3A_483 = arith.index_cast %add3A_466 : i32 to index
          %get3A_484 = arith.constant 32 : index
          %get3A_485 = tpu.vector_load %arg24[%get3A_483, %get3A_484] {strides = array<i32>} : memref<80x128xf32, #tpu.memory_space<vmem>>, vector<16xf32>,
          %mul3A_486 = arith.mulf %get3A_485, %gather3A_468 : vector<16xf32>
          %swap3A_487 = arith.index_cast %add3A_466 : i32 to index
          %swap3A_488 = arith.constant 32 : index
          %swap3A_489 = tpu.vector_load %arg24[%swap3A_487, %swap3A_488] {strides = array<i32>} : memref<80x128xf32, #tpu.memory_space<vmem>>, vector<16xf32>,
          tpu.vector_store %arg24[%swap3A_487, %swap3A_488], %mul3A_486 {strides = array<i32>} : memref<80x128xf32, #tpu.memory_space<vmem>>, vector<16xf32>,
          %get3A_490 = arith.index_cast %add3A_466 : i32 to index
          %get3A_491 = arith.constant 48 : index
          %get3A_492 = tpu.vector_load %arg24[%get3A_490, %get3A_491] {strides = array<i32>} : memref<80x128xf32, #tpu.memory_space<vmem>>, vector<16xf32>,
          %mul3A_493 = arith.mulf %get3A_492, %gather3A_468 : vector<16xf32>
          %swap3A_494 = arith.index_cast %add3A_466 : i32 to index
          %swap3A_495 = arith.constant 48 : index
          %swap3A_496 = tpu.vector_load %arg24[%swap3A_494, %swap3A_495] {strides = array<i32>} : memref<80x128xf32, #tpu.memory_space<vmem>>, vector<16xf32>,
          tpu.vector_store %arg24[%swap3A_494, %swap3A_495], %mul3A_493 {strides = array<i32>} : memref<80x128xf32, #tpu.memory_space<vmem>>, vector<16xf32>,
          %get3A_497 = arith.index_cast %add3A_466 : i32 to index
          %get3A_498 = arith.constant 64 : index
          %get3A_499 = tpu.vector_load %arg24[%get3A_497, %get3A_498] {strides = array<i32>} : memref<80x128xf32, #tpu.memory_space<vmem>>, vector<16xf32>,
          %mul3A_500 = arith.mulf %get3A_499, %gather3A_468 : vector<16xf32>
          %swap3A_501 = arith.index_cast %add3A_466 : i32 to index
          %swap3A_502 = arith.constant 64 : index
          %swap3A_503 = tpu.vector_load %arg24[%swap3A_501, %swap3A_502] {strides = array<i32>} : memref<80x128xf32, #tpu.memory_space<vmem>>, vector<16xf32>,
          tpu.vector_store %arg24[%swap3A_501, %swap3A_502], %mul3A_500 {strides = array<i32>} : memref<80x128xf32, #tpu.memory_space<vmem>>, vector<16xf32>,
          %get3A_504 = arith.index_cast %add3A_466 : i32 to index
          %get3A_505 = arith.constant 80 : index
          %get3A_506 = tpu.vector_load %arg24[%get3A_504, %get3A_505] {strides = array<i32>} : memref<80x128xf32, #tpu.memory_space<vmem>>, vector<16xf32>,
          %mul3A_507 = arith.mulf %get3A_506, %gather3A_468 : vector<16xf32>
          %swap3A_508 = arith.index_cast %add3A_466 : i32 to index
          %swap3A_509 = arith.constant 80 : index
          %swap3A_510 = tpu.vector_load %arg24[%swap3A_508, %swap3A_509] {strides = array<i32>} : memref<80x128xf32, #tpu.memory_space<vmem>>, vector<16xf32>,
          tpu.vector_store %arg24[%swap3A_508, %swap3A_509], %mul3A_507 {strides = array<i32>} : memref<80x128xf32, #tpu.memory_space<vmem>>, vector<16xf32>,
          %get3A_511 = arith.index_cast %add3A_466 : i32 to index
          %get3A_512 = arith.constant 96 : index
          %get3A_513 = tpu.vector_load %arg24[%get3A_511, %get3A_512] {strides = array<i32>} : memref<80x128xf32, #tpu.memory_space<vmem>>, vector<16xf32>,
          %mul3A_514 = arith.mulf %get3A_513, %gather3A_468 : vector<16xf32>
          %swap3A_515 = arith.index_cast %add3A_466 : i32 to index
          %swap3A_516 = arith.constant 96 : index
          %swap3A_517 = tpu.vector_load %arg24[%swap3A_515, %swap3A_516] {strides = array<i32>} : memref<80x128xf32, #tpu.memory_space<vmem>>, vector<16xf32>,
          tpu.vector_store %arg24[%swap3A_515, %swap3A_516], %mul3A_514 {strides = array<i32>} : memref<80x128xf32, #tpu.memory_space<vmem>>, vector<16xf32>,
          %get3A_518 = arith.index_cast %add3A_466 : i32 to index
          %get3A_519 = arith.constant 112 : index
          %get3A_520 = tpu.vector_load %arg24[%get3A_518, %get3A_519] {strides = array<i32>} : memref<80x128xf32, #tpu.memory_space<vmem>>, vector<16xf32>,
          %mul3A_521 = arith.mulf %get3A_520, %gather3A_468 : vector<16xf32>
          %swap3A_522 = arith.index_cast %add3A_466 : i32 to index
          %swap3A_523 = arith.constant 112 : index
          %swap3A_524 = tpu.vector_load %arg24[%swap3A_522, %swap3A_523] {strides = array<i32>} : memref<80x128xf32, #tpu.memory_space<vmem>>, vector<16xf32>,
          tpu.vector_store %arg24[%swap3A_522, %swap3A_523], %mul3A_521 {strides = array<i32>} : memref<80x128xf32, #tpu.memory_space<vmem>>, vector<16xf32>,
          %add3A_525 = arith.constant 2 : i32
          %add3A_526 = arith.addi %add3A_407, %add3A_525 : i32
          %broadcast_in_dim3A_527 = vector.broadcast %add3A_526 : i32 to vector<16xi32>
          %gather3A_528 = tpu.vector_load_idx %arg20[%broadcast_in_dim3A_527] : memref<80xf32, #tpu.memory_space<vmem>>[vector<16xi32>], vector<16xf32>,
          %get3A_529 = arith.index_cast %add3A_526 : i32 to index
          %get3A_530 = arith.constant 0 : index
          %get3A_531 = tpu.vector_load %arg24[%get3A_529, %get3A_530] {strides = array<i32>} : memref<80x128xf32, #tpu.memory_space<vmem>>, vector<16xf32>,
          %mul3A_532 = arith.mulf %get3A_531, %gather3A_528 : vector<16xf32>
          %swap3A_533 = arith.index_cast %add3A_526 : i32 to index
          %swap3A_534 = arith.constant 0 : index
          %swap3A_535 = tpu.vector_load %arg24[%swap3A_533, %swap3A_534] {strides = array<i32>} : memref<80x128xf32, #tpu.memory_space<vmem>>, vector<16xf32>,
          tpu.vector_store %arg24[%swap3A_533, %swap3A_534], %mul3A_532 {strides = array<i32>} : memref<80x128xf32, #tpu.memory_space<vmem>>, vector<16xf32>,
          %get3A_536 = arith.index_cast %add3A_526 : i32 to index
          %get3A_537 = arith.constant 16 : index
          %get3A_538 = tpu.vector_load %arg24[%get3A_536, %get3A_537] {strides = array<i32>} : memref<80x128xf32, #tpu.memory_space<vmem>>, vector<16xf32>,
          %mul3A_539 = arith.mulf %get3A_538, %gather3A_528 : vector<16xf32>
          %swap3A_540 = arith.index_cast %add3A_526 : i32 to index
          %swap3A_541 = arith.constant 16 : index
          %swap3A_542 = tpu.vector_load %arg24[%swap3A_540, %swap3A_541] {strides = array<i32>} : memref<80x128xf32, #tpu.memory_space<vmem>>, vector<16xf32>,
          tpu.vector_store %arg24[%swap3A_540, %swap3A_541], %mul3A_539 {strides = array<i32>} : memref<80x128xf32, #tpu.memory_space<vmem>>, vector<16xf32>,
          %get3A_543 = arith.index_cast %add3A_526 : i32 to index
          %get3A_544 = arith.constant 32 : index
          %get3A_545 = tpu.vector_load %arg24[%get3A_543, %get3A_544] {strides = array<i32>} : memref<80x128xf32, #tpu.memory_space<vmem>>, vector<16xf32>,
          %mul3A_546 = arith.mulf %get3A_545, %gather3A_528 : vector<16xf32>
          %swap3A_547 = arith.index_cast %add3A_526 : i32 to index
          %swap3A_548 = arith.constant 32 : index
          %swap3A_549 = tpu.vector_load %arg24[%swap3A_547, %swap3A_548] {strides = array<i32>} : memref<80x128xf32, #tpu.memory_space<vmem>>, vector<16xf32>,
          tpu.vector_store %arg24[%swap3A_547, %swap3A_548], %mul3A_546 {strides = array<i32>} : memref<80x128xf32, #tpu.memory_space<vmem>>, vector<16xf32>,
          %get3A_550 = arith.index_cast %add3A_526 : i32 to index
          %get3A_551 = arith.constant 48 : index
          %get3A_552 = tpu.vector_load %arg24[%get3A_550, %get3A_551] {strides = array<i32>} : memref<80x128xf32, #tpu.memory_space<vmem>>, vector<16xf32>,
          %mul3A_553 = arith.mulf %get3A_552, %gather3A_528 : vector<16xf32>
          %swap3A_554 = arith.index_cast %add3A_526 : i32 to index
          %swap3A_555 = arith.constant 48 : index
          %swap3A_556 = tpu.vector_load %arg24[%swap3A_554, %swap3A_555] {strides = array<i32>} : memref<80x128xf32, #tpu.memory_space<vmem>>, vector<16xf32>,
          tpu.vector_store %arg24[%swap3A_554, %swap3A_555], %mul3A_553 {strides = array<i32>} : memref<80x128xf32, #tpu.memory_space<vmem>>, vector<16xf32>,
          %get3A_557 = arith.index_cast %add3A_526 : i32 to index
          %get3A_558 = arith.constant 64 : index
          %get3A_559 = tpu.vector_load %arg24[%get3A_557, %get3A_558] {strides = array<i32>} : memref<80x128xf32, #tpu.memory_space<vmem>>, vector<16xf32>,
          %mul3A_560 = arith.mulf %get3A_559, %gather3A_528 : vector<16xf32>
          %swap3A_561 = arith.index_cast %add3A_526 : i32 to index
          %swap3A_562 = arith.constant 64 : index
          %swap3A_563 = tpu.vector_load %arg24[%swap3A_561, %swap3A_562] {strides = array<i32>} : memref<80x128xf32, #tpu.memory_space<vmem>>, vector<16xf32>,
          tpu.vector_store %arg24[%swap3A_561, %swap3A_562], %mul3A_560 {strides = array<i32>} : memref<80x128xf32, #tpu.memory_space<vmem>>, vector<16xf32>,
          %get3A_564 = arith.index_cast %add3A_526 : i32 to index
          %get3A_565 = arith.constant 80 : index
          %get3A_566 = tpu.vector_load %arg24[%get3A_564, %get3A_565] {strides = array<i32>} : memref<80x128xf32, #tpu.memory_space<vmem>>, vector<16xf32>,
          %mul3A_567 = arith.mulf %get3A_566, %gather3A_528 : vector<16xf32>
          %swap3A_568 = arith.index_cast %add3A_526 : i32 to index
          %swap3A_569 = arith.constant 80 : index
          %swap3A_570 = tpu.vector_load %arg24[%swap3A_568, %swap3A_569] {strides = array<i32>} : memref<80x128xf32, #tpu.memory_space<vmem>>, vector<16xf32>,
          tpu.vector_store %arg24[%swap3A_568, %swap3A_569], %mul3A_567 {strides = array<i32>} : memref<80x128xf32, #tpu.memory_space<vmem>>, vector<16xf32>,
          %get3A_571 = arith.index_cast %add3A_526 : i32 to index
          %get3A_572 = arith.constant 96 : index
          %get3A_573 = tpu.vector_load %arg24[%get3A_571, %get3A_572] {strides = array<i32>} : memref<80x128xf32, #tpu.memory_space<vmem>>, vector<16xf32>,
          %mul3A_574 = arith.mulf %get3A_573, %gather3A_528 : vector<16xf32>
          %swap3A_575 = arith.index_cast %add3A_526 : i32 to index
          %swap3A_576 = arith.constant 96 : index
          %swap3A_577 = tpu.vector_load %arg24[%swap3A_575, %swap3A_576] {strides = array<i32>} : memref<80x128xf32, #tpu.memory_space<vmem>>, vector<16xf32>,
          tpu.vector_store %arg24[%swap3A_575, %swap3A_576], %mul3A_574 {strides = array<i32>} : memref<80x128xf32, #tpu.memory_space<vmem>>, vector<16xf32>,
          %get3A_578 = arith.index_cast %add3A_526 : i32 to index
          %get3A_579 = arith.constant 112 : index
          %get3A_580 = tpu.vector_load %arg24[%get3A_578, %get3A_579] {strides = array<i32>} : memref<80x128xf32, #tpu.memory_space<vmem>>, vector<16xf32>,
          %mul3A_581 = arith.mulf %get3A_580, %gather3A_528 : vector<16xf32>
          %swap3A_582 = arith.index_cast %add3A_526 : i32 to index
          %swap3A_583 = arith.constant 112 : index
          %swap3A_584 = tpu.vector_load %arg24[%swap3A_582, %swap3A_583] {strides = array<i32>} : memref<80x128xf32, #tpu.memory_space<vmem>>, vector<16xf32>,
          tpu.vector_store %arg24[%swap3A_582, %swap3A_583], %mul3A_581 {strides = array<i32>} : memref<80x128xf32, #tpu.memory_space<vmem>>, vector<16xf32>,
          %add3A_585 = arith.constant 3 : i32
          %add3A_586 = arith.addi %add3A_407, %add3A_585 : i32
          %broadcast_in_dim3A_587 = vector.broadcast %add3A_586 : i32 to vector<16xi32>
          %gather3A_588 = tpu.vector_load_idx %arg20[%broadcast_in_dim3A_587] : memref<80xf32, #tpu.memory_space<vmem>>[vector<16xi32>], vector<16xf32>,
          %get3A_589 = arith.index_cast %add3A_586 : i32 to index
          %get3A_590 = arith.constant 0 : index
          %get3A_591 = tpu.vector_load %arg24[%get3A_589, %get3A_590] {strides = array<i32>} : memref<80x128xf32, #tpu.memory_space<vmem>>, vector<16xf32>,
          %mul3A_592 = arith.mulf %get3A_591, %gather3A_588 : vector<16xf32>
          %swap3A_593 = arith.index_cast %add3A_586 : i32 to index
          %swap3A_594 = arith.constant 0 : index
          %swap3A_595 = tpu.vector_load %arg24[%swap3A_593, %swap3A_594] {strides = array<i32>} : memref<80x128xf32, #tpu.memory_space<vmem>>, vector<16xf32>,
          tpu.vector_store %arg24[%swap3A_593, %swap3A_594], %mul3A_592 {strides = array<i32>} : memref<80x128xf32, #tpu.memory_space<vmem>>, vector<16xf32>,
          %get3A_596 = arith.index_cast %add3A_586 : i32 to index
          %get3A_597 = arith.constant 16 : index
          %get3A_598 = tpu.vector_load %arg24[%get3A_596, %get3A_597] {strides = array<i32>} : memref<80x128xf32, #tpu.memory_space<vmem>>, vector<16xf32>,
          %mul3A_599 = arith.mulf %get3A_598, %gather3A_588 : vector<16xf32>
          %swap3A_600 = arith.index_cast %add3A_586 : i32 to index
          %swap3A_601 = arith.constant 16 : index
          %swap3A_602 = tpu.vector_load %arg24[%swap3A_600, %swap3A_601] {strides = array<i32>} : memref<80x128xf32, #tpu.memory_space<vmem>>, vector<16xf32>,
          tpu.vector_store %arg24[%swap3A_600, %swap3A_601], %mul3A_599 {strides = array<i32>} : memref<80x128xf32, #tpu.memory_space<vmem>>, vector<16xf32>,
          %get3A_603 = arith.index_cast %add3A_586 : i32 to index
          %get3A_604 = arith.constant 32 : index
          %get3A_605 = tpu.vector_load %arg24[%get3A_603, %get3A_604] {strides = array<i32>} : memref<80x128xf32, #tpu.memory_space<vmem>>, vector<16xf32>,
          %mul3A_606 = arith.mulf %get3A_605, %gather3A_588 : vector<16xf32>
          %swap3A_607 = arith.index_cast %add3A_586 : i32 to index
          %swap3A_608 = arith.constant 32 : index
          %swap3A_609 = tpu.vector_load %arg24[%swap3A_607, %swap3A_608] {strides = array<i32>} : memref<80x128xf32, #tpu.memory_space<vmem>>, vector<16xf32>,
          tpu.vector_store %arg24[%swap3A_607, %swap3A_608], %mul3A_606 {strides = array<i32>} : memref<80x128xf32, #tpu.memory_space<vmem>>, vector<16xf32>,
          %get3A_610 = arith.index_cast %add3A_586 : i32 to index
          %get3A_611 = arith.constant 48 : index
          %get3A_612 = tpu.vector_load %arg24[%get3A_610, %get3A_611] {strides = array<i32>} : memref<80x128xf32, #tpu.memory_space<vmem>>, vector<16xf32>,
          %mul3A_613 = arith.mulf %get3A_612, %gather3A_588 : vector<16xf32>
          %swap3A_614 = arith.index_cast %add3A_586 : i32 to index
          %swap3A_615 = arith.constant 48 : index
          %swap3A_616 = tpu.vector_load %arg24[%swap3A_614, %swap3A_615] {strides = array<i32>} : memref<80x128xf32, #tpu.memory_space<vmem>>, vector<16xf32>,
          tpu.vector_store %arg24[%swap3A_614, %swap3A_615], %mul3A_613 {strides = array<i32>} : memref<80x128xf32, #tpu.memory_space<vmem>>, vector<16xf32>,
          %get3A_617 = arith.index_cast %add3A_586 : i32 to index
          %get3A_618 = arith.constant 64 : index
          %get3A_619 = tpu.vector_load %arg24[%get3A_617, %get3A_618] {strides = array<i32>} : memref<80x128xf32, #tpu.memory_space<vmem>>, vector<16xf32>,
          %mul3A_620 = arith.mulf %get3A_619, %gather3A_588 : vector<16xf32>
          %swap3A_621 = arith.index_cast %add3A_586 : i32 to index
          %swap3A_622 = arith.constant 64 : index
          %swap3A_623 = tpu.vector_load %arg24[%swap3A_621, %swap3A_622] {strides = array<i32>} : memref<80x128xf32, #tpu.memory_space<vmem>>, vector<16xf32>,
          tpu.vector_store %arg24[%swap3A_621, %swap3A_622], %mul3A_620 {strides = array<i32>} : memref<80x128xf32, #tpu.memory_space<vmem>>, vector<16xf32>,
          %get3A_624 = arith.index_cast %add3A_586 : i32 to index
          %get3A_625 = arith.constant 80 : index
          %get3A_626 = tpu.vector_load %arg24[%get3A_624, %get3A_625] {strides = array<i32>} : memref<80x128xf32, #tpu.memory_space<vmem>>, vector<16xf32>,
          %mul3A_627 = arith.mulf %get3A_626, %gather3A_588 : vector<16xf32>
          %swap3A_628 = arith.index_cast %add3A_586 : i32 to index
          %swap3A_629 = arith.constant 80 : index
          %swap3A_630 = tpu.vector_load %arg24[%swap3A_628, %swap3A_629] {strides = array<i32>} : memref<80x128xf32, #tpu.memory_space<vmem>>, vector<16xf32>,
          tpu.vector_store %arg24[%swap3A_628, %swap3A_629], %mul3A_627 {strides = array<i32>} : memref<80x128xf32, #tpu.memory_space<vmem>>, vector<16xf32>,
          %get3A_631 = arith.index_cast %add3A_586 : i32 to index
          %get3A_632 = arith.constant 96 : index
          %get3A_633 = tpu.vector_load %arg24[%get3A_631, %get3A_632] {strides = array<i32>} : memref<80x128xf32, #tpu.memory_space<vmem>>, vector<16xf32>,
          %mul3A_634 = arith.mulf %get3A_633, %gather3A_588 : vector<16xf32>
          %swap3A_635 = arith.index_cast %add3A_586 : i32 to index
          %swap3A_636 = arith.constant 96 : index
          %swap3A_637 = tpu.vector_load %arg24[%swap3A_635, %swap3A_636] {strides = array<i32>} : memref<80x128xf32, #tpu.memory_space<vmem>>, vector<16xf32>,
          tpu.vector_store %arg24[%swap3A_635, %swap3A_636], %mul3A_634 {strides = array<i32>} : memref<80x128xf32, #tpu.memory_space<vmem>>, vector<16xf32>,
          %get3A_638 = arith.index_cast %add3A_586 : i32 to index
          %get3A_639 = arith.constant 112 : index
          %get3A_640 = tpu.vector_load %arg24[%get3A_638, %get3A_639] {strides = array<i32>} : memref<80x128xf32, #tpu.memory_space<vmem>>, vector<16xf32>,
          %mul3A_641 = arith.mulf %get3A_640, %gather3A_588 : vector<16xf32>
          %swap3A_642 = arith.index_cast %add3A_586 : i32 to index
          %swap3A_643 = arith.constant 112 : index
          %swap3A_644 = tpu.vector_load %arg24[%swap3A_642, %swap3A_643] {strides = array<i32>} : memref<80x128xf32, #tpu.memory_space<vmem>>, vector<16xf32>,
          tpu.vector_store %arg24[%swap3A_642, %swap3A_643], %mul3A_641 {strides = array<i32>} : memref<80x128xf32, #tpu.memory_space<vmem>>, vector<16xf32>,
        }
        %scan3A_382 = arith.constant 10 : i32
        %mul3A_383 = arith.constant 80 : i32
        %mul3A_384 = arith.muli %add3A_311, %mul3A_383 : i32
        %add3A_385 = arith.addi %mul3A_2, %mul3A_384 : i32
        %add3A_386 = arith.constant 40 : i32
        %add3A_387 = arith.addi %add3A_385, %add3A_386 : i32
        %dma_wait3A_388 = tpu.memref_slice %arg4[%add3A_387] : memref<320000xi32, #tpu.memory_space<hbm>> -> memref<40xi32, #tpu.memory_space<hbm>>
        %dma_wait3A_389 = tpu.memref_slice %arg4[%add3A_387] : memref<320000xi32, #tpu.memory_space<hbm>> -> memref<40xi32, #tpu.memory_space<hbm>>
        tpu.wait_dma2 semaphore(%arg35 : memref<!tpu.dma_semaphore, #tpu.memory_space<semaphore_mem>>) src(%dma_wait3A_389 : memref<40xi32, #tpu.memory_space<hbm>>) dst(%arg14 : memref<40xi32, #tpu.memory_space<vmem>>)
        %dma_start3A_390 = arith.constant 40 : i32
        %dma_start3A_391 = arith.constant 0 : i32
        %dma_start3A_392 = tpu.memref_slice %arg24[%dma_start3A_390, %dma_start3A_391] : memref<80x128xf32, #tpu.memory_space<vmem>> -> memref<40x128xf32, #tpu.memory_space<vmem>>
        %dma_start3A_393 = arith.constant 0 : i32
        %dma_start3A_394 = arith.constant 0 : i32
        %dma_start3A_395 = tpu.memref_slice %arg27[%dma_start3A_393, %dma_start3A_394] : memref<10000x128xf32, #tpu.memory_space<vmem_shared>> -> memref<10000x128xf32, #tpu.memory_space<vmem_shared>>
        tpu.enqueue_indirect_dma source(%dma_start3A_392 : memref<40x128xf32, #tpu.memory_space<vmem>>) target(%dma_start3A_395 : memref<10000x128xf32, #tpu.memory_space<vmem_shared>>) offsets(%arg14 : memref<40xi32, #tpu.memory_space<vmem>>) semaphore(%arg51 : memref<!tpu.dma_semaphore, #tpu.memory_space<semaphore_mem>>) {add = true}
        %add3A_396 = arith.constant 4 : i32
        %add3A_397 = arith.addi %add3A_311, %add3A_396 : i32
        %lt3A_398 = arith.constant 125 : i32
        %lt3A_399 = arith.cmpi slt, %add3A_397, %lt3A_398 : i32
        %convert_element_type3A_400 = arith.extui %lt3A_399 : i1 to i32
        %cond3A_401 = arith.constant 0 : i32
        %cond3A_402 = arith.cmpi ne, %convert_element_type3A_400, %cond3A_401 : i32
        scf.if %cond3A_402 {
          %add3A_403 = arith.constant 4 : i32
          %add3A_404 = arith.addi %add3A_311, %add3A_403 : i32
          %mul3A_405 = arith.constant 80 : i32
          %mul3A_406 = arith.muli %add3A_404, %mul3A_405 : i32
          %add3A_407 = arith.addi %mul3A_2, %mul3A_406 : i32
          %dma_start3A_408 = tpu.memref_slice %arg3[%add3A_407] : memref<320000xi32, #tpu.memory_space<hbm>> -> memref<80xi32, #tpu.memory_space<hbm>>
          %dma_start3A_409 = tpu.memref_slice %arg3[%add3A_407] : memref<320000xi32, #tpu.memory_space<hbm>> -> memref<80xi32, #tpu.memory_space<hbm>>
          tpu.enqueue_dma source(%dma_start3A_409 : memref<80xi32, #tpu.memory_space<hbm>>) target(%arg8 : memref<80xi32, #tpu.memory_space<vmem>>) target_semaphore(%arg29 : memref<!tpu.dma_semaphore, #tpu.memory_space<semaphore_mem>>)
          %add3A_410 = arith.constant 4 : i32
          %add3A_411 = arith.addi %add3A_311, %add3A_410 : i32
          %mul3A_412 = arith.constant 80 : i32
          %mul3A_413 = arith.muli %add3A_411, %mul3A_412 : i32
          %add3A_414 = arith.addi %mul3A_2, %mul3A_413 : i32
          %dma_start3A_415 = tpu.memref_slice %arg5[%add3A_414] : memref<320000xf32, #tpu.memory_space<hbm>> -> memref<80xf32, #tpu.memory_space<hbm>>
          %dma_start3A_416 = tpu.memref_slice %arg5[%add3A_414] : memref<320000xf32, #tpu.memory_space<hbm>> -> memref<80xf32, #tpu.memory_space<hbm>>
          tpu.enqueue_dma source(%dma_start3A_416 : memref<80xf32, #tpu.memory_space<hbm>>) target(%arg20 : memref<80xf32, #tpu.memory_space<vmem>>) target_semaphore(%arg41 : memref<!tpu.dma_semaphore, #tpu.memory_space<semaphore_mem>>)
        } else {
        }
      } else {
      }
      %add3A_324 = arith.constant 2 : i32
      %add3A_325 = arith.addi %add3A_295, %add3A_324 : i32
      %add3A_326 = arith.constant 2 : i32
      %add3A_327 = arith.addi %add3A_325, %add3A_326 : i32
      %lt3A_328 = arith.constant 125 : i32
      %lt3A_329 = arith.cmpi slt, %add3A_327, %lt3A_328 : i32
      %convert_element_type3A_330 = arith.extui %lt3A_329 : i1 to i32
      %cond3A_331 = arith.constant 0 : i32
      %cond3A_332 = arith.cmpi ne, %convert_element_type3A_330, %cond3A_331 : i32
      scf.if %cond3A_332 {
        %ge3A = arith.constant 2 : i32
        %ge3A_352 = arith.cmpi sge, %add3A_325, %ge3A : i32
        %convert_element_type3A_353 = arith.extui %ge3A_352 : i1 to i32
        %cond3A_354 = arith.constant 0 : i32
        %cond3A_355 = arith.cmpi ne, %convert_element_type3A_353, %cond3A_354 : i32
        scf.if %cond3A_355 {
          %dma_wait3A_382 = arith.constant 0 : i32
          %dma_wait3A_383 = arith.constant 0 : i32
          %dma_wait3A_384 = tpu.memref_slice %arg23[%dma_wait3A_382, %dma_wait3A_383] : memref<80x128xf32, #tpu.memory_space<vmem>> -> memref<40x128xf32, #tpu.memory_space<vmem>>
          %dma_wait3A_385 = arith.constant 0 : i32
          %dma_wait3A_386 = arith.constant 0 : i32
          %dma_wait3A_387 = tpu.memref_slice %arg27[%dma_wait3A_385, %dma_wait3A_386] : memref<10000x128xf32, #tpu.memory_space<vmem_shared>> -> memref<10000x128xf32, #tpu.memory_space<vmem_shared>>
          tpu.wait_indirect_dma semaphore(%arg48 : memref<!tpu.dma_semaphore, #tpu.memory_space<semaphore_mem>>) src(%dma_wait3A_384 : memref<40x128xf32, #tpu.memory_space<vmem>>) dst(%dma_wait3A_387 : memref<10000x128xf32, #tpu.memory_space<vmem_shared>>)
          %dma_wait3A_388 = arith.constant 40 : i32
          %dma_wait3A_389 = arith.constant 0 : i32
          %dma_wait3A_390 = tpu.memref_slice %arg23[%dma_wait3A_388, %dma_wait3A_389] : memref<80x128xf32, #tpu.memory_space<vmem>> -> memref<40x128xf32, #tpu.memory_space<vmem>>
          %dma_wait3A_391 = arith.constant 0 : i32
          %dma_wait3A_392 = arith.constant 0 : i32
          %dma_wait3A_393 = tpu.memref_slice %arg27[%dma_wait3A_391, %dma_wait3A_392] : memref<10000x128xf32, #tpu.memory_space<vmem_shared>> -> memref<10000x128xf32, #tpu.memory_space<vmem_shared>>
          tpu.wait_indirect_dma semaphore(%arg49 : memref<!tpu.dma_semaphore, #tpu.memory_space<semaphore_mem>>) src(%dma_wait3A_390 : memref<40x128xf32, #tpu.memory_space<vmem>>) dst(%dma_wait3A_393 : memref<10000x128xf32, #tpu.memory_space<vmem_shared>>)
        } else {
        }
        %add3A_356 = arith.constant 2 : i32
        %add3A_357 = arith.addi %add3A_325, %add3A_356 : i32
        %mul3A_358 = arith.constant 80 : i32
        %mul3A_359 = arith.muli %add3A_357, %mul3A_358 : i32
        %add3A_360 = arith.addi %mul3A_2, %mul3A_359 : i32
        %add3A_361 = arith.constant 0 : i32
        %add3A_362 = arith.addi %add3A_360, %add3A_361 : i32
        %dma_start3A_363 = tpu.memref_slice %arg4[%add3A_362] : memref<320000xi32, #tpu.memory_space<hbm>> -> memref<40xi32, #tpu.memory_space<hbm>>
        %dma_start3A_364 = tpu.memref_slice %arg4[%add3A_362] : memref<320000xi32, #tpu.memory_space<hbm>> -> memref<40xi32, #tpu.memory_space<hbm>>
        tpu.enqueue_dma source(%dma_start3A_364 : memref<40xi32, #tpu.memory_space<hbm>>) target(%arg11 : memref<40xi32, #tpu.memory_space<vmem>>) target_semaphore(%arg32 : memref<!tpu.dma_semaphore, #tpu.memory_space<semaphore_mem>>)
        %mul3A_365 = arith.constant 80 : i32
        %mul3A_366 = arith.muli %add3A_357, %mul3A_365 : i32
        %add3A_367 = arith.addi %mul3A_2, %mul3A_366 : i32
        %add3A_368 = arith.constant 40 : i32
        %add3A_369 = arith.addi %add3A_367, %add3A_368 : i32
        %dma_start3A_370 = tpu.memref_slice %arg4[%add3A_369] : memref<320000xi32, #tpu.memory_space<hbm>> -> memref<40xi32, #tpu.memory_space<hbm>>
        %dma_start3A_371 = tpu.memref_slice %arg4[%add3A_369] : memref<320000xi32, #tpu.memory_space<hbm>> -> memref<40xi32, #tpu.memory_space<hbm>>
        tpu.enqueue_dma source(%dma_start3A_371 : memref<40xi32, #tpu.memory_space<hbm>>) target(%arg12 : memref<40xi32, #tpu.memory_space<vmem>>) target_semaphore(%arg33 : memref<!tpu.dma_semaphore, #tpu.memory_space<semaphore_mem>>)
        %add3A_372 = arith.constant 2 : i32
        %add3A_373 = arith.addi %add3A_325, %add3A_372 : i32
        %mul3A_374 = arith.constant 80 : i32
        %mul3A_375 = arith.muli %add3A_373, %mul3A_374 : i32
        %add3A_376 = arith.addi %mul3A_2, %mul3A_375 : i32
        %dma_wait3A_377 = tpu.memref_slice %arg3[%add3A_376] : memref<320000xi32, #tpu.memory_space<hbm>> -> memref<80xi32, #tpu.memory_space<hbm>>
        %dma_wait3A_378 = tpu.memref_slice %arg3[%add3A_376] : memref<320000xi32, #tpu.memory_space<hbm>> -> memref<80xi32, #tpu.memory_space<hbm>>
        tpu.wait_dma2 semaphore(%arg28 : memref<!tpu.dma_semaphore, #tpu.memory_space<semaphore_mem>>) src(%dma_wait3A_378 : memref<80xi32, #tpu.memory_space<hbm>>) dst(%arg7 : memref<80xi32, #tpu.memory_space<vmem>>)
        %dma_start3A_379 = arith.constant 0 : i32
        %dma_start3A_380 = arith.constant 0 : i32
        %dma_start3A_381 = tpu.memref_slice %arg2[%dma_start3A_379, %dma_start3A_380] : memref<10000x128xf32, #tpu.memory_space<hbm>> -> memref<10000x128xf32, #tpu.memory_space<hbm>>
        tpu.enqueue_indirect_dma source(%dma_start3A_381 : memref<10000x128xf32, #tpu.memory_space<hbm>>) target(%arg23 : memref<80x128xf32, #tpu.memory_space<vmem>>) offsets(%arg7 : memref<80xi32, #tpu.memory_space<vmem>>) semaphore(%arg44 : memref<!tpu.dma_semaphore, #tpu.memory_space<semaphore_mem>>)
      } else {
      }
      %lt3A_333 = arith.constant 125 : i32
      %lt3A_334 = arith.cmpi slt, %add3A_325, %lt3A_333 : i32
      %convert_element_type3A_335 = arith.extui %lt3A_334 : i1 to i32
      %cond3A_336 = arith.constant 0 : i32
      %cond3A_337 = arith.cmpi ne, %convert_element_type3A_335, %cond3A_336 : i32
      scf.if %cond3A_337 {
        %dma_wait3A_352 = arith.constant 0 : i32
        %dma_wait3A_353 = arith.constant 0 : i32
        %dma_wait3A_354 = tpu.memref_slice %arg2[%dma_wait3A_352, %dma_wait3A_353] : memref<10000x128xf32, #tpu.memory_space<hbm>> -> memref<10000x128xf32, #tpu.memory_space<hbm>>
        tpu.wait_indirect_dma semaphore(%arg46 : memref<!tpu.dma_semaphore, #tpu.memory_space<semaphore_mem>>) src(%dma_wait3A_354 : memref<10000x128xf32, #tpu.memory_space<hbm>>) dst(%arg25 : memref<80x128xf32, #tpu.memory_space<vmem>>)
        %mul3A_355 = arith.constant 80 : i32
        %mul3A_356 = arith.muli %add3A_325, %mul3A_355 : i32
        %add3A_357 = arith.addi %mul3A_2, %mul3A_356 : i32
        %dma_wait3A_358 = tpu.memref_slice %arg5[%add3A_357] : memref<320000xf32, #tpu.memory_space<hbm>> -> memref<80xf32, #tpu.memory_space<hbm>>
        %dma_wait3A_359 = tpu.memref_slice %arg5[%add3A_357] : memref<320000xf32, #tpu.memory_space<hbm>> -> memref<80xf32, #tpu.memory_space<hbm>>
        tpu.wait_dma2 semaphore(%arg42 : memref<!tpu.dma_semaphore, #tpu.memory_space<semaphore_mem>>) src(%dma_wait3A_359 : memref<80xf32, #tpu.memory_space<hbm>>) dst(%arg21 : memref<80xf32, #tpu.memory_space<vmem>>)
        %scan3A_360 = arith.constant 0 : i32
        %scan3A_361 = arith.constant 10 : i32
        %scan3A_362 = arith.addi %scan3A_360, %scan3A_361 : i32
        %scan3A_363 = arith.constant 1 : i32
        scf.for %scan3A_403 = %scan3A_360 to %scan3A_362 step %scan3A_363  : i32 {
          %mul3A_404 = arith.constant 4 : i32
          %mul3A_405 = arith.muli %scan3A_403, %mul3A_404 : i32
          %add3A_406 = arith.constant 0 : i32
          %add3A_407 = arith.addi %add3A_406, %mul3A_405 : i32
          %add3A_408 = arith.constant 0 : i32
          %add3A_409 = arith.addi %add3A_407, %add3A_408 : i32
          %broadcast_in_dim3A_410 = vector.broadcast %add3A_409 : i32 to vector<16xi32>
          %gather3A = tpu.vector_load_idx %arg21[%broadcast_in_dim3A_410] : memref<80xf32, #tpu.memory_space<vmem>>[vector<16xi32>], vector<16xf32>,
          %get3A = arith.index_cast %add3A_409 : i32 to index
          %get3A_411 = arith.constant 0 : index
          %get3A_412 = tpu.vector_load %arg25[%get3A, %get3A_411] {strides = array<i32>} : memref<80x128xf32, #tpu.memory_space<vmem>>, vector<16xf32>,
          %mul3A_413 = arith.mulf %get3A_412, %gather3A : vector<16xf32>
          %swap3A = arith.index_cast %add3A_409 : i32 to index
          %swap3A_414 = arith.constant 0 : index
          %swap3A_415 = tpu.vector_load %arg25[%swap3A, %swap3A_414] {strides = array<i32>} : memref<80x128xf32, #tpu.memory_space<vmem>>, vector<16xf32>,
          tpu.vector_store %arg25[%swap3A, %swap3A_414], %mul3A_413 {strides = array<i32>} : memref<80x128xf32, #tpu.memory_space<vmem>>, vector<16xf32>,
          %get3A_416 = arith.index_cast %add3A_409 : i32 to index
          %get3A_417 = arith.constant 16 : index
          %get3A_418 = tpu.vector_load %arg25[%get3A_416, %get3A_417] {strides = array<i32>} : memref<80x128xf32, #tpu.memory_space<vmem>>, vector<16xf32>,
          %mul3A_419 = arith.mulf %get3A_418, %gather3A : vector<16xf32>
          %swap3A_420 = arith.index_cast %add3A_409 : i32 to index
          %swap3A_421 = arith.constant 16 : index
          %swap3A_422 = tpu.vector_load %arg25[%swap3A_420, %swap3A_421] {strides = array<i32>} : memref<80x128xf32, #tpu.memory_space<vmem>>, vector<16xf32>,
          tpu.vector_store %arg25[%swap3A_420, %swap3A_421], %mul3A_419 {strides = array<i32>} : memref<80x128xf32, #tpu.memory_space<vmem>>, vector<16xf32>,
          %get3A_423 = arith.index_cast %add3A_409 : i32 to index
          %get3A_424 = arith.constant 32 : index
          %get3A_425 = tpu.vector_load %arg25[%get3A_423, %get3A_424] {strides = array<i32>} : memref<80x128xf32, #tpu.memory_space<vmem>>, vector<16xf32>,
          %mul3A_426 = arith.mulf %get3A_425, %gather3A : vector<16xf32>
          %swap3A_427 = arith.index_cast %add3A_409 : i32 to index
          %swap3A_428 = arith.constant 32 : index
          %swap3A_429 = tpu.vector_load %arg25[%swap3A_427, %swap3A_428] {strides = array<i32>} : memref<80x128xf32, #tpu.memory_space<vmem>>, vector<16xf32>,
          tpu.vector_store %arg25[%swap3A_427, %swap3A_428], %mul3A_426 {strides = array<i32>} : memref<80x128xf32, #tpu.memory_space<vmem>>, vector<16xf32>,
          %get3A_430 = arith.index_cast %add3A_409 : i32 to index
          %get3A_431 = arith.constant 48 : index
          %get3A_432 = tpu.vector_load %arg25[%get3A_430, %get3A_431] {strides = array<i32>} : memref<80x128xf32, #tpu.memory_space<vmem>>, vector<16xf32>,
          %mul3A_433 = arith.mulf %get3A_432, %gather3A : vector<16xf32>
          %swap3A_434 = arith.index_cast %add3A_409 : i32 to index
          %swap3A_435 = arith.constant 48 : index
          %swap3A_436 = tpu.vector_load %arg25[%swap3A_434, %swap3A_435] {strides = array<i32>} : memref<80x128xf32, #tpu.memory_space<vmem>>, vector<16xf32>,
          tpu.vector_store %arg25[%swap3A_434, %swap3A_435], %mul3A_433 {strides = array<i32>} : memref<80x128xf32, #tpu.memory_space<vmem>>, vector<16xf32>,
          %get3A_437 = arith.index_cast %add3A_409 : i32 to index
          %get3A_438 = arith.constant 64 : index
          %get3A_439 = tpu.vector_load %arg25[%get3A_437, %get3A_438] {strides = array<i32>} : memref<80x128xf32, #tpu.memory_space<vmem>>, vector<16xf32>,
          %mul3A_440 = arith.mulf %get3A_439, %gather3A : vector<16xf32>
          %swap3A_441 = arith.index_cast %add3A_409 : i32 to index
          %swap3A_442 = arith.constant 64 : index
          %swap3A_443 = tpu.vector_load %arg25[%swap3A_441, %swap3A_442] {strides = array<i32>} : memref<80x128xf32, #tpu.memory_space<vmem>>, vector<16xf32>,
          tpu.vector_store %arg25[%swap3A_441, %swap3A_442], %mul3A_440 {strides = array<i32>} : memref<80x128xf32, #tpu.memory_space<vmem>>, vector<16xf32>,
          %get3A_444 = arith.index_cast %add3A_409 : i32 to index
          %get3A_445 = arith.constant 80 : index
          %get3A_446 = tpu.vector_load %arg25[%get3A_444, %get3A_445] {strides = array<i32>} : memref<80x128xf32, #tpu.memory_space<vmem>>, vector<16xf32>,
          %mul3A_447 = arith.mulf %get3A_446, %gather3A : vector<16xf32>
          %swap3A_448 = arith.index_cast %add3A_409 : i32 to index
          %swap3A_449 = arith.constant 80 : index
          %swap3A_450 = tpu.vector_load %arg25[%swap3A_448, %swap3A_449] {strides = array<i32>} : memref<80x128xf32, #tpu.memory_space<vmem>>, vector<16xf32>,
          tpu.vector_store %arg25[%swap3A_448, %swap3A_449], %mul3A_447 {strides = array<i32>} : memref<80x128xf32, #tpu.memory_space<vmem>>, vector<16xf32>,
          %get3A_451 = arith.index_cast %add3A_409 : i32 to index
          %get3A_452 = arith.constant 96 : index
          %get3A_453 = tpu.vector_load %arg25[%get3A_451, %get3A_452] {strides = array<i32>} : memref<80x128xf32, #tpu.memory_space<vmem>>, vector<16xf32>,
          %mul3A_454 = arith.mulf %get3A_453, %gather3A : vector<16xf32>
          %swap3A_455 = arith.index_cast %add3A_409 : i32 to index
          %swap3A_456 = arith.constant 96 : index
          %swap3A_457 = tpu.vector_load %arg25[%swap3A_455, %swap3A_456] {strides = array<i32>} : memref<80x128xf32, #tpu.memory_space<vmem>>, vector<16xf32>,
          tpu.vector_store %arg25[%swap3A_455, %swap3A_456], %mul3A_454 {strides = array<i32>} : memref<80x128xf32, #tpu.memory_space<vmem>>, vector<16xf32>,
          %get3A_458 = arith.index_cast %add3A_409 : i32 to index
          %get3A_459 = arith.constant 112 : index
          %get3A_460 = tpu.vector_load %arg25[%get3A_458, %get3A_459] {strides = array<i32>} : memref<80x128xf32, #tpu.memory_space<vmem>>, vector<16xf32>,
          %mul3A_461 = arith.mulf %get3A_460, %gather3A : vector<16xf32>
          %swap3A_462 = arith.index_cast %add3A_409 : i32 to index
          %swap3A_463 = arith.constant 112 : index
          %swap3A_464 = tpu.vector_load %arg25[%swap3A_462, %swap3A_463] {strides = array<i32>} : memref<80x128xf32, #tpu.memory_space<vmem>>, vector<16xf32>,
          tpu.vector_store %arg25[%swap3A_462, %swap3A_463], %mul3A_461 {strides = array<i32>} : memref<80x128xf32, #tpu.memory_space<vmem>>, vector<16xf32>,
          %add3A_465 = arith.constant 1 : i32
          %add3A_466 = arith.addi %add3A_407, %add3A_465 : i32
          %broadcast_in_dim3A_467 = vector.broadcast %add3A_466 : i32 to vector<16xi32>
          %gather3A_468 = tpu.vector_load_idx %arg21[%broadcast_in_dim3A_467] : memref<80xf32, #tpu.memory_space<vmem>>[vector<16xi32>], vector<16xf32>,
          %get3A_469 = arith.index_cast %add3A_466 : i32 to index
          %get3A_470 = arith.constant 0 : index
          %get3A_471 = tpu.vector_load %arg25[%get3A_469, %get3A_470] {strides = array<i32>} : memref<80x128xf32, #tpu.memory_space<vmem>>, vector<16xf32>,
          %mul3A_472 = arith.mulf %get3A_471, %gather3A_468 : vector<16xf32>
          %swap3A_473 = arith.index_cast %add3A_466 : i32 to index
          %swap3A_474 = arith.constant 0 : index
          %swap3A_475 = tpu.vector_load %arg25[%swap3A_473, %swap3A_474] {strides = array<i32>} : memref<80x128xf32, #tpu.memory_space<vmem>>, vector<16xf32>,
          tpu.vector_store %arg25[%swap3A_473, %swap3A_474], %mul3A_472 {strides = array<i32>} : memref<80x128xf32, #tpu.memory_space<vmem>>, vector<16xf32>,
          %get3A_476 = arith.index_cast %add3A_466 : i32 to index
          %get3A_477 = arith.constant 16 : index
          %get3A_478 = tpu.vector_load %arg25[%get3A_476, %get3A_477] {strides = array<i32>} : memref<80x128xf32, #tpu.memory_space<vmem>>, vector<16xf32>,
          %mul3A_479 = arith.mulf %get3A_478, %gather3A_468 : vector<16xf32>
          %swap3A_480 = arith.index_cast %add3A_466 : i32 to index
          %swap3A_481 = arith.constant 16 : index
          %swap3A_482 = tpu.vector_load %arg25[%swap3A_480, %swap3A_481] {strides = array<i32>} : memref<80x128xf32, #tpu.memory_space<vmem>>, vector<16xf32>,
          tpu.vector_store %arg25[%swap3A_480, %swap3A_481], %mul3A_479 {strides = array<i32>} : memref<80x128xf32, #tpu.memory_space<vmem>>, vector<16xf32>,
          %get3A_483 = arith.index_cast %add3A_466 : i32 to index
          %get3A_484 = arith.constant 32 : index
          %get3A_485 = tpu.vector_load %arg25[%get3A_483, %get3A_484] {strides = array<i32>} : memref<80x128xf32, #tpu.memory_space<vmem>>, vector<16xf32>,
          %mul3A_486 = arith.mulf %get3A_485, %gather3A_468 : vector<16xf32>
          %swap3A_487 = arith.index_cast %add3A_466 : i32 to index
          %swap3A_488 = arith.constant 32 : index
          %swap3A_489 = tpu.vector_load %arg25[%swap3A_487, %swap3A_488] {strides = array<i32>} : memref<80x128xf32, #tpu.memory_space<vmem>>, vector<16xf32>,
          tpu.vector_store %arg25[%swap3A_487, %swap3A_488], %mul3A_486 {strides = array<i32>} : memref<80x128xf32, #tpu.memory_space<vmem>>, vector<16xf32>,
          %get3A_490 = arith.index_cast %add3A_466 : i32 to index
          %get3A_491 = arith.constant 48 : index
          %get3A_492 = tpu.vector_load %arg25[%get3A_490, %get3A_491] {strides = array<i32>} : memref<80x128xf32, #tpu.memory_space<vmem>>, vector<16xf32>,
          %mul3A_493 = arith.mulf %get3A_492, %gather3A_468 : vector<16xf32>
          %swap3A_494 = arith.index_cast %add3A_466 : i32 to index
          %swap3A_495 = arith.constant 48 : index
          %swap3A_496 = tpu.vector_load %arg25[%swap3A_494, %swap3A_495] {strides = array<i32>} : memref<80x128xf32, #tpu.memory_space<vmem>>, vector<16xf32>,
          tpu.vector_store %arg25[%swap3A_494, %swap3A_495], %mul3A_493 {strides = array<i32>} : memref<80x128xf32, #tpu.memory_space<vmem>>, vector<16xf32>,
          %get3A_497 = arith.index_cast %add3A_466 : i32 to index
          %get3A_498 = arith.constant 64 : index
          %get3A_499 = tpu.vector_load %arg25[%get3A_497, %get3A_498] {strides = array<i32>} : memref<80x128xf32, #tpu.memory_space<vmem>>, vector<16xf32>,
          %mul3A_500 = arith.mulf %get3A_499, %gather3A_468 : vector<16xf32>
          %swap3A_501 = arith.index_cast %add3A_466 : i32 to index
          %swap3A_502 = arith.constant 64 : index
          %swap3A_503 = tpu.vector_load %arg25[%swap3A_501, %swap3A_502] {strides = array<i32>} : memref<80x128xf32, #tpu.memory_space<vmem>>, vector<16xf32>,
          tpu.vector_store %arg25[%swap3A_501, %swap3A_502], %mul3A_500 {strides = array<i32>} : memref<80x128xf32, #tpu.memory_space<vmem>>, vector<16xf32>,
          %get3A_504 = arith.index_cast %add3A_466 : i32 to index
          %get3A_505 = arith.constant 80 : index
          %get3A_506 = tpu.vector_load %arg25[%get3A_504, %get3A_505] {strides = array<i32>} : memref<80x128xf32, #tpu.memory_space<vmem>>, vector<16xf32>,
          %mul3A_507 = arith.mulf %get3A_506, %gather3A_468 : vector<16xf32>
          %swap3A_508 = arith.index_cast %add3A_466 : i32 to index
          %swap3A_509 = arith.constant 80 : index
          %swap3A_510 = tpu.vector_load %arg25[%swap3A_508, %swap3A_509] {strides = array<i32>} : memref<80x128xf32, #tpu.memory_space<vmem>>, vector<16xf32>,
          tpu.vector_store %arg25[%swap3A_508, %swap3A_509], %mul3A_507 {strides = array<i32>} : memref<80x128xf32, #tpu.memory_space<vmem>>, vector<16xf32>,
          %get3A_511 = arith.index_cast %add3A_466 : i32 to index
          %get3A_512 = arith.constant 96 : index
          %get3A_513 = tpu.vector_load %arg25[%get3A_511, %get3A_512] {strides = array<i32>} : memref<80x128xf32, #tpu.memory_space<vmem>>, vector<16xf32>,
          %mul3A_514 = arith.mulf %get3A_513, %gather3A_468 : vector<16xf32>
          %swap3A_515 = arith.index_cast %add3A_466 : i32 to index
          %swap3A_516 = arith.constant 96 : index
          %swap3A_517 = tpu.vector_load %arg25[%swap3A_515, %swap3A_516] {strides = array<i32>} : memref<80x128xf32, #tpu.memory_space<vmem>>, vector<16xf32>,
          tpu.vector_store %arg25[%swap3A_515, %swap3A_516], %mul3A_514 {strides = array<i32>} : memref<80x128xf32, #tpu.memory_space<vmem>>, vector<16xf32>,
          %get3A_518 = arith.index_cast %add3A_466 : i32 to index
          %get3A_519 = arith.constant 112 : index
          %get3A_520 = tpu.vector_load %arg25[%get3A_518, %get3A_519] {strides = array<i32>} : memref<80x128xf32, #tpu.memory_space<vmem>>, vector<16xf32>,
          %mul3A_521 = arith.mulf %get3A_520, %gather3A_468 : vector<16xf32>
          %swap3A_522 = arith.index_cast %add3A_466 : i32 to index
          %swap3A_523 = arith.constant 112 : index
          %swap3A_524 = tpu.vector_load %arg25[%swap3A_522, %swap3A_523] {strides = array<i32>} : memref<80x128xf32, #tpu.memory_space<vmem>>, vector<16xf32>,
          tpu.vector_store %arg25[%swap3A_522, %swap3A_523], %mul3A_521 {strides = array<i32>} : memref<80x128xf32, #tpu.memory_space<vmem>>, vector<16xf32>,
          %add3A_525 = arith.constant 2 : i32
          %add3A_526 = arith.addi %add3A_407, %add3A_525 : i32
          %broadcast_in_dim3A_527 = vector.broadcast %add3A_526 : i32 to vector<16xi32>
          %gather3A_528 = tpu.vector_load_idx %arg21[%broadcast_in_dim3A_527] : memref<80xf32, #tpu.memory_space<vmem>>[vector<16xi32>], vector<16xf32>,
          %get3A_529 = arith.index_cast %add3A_526 : i32 to index
          %get3A_530 = arith.constant 0 : index
          %get3A_531 = tpu.vector_load %arg25[%get3A_529, %get3A_530] {strides = array<i32>} : memref<80x128xf32, #tpu.memory_space<vmem>>, vector<16xf32>,
          %mul3A_532 = arith.mulf %get3A_531, %gather3A_528 : vector<16xf32>
          %swap3A_533 = arith.index_cast %add3A_526 : i32 to index
          %swap3A_534 = arith.constant 0 : index
          %swap3A_535 = tpu.vector_load %arg25[%swap3A_533, %swap3A_534] {strides = array<i32>} : memref<80x128xf32, #tpu.memory_space<vmem>>, vector<16xf32>,
          tpu.vector_store %arg25[%swap3A_533, %swap3A_534], %mul3A_532 {strides = array<i32>} : memref<80x128xf32, #tpu.memory_space<vmem>>, vector<16xf32>,
          %get3A_536 = arith.index_cast %add3A_526 : i32 to index
          %get3A_537 = arith.constant 16 : index
          %get3A_538 = tpu.vector_load %arg25[%get3A_536, %get3A_537] {strides = array<i32>} : memref<80x128xf32, #tpu.memory_space<vmem>>, vector<16xf32>,
          %mul3A_539 = arith.mulf %get3A_538, %gather3A_528 : vector<16xf32>
          %swap3A_540 = arith.index_cast %add3A_526 : i32 to index
          %swap3A_541 = arith.constant 16 : index
          %swap3A_542 = tpu.vector_load %arg25[%swap3A_540, %swap3A_541] {strides = array<i32>} : memref<80x128xf32, #tpu.memory_space<vmem>>, vector<16xf32>,
          tpu.vector_store %arg25[%swap3A_540, %swap3A_541], %mul3A_539 {strides = array<i32>} : memref<80x128xf32, #tpu.memory_space<vmem>>, vector<16xf32>,
          %get3A_543 = arith.index_cast %add3A_526 : i32 to index
          %get3A_544 = arith.constant 32 : index
          %get3A_545 = tpu.vector_load %arg25[%get3A_543, %get3A_544] {strides = array<i32>} : memref<80x128xf32, #tpu.memory_space<vmem>>, vector<16xf32>,
          %mul3A_546 = arith.mulf %get3A_545, %gather3A_528 : vector<16xf32>
          %swap3A_547 = arith.index_cast %add3A_526 : i32 to index
          %swap3A_548 = arith.constant 32 : index
          %swap3A_549 = tpu.vector_load %arg25[%swap3A_547, %swap3A_548] {strides = array<i32>} : memref<80x128xf32, #tpu.memory_space<vmem>>, vector<16xf32>,
          tpu.vector_store %arg25[%swap3A_547, %swap3A_548], %mul3A_546 {strides = array<i32>} : memref<80x128xf32, #tpu.memory_space<vmem>>, vector<16xf32>,
          %get3A_550 = arith.index_cast %add3A_526 : i32 to index
          %get3A_551 = arith.constant 48 : index
          %get3A_552 = tpu.vector_load %arg25[%get3A_550, %get3A_551] {strides = array<i32>} : memref<80x128xf32, #tpu.memory_space<vmem>>, vector<16xf32>,
          %mul3A_553 = arith.mulf %get3A_552, %gather3A_528 : vector<16xf32>
          %swap3A_554 = arith.index_cast %add3A_526 : i32 to index
          %swap3A_555 = arith.constant 48 : index
          %swap3A_556 = tpu.vector_load %arg25[%swap3A_554, %swap3A_555] {strides = array<i32>} : memref<80x128xf32, #tpu.memory_space<vmem>>, vector<16xf32>,
          tpu.vector_store %arg25[%swap3A_554, %swap3A_555], %mul3A_553 {strides = array<i32>} : memref<80x128xf32, #tpu.memory_space<vmem>>, vector<16xf32>,
          %get3A_557 = arith.index_cast %add3A_526 : i32 to index
          %get3A_558 = arith.constant 64 : index
          %get3A_559 = tpu.vector_load %arg25[%get3A_557, %get3A_558] {strides = array<i32>} : memref<80x128xf32, #tpu.memory_space<vmem>>, vector<16xf32>,
          %mul3A_560 = arith.mulf %get3A_559, %gather3A_528 : vector<16xf32>
          %swap3A_561 = arith.index_cast %add3A_526 : i32 to index
          %swap3A_562 = arith.constant 64 : index
          %swap3A_563 = tpu.vector_load %arg25[%swap3A_561, %swap3A_562] {strides = array<i32>} : memref<80x128xf32, #tpu.memory_space<vmem>>, vector<16xf32>,
          tpu.vector_store %arg25[%swap3A_561, %swap3A_562], %mul3A_560 {strides = array<i32>} : memref<80x128xf32, #tpu.memory_space<vmem>>, vector<16xf32>,
          %get3A_564 = arith.index_cast %add3A_526 : i32 to index
          %get3A_565 = arith.constant 80 : index
          %get3A_566 = tpu.vector_load %arg25[%get3A_564, %get3A_565] {strides = array<i32>} : memref<80x128xf32, #tpu.memory_space<vmem>>, vector<16xf32>,
          %mul3A_567 = arith.mulf %get3A_566, %gather3A_528 : vector<16xf32>
          %swap3A_568 = arith.index_cast %add3A_526 : i32 to index
          %swap3A_569 = arith.constant 80 : index
          %swap3A_570 = tpu.vector_load %arg25[%swap3A_568, %swap3A_569] {strides = array<i32>} : memref<80x128xf32, #tpu.memory_space<vmem>>, vector<16xf32>,
          tpu.vector_store %arg25[%swap3A_568, %swap3A_569], %mul3A_567 {strides = array<i32>} : memref<80x128xf32, #tpu.memory_space<vmem>>, vector<16xf32>,
          %get3A_571 = arith.index_cast %add3A_526 : i32 to index
          %get3A_572 = arith.constant 96 : index
          %get3A_573 = tpu.vector_load %arg25[%get3A_571, %get3A_572] {strides = array<i32>} : memref<80x128xf32, #tpu.memory_space<vmem>>, vector<16xf32>,
          %mul3A_574 = arith.mulf %get3A_573, %gather3A_528 : vector<16xf32>
          %swap3A_575 = arith.index_cast %add3A_526 : i32 to index
          %swap3A_576 = arith.constant 96 : index
          %swap3A_577 = tpu.vector_load %arg25[%swap3A_575, %swap3A_576] {strides = array<i32>} : memref<80x128xf32, #tpu.memory_space<vmem>>, vector<16xf32>,
          tpu.vector_store %arg25[%swap3A_575, %swap3A_576], %mul3A_574 {strides = array<i32>} : memref<80x128xf32, #tpu.memory_space<vmem>>, vector<16xf32>,
          %get3A_578 = arith.index_cast %add3A_526 : i32 to index
          %get3A_579 = arith.constant 112 : index
          %get3A_580 = tpu.vector_load %arg25[%get3A_578, %get3A_579] {strides = array<i32>} : memref<80x128xf32, #tpu.memory_space<vmem>>, vector<16xf32>,
          %mul3A_581 = arith.mulf %get3A_580, %gather3A_528 : vector<16xf32>
          %swap3A_582 = arith.index_cast %add3A_526 : i32 to index
          %swap3A_583 = arith.constant 112 : index
          %swap3A_584 = tpu.vector_load %arg25[%swap3A_582, %swap3A_583] {strides = array<i32>} : memref<80x128xf32, #tpu.memory_space<vmem>>, vector<16xf32>,
          tpu.vector_store %arg25[%swap3A_582, %swap3A_583], %mul3A_581 {strides = array<i32>} : memref<80x128xf32, #tpu.memory_space<vmem>>, vector<16xf32>,
          %add3A_585 = arith.constant 3 : i32
          %add3A_586 = arith.addi %add3A_407, %add3A_585 : i32
          %broadcast_in_dim3A_587 = vector.broadcast %add3A_586 : i32 to vector<16xi32>
          %gather3A_588 = tpu.vector_load_idx %arg21[%broadcast_in_dim3A_587] : memref<80xf32, #tpu.memory_space<vmem>>[vector<16xi32>], vector<16xf32>,
          %get3A_589 = arith.index_cast %add3A_586 : i32 to index
          %get3A_590 = arith.constant 0 : index
          %get3A_591 = tpu.vector_load %arg25[%get3A_589, %get3A_590] {strides = array<i32>} : memref<80x128xf32, #tpu.memory_space<vmem>>, vector<16xf32>,
          %mul3A_592 = arith.mulf %get3A_591, %gather3A_588 : vector<16xf32>
          %swap3A_593 = arith.index_cast %add3A_586 : i32 to index
          %swap3A_594 = arith.constant 0 : index
          %swap3A_595 = tpu.vector_load %arg25[%swap3A_593, %swap3A_594] {strides = array<i32>} : memref<80x128xf32, #tpu.memory_space<vmem>>, vector<16xf32>,
          tpu.vector_store %arg25[%swap3A_593, %swap3A_594], %mul3A_592 {strides = array<i32>} : memref<80x128xf32, #tpu.memory_space<vmem>>, vector<16xf32>,
          %get3A_596 = arith.index_cast %add3A_586 : i32 to index
          %get3A_597 = arith.constant 16 : index
          %get3A_598 = tpu.vector_load %arg25[%get3A_596, %get3A_597] {strides = array<i32>} : memref<80x128xf32, #tpu.memory_space<vmem>>, vector<16xf32>,
          %mul3A_599 = arith.mulf %get3A_598, %gather3A_588 : vector<16xf32>
          %swap3A_600 = arith.index_cast %add3A_586 : i32 to index
          %swap3A_601 = arith.constant 16 : index
          %swap3A_602 = tpu.vector_load %arg25[%swap3A_600, %swap3A_601] {strides = array<i32>} : memref<80x128xf32, #tpu.memory_space<vmem>>, vector<16xf32>,
          tpu.vector_store %arg25[%swap3A_600, %swap3A_601], %mul3A_599 {strides = array<i32>} : memref<80x128xf32, #tpu.memory_space<vmem>>, vector<16xf32>,
          %get3A_603 = arith.index_cast %add3A_586 : i32 to index
          %get3A_604 = arith.constant 32 : index
          %get3A_605 = tpu.vector_load %arg25[%get3A_603, %get3A_604] {strides = array<i32>} : memref<80x128xf32, #tpu.memory_space<vmem>>, vector<16xf32>,
          %mul3A_606 = arith.mulf %get3A_605, %gather3A_588 : vector<16xf32>
          %swap3A_607 = arith.index_cast %add3A_586 : i32 to index
          %swap3A_608 = arith.constant 32 : index
          %swap3A_609 = tpu.vector_load %arg25[%swap3A_607, %swap3A_608] {strides = array<i32>} : memref<80x128xf32, #tpu.memory_space<vmem>>, vector<16xf32>,
          tpu.vector_store %arg25[%swap3A_607, %swap3A_608], %mul3A_606 {strides = array<i32>} : memref<80x128xf32, #tpu.memory_space<vmem>>, vector<16xf32>,
          %get3A_610 = arith.index_cast %add3A_586 : i32 to index
          %get3A_611 = arith.constant 48 : index
          %get3A_612 = tpu.vector_load %arg25[%get3A_610, %get3A_611] {strides = array<i32>} : memref<80x128xf32, #tpu.memory_space<vmem>>, vector<16xf32>,
          %mul3A_613 = arith.mulf %get3A_612, %gather3A_588 : vector<16xf32>
          %swap3A_614 = arith.index_cast %add3A_586 : i32 to index
          %swap3A_615 = arith.constant 48 : index
          %swap3A_616 = tpu.vector_load %arg25[%swap3A_614, %swap3A_615] {strides = array<i32>} : memref<80x128xf32, #tpu.memory_space<vmem>>, vector<16xf32>,
          tpu.vector_store %arg25[%swap3A_614, %swap3A_615], %mul3A_613 {strides = array<i32>} : memref<80x128xf32, #tpu.memory_space<vmem>>, vector<16xf32>,
          %get3A_617 = arith.index_cast %add3A_586 : i32 to index
          %get3A_618 = arith.constant 64 : index
          %get3A_619 = tpu.vector_load %arg25[%get3A_617, %get3A_618] {strides = array<i32>} : memref<80x128xf32, #tpu.memory_space<vmem>>, vector<16xf32>,
          %mul3A_620 = arith.mulf %get3A_619, %gather3A_588 : vector<16xf32>
          %swap3A_621 = arith.index_cast %add3A_586 : i32 to index
          %swap3A_622 = arith.constant 64 : index
          %swap3A_623 = tpu.vector_load %arg25[%swap3A_621, %swap3A_622] {strides = array<i32>} : memref<80x128xf32, #tpu.memory_space<vmem>>, vector<16xf32>,
          tpu.vector_store %arg25[%swap3A_621, %swap3A_622], %mul3A_620 {strides = array<i32>} : memref<80x128xf32, #tpu.memory_space<vmem>>, vector<16xf32>,
          %get3A_624 = arith.index_cast %add3A_586 : i32 to index
          %get3A_625 = arith.constant 80 : index
          %get3A_626 = tpu.vector_load %arg25[%get3A_624, %get3A_625] {strides = array<i32>} : memref<80x128xf32, #tpu.memory_space<vmem>>, vector<16xf32>,
          %mul3A_627 = arith.mulf %get3A_626, %gather3A_588 : vector<16xf32>
          %swap3A_628 = arith.index_cast %add3A_586 : i32 to index
          %swap3A_629 = arith.constant 80 : index
          %swap3A_630 = tpu.vector_load %arg25[%swap3A_628, %swap3A_629] {strides = array<i32>} : memref<80x128xf32, #tpu.memory_space<vmem>>, vector<16xf32>,
          tpu.vector_store %arg25[%swap3A_628, %swap3A_629], %mul3A_627 {strides = array<i32>} : memref<80x128xf32, #tpu.memory_space<vmem>>, vector<16xf32>,
          %get3A_631 = arith.index_cast %add3A_586 : i32 to index
          %get3A_632 = arith.constant 96 : index
          %get3A_633 = tpu.vector_load %arg25[%get3A_631, %get3A_632] {strides = array<i32>} : memref<80x128xf32, #tpu.memory_space<vmem>>, vector<16xf32>,
          %mul3A_634 = arith.mulf %get3A_633, %gather3A_588 : vector<16xf32>
          %swap3A_635 = arith.index_cast %add3A_586 : i32 to index
          %swap3A_636 = arith.constant 96 : index
          %swap3A_637 = tpu.vector_load %arg25[%swap3A_635, %swap3A_636] {strides = array<i32>} : memref<80x128xf32, #tpu.memory_space<vmem>>, vector<16xf32>,
          tpu.vector_store %arg25[%swap3A_635, %swap3A_636], %mul3A_634 {strides = array<i32>} : memref<80x128xf32, #tpu.memory_space<vmem>>, vector<16xf32>,
          %get3A_638 = arith.index_cast %add3A_586 : i32 to index
          %get3A_639 = arith.constant 112 : index
          %get3A_640 = tpu.vector_load %arg25[%get3A_638, %get3A_639] {strides = array<i32>} : memref<80x128xf32, #tpu.memory_space<vmem>>, vector<16xf32>,
          %mul3A_641 = arith.mulf %get3A_640, %gather3A_588 : vector<16xf32>
          %swap3A_642 = arith.index_cast %add3A_586 : i32 to index
          %swap3A_643 = arith.constant 112 : index
          %swap3A_644 = tpu.vector_load %arg25[%swap3A_642, %swap3A_643] {strides = array<i32>} : memref<80x128xf32, #tpu.memory_space<vmem>>, vector<16xf32>,
          tpu.vector_store %arg25[%swap3A_642, %swap3A_643], %mul3A_641 {strides = array<i32>} : memref<80x128xf32, #tpu.memory_space<vmem>>, vector<16xf32>,
        }
        %scan3A_364 = arith.constant 10 : i32
        %mul3A_365 = arith.constant 80 : i32
        %mul3A_366 = arith.muli %add3A_325, %mul3A_365 : i32
        %add3A_367 = arith.addi %mul3A_2, %mul3A_366 : i32
        %add3A_368 = arith.constant 0 : i32
        %add3A_369 = arith.addi %add3A_367, %add3A_368 : i32
        %dma_wait3A_370 = tpu.memref_slice %arg4[%add3A_369] : memref<320000xi32, #tpu.memory_space<hbm>> -> memref<40xi32, #tpu.memory_space<hbm>>
        %dma_wait3A_371 = tpu.memref_slice %arg4[%add3A_369] : memref<320000xi32, #tpu.memory_space<hbm>> -> memref<40xi32, #tpu.memory_space<hbm>>
        tpu.wait_dma2 semaphore(%arg36 : memref<!tpu.dma_semaphore, #tpu.memory_space<semaphore_mem>>) src(%dma_wait3A_371 : memref<40xi32, #tpu.memory_space<hbm>>) dst(%arg15 : memref<40xi32, #tpu.memory_space<vmem>>)
        %dma_start3A_372 = arith.constant 0 : i32
        %dma_start3A_373 = arith.constant 0 : i32
        %dma_start3A_374 = tpu.memref_slice %arg25[%dma_start3A_372, %dma_start3A_373] : memref<80x128xf32, #tpu.memory_space<vmem>> -> memref<40x128xf32, #tpu.memory_space<vmem>>
        %dma_start3A_375 = arith.constant 0 : i32
        %dma_start3A_376 = arith.constant 0 : i32
        %dma_start3A_377 = tpu.memref_slice %arg27[%dma_start3A_375, %dma_start3A_376] : memref<10000x128xf32, #tpu.memory_space<vmem_shared>> -> memref<10000x128xf32, #tpu.memory_space<vmem_shared>>
        tpu.enqueue_indirect_dma source(%dma_start3A_374 : memref<40x128xf32, #tpu.memory_space<vmem>>) target(%dma_start3A_377 : memref<10000x128xf32, #tpu.memory_space<vmem_shared>>) offsets(%arg15 : memref<40xi32, #tpu.memory_space<vmem>>) semaphore(%arg52 : memref<!tpu.dma_semaphore, #tpu.memory_space<semaphore_mem>>) {add = true}
        %scan3A_378 = arith.constant 0 : i32
        %scan3A_379 = arith.constant 10 : i32
        %scan3A_380 = arith.addi %scan3A_378, %scan3A_379 : i32
        %scan3A_381 = arith.constant 1 : i32
        scf.for %scan3A_403 = %scan3A_378 to %scan3A_380 step %scan3A_381  : i32 {
          %mul3A_404 = arith.constant 4 : i32
          %mul3A_405 = arith.muli %scan3A_403, %mul3A_404 : i32
          %add3A_406 = arith.constant 40 : i32
          %add3A_407 = arith.addi %add3A_406, %mul3A_405 : i32
          %add3A_408 = arith.constant 0 : i32
          %add3A_409 = arith.addi %add3A_407, %add3A_408 : i32
          %broadcast_in_dim3A_410 = vector.broadcast %add3A_409 : i32 to vector<16xi32>
          %gather3A = tpu.vector_load_idx %arg21[%broadcast_in_dim3A_410] : memref<80xf32, #tpu.memory_space<vmem>>[vector<16xi32>], vector<16xf32>,
          %get3A = arith.index_cast %add3A_409 : i32 to index
          %get3A_411 = arith.constant 0 : index
          %get3A_412 = tpu.vector_load %arg25[%get3A, %get3A_411] {strides = array<i32>} : memref<80x128xf32, #tpu.memory_space<vmem>>, vector<16xf32>,
          %mul3A_413 = arith.mulf %get3A_412, %gather3A : vector<16xf32>
          %swap3A = arith.index_cast %add3A_409 : i32 to index
          %swap3A_414 = arith.constant 0 : index
          %swap3A_415 = tpu.vector_load %arg25[%swap3A, %swap3A_414] {strides = array<i32>} : memref<80x128xf32, #tpu.memory_space<vmem>>, vector<16xf32>,
          tpu.vector_store %arg25[%swap3A, %swap3A_414], %mul3A_413 {strides = array<i32>} : memref<80x128xf32, #tpu.memory_space<vmem>>, vector<16xf32>,
          %get3A_416 = arith.index_cast %add3A_409 : i32 to index
          %get3A_417 = arith.constant 16 : index
          %get3A_418 = tpu.vector_load %arg25[%get3A_416, %get3A_417] {strides = array<i32>} : memref<80x128xf32, #tpu.memory_space<vmem>>, vector<16xf32>,
          %mul3A_419 = arith.mulf %get3A_418, %gather3A : vector<16xf32>
          %swap3A_420 = arith.index_cast %add3A_409 : i32 to index
          %swap3A_421 = arith.constant 16 : index
          %swap3A_422 = tpu.vector_load %arg25[%swap3A_420, %swap3A_421] {strides = array<i32>} : memref<80x128xf32, #tpu.memory_space<vmem>>, vector<16xf32>,
          tpu.vector_store %arg25[%swap3A_420, %swap3A_421], %mul3A_419 {strides = array<i32>} : memref<80x128xf32, #tpu.memory_space<vmem>>, vector<16xf32>,
          %get3A_423 = arith.index_cast %add3A_409 : i32 to index
          %get3A_424 = arith.constant 32 : index
          %get3A_425 = tpu.vector_load %arg25[%get3A_423, %get3A_424] {strides = array<i32>} : memref<80x128xf32, #tpu.memory_space<vmem>>, vector<16xf32>,
          %mul3A_426 = arith.mulf %get3A_425, %gather3A : vector<16xf32>
          %swap3A_427 = arith.index_cast %add3A_409 : i32 to index
          %swap3A_428 = arith.constant 32 : index
          %swap3A_429 = tpu.vector_load %arg25[%swap3A_427, %swap3A_428] {strides = array<i32>} : memref<80x128xf32, #tpu.memory_space<vmem>>, vector<16xf32>,
          tpu.vector_store %arg25[%swap3A_427, %swap3A_428], %mul3A_426 {strides = array<i32>} : memref<80x128xf32, #tpu.memory_space<vmem>>, vector<16xf32>,
          %get3A_430 = arith.index_cast %add3A_409 : i32 to index
          %get3A_431 = arith.constant 48 : index
          %get3A_432 = tpu.vector_load %arg25[%get3A_430, %get3A_431] {strides = array<i32>} : memref<80x128xf32, #tpu.memory_space<vmem>>, vector<16xf32>,
          %mul3A_433 = arith.mulf %get3A_432, %gather3A : vector<16xf32>
          %swap3A_434 = arith.index_cast %add3A_409 : i32 to index
          %swap3A_435 = arith.constant 48 : index
          %swap3A_436 = tpu.vector_load %arg25[%swap3A_434, %swap3A_435] {strides = array<i32>} : memref<80x128xf32, #tpu.memory_space<vmem>>, vector<16xf32>,
          tpu.vector_store %arg25[%swap3A_434, %swap3A_435], %mul3A_433 {strides = array<i32>} : memref<80x128xf32, #tpu.memory_space<vmem>>, vector<16xf32>,
          %get3A_437 = arith.index_cast %add3A_409 : i32 to index
          %get3A_438 = arith.constant 64 : index
          %get3A_439 = tpu.vector_load %arg25[%get3A_437, %get3A_438] {strides = array<i32>} : memref<80x128xf32, #tpu.memory_space<vmem>>, vector<16xf32>,
          %mul3A_440 = arith.mulf %get3A_439, %gather3A : vector<16xf32>
          %swap3A_441 = arith.index_cast %add3A_409 : i32 to index
          %swap3A_442 = arith.constant 64 : index
          %swap3A_443 = tpu.vector_load %arg25[%swap3A_441, %swap3A_442] {strides = array<i32>} : memref<80x128xf32, #tpu.memory_space<vmem>>, vector<16xf32>,
          tpu.vector_store %arg25[%swap3A_441, %swap3A_442], %mul3A_440 {strides = array<i32>} : memref<80x128xf32, #tpu.memory_space<vmem>>, vector<16xf32>,
          %get3A_444 = arith.index_cast %add3A_409 : i32 to index
          %get3A_445 = arith.constant 80 : index
          %get3A_446 = tpu.vector_load %arg25[%get3A_444, %get3A_445] {strides = array<i32>} : memref<80x128xf32, #tpu.memory_space<vmem>>, vector<16xf32>,
          %mul3A_447 = arith.mulf %get3A_446, %gather3A : vector<16xf32>
          %swap3A_448 = arith.index_cast %add3A_409 : i32 to index
          %swap3A_449 = arith.constant 80 : index
          %swap3A_450 = tpu.vector_load %arg25[%swap3A_448, %swap3A_449] {strides = array<i32>} : memref<80x128xf32, #tpu.memory_space<vmem>>, vector<16xf32>,
          tpu.vector_store %arg25[%swap3A_448, %swap3A_449], %mul3A_447 {strides = array<i32>} : memref<80x128xf32, #tpu.memory_space<vmem>>, vector<16xf32>,
          %get3A_451 = arith.index_cast %add3A_409 : i32 to index
          %get3A_452 = arith.constant 96 : index
          %get3A_453 = tpu.vector_load %arg25[%get3A_451, %get3A_452] {strides = array<i32>} : memref<80x128xf32, #tpu.memory_space<vmem>>, vector<16xf32>,
          %mul3A_454 = arith.mulf %get3A_453, %gather3A : vector<16xf32>
          %swap3A_455 = arith.index_cast %add3A_409 : i32 to index
          %swap3A_456 = arith.constant 96 : index
          %swap3A_457 = tpu.vector_load %arg25[%swap3A_455, %swap3A_456] {strides = array<i32>} : memref<80x128xf32, #tpu.memory_space<vmem>>, vector<16xf32>,
          tpu.vector_store %arg25[%swap3A_455, %swap3A_456], %mul3A_454 {strides = array<i32>} : memref<80x128xf32, #tpu.memory_space<vmem>>, vector<16xf32>,
          %get3A_458 = arith.index_cast %add3A_409 : i32 to index
          %get3A_459 = arith.constant 112 : index
          %get3A_460 = tpu.vector_load %arg25[%get3A_458, %get3A_459] {strides = array<i32>} : memref<80x128xf32, #tpu.memory_space<vmem>>, vector<16xf32>,
          %mul3A_461 = arith.mulf %get3A_460, %gather3A : vector<16xf32>
          %swap3A_462 = arith.index_cast %add3A_409 : i32 to index
          %swap3A_463 = arith.constant 112 : index
          %swap3A_464 = tpu.vector_load %arg25[%swap3A_462, %swap3A_463] {strides = array<i32>} : memref<80x128xf32, #tpu.memory_space<vmem>>, vector<16xf32>,
          tpu.vector_store %arg25[%swap3A_462, %swap3A_463], %mul3A_461 {strides = array<i32>} : memref<80x128xf32, #tpu.memory_space<vmem>>, vector<16xf32>,
          %add3A_465 = arith.constant 1 : i32
          %add3A_466 = arith.addi %add3A_407, %add3A_465 : i32
          %broadcast_in_dim3A_467 = vector.broadcast %add3A_466 : i32 to vector<16xi32>
          %gather3A_468 = tpu.vector_load_idx %arg21[%broadcast_in_dim3A_467] : memref<80xf32, #tpu.memory_space<vmem>>[vector<16xi32>], vector<16xf32>,
          %get3A_469 = arith.index_cast %add3A_466 : i32 to index
          %get3A_470 = arith.constant 0 : index
          %get3A_471 = tpu.vector_load %arg25[%get3A_469, %get3A_470] {strides = array<i32>} : memref<80x128xf32, #tpu.memory_space<vmem>>, vector<16xf32>,
          %mul3A_472 = arith.mulf %get3A_471, %gather3A_468 : vector<16xf32>
          %swap3A_473 = arith.index_cast %add3A_466 : i32 to index
          %swap3A_474 = arith.constant 0 : index
          %swap3A_475 = tpu.vector_load %arg25[%swap3A_473, %swap3A_474] {strides = array<i32>} : memref<80x128xf32, #tpu.memory_space<vmem>>, vector<16xf32>,
          tpu.vector_store %arg25[%swap3A_473, %swap3A_474], %mul3A_472 {strides = array<i32>} : memref<80x128xf32, #tpu.memory_space<vmem>>, vector<16xf32>,
          %get3A_476 = arith.index_cast %add3A_466 : i32 to index
          %get3A_477 = arith.constant 16 : index
          %get3A_478 = tpu.vector_load %arg25[%get3A_476, %get3A_477] {strides = array<i32>} : memref<80x128xf32, #tpu.memory_space<vmem>>, vector<16xf32>,
          %mul3A_479 = arith.mulf %get3A_478, %gather3A_468 : vector<16xf32>
          %swap3A_480 = arith.index_cast %add3A_466 : i32 to index
          %swap3A_481 = arith.constant 16 : index
          %swap3A_482 = tpu.vector_load %arg25[%swap3A_480, %swap3A_481] {strides = array<i32>} : memref<80x128xf32, #tpu.memory_space<vmem>>, vector<16xf32>,
          tpu.vector_store %arg25[%swap3A_480, %swap3A_481], %mul3A_479 {strides = array<i32>} : memref<80x128xf32, #tpu.memory_space<vmem>>, vector<16xf32>,
          %get3A_483 = arith.index_cast %add3A_466 : i32 to index
          %get3A_484 = arith.constant 32 : index
          %get3A_485 = tpu.vector_load %arg25[%get3A_483, %get3A_484] {strides = array<i32>} : memref<80x128xf32, #tpu.memory_space<vmem>>, vector<16xf32>,
          %mul3A_486 = arith.mulf %get3A_485, %gather3A_468 : vector<16xf32>
          %swap3A_487 = arith.index_cast %add3A_466 : i32 to index
          %swap3A_488 = arith.constant 32 : index
          %swap3A_489 = tpu.vector_load %arg25[%swap3A_487, %swap3A_488] {strides = array<i32>} : memref<80x128xf32, #tpu.memory_space<vmem>>, vector<16xf32>,
          tpu.vector_store %arg25[%swap3A_487, %swap3A_488], %mul3A_486 {strides = array<i32>} : memref<80x128xf32, #tpu.memory_space<vmem>>, vector<16xf32>,
          %get3A_490 = arith.index_cast %add3A_466 : i32 to index
          %get3A_491 = arith.constant 48 : index
          %get3A_492 = tpu.vector_load %arg25[%get3A_490, %get3A_491] {strides = array<i32>} : memref<80x128xf32, #tpu.memory_space<vmem>>, vector<16xf32>,
          %mul3A_493 = arith.mulf %get3A_492, %gather3A_468 : vector<16xf32>
          %swap3A_494 = arith.index_cast %add3A_466 : i32 to index
          %swap3A_495 = arith.constant 48 : index
          %swap3A_496 = tpu.vector_load %arg25[%swap3A_494, %swap3A_495] {strides = array<i32>} : memref<80x128xf32, #tpu.memory_space<vmem>>, vector<16xf32>,
          tpu.vector_store %arg25[%swap3A_494, %swap3A_495], %mul3A_493 {strides = array<i32>} : memref<80x128xf32, #tpu.memory_space<vmem>>, vector<16xf32>,
          %get3A_497 = arith.index_cast %add3A_466 : i32 to index
          %get3A_498 = arith.constant 64 : index
          %get3A_499 = tpu.vector_load %arg25[%get3A_497, %get3A_498] {strides = array<i32>} : memref<80x128xf32, #tpu.memory_space<vmem>>, vector<16xf32>,
          %mul3A_500 = arith.mulf %get3A_499, %gather3A_468 : vector<16xf32>
          %swap3A_501 = arith.index_cast %add3A_466 : i32 to index
          %swap3A_502 = arith.constant 64 : index
          %swap3A_503 = tpu.vector_load %arg25[%swap3A_501, %swap3A_502] {strides = array<i32>} : memref<80x128xf32, #tpu.memory_space<vmem>>, vector<16xf32>,
          tpu.vector_store %arg25[%swap3A_501, %swap3A_502], %mul3A_500 {strides = array<i32>} : memref<80x128xf32, #tpu.memory_space<vmem>>, vector<16xf32>,
          %get3A_504 = arith.index_cast %add3A_466 : i32 to index
          %get3A_505 = arith.constant 80 : index
          %get3A_506 = tpu.vector_load %arg25[%get3A_504, %get3A_505] {strides = array<i32>} : memref<80x128xf32, #tpu.memory_space<vmem>>, vector<16xf32>,
          %mul3A_507 = arith.mulf %get3A_506, %gather3A_468 : vector<16xf32>
          %swap3A_508 = arith.index_cast %add3A_466 : i32 to index
          %swap3A_509 = arith.constant 80 : index
          %swap3A_510 = tpu.vector_load %arg25[%swap3A_508, %swap3A_509] {strides = array<i32>} : memref<80x128xf32, #tpu.memory_space<vmem>>, vector<16xf32>,
          tpu.vector_store %arg25[%swap3A_508, %swap3A_509], %mul3A_507 {strides = array<i32>} : memref<80x128xf32, #tpu.memory_space<vmem>>, vector<16xf32>,
          %get3A_511 = arith.index_cast %add3A_466 : i32 to index
          %get3A_512 = arith.constant 96 : index
          %get3A_513 = tpu.vector_load %arg25[%get3A_511, %get3A_512] {strides = array<i32>} : memref<80x128xf32, #tpu.memory_space<vmem>>, vector<16xf32>,
          %mul3A_514 = arith.mulf %get3A_513, %gather3A_468 : vector<16xf32>
          %swap3A_515 = arith.index_cast %add3A_466 : i32 to index
          %swap3A_516 = arith.constant 96 : index
          %swap3A_517 = tpu.vector_load %arg25[%swap3A_515, %swap3A_516] {strides = array<i32>} : memref<80x128xf32, #tpu.memory_space<vmem>>, vector<16xf32>,
          tpu.vector_store %arg25[%swap3A_515, %swap3A_516], %mul3A_514 {strides = array<i32>} : memref<80x128xf32, #tpu.memory_space<vmem>>, vector<16xf32>,
          %get3A_518 = arith.index_cast %add3A_466 : i32 to index
          %get3A_519 = arith.constant 112 : index
          %get3A_520 = tpu.vector_load %arg25[%get3A_518, %get3A_519] {strides = array<i32>} : memref<80x128xf32, #tpu.memory_space<vmem>>, vector<16xf32>,
          %mul3A_521 = arith.mulf %get3A_520, %gather3A_468 : vector<16xf32>
          %swap3A_522 = arith.index_cast %add3A_466 : i32 to index
          %swap3A_523 = arith.constant 112 : index
          %swap3A_524 = tpu.vector_load %arg25[%swap3A_522, %swap3A_523] {strides = array<i32>} : memref<80x128xf32, #tpu.memory_space<vmem>>, vector<16xf32>,
          tpu.vector_store %arg25[%swap3A_522, %swap3A_523], %mul3A_521 {strides = array<i32>} : memref<80x128xf32, #tpu.memory_space<vmem>>, vector<16xf32>,
          %add3A_525 = arith.constant 2 : i32
          %add3A_526 = arith.addi %add3A_407, %add3A_525 : i32
          %broadcast_in_dim3A_527 = vector.broadcast %add3A_526 : i32 to vector<16xi32>
          %gather3A_528 = tpu.vector_load_idx %arg21[%broadcast_in_dim3A_527] : memref<80xf32, #tpu.memory_space<vmem>>[vector<16xi32>], vector<16xf32>,
          %get3A_529 = arith.index_cast %add3A_526 : i32 to index
          %get3A_530 = arith.constant 0 : index
          %get3A_531 = tpu.vector_load %arg25[%get3A_529, %get3A_530] {strides = array<i32>} : memref<80x128xf32, #tpu.memory_space<vmem>>, vector<16xf32>,
          %mul3A_532 = arith.mulf %get3A_531, %gather3A_528 : vector<16xf32>
          %swap3A_533 = arith.index_cast %add3A_526 : i32 to index
          %swap3A_534 = arith.constant 0 : index
          %swap3A_535 = tpu.vector_load %arg25[%swap3A_533, %swap3A_534] {strides = array<i32>} : memref<80x128xf32, #tpu.memory_space<vmem>>, vector<16xf32>,
          tpu.vector_store %arg25[%swap3A_533, %swap3A_534], %mul3A_532 {strides = array<i32>} : memref<80x128xf32, #tpu.memory_space<vmem>>, vector<16xf32>,
          %get3A_536 = arith.index_cast %add3A_526 : i32 to index
          %get3A_537 = arith.constant 16 : index
          %get3A_538 = tpu.vector_load %arg25[%get3A_536, %get3A_537] {strides = array<i32>} : memref<80x128xf32, #tpu.memory_space<vmem>>, vector<16xf32>,
          %mul3A_539 = arith.mulf %get3A_538, %gather3A_528 : vector<16xf32>
          %swap3A_540 = arith.index_cast %add3A_526 : i32 to index
          %swap3A_541 = arith.constant 16 : index
          %swap3A_542 = tpu.vector_load %arg25[%swap3A_540, %swap3A_541] {strides = array<i32>} : memref<80x128xf32, #tpu.memory_space<vmem>>, vector<16xf32>,
          tpu.vector_store %arg25[%swap3A_540, %swap3A_541], %mul3A_539 {strides = array<i32>} : memref<80x128xf32, #tpu.memory_space<vmem>>, vector<16xf32>,
          %get3A_543 = arith.index_cast %add3A_526 : i32 to index
          %get3A_544 = arith.constant 32 : index
          %get3A_545 = tpu.vector_load %arg25[%get3A_543, %get3A_544] {strides = array<i32>} : memref<80x128xf32, #tpu.memory_space<vmem>>, vector<16xf32>,
          %mul3A_546 = arith.mulf %get3A_545, %gather3A_528 : vector<16xf32>
          %swap3A_547 = arith.index_cast %add3A_526 : i32 to index
          %swap3A_548 = arith.constant 32 : index
          %swap3A_549 = tpu.vector_load %arg25[%swap3A_547, %swap3A_548] {strides = array<i32>} : memref<80x128xf32, #tpu.memory_space<vmem>>, vector<16xf32>,
          tpu.vector_store %arg25[%swap3A_547, %swap3A_548], %mul3A_546 {strides = array<i32>} : memref<80x128xf32, #tpu.memory_space<vmem>>, vector<16xf32>,
          %get3A_550 = arith.index_cast %add3A_526 : i32 to index
          %get3A_551 = arith.constant 48 : index
          %get3A_552 = tpu.vector_load %arg25[%get3A_550, %get3A_551] {strides = array<i32>} : memref<80x128xf32, #tpu.memory_space<vmem>>, vector<16xf32>,
          %mul3A_553 = arith.mulf %get3A_552, %gather3A_528 : vector<16xf32>
          %swap3A_554 = arith.index_cast %add3A_526 : i32 to index
          %swap3A_555 = arith.constant 48 : index
          %swap3A_556 = tpu.vector_load %arg25[%swap3A_554, %swap3A_555] {strides = array<i32>} : memref<80x128xf32, #tpu.memory_space<vmem>>, vector<16xf32>,
          tpu.vector_store %arg25[%swap3A_554, %swap3A_555], %mul3A_553 {strides = array<i32>} : memref<80x128xf32, #tpu.memory_space<vmem>>, vector<16xf32>,
          %get3A_557 = arith.index_cast %add3A_526 : i32 to index
          %get3A_558 = arith.constant 64 : index
          %get3A_559 = tpu.vector_load %arg25[%get3A_557, %get3A_558] {strides = array<i32>} : memref<80x128xf32, #tpu.memory_space<vmem>>, vector<16xf32>,
          %mul3A_560 = arith.mulf %get3A_559, %gather3A_528 : vector<16xf32>
          %swap3A_561 = arith.index_cast %add3A_526 : i32 to index
          %swap3A_562 = arith.constant 64 : index
          %swap3A_563 = tpu.vector_load %arg25[%swap3A_561, %swap3A_562] {strides = array<i32>} : memref<80x128xf32, #tpu.memory_space<vmem>>, vector<16xf32>,
          tpu.vector_store %arg25[%swap3A_561, %swap3A_562], %mul3A_560 {strides = array<i32>} : memref<80x128xf32, #tpu.memory_space<vmem>>, vector<16xf32>,
          %get3A_564 = arith.index_cast %add3A_526 : i32 to index
          %get3A_565 = arith.constant 80 : index
          %get3A_566 = tpu.vector_load %arg25[%get3A_564, %get3A_565] {strides = array<i32>} : memref<80x128xf32, #tpu.memory_space<vmem>>, vector<16xf32>,
          %mul3A_567 = arith.mulf %get3A_566, %gather3A_528 : vector<16xf32>
          %swap3A_568 = arith.index_cast %add3A_526 : i32 to index
          %swap3A_569 = arith.constant 80 : index
          %swap3A_570 = tpu.vector_load %arg25[%swap3A_568, %swap3A_569] {strides = array<i32>} : memref<80x128xf32, #tpu.memory_space<vmem>>, vector<16xf32>,
          tpu.vector_store %arg25[%swap3A_568, %swap3A_569], %mul3A_567 {strides = array<i32>} : memref<80x128xf32, #tpu.memory_space<vmem>>, vector<16xf32>,
          %get3A_571 = arith.index_cast %add3A_526 : i32 to index
          %get3A_572 = arith.constant 96 : index
          %get3A_573 = tpu.vector_load %arg25[%get3A_571, %get3A_572] {strides = array<i32>} : memref<80x128xf32, #tpu.memory_space<vmem>>, vector<16xf32>,
          %mul3A_574 = arith.mulf %get3A_573, %gather3A_528 : vector<16xf32>
          %swap3A_575 = arith.index_cast %add3A_526 : i32 to index
          %swap3A_576 = arith.constant 96 : index
          %swap3A_577 = tpu.vector_load %arg25[%swap3A_575, %swap3A_576] {strides = array<i32>} : memref<80x128xf32, #tpu.memory_space<vmem>>, vector<16xf32>,
          tpu.vector_store %arg25[%swap3A_575, %swap3A_576], %mul3A_574 {strides = array<i32>} : memref<80x128xf32, #tpu.memory_space<vmem>>, vector<16xf32>,
          %get3A_578 = arith.index_cast %add3A_526 : i32 to index
          %get3A_579 = arith.constant 112 : index
          %get3A_580 = tpu.vector_load %arg25[%get3A_578, %get3A_579] {strides = array<i32>} : memref<80x128xf32, #tpu.memory_space<vmem>>, vector<16xf32>,
          %mul3A_581 = arith.mulf %get3A_580, %gather3A_528 : vector<16xf32>
          %swap3A_582 = arith.index_cast %add3A_526 : i32 to index
          %swap3A_583 = arith.constant 112 : index
          %swap3A_584 = tpu.vector_load %arg25[%swap3A_582, %swap3A_583] {strides = array<i32>} : memref<80x128xf32, #tpu.memory_space<vmem>>, vector<16xf32>,
          tpu.vector_store %arg25[%swap3A_582, %swap3A_583], %mul3A_581 {strides = array<i32>} : memref<80x128xf32, #tpu.memory_space<vmem>>, vector<16xf32>,
          %add3A_585 = arith.constant 3 : i32
          %add3A_586 = arith.addi %add3A_407, %add3A_585 : i32
          %broadcast_in_dim3A_587 = vector.broadcast %add3A_586 : i32 to vector<16xi32>
          %gather3A_588 = tpu.vector_load_idx %arg21[%broadcast_in_dim3A_587] : memref<80xf32, #tpu.memory_space<vmem>>[vector<16xi32>], vector<16xf32>,
          %get3A_589 = arith.index_cast %add3A_586 : i32 to index
          %get3A_590 = arith.constant 0 : index
          %get3A_591 = tpu.vector_load %arg25[%get3A_589, %get3A_590] {strides = array<i32>} : memref<80x128xf32, #tpu.memory_space<vmem>>, vector<16xf32>,
          %mul3A_592 = arith.mulf %get3A_591, %gather3A_588 : vector<16xf32>
          %swap3A_593 = arith.index_cast %add3A_586 : i32 to index
          %swap3A_594 = arith.constant 0 : index
          %swap3A_595 = tpu.vector_load %arg25[%swap3A_593, %swap3A_594] {strides = array<i32>} : memref<80x128xf32, #tpu.memory_space<vmem>>, vector<16xf32>,
          tpu.vector_store %arg25[%swap3A_593, %swap3A_594], %mul3A_592 {strides = array<i32>} : memref<80x128xf32, #tpu.memory_space<vmem>>, vector<16xf32>,
          %get3A_596 = arith.index_cast %add3A_586 : i32 to index
          %get3A_597 = arith.constant 16 : index
          %get3A_598 = tpu.vector_load %arg25[%get3A_596, %get3A_597] {strides = array<i32>} : memref<80x128xf32, #tpu.memory_space<vmem>>, vector<16xf32>,
          %mul3A_599 = arith.mulf %get3A_598, %gather3A_588 : vector<16xf32>
          %swap3A_600 = arith.index_cast %add3A_586 : i32 to index
          %swap3A_601 = arith.constant 16 : index
          %swap3A_602 = tpu.vector_load %arg25[%swap3A_600, %swap3A_601] {strides = array<i32>} : memref<80x128xf32, #tpu.memory_space<vmem>>, vector<16xf32>,
          tpu.vector_store %arg25[%swap3A_600, %swap3A_601], %mul3A_599 {strides = array<i32>} : memref<80x128xf32, #tpu.memory_space<vmem>>, vector<16xf32>,
          %get3A_603 = arith.index_cast %add3A_586 : i32 to index
          %get3A_604 = arith.constant 32 : index
          %get3A_605 = tpu.vector_load %arg25[%get3A_603, %get3A_604] {strides = array<i32>} : memref<80x128xf32, #tpu.memory_space<vmem>>, vector<16xf32>,
          %mul3A_606 = arith.mulf %get3A_605, %gather3A_588 : vector<16xf32>
          %swap3A_607 = arith.index_cast %add3A_586 : i32 to index
          %swap3A_608 = arith.constant 32 : index
          %swap3A_609 = tpu.vector_load %arg25[%swap3A_607, %swap3A_608] {strides = array<i32>} : memref<80x128xf32, #tpu.memory_space<vmem>>, vector<16xf32>,
          tpu.vector_store %arg25[%swap3A_607, %swap3A_608], %mul3A_606 {strides = array<i32>} : memref<80x128xf32, #tpu.memory_space<vmem>>, vector<16xf32>,
          %get3A_610 = arith.index_cast %add3A_586 : i32 to index
          %get3A_611 = arith.constant 48 : index
          %get3A_612 = tpu.vector_load %arg25[%get3A_610, %get3A_611] {strides = array<i32>} : memref<80x128xf32, #tpu.memory_space<vmem>>, vector<16xf32>,
          %mul3A_613 = arith.mulf %get3A_612, %gather3A_588 : vector<16xf32>
          %swap3A_614 = arith.index_cast %add3A_586 : i32 to index
          %swap3A_615 = arith.constant 48 : index
          %swap3A_616 = tpu.vector_load %arg25[%swap3A_614, %swap3A_615] {strides = array<i32>} : memref<80x128xf32, #tpu.memory_space<vmem>>, vector<16xf32>,
          tpu.vector_store %arg25[%swap3A_614, %swap3A_615], %mul3A_613 {strides = array<i32>} : memref<80x128xf32, #tpu.memory_space<vmem>>, vector<16xf32>,
          %get3A_617 = arith.index_cast %add3A_586 : i32 to index
          %get3A_618 = arith.constant 64 : index
          %get3A_619 = tpu.vector_load %arg25[%get3A_617, %get3A_618] {strides = array<i32>} : memref<80x128xf32, #tpu.memory_space<vmem>>, vector<16xf32>,
          %mul3A_620 = arith.mulf %get3A_619, %gather3A_588 : vector<16xf32>
          %swap3A_621 = arith.index_cast %add3A_586 : i32 to index
          %swap3A_622 = arith.constant 64 : index
          %swap3A_623 = tpu.vector_load %arg25[%swap3A_621, %swap3A_622] {strides = array<i32>} : memref<80x128xf32, #tpu.memory_space<vmem>>, vector<16xf32>,
          tpu.vector_store %arg25[%swap3A_621, %swap3A_622], %mul3A_620 {strides = array<i32>} : memref<80x128xf32, #tpu.memory_space<vmem>>, vector<16xf32>,
          %get3A_624 = arith.index_cast %add3A_586 : i32 to index
          %get3A_625 = arith.constant 80 : index
          %get3A_626 = tpu.vector_load %arg25[%get3A_624, %get3A_625] {strides = array<i32>} : memref<80x128xf32, #tpu.memory_space<vmem>>, vector<16xf32>,
          %mul3A_627 = arith.mulf %get3A_626, %gather3A_588 : vector<16xf32>
          %swap3A_628 = arith.index_cast %add3A_586 : i32 to index
          %swap3A_629 = arith.constant 80 : index
          %swap3A_630 = tpu.vector_load %arg25[%swap3A_628, %swap3A_629] {strides = array<i32>} : memref<80x128xf32, #tpu.memory_space<vmem>>, vector<16xf32>,
          tpu.vector_store %arg25[%swap3A_628, %swap3A_629], %mul3A_627 {strides = array<i32>} : memref<80x128xf32, #tpu.memory_space<vmem>>, vector<16xf32>,
          %get3A_631 = arith.index_cast %add3A_586 : i32 to index
          %get3A_632 = arith.constant 96 : index
          %get3A_633 = tpu.vector_load %arg25[%get3A_631, %get3A_632] {strides = array<i32>} : memref<80x128xf32, #tpu.memory_space<vmem>>, vector<16xf32>,
          %mul3A_634 = arith.mulf %get3A_633, %gather3A_588 : vector<16xf32>
          %swap3A_635 = arith.index_cast %add3A_586 : i32 to index
          %swap3A_636 = arith.constant 96 : index
          %swap3A_637 = tpu.vector_load %arg25[%swap3A_635, %swap3A_636] {strides = array<i32>} : memref<80x128xf32, #tpu.memory_space<vmem>>, vector<16xf32>,
          tpu.vector_store %arg25[%swap3A_635, %swap3A_636], %mul3A_634 {strides = array<i32>} : memref<80x128xf32, #tpu.memory_space<vmem>>, vector<16xf32>,
          %get3A_638 = arith.index_cast %add3A_586 : i32 to index
          %get3A_639 = arith.constant 112 : index
          %get3A_640 = tpu.vector_load %arg25[%get3A_638, %get3A_639] {strides = array<i32>} : memref<80x128xf32, #tpu.memory_space<vmem>>, vector<16xf32>,
          %mul3A_641 = arith.mulf %get3A_640, %gather3A_588 : vector<16xf32>
          %swap3A_642 = arith.index_cast %add3A_586 : i32 to index
          %swap3A_643 = arith.constant 112 : index
          %swap3A_644 = tpu.vector_load %arg25[%swap3A_642, %swap3A_643] {strides = array<i32>} : memref<80x128xf32, #tpu.memory_space<vmem>>, vector<16xf32>,
          tpu.vector_store %arg25[%swap3A_642, %swap3A_643], %mul3A_641 {strides = array<i32>} : memref<80x128xf32, #tpu.memory_space<vmem>>, vector<16xf32>,
        }
        %scan3A_382 = arith.constant 10 : i32
        %mul3A_383 = arith.constant 80 : i32
        %mul3A_384 = arith.muli %add3A_325, %mul3A_383 : i32
        %add3A_385 = arith.addi %mul3A_2, %mul3A_384 : i32
        %add3A_386 = arith.constant 40 : i32
        %add3A_387 = arith.addi %add3A_385, %add3A_386 : i32
        %dma_wait3A_388 = tpu.memref_slice %arg4[%add3A_387] : memref<320000xi32, #tpu.memory_space<hbm>> -> memref<40xi32, #tpu.memory_space<hbm>>
        %dma_wait3A_389 = tpu.memref_slice %arg4[%add3A_387] : memref<320000xi32, #tpu.memory_space<hbm>> -> memref<40xi32, #tpu.memory_space<hbm>>
        tpu.wait_dma2 semaphore(%arg37 : memref<!tpu.dma_semaphore, #tpu.memory_space<semaphore_mem>>) src(%dma_wait3A_389 : memref<40xi32, #tpu.memory_space<hbm>>) dst(%arg16 : memref<40xi32, #tpu.memory_space<vmem>>)
        %dma_start3A_390 = arith.constant 40 : i32
        %dma_start3A_391 = arith.constant 0 : i32
        %dma_start3A_392 = tpu.memref_slice %arg25[%dma_start3A_390, %dma_start3A_391] : memref<80x128xf32, #tpu.memory_space<vmem>> -> memref<40x128xf32, #tpu.memory_space<vmem>>
        %dma_start3A_393 = arith.constant 0 : i32
        %dma_start3A_394 = arith.constant 0 : i32
        %dma_start3A_395 = tpu.memref_slice %arg27[%dma_start3A_393, %dma_start3A_394] : memref<10000x128xf32, #tpu.memory_space<vmem_shared>> -> memref<10000x128xf32, #tpu.memory_space<vmem_shared>>
        tpu.enqueue_indirect_dma source(%dma_start3A_392 : memref<40x128xf32, #tpu.memory_space<vmem>>) target(%dma_start3A_395 : memref<10000x128xf32, #tpu.memory_space<vmem_shared>>) offsets(%arg16 : memref<40xi32, #tpu.memory_space<vmem>>) semaphore(%arg53 : memref<!tpu.dma_semaphore, #tpu.memory_space<semaphore_mem>>) {add = true}
        %add3A_396 = arith.constant 4 : i32
        %add3A_397 = arith.addi %add3A_325, %add3A_396 : i32
        %lt3A_398 = arith.constant 125 : i32
        %lt3A_399 = arith.cmpi slt, %add3A_397, %lt3A_398 : i32
        %convert_element_type3A_400 = arith.extui %lt3A_399 : i1 to i32
        %cond3A_401 = arith.constant 0 : i32
        %cond3A_402 = arith.cmpi ne, %convert_element_type3A_400, %cond3A_401 : i32
        scf.if %cond3A_402 {
          %add3A_403 = arith.constant 4 : i32
          %add3A_404 = arith.addi %add3A_325, %add3A_403 : i32
          %mul3A_405 = arith.constant 80 : i32
          %mul3A_406 = arith.muli %add3A_404, %mul3A_405 : i32
          %add3A_407 = arith.addi %mul3A_2, %mul3A_406 : i32
          %dma_start3A_408 = tpu.memref_slice %arg3[%add3A_407] : memref<320000xi32, #tpu.memory_space<hbm>> -> memref<80xi32, #tpu.memory_space<hbm>>
          %dma_start3A_409 = tpu.memref_slice %arg3[%add3A_407] : memref<320000xi32, #tpu.memory_space<hbm>> -> memref<80xi32, #tpu.memory_space<hbm>>
          tpu.enqueue_dma source(%dma_start3A_409 : memref<80xi32, #tpu.memory_space<hbm>>) target(%arg9 : memref<80xi32, #tpu.memory_space<vmem>>) target_semaphore(%arg30 : memref<!tpu.dma_semaphore, #tpu.memory_space<semaphore_mem>>)
          %add3A_410 = arith.constant 4 : i32
          %add3A_411 = arith.addi %add3A_325, %add3A_410 : i32
          %mul3A_412 = arith.constant 80 : i32
          %mul3A_413 = arith.muli %add3A_411, %mul3A_412 : i32
          %add3A_414 = arith.addi %mul3A_2, %mul3A_413 : i32
          %dma_start3A_415 = tpu.memref_slice %arg5[%add3A_414] : memref<320000xf32, #tpu.memory_space<hbm>> -> memref<80xf32, #tpu.memory_space<hbm>>
          %dma_start3A_416 = tpu.memref_slice %arg5[%add3A_414] : memref<320000xf32, #tpu.memory_space<hbm>> -> memref<80xf32, #tpu.memory_space<hbm>>
          tpu.enqueue_dma source(%dma_start3A_416 : memref<80xf32, #tpu.memory_space<hbm>>) target(%arg21 : memref<80xf32, #tpu.memory_space<vmem>>) target_semaphore(%arg42 : memref<!tpu.dma_semaphore, #tpu.memory_space<semaphore_mem>>)
        } else {
        }
      } else {
      }
      %add3A_338 = arith.constant 3 : i32
      %add3A_339 = arith.addi %add3A_295, %add3A_338 : i32
      %add3A_340 = arith.constant 2 : i32
      %add3A_341 = arith.addi %add3A_339, %add3A_340 : i32
      %lt3A_342 = arith.constant 125 : i32
      %lt3A_343 = arith.cmpi slt, %add3A_341, %lt3A_342 : i32
      %convert_element_type3A_344 = arith.extui %lt3A_343 : i1 to i32
      %cond3A_345 = arith.constant 0 : i32
      %cond3A_346 = arith.cmpi ne, %convert_element_type3A_344, %cond3A_345 : i32
      scf.if %cond3A_346 {
        %ge3A = arith.constant 2 : i32
        %ge3A_352 = arith.cmpi sge, %add3A_339, %ge3A : i32
        %convert_element_type3A_353 = arith.extui %ge3A_352 : i1 to i32
        %cond3A_354 = arith.constant 0 : i32
        %cond3A_355 = arith.cmpi ne, %convert_element_type3A_353, %cond3A_354 : i32
        scf.if %cond3A_355 {
          %dma_wait3A_382 = arith.constant 0 : i32
          %dma_wait3A_383 = arith.constant 0 : i32
          %dma_wait3A_384 = tpu.memref_slice %arg24[%dma_wait3A_382, %dma_wait3A_383] : memref<80x128xf32, #tpu.memory_space<vmem>> -> memref<40x128xf32, #tpu.memory_space<vmem>>
          %dma_wait3A_385 = arith.constant 0 : i32
          %dma_wait3A_386 = arith.constant 0 : i32
          %dma_wait3A_387 = tpu.memref_slice %arg27[%dma_wait3A_385, %dma_wait3A_386] : memref<10000x128xf32, #tpu.memory_space<vmem_shared>> -> memref<10000x128xf32, #tpu.memory_space<vmem_shared>>
          tpu.wait_indirect_dma semaphore(%arg50 : memref<!tpu.dma_semaphore, #tpu.memory_space<semaphore_mem>>) src(%dma_wait3A_384 : memref<40x128xf32, #tpu.memory_space<vmem>>) dst(%dma_wait3A_387 : memref<10000x128xf32, #tpu.memory_space<vmem_shared>>)
          %dma_wait3A_388 = arith.constant 40 : i32
          %dma_wait3A_389 = arith.constant 0 : i32
          %dma_wait3A_390 = tpu.memref_slice %arg24[%dma_wait3A_388, %dma_wait3A_389] : memref<80x128xf32, #tpu.memory_space<vmem>> -> memref<40x128xf32, #tpu.memory_space<vmem>>
          %dma_wait3A_391 = arith.constant 0 : i32
          %dma_wait3A_392 = arith.constant 0 : i32
          %dma_wait3A_393 = tpu.memref_slice %arg27[%dma_wait3A_391, %dma_wait3A_392] : memref<10000x128xf32, #tpu.memory_space<vmem_shared>> -> memref<10000x128xf32, #tpu.memory_space<vmem_shared>>
          tpu.wait_indirect_dma semaphore(%arg51 : memref<!tpu.dma_semaphore, #tpu.memory_space<semaphore_mem>>) src(%dma_wait3A_390 : memref<40x128xf32, #tpu.memory_space<vmem>>) dst(%dma_wait3A_393 : memref<10000x128xf32, #tpu.memory_space<vmem_shared>>)
        } else {
        }
        %add3A_356 = arith.constant 2 : i32
        %add3A_357 = arith.addi %add3A_339, %add3A_356 : i32
        %mul3A_358 = arith.constant 80 : i32
        %mul3A_359 = arith.muli %add3A_357, %mul3A_358 : i32
        %add3A_360 = arith.addi %mul3A_2, %mul3A_359 : i32
        %add3A_361 = arith.constant 0 : i32
        %add3A_362 = arith.addi %add3A_360, %add3A_361 : i32
        %dma_start3A_363 = tpu.memref_slice %arg4[%add3A_362] : memref<320000xi32, #tpu.memory_space<hbm>> -> memref<40xi32, #tpu.memory_space<hbm>>
        %dma_start3A_364 = tpu.memref_slice %arg4[%add3A_362] : memref<320000xi32, #tpu.memory_space<hbm>> -> memref<40xi32, #tpu.memory_space<hbm>>
        tpu.enqueue_dma source(%dma_start3A_364 : memref<40xi32, #tpu.memory_space<hbm>>) target(%arg13 : memref<40xi32, #tpu.memory_space<vmem>>) target_semaphore(%arg34 : memref<!tpu.dma_semaphore, #tpu.memory_space<semaphore_mem>>)
        %mul3A_365 = arith.constant 80 : i32
        %mul3A_366 = arith.muli %add3A_357, %mul3A_365 : i32
        %add3A_367 = arith.addi %mul3A_2, %mul3A_366 : i32
        %add3A_368 = arith.constant 40 : i32
        %add3A_369 = arith.addi %add3A_367, %add3A_368 : i32
        %dma_start3A_370 = tpu.memref_slice %arg4[%add3A_369] : memref<320000xi32, #tpu.memory_space<hbm>> -> memref<40xi32, #tpu.memory_space<hbm>>
        %dma_start3A_371 = tpu.memref_slice %arg4[%add3A_369] : memref<320000xi32, #tpu.memory_space<hbm>> -> memref<40xi32, #tpu.memory_space<hbm>>
        tpu.enqueue_dma source(%dma_start3A_371 : memref<40xi32, #tpu.memory_space<hbm>>) target(%arg14 : memref<40xi32, #tpu.memory_space<vmem>>) target_semaphore(%arg35 : memref<!tpu.dma_semaphore, #tpu.memory_space<semaphore_mem>>)
        %add3A_372 = arith.constant 2 : i32
        %add3A_373 = arith.addi %add3A_339, %add3A_372 : i32
        %mul3A_374 = arith.constant 80 : i32
        %mul3A_375 = arith.muli %add3A_373, %mul3A_374 : i32
        %add3A_376 = arith.addi %mul3A_2, %mul3A_375 : i32
        %dma_wait3A_377 = tpu.memref_slice %arg3[%add3A_376] : memref<320000xi32, #tpu.memory_space<hbm>> -> memref<80xi32, #tpu.memory_space<hbm>>
        %dma_wait3A_378 = tpu.memref_slice %arg3[%add3A_376] : memref<320000xi32, #tpu.memory_space<hbm>> -> memref<80xi32, #tpu.memory_space<hbm>>
        tpu.wait_dma2 semaphore(%arg29 : memref<!tpu.dma_semaphore, #tpu.memory_space<semaphore_mem>>) src(%dma_wait3A_378 : memref<80xi32, #tpu.memory_space<hbm>>) dst(%arg8 : memref<80xi32, #tpu.memory_space<vmem>>)
        %dma_start3A_379 = arith.constant 0 : i32
        %dma_start3A_380 = arith.constant 0 : i32
        %dma_start3A_381 = tpu.memref_slice %arg2[%dma_start3A_379, %dma_start3A_380] : memref<10000x128xf32, #tpu.memory_space<hbm>> -> memref<10000x128xf32, #tpu.memory_space<hbm>>
        tpu.enqueue_indirect_dma source(%dma_start3A_381 : memref<10000x128xf32, #tpu.memory_space<hbm>>) target(%arg24 : memref<80x128xf32, #tpu.memory_space<vmem>>) offsets(%arg8 : memref<80xi32, #tpu.memory_space<vmem>>) semaphore(%arg45 : memref<!tpu.dma_semaphore, #tpu.memory_space<semaphore_mem>>)
      } else {
      }
      %lt3A_347 = arith.constant 125 : i32
      %lt3A_348 = arith.cmpi slt, %add3A_339, %lt3A_347 : i32
      %convert_element_type3A_349 = arith.extui %lt3A_348 : i1 to i32
      %cond3A_350 = arith.constant 0 : i32
      %cond3A_351 = arith.cmpi ne, %convert_element_type3A_349, %cond3A_350 : i32
      scf.if %cond3A_351 {
        %dma_wait3A_352 = arith.constant 0 : i32
        %dma_wait3A_353 = arith.constant 0 : i32
        %dma_wait3A_354 = tpu.memref_slice %arg2[%dma_wait3A_352, %dma_wait3A_353] : memref<10000x128xf32, #tpu.memory_space<hbm>> -> memref<10000x128xf32, #tpu.memory_space<hbm>>
        tpu.wait_indirect_dma semaphore(%arg47 : memref<!tpu.dma_semaphore, #tpu.memory_space<semaphore_mem>>) src(%dma_wait3A_354 : memref<10000x128xf32, #tpu.memory_space<hbm>>) dst(%arg26 : memref<80x128xf32, #tpu.memory_space<vmem>>)
        %mul3A_355 = arith.constant 80 : i32
        %mul3A_356 = arith.muli %add3A_339, %mul3A_355 : i32
        %add3A_357 = arith.addi %mul3A_2, %mul3A_356 : i32
        %dma_wait3A_358 = tpu.memref_slice %arg5[%add3A_357] : memref<320000xf32, #tpu.memory_space<hbm>> -> memref<80xf32, #tpu.memory_space<hbm>>
        %dma_wait3A_359 = tpu.memref_slice %arg5[%add3A_357] : memref<320000xf32, #tpu.memory_space<hbm>> -> memref<80xf32, #tpu.memory_space<hbm>>
        tpu.wait_dma2 semaphore(%arg43 : memref<!tpu.dma_semaphore, #tpu.memory_space<semaphore_mem>>) src(%dma_wait3A_359 : memref<80xf32, #tpu.memory_space<hbm>>) dst(%arg22 : memref<80xf32, #tpu.memory_space<vmem>>)
        %scan3A_360 = arith.constant 0 : i32
        %scan3A_361 = arith.constant 10 : i32
        %scan3A_362 = arith.addi %scan3A_360, %scan3A_361 : i32
        %scan3A_363 = arith.constant 1 : i32
        scf.for %scan3A_403 = %scan3A_360 to %scan3A_362 step %scan3A_363  : i32 {
          %mul3A_404 = arith.constant 4 : i32
          %mul3A_405 = arith.muli %scan3A_403, %mul3A_404 : i32
          %add3A_406 = arith.constant 0 : i32
          %add3A_407 = arith.addi %add3A_406, %mul3A_405 : i32
          %add3A_408 = arith.constant 0 : i32
          %add3A_409 = arith.addi %add3A_407, %add3A_408 : i32
          %broadcast_in_dim3A_410 = vector.broadcast %add3A_409 : i32 to vector<16xi32>
          %gather3A = tpu.vector_load_idx %arg22[%broadcast_in_dim3A_410] : memref<80xf32, #tpu.memory_space<vmem>>[vector<16xi32>], vector<16xf32>,
          %get3A = arith.index_cast %add3A_409 : i32 to index
          %get3A_411 = arith.constant 0 : index
          %get3A_412 = tpu.vector_load %arg26[%get3A, %get3A_411] {strides = array<i32>} : memref<80x128xf32, #tpu.memory_space<vmem>>, vector<16xf32>,
          %mul3A_413 = arith.mulf %get3A_412, %gather3A : vector<16xf32>
          %swap3A = arith.index_cast %add3A_409 : i32 to index
          %swap3A_414 = arith.constant 0 : index
          %swap3A_415 = tpu.vector_load %arg26[%swap3A, %swap3A_414] {strides = array<i32>} : memref<80x128xf32, #tpu.memory_space<vmem>>, vector<16xf32>,
          tpu.vector_store %arg26[%swap3A, %swap3A_414], %mul3A_413 {strides = array<i32>} : memref<80x128xf32, #tpu.memory_space<vmem>>, vector<16xf32>,
          %get3A_416 = arith.index_cast %add3A_409 : i32 to index
          %get3A_417 = arith.constant 16 : index
          %get3A_418 = tpu.vector_load %arg26[%get3A_416, %get3A_417] {strides = array<i32>} : memref<80x128xf32, #tpu.memory_space<vmem>>, vector<16xf32>,
          %mul3A_419 = arith.mulf %get3A_418, %gather3A : vector<16xf32>
          %swap3A_420 = arith.index_cast %add3A_409 : i32 to index
          %swap3A_421 = arith.constant 16 : index
          %swap3A_422 = tpu.vector_load %arg26[%swap3A_420, %swap3A_421] {strides = array<i32>} : memref<80x128xf32, #tpu.memory_space<vmem>>, vector<16xf32>,
          tpu.vector_store %arg26[%swap3A_420, %swap3A_421], %mul3A_419 {strides = array<i32>} : memref<80x128xf32, #tpu.memory_space<vmem>>, vector<16xf32>,
          %get3A_423 = arith.index_cast %add3A_409 : i32 to index
          %get3A_424 = arith.constant 32 : index
          %get3A_425 = tpu.vector_load %arg26[%get3A_423, %get3A_424] {strides = array<i32>} : memref<80x128xf32, #tpu.memory_space<vmem>>, vector<16xf32>,
          %mul3A_426 = arith.mulf %get3A_425, %gather3A : vector<16xf32>
          %swap3A_427 = arith.index_cast %add3A_409 : i32 to index
          %swap3A_428 = arith.constant 32 : index
          %swap3A_429 = tpu.vector_load %arg26[%swap3A_427, %swap3A_428] {strides = array<i32>} : memref<80x128xf32, #tpu.memory_space<vmem>>, vector<16xf32>,
          tpu.vector_store %arg26[%swap3A_427, %swap3A_428], %mul3A_426 {strides = array<i32>} : memref<80x128xf32, #tpu.memory_space<vmem>>, vector<16xf32>,
          %get3A_430 = arith.index_cast %add3A_409 : i32 to index
          %get3A_431 = arith.constant 48 : index
          %get3A_432 = tpu.vector_load %arg26[%get3A_430, %get3A_431] {strides = array<i32>} : memref<80x128xf32, #tpu.memory_space<vmem>>, vector<16xf32>,
          %mul3A_433 = arith.mulf %get3A_432, %gather3A : vector<16xf32>
          %swap3A_434 = arith.index_cast %add3A_409 : i32 to index
          %swap3A_435 = arith.constant 48 : index
          %swap3A_436 = tpu.vector_load %arg26[%swap3A_434, %swap3A_435] {strides = array<i32>} : memref<80x128xf32, #tpu.memory_space<vmem>>, vector<16xf32>,
          tpu.vector_store %arg26[%swap3A_434, %swap3A_435], %mul3A_433 {strides = array<i32>} : memref<80x128xf32, #tpu.memory_space<vmem>>, vector<16xf32>,
          %get3A_437 = arith.index_cast %add3A_409 : i32 to index
          %get3A_438 = arith.constant 64 : index
          %get3A_439 = tpu.vector_load %arg26[%get3A_437, %get3A_438] {strides = array<i32>} : memref<80x128xf32, #tpu.memory_space<vmem>>, vector<16xf32>,
          %mul3A_440 = arith.mulf %get3A_439, %gather3A : vector<16xf32>
          %swap3A_441 = arith.index_cast %add3A_409 : i32 to index
          %swap3A_442 = arith.constant 64 : index
          %swap3A_443 = tpu.vector_load %arg26[%swap3A_441, %swap3A_442] {strides = array<i32>} : memref<80x128xf32, #tpu.memory_space<vmem>>, vector<16xf32>,
          tpu.vector_store %arg26[%swap3A_441, %swap3A_442], %mul3A_440 {strides = array<i32>} : memref<80x128xf32, #tpu.memory_space<vmem>>, vector<16xf32>,
          %get3A_444 = arith.index_cast %add3A_409 : i32 to index
          %get3A_445 = arith.constant 80 : index
          %get3A_446 = tpu.vector_load %arg26[%get3A_444, %get3A_445] {strides = array<i32>} : memref<80x128xf32, #tpu.memory_space<vmem>>, vector<16xf32>,
          %mul3A_447 = arith.mulf %get3A_446, %gather3A : vector<16xf32>
          %swap3A_448 = arith.index_cast %add3A_409 : i32 to index
          %swap3A_449 = arith.constant 80 : index
          %swap3A_450 = tpu.vector_load %arg26[%swap3A_448, %swap3A_449] {strides = array<i32>} : memref<80x128xf32, #tpu.memory_space<vmem>>, vector<16xf32>,
          tpu.vector_store %arg26[%swap3A_448, %swap3A_449], %mul3A_447 {strides = array<i32>} : memref<80x128xf32, #tpu.memory_space<vmem>>, vector<16xf32>,
          %get3A_451 = arith.index_cast %add3A_409 : i32 to index
          %get3A_452 = arith.constant 96 : index
          %get3A_453 = tpu.vector_load %arg26[%get3A_451, %get3A_452] {strides = array<i32>} : memref<80x128xf32, #tpu.memory_space<vmem>>, vector<16xf32>,
          %mul3A_454 = arith.mulf %get3A_453, %gather3A : vector<16xf32>
          %swap3A_455 = arith.index_cast %add3A_409 : i32 to index
          %swap3A_456 = arith.constant 96 : index
          %swap3A_457 = tpu.vector_load %arg26[%swap3A_455, %swap3A_456] {strides = array<i32>} : memref<80x128xf32, #tpu.memory_space<vmem>>, vector<16xf32>,
          tpu.vector_store %arg26[%swap3A_455, %swap3A_456], %mul3A_454 {strides = array<i32>} : memref<80x128xf32, #tpu.memory_space<vmem>>, vector<16xf32>,
          %get3A_458 = arith.index_cast %add3A_409 : i32 to index
          %get3A_459 = arith.constant 112 : index
          %get3A_460 = tpu.vector_load %arg26[%get3A_458, %get3A_459] {strides = array<i32>} : memref<80x128xf32, #tpu.memory_space<vmem>>, vector<16xf32>,
          %mul3A_461 = arith.mulf %get3A_460, %gather3A : vector<16xf32>
          %swap3A_462 = arith.index_cast %add3A_409 : i32 to index
          %swap3A_463 = arith.constant 112 : index
          %swap3A_464 = tpu.vector_load %arg26[%swap3A_462, %swap3A_463] {strides = array<i32>} : memref<80x128xf32, #tpu.memory_space<vmem>>, vector<16xf32>,
          tpu.vector_store %arg26[%swap3A_462, %swap3A_463], %mul3A_461 {strides = array<i32>} : memref<80x128xf32, #tpu.memory_space<vmem>>, vector<16xf32>,
          %add3A_465 = arith.constant 1 : i32
          %add3A_466 = arith.addi %add3A_407, %add3A_465 : i32
          %broadcast_in_dim3A_467 = vector.broadcast %add3A_466 : i32 to vector<16xi32>
          %gather3A_468 = tpu.vector_load_idx %arg22[%broadcast_in_dim3A_467] : memref<80xf32, #tpu.memory_space<vmem>>[vector<16xi32>], vector<16xf32>,
          %get3A_469 = arith.index_cast %add3A_466 : i32 to index
          %get3A_470 = arith.constant 0 : index
          %get3A_471 = tpu.vector_load %arg26[%get3A_469, %get3A_470] {strides = array<i32>} : memref<80x128xf32, #tpu.memory_space<vmem>>, vector<16xf32>,
          %mul3A_472 = arith.mulf %get3A_471, %gather3A_468 : vector<16xf32>
          %swap3A_473 = arith.index_cast %add3A_466 : i32 to index
          %swap3A_474 = arith.constant 0 : index
          %swap3A_475 = tpu.vector_load %arg26[%swap3A_473, %swap3A_474] {strides = array<i32>} : memref<80x128xf32, #tpu.memory_space<vmem>>, vector<16xf32>,
          tpu.vector_store %arg26[%swap3A_473, %swap3A_474], %mul3A_472 {strides = array<i32>} : memref<80x128xf32, #tpu.memory_space<vmem>>, vector<16xf32>,
          %get3A_476 = arith.index_cast %add3A_466 : i32 to index
          %get3A_477 = arith.constant 16 : index
          %get3A_478 = tpu.vector_load %arg26[%get3A_476, %get3A_477] {strides = array<i32>} : memref<80x128xf32, #tpu.memory_space<vmem>>, vector<16xf32>,
          %mul3A_479 = arith.mulf %get3A_478, %gather3A_468 : vector<16xf32>
          %swap3A_480 = arith.index_cast %add3A_466 : i32 to index
          %swap3A_481 = arith.constant 16 : index
          %swap3A_482 = tpu.vector_load %arg26[%swap3A_480, %swap3A_481] {strides = array<i32>} : memref<80x128xf32, #tpu.memory_space<vmem>>, vector<16xf32>,
          tpu.vector_store %arg26[%swap3A_480, %swap3A_481], %mul3A_479 {strides = array<i32>} : memref<80x128xf32, #tpu.memory_space<vmem>>, vector<16xf32>,
          %get3A_483 = arith.index_cast %add3A_466 : i32 to index
          %get3A_484 = arith.constant 32 : index
          %get3A_485 = tpu.vector_load %arg26[%get3A_483, %get3A_484] {strides = array<i32>} : memref<80x128xf32, #tpu.memory_space<vmem>>, vector<16xf32>,
          %mul3A_486 = arith.mulf %get3A_485, %gather3A_468 : vector<16xf32>
          %swap3A_487 = arith.index_cast %add3A_466 : i32 to index
          %swap3A_488 = arith.constant 32 : index
          %swap3A_489 = tpu.vector_load %arg26[%swap3A_487, %swap3A_488] {strides = array<i32>} : memref<80x128xf32, #tpu.memory_space<vmem>>, vector<16xf32>,
          tpu.vector_store %arg26[%swap3A_487, %swap3A_488], %mul3A_486 {strides = array<i32>} : memref<80x128xf32, #tpu.memory_space<vmem>>, vector<16xf32>,
          %get3A_490 = arith.index_cast %add3A_466 : i32 to index
          %get3A_491 = arith.constant 48 : index
          %get3A_492 = tpu.vector_load %arg26[%get3A_490, %get3A_491] {strides = array<i32>} : memref<80x128xf32, #tpu.memory_space<vmem>>, vector<16xf32>,
          %mul3A_493 = arith.mulf %get3A_492, %gather3A_468 : vector<16xf32>
          %swap3A_494 = arith.index_cast %add3A_466 : i32 to index
          %swap3A_495 = arith.constant 48 : index
          %swap3A_496 = tpu.vector_load %arg26[%swap3A_494, %swap3A_495] {strides = array<i32>} : memref<80x128xf32, #tpu.memory_space<vmem>>, vector<16xf32>,
          tpu.vector_store %arg26[%swap3A_494, %swap3A_495], %mul3A_493 {strides = array<i32>} : memref<80x128xf32, #tpu.memory_space<vmem>>, vector<16xf32>,
          %get3A_497 = arith.index_cast %add3A_466 : i32 to index
          %get3A_498 = arith.constant 64 : index
          %get3A_499 = tpu.vector_load %arg26[%get3A_497, %get3A_498] {strides = array<i32>} : memref<80x128xf32, #tpu.memory_space<vmem>>, vector<16xf32>,
          %mul3A_500 = arith.mulf %get3A_499, %gather3A_468 : vector<16xf32>
          %swap3A_501 = arith.index_cast %add3A_466 : i32 to index
          %swap3A_502 = arith.constant 64 : index
          %swap3A_503 = tpu.vector_load %arg26[%swap3A_501, %swap3A_502] {strides = array<i32>} : memref<80x128xf32, #tpu.memory_space<vmem>>, vector<16xf32>,
          tpu.vector_store %arg26[%swap3A_501, %swap3A_502], %mul3A_500 {strides = array<i32>} : memref<80x128xf32, #tpu.memory_space<vmem>>, vector<16xf32>,
          %get3A_504 = arith.index_cast %add3A_466 : i32 to index
          %get3A_505 = arith.constant 80 : index
          %get3A_506 = tpu.vector_load %arg26[%get3A_504, %get3A_505] {strides = array<i32>} : memref<80x128xf32, #tpu.memory_space<vmem>>, vector<16xf32>,
          %mul3A_507 = arith.mulf %get3A_506, %gather3A_468 : vector<16xf32>
          %swap3A_508 = arith.index_cast %add3A_466 : i32 to index
          %swap3A_509 = arith.constant 80 : index
          %swap3A_510 = tpu.vector_load %arg26[%swap3A_508, %swap3A_509] {strides = array<i32>} : memref<80x128xf32, #tpu.memory_space<vmem>>, vector<16xf32>,
          tpu.vector_store %arg26[%swap3A_508, %swap3A_509], %mul3A_507 {strides = array<i32>} : memref<80x128xf32, #tpu.memory_space<vmem>>, vector<16xf32>,
          %get3A_511 = arith.index_cast %add3A_466 : i32 to index
          %get3A_512 = arith.constant 96 : index
          %get3A_513 = tpu.vector_load %arg26[%get3A_511, %get3A_512] {strides = array<i32>} : memref<80x128xf32, #tpu.memory_space<vmem>>, vector<16xf32>,
          %mul3A_514 = arith.mulf %get3A_513, %gather3A_468 : vector<16xf32>
          %swap3A_515 = arith.index_cast %add3A_466 : i32 to index
          %swap3A_516 = arith.constant 96 : index
          %swap3A_517 = tpu.vector_load %arg26[%swap3A_515, %swap3A_516] {strides = array<i32>} : memref<80x128xf32, #tpu.memory_space<vmem>>, vector<16xf32>,
          tpu.vector_store %arg26[%swap3A_515, %swap3A_516], %mul3A_514 {strides = array<i32>} : memref<80x128xf32, #tpu.memory_space<vmem>>, vector<16xf32>,
          %get3A_518 = arith.index_cast %add3A_466 : i32 to index
          %get3A_519 = arith.constant 112 : index
          %get3A_520 = tpu.vector_load %arg26[%get3A_518, %get3A_519] {strides = array<i32>} : memref<80x128xf32, #tpu.memory_space<vmem>>, vector<16xf32>,
          %mul3A_521 = arith.mulf %get3A_520, %gather3A_468 : vector<16xf32>
          %swap3A_522 = arith.index_cast %add3A_466 : i32 to index
          %swap3A_523 = arith.constant 112 : index
          %swap3A_524 = tpu.vector_load %arg26[%swap3A_522, %swap3A_523] {strides = array<i32>} : memref<80x128xf32, #tpu.memory_space<vmem>>, vector<16xf32>,
          tpu.vector_store %arg26[%swap3A_522, %swap3A_523], %mul3A_521 {strides = array<i32>} : memref<80x128xf32, #tpu.memory_space<vmem>>, vector<16xf32>,
          %add3A_525 = arith.constant 2 : i32
          %add3A_526 = arith.addi %add3A_407, %add3A_525 : i32
          %broadcast_in_dim3A_527 = vector.broadcast %add3A_526 : i32 to vector<16xi32>
          %gather3A_528 = tpu.vector_load_idx %arg22[%broadcast_in_dim3A_527] : memref<80xf32, #tpu.memory_space<vmem>>[vector<16xi32>], vector<16xf32>,
          %get3A_529 = arith.index_cast %add3A_526 : i32 to index
          %get3A_530 = arith.constant 0 : index
          %get3A_531 = tpu.vector_load %arg26[%get3A_529, %get3A_530] {strides = array<i32>} : memref<80x128xf32, #tpu.memory_space<vmem>>, vector<16xf32>,
          %mul3A_532 = arith.mulf %get3A_531, %gather3A_528 : vector<16xf32>
          %swap3A_533 = arith.index_cast %add3A_526 : i32 to index
          %swap3A_534 = arith.constant 0 : index
          %swap3A_535 = tpu.vector_load %arg26[%swap3A_533, %swap3A_534] {strides = array<i32>} : memref<80x128xf32, #tpu.memory_space<vmem>>, vector<16xf32>,
          tpu.vector_store %arg26[%swap3A_533, %swap3A_534], %mul3A_532 {strides = array<i32>} : memref<80x128xf32, #tpu.memory_space<vmem>>, vector<16xf32>,
          %get3A_536 = arith.index_cast %add3A_526 : i32 to index
          %get3A_537 = arith.constant 16 : index
          %get3A_538 = tpu.vector_load %arg26[%get3A_536, %get3A_537] {strides = array<i32>} : memref<80x128xf32, #tpu.memory_space<vmem>>, vector<16xf32>,
          %mul3A_539 = arith.mulf %get3A_538, %gather3A_528 : vector<16xf32>
          %swap3A_540 = arith.index_cast %add3A_526 : i32 to index
          %swap3A_541 = arith.constant 16 : index
          %swap3A_542 = tpu.vector_load %arg26[%swap3A_540, %swap3A_541] {strides = array<i32>} : memref<80x128xf32, #tpu.memory_space<vmem>>, vector<16xf32>,
          tpu.vector_store %arg26[%swap3A_540, %swap3A_541], %mul3A_539 {strides = array<i32>} : memref<80x128xf32, #tpu.memory_space<vmem>>, vector<16xf32>,
          %get3A_543 = arith.index_cast %add3A_526 : i32 to index
          %get3A_544 = arith.constant 32 : index
          %get3A_545 = tpu.vector_load %arg26[%get3A_543, %get3A_544] {strides = array<i32>} : memref<80x128xf32, #tpu.memory_space<vmem>>, vector<16xf32>,
          %mul3A_546 = arith.mulf %get3A_545, %gather3A_528 : vector<16xf32>
          %swap3A_547 = arith.index_cast %add3A_526 : i32 to index
          %swap3A_548 = arith.constant 32 : index
          %swap3A_549 = tpu.vector_load %arg26[%swap3A_547, %swap3A_548] {strides = array<i32>} : memref<80x128xf32, #tpu.memory_space<vmem>>, vector<16xf32>,
          tpu.vector_store %arg26[%swap3A_547, %swap3A_548], %mul3A_546 {strides = array<i32>} : memref<80x128xf32, #tpu.memory_space<vmem>>, vector<16xf32>,
          %get3A_550 = arith.index_cast %add3A_526 : i32 to index
          %get3A_551 = arith.constant 48 : index
          %get3A_552 = tpu.vector_load %arg26[%get3A_550, %get3A_551] {strides = array<i32>} : memref<80x128xf32, #tpu.memory_space<vmem>>, vector<16xf32>,
          %mul3A_553 = arith.mulf %get3A_552, %gather3A_528 : vector<16xf32>
          %swap3A_554 = arith.index_cast %add3A_526 : i32 to index
          %swap3A_555 = arith.constant 48 : index
          %swap3A_556 = tpu.vector_load %arg26[%swap3A_554, %swap3A_555] {strides = array<i32>} : memref<80x128xf32, #tpu.memory_space<vmem>>, vector<16xf32>,
          tpu.vector_store %arg26[%swap3A_554, %swap3A_555], %mul3A_553 {strides = array<i32>} : memref<80x128xf32, #tpu.memory_space<vmem>>, vector<16xf32>,
          %get3A_557 = arith.index_cast %add3A_526 : i32 to index
          %get3A_558 = arith.constant 64 : index
          %get3A_559 = tpu.vector_load %arg26[%get3A_557, %get3A_558] {strides = array<i32>} : memref<80x128xf32, #tpu.memory_space<vmem>>, vector<16xf32>,
          %mul3A_560 = arith.mulf %get3A_559, %gather3A_528 : vector<16xf32>
          %swap3A_561 = arith.index_cast %add3A_526 : i32 to index
          %swap3A_562 = arith.constant 64 : index
          %swap3A_563 = tpu.vector_load %arg26[%swap3A_561, %swap3A_562] {strides = array<i32>} : memref<80x128xf32, #tpu.memory_space<vmem>>, vector<16xf32>,
          tpu.vector_store %arg26[%swap3A_561, %swap3A_562], %mul3A_560 {strides = array<i32>} : memref<80x128xf32, #tpu.memory_space<vmem>>, vector<16xf32>,
          %get3A_564 = arith.index_cast %add3A_526 : i32 to index
          %get3A_565 = arith.constant 80 : index
          %get3A_566 = tpu.vector_load %arg26[%get3A_564, %get3A_565] {strides = array<i32>} : memref<80x128xf32, #tpu.memory_space<vmem>>, vector<16xf32>,
          %mul3A_567 = arith.mulf %get3A_566, %gather3A_528 : vector<16xf32>
          %swap3A_568 = arith.index_cast %add3A_526 : i32 to index
          %swap3A_569 = arith.constant 80 : index
          %swap3A_570 = tpu.vector_load %arg26[%swap3A_568, %swap3A_569] {strides = array<i32>} : memref<80x128xf32, #tpu.memory_space<vmem>>, vector<16xf32>,
          tpu.vector_store %arg26[%swap3A_568, %swap3A_569], %mul3A_567 {strides = array<i32>} : memref<80x128xf32, #tpu.memory_space<vmem>>, vector<16xf32>,
          %get3A_571 = arith.index_cast %add3A_526 : i32 to index
          %get3A_572 = arith.constant 96 : index
          %get3A_573 = tpu.vector_load %arg26[%get3A_571, %get3A_572] {strides = array<i32>} : memref<80x128xf32, #tpu.memory_space<vmem>>, vector<16xf32>,
          %mul3A_574 = arith.mulf %get3A_573, %gather3A_528 : vector<16xf32>
          %swap3A_575 = arith.index_cast %add3A_526 : i32 to index
          %swap3A_576 = arith.constant 96 : index
          %swap3A_577 = tpu.vector_load %arg26[%swap3A_575, %swap3A_576] {strides = array<i32>} : memref<80x128xf32, #tpu.memory_space<vmem>>, vector<16xf32>,
          tpu.vector_store %arg26[%swap3A_575, %swap3A_576], %mul3A_574 {strides = array<i32>} : memref<80x128xf32, #tpu.memory_space<vmem>>, vector<16xf32>,
          %get3A_578 = arith.index_cast %add3A_526 : i32 to index
          %get3A_579 = arith.constant 112 : index
          %get3A_580 = tpu.vector_load %arg26[%get3A_578, %get3A_579] {strides = array<i32>} : memref<80x128xf32, #tpu.memory_space<vmem>>, vector<16xf32>,
          %mul3A_581 = arith.mulf %get3A_580, %gather3A_528 : vector<16xf32>
          %swap3A_582 = arith.index_cast %add3A_526 : i32 to index
          %swap3A_583 = arith.constant 112 : index
          %swap3A_584 = tpu.vector_load %arg26[%swap3A_582, %swap3A_583] {strides = array<i32>} : memref<80x128xf32, #tpu.memory_space<vmem>>, vector<16xf32>,
          tpu.vector_store %arg26[%swap3A_582, %swap3A_583], %mul3A_581 {strides = array<i32>} : memref<80x128xf32, #tpu.memory_space<vmem>>, vector<16xf32>,
          %add3A_585 = arith.constant 3 : i32
          %add3A_586 = arith.addi %add3A_407, %add3A_585 : i32
          %broadcast_in_dim3A_587 = vector.broadcast %add3A_586 : i32 to vector<16xi32>
          %gather3A_588 = tpu.vector_load_idx %arg22[%broadcast_in_dim3A_587] : memref<80xf32, #tpu.memory_space<vmem>>[vector<16xi32>], vector<16xf32>,
          %get3A_589 = arith.index_cast %add3A_586 : i32 to index
          %get3A_590 = arith.constant 0 : index
          %get3A_591 = tpu.vector_load %arg26[%get3A_589, %get3A_590] {strides = array<i32>} : memref<80x128xf32, #tpu.memory_space<vmem>>, vector<16xf32>,
          %mul3A_592 = arith.mulf %get3A_591, %gather3A_588 : vector<16xf32>
          %swap3A_593 = arith.index_cast %add3A_586 : i32 to index
          %swap3A_594 = arith.constant 0 : index
          %swap3A_595 = tpu.vector_load %arg26[%swap3A_593, %swap3A_594] {strides = array<i32>} : memref<80x128xf32, #tpu.memory_space<vmem>>, vector<16xf32>,
          tpu.vector_store %arg26[%swap3A_593, %swap3A_594], %mul3A_592 {strides = array<i32>} : memref<80x128xf32, #tpu.memory_space<vmem>>, vector<16xf32>,
          %get3A_596 = arith.index_cast %add3A_586 : i32 to index
          %get3A_597 = arith.constant 16 : index
          %get3A_598 = tpu.vector_load %arg26[%get3A_596, %get3A_597] {strides = array<i32>} : memref<80x128xf32, #tpu.memory_space<vmem>>, vector<16xf32>,
          %mul3A_599 = arith.mulf %get3A_598, %gather3A_588 : vector<16xf32>
          %swap3A_600 = arith.index_cast %add3A_586 : i32 to index
          %swap3A_601 = arith.constant 16 : index
          %swap3A_602 = tpu.vector_load %arg26[%swap3A_600, %swap3A_601] {strides = array<i32>} : memref<80x128xf32, #tpu.memory_space<vmem>>, vector<16xf32>,
          tpu.vector_store %arg26[%swap3A_600, %swap3A_601], %mul3A_599 {strides = array<i32>} : memref<80x128xf32, #tpu.memory_space<vmem>>, vector<16xf32>,
          %get3A_603 = arith.index_cast %add3A_586 : i32 to index
          %get3A_604 = arith.constant 32 : index
          %get3A_605 = tpu.vector_load %arg26[%get3A_603, %get3A_604] {strides = array<i32>} : memref<80x128xf32, #tpu.memory_space<vmem>>, vector<16xf32>,
          %mul3A_606 = arith.mulf %get3A_605, %gather3A_588 : vector<16xf32>
          %swap3A_607 = arith.index_cast %add3A_586 : i32 to index
          %swap3A_608 = arith.constant 32 : index
          %swap3A_609 = tpu.vector_load %arg26[%swap3A_607, %swap3A_608] {strides = array<i32>} : memref<80x128xf32, #tpu.memory_space<vmem>>, vector<16xf32>,
          tpu.vector_store %arg26[%swap3A_607, %swap3A_608], %mul3A_606 {strides = array<i32>} : memref<80x128xf32, #tpu.memory_space<vmem>>, vector<16xf32>,
          %get3A_610 = arith.index_cast %add3A_586 : i32 to index
          %get3A_611 = arith.constant 48 : index
          %get3A_612 = tpu.vector_load %arg26[%get3A_610, %get3A_611] {strides = array<i32>} : memref<80x128xf32, #tpu.memory_space<vmem>>, vector<16xf32>,
          %mul3A_613 = arith.mulf %get3A_612, %gather3A_588 : vector<16xf32>
          %swap3A_614 = arith.index_cast %add3A_586 : i32 to index
          %swap3A_615 = arith.constant 48 : index
          %swap3A_616 = tpu.vector_load %arg26[%swap3A_614, %swap3A_615] {strides = array<i32>} : memref<80x128xf32, #tpu.memory_space<vmem>>, vector<16xf32>,
          tpu.vector_store %arg26[%swap3A_614, %swap3A_615], %mul3A_613 {strides = array<i32>} : memref<80x128xf32, #tpu.memory_space<vmem>>, vector<16xf32>,
          %get3A_617 = arith.index_cast %add3A_586 : i32 to index
          %get3A_618 = arith.constant 64 : index
          %get3A_619 = tpu.vector_load %arg26[%get3A_617, %get3A_618] {strides = array<i32>} : memref<80x128xf32, #tpu.memory_space<vmem>>, vector<16xf32>,
          %mul3A_620 = arith.mulf %get3A_619, %gather3A_588 : vector<16xf32>
          %swap3A_621 = arith.index_cast %add3A_586 : i32 to index
          %swap3A_622 = arith.constant 64 : index
          %swap3A_623 = tpu.vector_load %arg26[%swap3A_621, %swap3A_622] {strides = array<i32>} : memref<80x128xf32, #tpu.memory_space<vmem>>, vector<16xf32>,
          tpu.vector_store %arg26[%swap3A_621, %swap3A_622], %mul3A_620 {strides = array<i32>} : memref<80x128xf32, #tpu.memory_space<vmem>>, vector<16xf32>,
          %get3A_624 = arith.index_cast %add3A_586 : i32 to index
          %get3A_625 = arith.constant 80 : index
          %get3A_626 = tpu.vector_load %arg26[%get3A_624, %get3A_625] {strides = array<i32>} : memref<80x128xf32, #tpu.memory_space<vmem>>, vector<16xf32>,
          %mul3A_627 = arith.mulf %get3A_626, %gather3A_588 : vector<16xf32>
          %swap3A_628 = arith.index_cast %add3A_586 : i32 to index
          %swap3A_629 = arith.constant 80 : index
          %swap3A_630 = tpu.vector_load %arg26[%swap3A_628, %swap3A_629] {strides = array<i32>} : memref<80x128xf32, #tpu.memory_space<vmem>>, vector<16xf32>,
          tpu.vector_store %arg26[%swap3A_628, %swap3A_629], %mul3A_627 {strides = array<i32>} : memref<80x128xf32, #tpu.memory_space<vmem>>, vector<16xf32>,
          %get3A_631 = arith.index_cast %add3A_586 : i32 to index
          %get3A_632 = arith.constant 96 : index
          %get3A_633 = tpu.vector_load %arg26[%get3A_631, %get3A_632] {strides = array<i32>} : memref<80x128xf32, #tpu.memory_space<vmem>>, vector<16xf32>,
          %mul3A_634 = arith.mulf %get3A_633, %gather3A_588 : vector<16xf32>
          %swap3A_635 = arith.index_cast %add3A_586 : i32 to index
          %swap3A_636 = arith.constant 96 : index
          %swap3A_637 = tpu.vector_load %arg26[%swap3A_635, %swap3A_636] {strides = array<i32>} : memref<80x128xf32, #tpu.memory_space<vmem>>, vector<16xf32>,
          tpu.vector_store %arg26[%swap3A_635, %swap3A_636], %mul3A_634 {strides = array<i32>} : memref<80x128xf32, #tpu.memory_space<vmem>>, vector<16xf32>,
          %get3A_638 = arith.index_cast %add3A_586 : i32 to index
          %get3A_639 = arith.constant 112 : index
          %get3A_640 = tpu.vector_load %arg26[%get3A_638, %get3A_639] {strides = array<i32>} : memref<80x128xf32, #tpu.memory_space<vmem>>, vector<16xf32>,
          %mul3A_641 = arith.mulf %get3A_640, %gather3A_588 : vector<16xf32>
          %swap3A_642 = arith.index_cast %add3A_586 : i32 to index
          %swap3A_643 = arith.constant 112 : index
          %swap3A_644 = tpu.vector_load %arg26[%swap3A_642, %swap3A_643] {strides = array<i32>} : memref<80x128xf32, #tpu.memory_space<vmem>>, vector<16xf32>,
          tpu.vector_store %arg26[%swap3A_642, %swap3A_643], %mul3A_641 {strides = array<i32>} : memref<80x128xf32, #tpu.memory_space<vmem>>, vector<16xf32>,
        }
        %scan3A_364 = arith.constant 10 : i32
        %mul3A_365 = arith.constant 80 : i32
        %mul3A_366 = arith.muli %add3A_339, %mul3A_365 : i32
        %add3A_367 = arith.addi %mul3A_2, %mul3A_366 : i32
        %add3A_368 = arith.constant 0 : i32
        %add3A_369 = arith.addi %add3A_367, %add3A_368 : i32
        %dma_wait3A_370 = tpu.memref_slice %arg4[%add3A_369] : memref<320000xi32, #tpu.memory_space<hbm>> -> memref<40xi32, #tpu.memory_space<hbm>>
        %dma_wait3A_371 = tpu.memref_slice %arg4[%add3A_369] : memref<320000xi32, #tpu.memory_space<hbm>> -> memref<40xi32, #tpu.memory_space<hbm>>
        tpu.wait_dma2 semaphore(%arg38 : memref<!tpu.dma_semaphore, #tpu.memory_space<semaphore_mem>>) src(%dma_wait3A_371 : memref<40xi32, #tpu.memory_space<hbm>>) dst(%arg17 : memref<40xi32, #tpu.memory_space<vmem>>)
        %dma_start3A_372 = arith.constant 0 : i32
        %dma_start3A_373 = arith.constant 0 : i32
        %dma_start3A_374 = tpu.memref_slice %arg26[%dma_start3A_372, %dma_start3A_373] : memref<80x128xf32, #tpu.memory_space<vmem>> -> memref<40x128xf32, #tpu.memory_space<vmem>>
        %dma_start3A_375 = arith.constant 0 : i32
        %dma_start3A_376 = arith.constant 0 : i32
        %dma_start3A_377 = tpu.memref_slice %arg27[%dma_start3A_375, %dma_start3A_376] : memref<10000x128xf32, #tpu.memory_space<vmem_shared>> -> memref<10000x128xf32, #tpu.memory_space<vmem_shared>>
        tpu.enqueue_indirect_dma source(%dma_start3A_374 : memref<40x128xf32, #tpu.memory_space<vmem>>) target(%dma_start3A_377 : memref<10000x128xf32, #tpu.memory_space<vmem_shared>>) offsets(%arg17 : memref<40xi32, #tpu.memory_space<vmem>>) semaphore(%arg54 : memref<!tpu.dma_semaphore, #tpu.memory_space<semaphore_mem>>) {add = true}
        %scan3A_378 = arith.constant 0 : i32
        %scan3A_379 = arith.constant 10 : i32
        %scan3A_380 = arith.addi %scan3A_378, %scan3A_379 : i32
        %scan3A_381 = arith.constant 1 : i32
        scf.for %scan3A_403 = %scan3A_378 to %scan3A_380 step %scan3A_381  : i32 {
          %mul3A_404 = arith.constant 4 : i32
          %mul3A_405 = arith.muli %scan3A_403, %mul3A_404 : i32
          %add3A_406 = arith.constant 40 : i32
          %add3A_407 = arith.addi %add3A_406, %mul3A_405 : i32
          %add3A_408 = arith.constant 0 : i32
          %add3A_409 = arith.addi %add3A_407, %add3A_408 : i32
          %broadcast_in_dim3A_410 = vector.broadcast %add3A_409 : i32 to vector<16xi32>
          %gather3A = tpu.vector_load_idx %arg22[%broadcast_in_dim3A_410] : memref<80xf32, #tpu.memory_space<vmem>>[vector<16xi32>], vector<16xf32>,
          %get3A = arith.index_cast %add3A_409 : i32 to index
          %get3A_411 = arith.constant 0 : index
          %get3A_412 = tpu.vector_load %arg26[%get3A, %get3A_411] {strides = array<i32>} : memref<80x128xf32, #tpu.memory_space<vmem>>, vector<16xf32>,
          %mul3A_413 = arith.mulf %get3A_412, %gather3A : vector<16xf32>
          %swap3A = arith.index_cast %add3A_409 : i32 to index
          %swap3A_414 = arith.constant 0 : index
          %swap3A_415 = tpu.vector_load %arg26[%swap3A, %swap3A_414] {strides = array<i32>} : memref<80x128xf32, #tpu.memory_space<vmem>>, vector<16xf32>,
          tpu.vector_store %arg26[%swap3A, %swap3A_414], %mul3A_413 {strides = array<i32>} : memref<80x128xf32, #tpu.memory_space<vmem>>, vector<16xf32>,
          %get3A_416 = arith.index_cast %add3A_409 : i32 to index
          %get3A_417 = arith.constant 16 : index
          %get3A_418 = tpu.vector_load %arg26[%get3A_416, %get3A_417] {strides = array<i32>} : memref<80x128xf32, #tpu.memory_space<vmem>>, vector<16xf32>,
          %mul3A_419 = arith.mulf %get3A_418, %gather3A : vector<16xf32>
          %swap3A_420 = arith.index_cast %add3A_409 : i32 to index
          %swap3A_421 = arith.constant 16 : index
          %swap3A_422 = tpu.vector_load %arg26[%swap3A_420, %swap3A_421] {strides = array<i32>} : memref<80x128xf32, #tpu.memory_space<vmem>>, vector<16xf32>,
          tpu.vector_store %arg26[%swap3A_420, %swap3A_421], %mul3A_419 {strides = array<i32>} : memref<80x128xf32, #tpu.memory_space<vmem>>, vector<16xf32>,
          %get3A_423 = arith.index_cast %add3A_409 : i32 to index
          %get3A_424 = arith.constant 32 : index
          %get3A_425 = tpu.vector_load %arg26[%get3A_423, %get3A_424] {strides = array<i32>} : memref<80x128xf32, #tpu.memory_space<vmem>>, vector<16xf32>,
          %mul3A_426 = arith.mulf %get3A_425, %gather3A : vector<16xf32>
          %swap3A_427 = arith.index_cast %add3A_409 : i32 to index
          %swap3A_428 = arith.constant 32 : index
          %swap3A_429 = tpu.vector_load %arg26[%swap3A_427, %swap3A_428] {strides = array<i32>} : memref<80x128xf32, #tpu.memory_space<vmem>>, vector<16xf32>,
          tpu.vector_store %arg26[%swap3A_427, %swap3A_428], %mul3A_426 {strides = array<i32>} : memref<80x128xf32, #tpu.memory_space<vmem>>, vector<16xf32>,
          %get3A_430 = arith.index_cast %add3A_409 : i32 to index
          %get3A_431 = arith.constant 48 : index
          %get3A_432 = tpu.vector_load %arg26[%get3A_430, %get3A_431] {strides = array<i32>} : memref<80x128xf32, #tpu.memory_space<vmem>>, vector<16xf32>,
          %mul3A_433 = arith.mulf %get3A_432, %gather3A : vector<16xf32>
          %swap3A_434 = arith.index_cast %add3A_409 : i32 to index
          %swap3A_435 = arith.constant 48 : index
          %swap3A_436 = tpu.vector_load %arg26[%swap3A_434, %swap3A_435] {strides = array<i32>} : memref<80x128xf32, #tpu.memory_space<vmem>>, vector<16xf32>,
          tpu.vector_store %arg26[%swap3A_434, %swap3A_435], %mul3A_433 {strides = array<i32>} : memref<80x128xf32, #tpu.memory_space<vmem>>, vector<16xf32>,
          %get3A_437 = arith.index_cast %add3A_409 : i32 to index
          %get3A_438 = arith.constant 64 : index
          %get3A_439 = tpu.vector_load %arg26[%get3A_437, %get3A_438] {strides = array<i32>} : memref<80x128xf32, #tpu.memory_space<vmem>>, vector<16xf32>,
          %mul3A_440 = arith.mulf %get3A_439, %gather3A : vector<16xf32>
          %swap3A_441 = arith.index_cast %add3A_409 : i32 to index
          %swap3A_442 = arith.constant 64 : index
          %swap3A_443 = tpu.vector_load %arg26[%swap3A_441, %swap3A_442] {strides = array<i32>} : memref<80x128xf32, #tpu.memory_space<vmem>>, vector<16xf32>,
          tpu.vector_store %arg26[%swap3A_441, %swap3A_442], %mul3A_440 {strides = array<i32>} : memref<80x128xf32, #tpu.memory_space<vmem>>, vector<16xf32>,
          %get3A_444 = arith.index_cast %add3A_409 : i32 to index
          %get3A_445 = arith.constant 80 : index
          %get3A_446 = tpu.vector_load %arg26[%get3A_444, %get3A_445] {strides = array<i32>} : memref<80x128xf32, #tpu.memory_space<vmem>>, vector<16xf32>,
          %mul3A_447 = arith.mulf %get3A_446, %gather3A : vector<16xf32>
          %swap3A_448 = arith.index_cast %add3A_409 : i32 to index
          %swap3A_449 = arith.constant 80 : index
          %swap3A_450 = tpu.vector_load %arg26[%swap3A_448, %swap3A_449] {strides = array<i32>} : memref<80x128xf32, #tpu.memory_space<vmem>>, vector<16xf32>,
          tpu.vector_store %arg26[%swap3A_448, %swap3A_449], %mul3A_447 {strides = array<i32>} : memref<80x128xf32, #tpu.memory_space<vmem>>, vector<16xf32>,
          %get3A_451 = arith.index_cast %add3A_409 : i32 to index
          %get3A_452 = arith.constant 96 : index
          %get3A_453 = tpu.vector_load %arg26[%get3A_451, %get3A_452] {strides = array<i32>} : memref<80x128xf32, #tpu.memory_space<vmem>>, vector<16xf32>,
          %mul3A_454 = arith.mulf %get3A_453, %gather3A : vector<16xf32>
          %swap3A_455 = arith.index_cast %add3A_409 : i32 to index
          %swap3A_456 = arith.constant 96 : index
          %swap3A_457 = tpu.vector_load %arg26[%swap3A_455, %swap3A_456] {strides = array<i32>} : memref<80x128xf32, #tpu.memory_space<vmem>>, vector<16xf32>,
          tpu.vector_store %arg26[%swap3A_455, %swap3A_456], %mul3A_454 {strides = array<i32>} : memref<80x128xf32, #tpu.memory_space<vmem>>, vector<16xf32>,
          %get3A_458 = arith.index_cast %add3A_409 : i32 to index
          %get3A_459 = arith.constant 112 : index
          %get3A_460 = tpu.vector_load %arg26[%get3A_458, %get3A_459] {strides = array<i32>} : memref<80x128xf32, #tpu.memory_space<vmem>>, vector<16xf32>,
          %mul3A_461 = arith.mulf %get3A_460, %gather3A : vector<16xf32>
          %swap3A_462 = arith.index_cast %add3A_409 : i32 to index
          %swap3A_463 = arith.constant 112 : index
          %swap3A_464 = tpu.vector_load %arg26[%swap3A_462, %swap3A_463] {strides = array<i32>} : memref<80x128xf32, #tpu.memory_space<vmem>>, vector<16xf32>,
          tpu.vector_store %arg26[%swap3A_462, %swap3A_463], %mul3A_461 {strides = array<i32>} : memref<80x128xf32, #tpu.memory_space<vmem>>, vector<16xf32>,
          %add3A_465 = arith.constant 1 : i32
          %add3A_466 = arith.addi %add3A_407, %add3A_465 : i32
          %broadcast_in_dim3A_467 = vector.broadcast %add3A_466 : i32 to vector<16xi32>
          %gather3A_468 = tpu.vector_load_idx %arg22[%broadcast_in_dim3A_467] : memref<80xf32, #tpu.memory_space<vmem>>[vector<16xi32>], vector<16xf32>,
          %get3A_469 = arith.index_cast %add3A_466 : i32 to index
          %get3A_470 = arith.constant 0 : index
          %get3A_471 = tpu.vector_load %arg26[%get3A_469, %get3A_470] {strides = array<i32>} : memref<80x128xf32, #tpu.memory_space<vmem>>, vector<16xf32>,
          %mul3A_472 = arith.mulf %get3A_471, %gather3A_468 : vector<16xf32>
          %swap3A_473 = arith.index_cast %add3A_466 : i32 to index
          %swap3A_474 = arith.constant 0 : index
          %swap3A_475 = tpu.vector_load %arg26[%swap3A_473, %swap3A_474] {strides = array<i32>} : memref<80x128xf32, #tpu.memory_space<vmem>>, vector<16xf32>,
          tpu.vector_store %arg26[%swap3A_473, %swap3A_474], %mul3A_472 {strides = array<i32>} : memref<80x128xf32, #tpu.memory_space<vmem>>, vector<16xf32>,
          %get3A_476 = arith.index_cast %add3A_466 : i32 to index
          %get3A_477 = arith.constant 16 : index
          %get3A_478 = tpu.vector_load %arg26[%get3A_476, %get3A_477] {strides = array<i32>} : memref<80x128xf32, #tpu.memory_space<vmem>>, vector<16xf32>,
          %mul3A_479 = arith.mulf %get3A_478, %gather3A_468 : vector<16xf32>
          %swap3A_480 = arith.index_cast %add3A_466 : i32 to index
          %swap3A_481 = arith.constant 16 : index
          %swap3A_482 = tpu.vector_load %arg26[%swap3A_480, %swap3A_481] {strides = array<i32>} : memref<80x128xf32, #tpu.memory_space<vmem>>, vector<16xf32>,
          tpu.vector_store %arg26[%swap3A_480, %swap3A_481], %mul3A_479 {strides = array<i32>} : memref<80x128xf32, #tpu.memory_space<vmem>>, vector<16xf32>,
          %get3A_483 = arith.index_cast %add3A_466 : i32 to index
          %get3A_484 = arith.constant 32 : index
          %get3A_485 = tpu.vector_load %arg26[%get3A_483, %get3A_484] {strides = array<i32>} : memref<80x128xf32, #tpu.memory_space<vmem>>, vector<16xf32>,
          %mul3A_486 = arith.mulf %get3A_485, %gather3A_468 : vector<16xf32>
          %swap3A_487 = arith.index_cast %add3A_466 : i32 to index
          %swap3A_488 = arith.constant 32 : index
          %swap3A_489 = tpu.vector_load %arg26[%swap3A_487, %swap3A_488] {strides = array<i32>} : memref<80x128xf32, #tpu.memory_space<vmem>>, vector<16xf32>,
          tpu.vector_store %arg26[%swap3A_487, %swap3A_488], %mul3A_486 {strides = array<i32>} : memref<80x128xf32, #tpu.memory_space<vmem>>, vector<16xf32>,
          %get3A_490 = arith.index_cast %add3A_466 : i32 to index
          %get3A_491 = arith.constant 48 : index
          %get3A_492 = tpu.vector_load %arg26[%get3A_490, %get3A_491] {strides = array<i32>} : memref<80x128xf32, #tpu.memory_space<vmem>>, vector<16xf32>,
          %mul3A_493 = arith.mulf %get3A_492, %gather3A_468 : vector<16xf32>
          %swap3A_494 = arith.index_cast %add3A_466 : i32 to index
          %swap3A_495 = arith.constant 48 : index
          %swap3A_496 = tpu.vector_load %arg26[%swap3A_494, %swap3A_495] {strides = array<i32>} : memref<80x128xf32, #tpu.memory_space<vmem>>, vector<16xf32>,
          tpu.vector_store %arg26[%swap3A_494, %swap3A_495], %mul3A_493 {strides = array<i32>} : memref<80x128xf32, #tpu.memory_space<vmem>>, vector<16xf32>,
          %get3A_497 = arith.index_cast %add3A_466 : i32 to index
          %get3A_498 = arith.constant 64 : index
          %get3A_499 = tpu.vector_load %arg26[%get3A_497, %get3A_498] {strides = array<i32>} : memref<80x128xf32, #tpu.memory_space<vmem>>, vector<16xf32>,
          %mul3A_500 = arith.mulf %get3A_499, %gather3A_468 : vector<16xf32>
          %swap3A_501 = arith.index_cast %add3A_466 : i32 to index
          %swap3A_502 = arith.constant 64 : index
          %swap3A_503 = tpu.vector_load %arg26[%swap3A_501, %swap3A_502] {strides = array<i32>} : memref<80x128xf32, #tpu.memory_space<vmem>>, vector<16xf32>,
          tpu.vector_store %arg26[%swap3A_501, %swap3A_502], %mul3A_500 {strides = array<i32>} : memref<80x128xf32, #tpu.memory_space<vmem>>, vector<16xf32>,
          %get3A_504 = arith.index_cast %add3A_466 : i32 to index
          %get3A_505 = arith.constant 80 : index
          %get3A_506 = tpu.vector_load %arg26[%get3A_504, %get3A_505] {strides = array<i32>} : memref<80x128xf32, #tpu.memory_space<vmem>>, vector<16xf32>,
          %mul3A_507 = arith.mulf %get3A_506, %gather3A_468 : vector<16xf32>
          %swap3A_508 = arith.index_cast %add3A_466 : i32 to index
          %swap3A_509 = arith.constant 80 : index
          %swap3A_510 = tpu.vector_load %arg26[%swap3A_508, %swap3A_509] {strides = array<i32>} : memref<80x128xf32, #tpu.memory_space<vmem>>, vector<16xf32>,
          tpu.vector_store %arg26[%swap3A_508, %swap3A_509], %mul3A_507 {strides = array<i32>} : memref<80x128xf32, #tpu.memory_space<vmem>>, vector<16xf32>,
          %get3A_511 = arith.index_cast %add3A_466 : i32 to index
          %get3A_512 = arith.constant 96 : index
          %get3A_513 = tpu.vector_load %arg26[%get3A_511, %get3A_512] {strides = array<i32>} : memref<80x128xf32, #tpu.memory_space<vmem>>, vector<16xf32>,
          %mul3A_514 = arith.mulf %get3A_513, %gather3A_468 : vector<16xf32>
          %swap3A_515 = arith.index_cast %add3A_466 : i32 to index
          %swap3A_516 = arith.constant 96 : index
          %swap3A_517 = tpu.vector_load %arg26[%swap3A_515, %swap3A_516] {strides = array<i32>} : memref<80x128xf32, #tpu.memory_space<vmem>>, vector<16xf32>,
          tpu.vector_store %arg26[%swap3A_515, %swap3A_516], %mul3A_514 {strides = array<i32>} : memref<80x128xf32, #tpu.memory_space<vmem>>, vector<16xf32>,
          %get3A_518 = arith.index_cast %add3A_466 : i32 to index
          %get3A_519 = arith.constant 112 : index
          %get3A_520 = tpu.vector_load %arg26[%get3A_518, %get3A_519] {strides = array<i32>} : memref<80x128xf32, #tpu.memory_space<vmem>>, vector<16xf32>,
          %mul3A_521 = arith.mulf %get3A_520, %gather3A_468 : vector<16xf32>
          %swap3A_522 = arith.index_cast %add3A_466 : i32 to index
          %swap3A_523 = arith.constant 112 : index
          %swap3A_524 = tpu.vector_load %arg26[%swap3A_522, %swap3A_523] {strides = array<i32>} : memref<80x128xf32, #tpu.memory_space<vmem>>, vector<16xf32>,
          tpu.vector_store %arg26[%swap3A_522, %swap3A_523], %mul3A_521 {strides = array<i32>} : memref<80x128xf32, #tpu.memory_space<vmem>>, vector<16xf32>,
          %add3A_525 = arith.constant 2 : i32
          %add3A_526 = arith.addi %add3A_407, %add3A_525 : i32
          %broadcast_in_dim3A_527 = vector.broadcast %add3A_526 : i32 to vector<16xi32>
          %gather3A_528 = tpu.vector_load_idx %arg22[%broadcast_in_dim3A_527] : memref<80xf32, #tpu.memory_space<vmem>>[vector<16xi32>], vector<16xf32>,
          %get3A_529 = arith.index_cast %add3A_526 : i32 to index
          %get3A_530 = arith.constant 0 : index
          %get3A_531 = tpu.vector_load %arg26[%get3A_529, %get3A_530] {strides = array<i32>} : memref<80x128xf32, #tpu.memory_space<vmem>>, vector<16xf32>,
          %mul3A_532 = arith.mulf %get3A_531, %gather3A_528 : vector<16xf32>
          %swap3A_533 = arith.index_cast %add3A_526 : i32 to index
          %swap3A_534 = arith.constant 0 : index
          %swap3A_535 = tpu.vector_load %arg26[%swap3A_533, %swap3A_534] {strides = array<i32>} : memref<80x128xf32, #tpu.memory_space<vmem>>, vector<16xf32>,
          tpu.vector_store %arg26[%swap3A_533, %swap3A_534], %mul3A_532 {strides = array<i32>} : memref<80x128xf32, #tpu.memory_space<vmem>>, vector<16xf32>,
          %get3A_536 = arith.index_cast %add3A_526 : i32 to index
          %get3A_537 = arith.constant 16 : index
          %get3A_538 = tpu.vector_load %arg26[%get3A_536, %get3A_537] {strides = array<i32>} : memref<80x128xf32, #tpu.memory_space<vmem>>, vector<16xf32>,
          %mul3A_539 = arith.mulf %get3A_538, %gather3A_528 : vector<16xf32>
          %swap3A_540 = arith.index_cast %add3A_526 : i32 to index
          %swap3A_541 = arith.constant 16 : index
          %swap3A_542 = tpu.vector_load %arg26[%swap3A_540, %swap3A_541] {strides = array<i32>} : memref<80x128xf32, #tpu.memory_space<vmem>>, vector<16xf32>,
          tpu.vector_store %arg26[%swap3A_540, %swap3A_541], %mul3A_539 {strides = array<i32>} : memref<80x128xf32, #tpu.memory_space<vmem>>, vector<16xf32>,
          %get3A_543 = arith.index_cast %add3A_526 : i32 to index
          %get3A_544 = arith.constant 32 : index
          %get3A_545 = tpu.vector_load %arg26[%get3A_543, %get3A_544] {strides = array<i32>} : memref<80x128xf32, #tpu.memory_space<vmem>>, vector<16xf32>,
          %mul3A_546 = arith.mulf %get3A_545, %gather3A_528 : vector<16xf32>
          %swap3A_547 = arith.index_cast %add3A_526 : i32 to index
          %swap3A_548 = arith.constant 32 : index
          %swap3A_549 = tpu.vector_load %arg26[%swap3A_547, %swap3A_548] {strides = array<i32>} : memref<80x128xf32, #tpu.memory_space<vmem>>, vector<16xf32>,
          tpu.vector_store %arg26[%swap3A_547, %swap3A_548], %mul3A_546 {strides = array<i32>} : memref<80x128xf32, #tpu.memory_space<vmem>>, vector<16xf32>,
          %get3A_550 = arith.index_cast %add3A_526 : i32 to index
          %get3A_551 = arith.constant 48 : index
          %get3A_552 = tpu.vector_load %arg26[%get3A_550, %get3A_551] {strides = array<i32>} : memref<80x128xf32, #tpu.memory_space<vmem>>, vector<16xf32>,
          %mul3A_553 = arith.mulf %get3A_552, %gather3A_528 : vector<16xf32>
          %swap3A_554 = arith.index_cast %add3A_526 : i32 to index
          %swap3A_555 = arith.constant 48 : index
          %swap3A_556 = tpu.vector_load %arg26[%swap3A_554, %swap3A_555] {strides = array<i32>} : memref<80x128xf32, #tpu.memory_space<vmem>>, vector<16xf32>,
          tpu.vector_store %arg26[%swap3A_554, %swap3A_555], %mul3A_553 {strides = array<i32>} : memref<80x128xf32, #tpu.memory_space<vmem>>, vector<16xf32>,
          %get3A_557 = arith.index_cast %add3A_526 : i32 to index
          %get3A_558 = arith.constant 64 : index
          %get3A_559 = tpu.vector_load %arg26[%get3A_557, %get3A_558] {strides = array<i32>} : memref<80x128xf32, #tpu.memory_space<vmem>>, vector<16xf32>,
          %mul3A_560 = arith.mulf %get3A_559, %gather3A_528 : vector<16xf32>
          %swap3A_561 = arith.index_cast %add3A_526 : i32 to index
          %swap3A_562 = arith.constant 64 : index
          %swap3A_563 = tpu.vector_load %arg26[%swap3A_561, %swap3A_562] {strides = array<i32>} : memref<80x128xf32, #tpu.memory_space<vmem>>, vector<16xf32>,
          tpu.vector_store %arg26[%swap3A_561, %swap3A_562], %mul3A_560 {strides = array<i32>} : memref<80x128xf32, #tpu.memory_space<vmem>>, vector<16xf32>,
          %get3A_564 = arith.index_cast %add3A_526 : i32 to index
          %get3A_565 = arith.constant 80 : index
          %get3A_566 = tpu.vector_load %arg26[%get3A_564, %get3A_565] {strides = array<i32>} : memref<80x128xf32, #tpu.memory_space<vmem>>, vector<16xf32>,
          %mul3A_567 = arith.mulf %get3A_566, %gather3A_528 : vector<16xf32>
          %swap3A_568 = arith.index_cast %add3A_526 : i32 to index
          %swap3A_569 = arith.constant 80 : index
          %swap3A_570 = tpu.vector_load %arg26[%swap3A_568, %swap3A_569] {strides = array<i32>} : memref<80x128xf32, #tpu.memory_space<vmem>>, vector<16xf32>,
          tpu.vector_store %arg26[%swap3A_568, %swap3A_569], %mul3A_567 {strides = array<i32>} : memref<80x128xf32, #tpu.memory_space<vmem>>, vector<16xf32>,
          %get3A_571 = arith.index_cast %add3A_526 : i32 to index
          %get3A_572 = arith.constant 96 : index
          %get3A_573 = tpu.vector_load %arg26[%get3A_571, %get3A_572] {strides = array<i32>} : memref<80x128xf32, #tpu.memory_space<vmem>>, vector<16xf32>,
          %mul3A_574 = arith.mulf %get3A_573, %gather3A_528 : vector<16xf32>
          %swap3A_575 = arith.index_cast %add3A_526 : i32 to index
          %swap3A_576 = arith.constant 96 : index
          %swap3A_577 = tpu.vector_load %arg26[%swap3A_575, %swap3A_576] {strides = array<i32>} : memref<80x128xf32, #tpu.memory_space<vmem>>, vector<16xf32>,
          tpu.vector_store %arg26[%swap3A_575, %swap3A_576], %mul3A_574 {strides = array<i32>} : memref<80x128xf32, #tpu.memory_space<vmem>>, vector<16xf32>,
          %get3A_578 = arith.index_cast %add3A_526 : i32 to index
          %get3A_579 = arith.constant 112 : index
          %get3A_580 = tpu.vector_load %arg26[%get3A_578, %get3A_579] {strides = array<i32>} : memref<80x128xf32, #tpu.memory_space<vmem>>, vector<16xf32>,
          %mul3A_581 = arith.mulf %get3A_580, %gather3A_528 : vector<16xf32>
          %swap3A_582 = arith.index_cast %add3A_526 : i32 to index
          %swap3A_583 = arith.constant 112 : index
          %swap3A_584 = tpu.vector_load %arg26[%swap3A_582, %swap3A_583] {strides = array<i32>} : memref<80x128xf32, #tpu.memory_space<vmem>>, vector<16xf32>,
          tpu.vector_store %arg26[%swap3A_582, %swap3A_583], %mul3A_581 {strides = array<i32>} : memref<80x128xf32, #tpu.memory_space<vmem>>, vector<16xf32>,
          %add3A_585 = arith.constant 3 : i32
          %add3A_586 = arith.addi %add3A_407, %add3A_585 : i32
          %broadcast_in_dim3A_587 = vector.broadcast %add3A_586 : i32 to vector<16xi32>
          %gather3A_588 = tpu.vector_load_idx %arg22[%broadcast_in_dim3A_587] : memref<80xf32, #tpu.memory_space<vmem>>[vector<16xi32>], vector<16xf32>,
          %get3A_589 = arith.index_cast %add3A_586 : i32 to index
          %get3A_590 = arith.constant 0 : index
          %get3A_591 = tpu.vector_load %arg26[%get3A_589, %get3A_590] {strides = array<i32>} : memref<80x128xf32, #tpu.memory_space<vmem>>, vector<16xf32>,
          %mul3A_592 = arith.mulf %get3A_591, %gather3A_588 : vector<16xf32>
          %swap3A_593 = arith.index_cast %add3A_586 : i32 to index
          %swap3A_594 = arith.constant 0 : index
          %swap3A_595 = tpu.vector_load %arg26[%swap3A_593, %swap3A_594] {strides = array<i32>} : memref<80x128xf32, #tpu.memory_space<vmem>>, vector<16xf32>,
          tpu.vector_store %arg26[%swap3A_593, %swap3A_594], %mul3A_592 {strides = array<i32>} : memref<80x128xf32, #tpu.memory_space<vmem>>, vector<16xf32>,
          %get3A_596 = arith.index_cast %add3A_586 : i32 to index
          %get3A_597 = arith.constant 16 : index
          %get3A_598 = tpu.vector_load %arg26[%get3A_596, %get3A_597] {strides = array<i32>} : memref<80x128xf32, #tpu.memory_space<vmem>>, vector<16xf32>,
          %mul3A_599 = arith.mulf %get3A_598, %gather3A_588 : vector<16xf32>
          %swap3A_600 = arith.index_cast %add3A_586 : i32 to index
          %swap3A_601 = arith.constant 16 : index
          %swap3A_602 = tpu.vector_load %arg26[%swap3A_600, %swap3A_601] {strides = array<i32>} : memref<80x128xf32, #tpu.memory_space<vmem>>, vector<16xf32>,
          tpu.vector_store %arg26[%swap3A_600, %swap3A_601], %mul3A_599 {strides = array<i32>} : memref<80x128xf32, #tpu.memory_space<vmem>>, vector<16xf32>,
          %get3A_603 = arith.index_cast %add3A_586 : i32 to index
          %get3A_604 = arith.constant 32 : index
          %get3A_605 = tpu.vector_load %arg26[%get3A_603, %get3A_604] {strides = array<i32>} : memref<80x128xf32, #tpu.memory_space<vmem>>, vector<16xf32>,
          %mul3A_606 = arith.mulf %get3A_605, %gather3A_588 : vector<16xf32>
          %swap3A_607 = arith.index_cast %add3A_586 : i32 to index
          %swap3A_608 = arith.constant 32 : index
          %swap3A_609 = tpu.vector_load %arg26[%swap3A_607, %swap3A_608] {strides = array<i32>} : memref<80x128xf32, #tpu.memory_space<vmem>>, vector<16xf32>,
          tpu.vector_store %arg26[%swap3A_607, %swap3A_608], %mul3A_606 {strides = array<i32>} : memref<80x128xf32, #tpu.memory_space<vmem>>, vector<16xf32>,
          %get3A_610 = arith.index_cast %add3A_586 : i32 to index
          %get3A_611 = arith.constant 48 : index
          %get3A_612 = tpu.vector_load %arg26[%get3A_610, %get3A_611] {strides = array<i32>} : memref<80x128xf32, #tpu.memory_space<vmem>>, vector<16xf32>,
          %mul3A_613 = arith.mulf %get3A_612, %gather3A_588 : vector<16xf32>
          %swap3A_614 = arith.index_cast %add3A_586 : i32 to index
          %swap3A_615 = arith.constant 48 : index
          %swap3A_616 = tpu.vector_load %arg26[%swap3A_614, %swap3A_615] {strides = array<i32>} : memref<80x128xf32, #tpu.memory_space<vmem>>, vector<16xf32>,
          tpu.vector_store %arg26[%swap3A_614, %swap3A_615], %mul3A_613 {strides = array<i32>} : memref<80x128xf32, #tpu.memory_space<vmem>>, vector<16xf32>,
          %get3A_617 = arith.index_cast %add3A_586 : i32 to index
          %get3A_618 = arith.constant 64 : index
          %get3A_619 = tpu.vector_load %arg26[%get3A_617, %get3A_618] {strides = array<i32>} : memref<80x128xf32, #tpu.memory_space<vmem>>, vector<16xf32>,
          %mul3A_620 = arith.mulf %get3A_619, %gather3A_588 : vector<16xf32>
          %swap3A_621 = arith.index_cast %add3A_586 : i32 to index
          %swap3A_622 = arith.constant 64 : index
          %swap3A_623 = tpu.vector_load %arg26[%swap3A_621, %swap3A_622] {strides = array<i32>} : memref<80x128xf32, #tpu.memory_space<vmem>>, vector<16xf32>,
          tpu.vector_store %arg26[%swap3A_621, %swap3A_622], %mul3A_620 {strides = array<i32>} : memref<80x128xf32, #tpu.memory_space<vmem>>, vector<16xf32>,
          %get3A_624 = arith.index_cast %add3A_586 : i32 to index
          %get3A_625 = arith.constant 80 : index
          %get3A_626 = tpu.vector_load %arg26[%get3A_624, %get3A_625] {strides = array<i32>} : memref<80x128xf32, #tpu.memory_space<vmem>>, vector<16xf32>,
          %mul3A_627 = arith.mulf %get3A_626, %gather3A_588 : vector<16xf32>
          %swap3A_628 = arith.index_cast %add3A_586 : i32 to index
          %swap3A_629 = arith.constant 80 : index
          %swap3A_630 = tpu.vector_load %arg26[%swap3A_628, %swap3A_629] {strides = array<i32>} : memref<80x128xf32, #tpu.memory_space<vmem>>, vector<16xf32>,
          tpu.vector_store %arg26[%swap3A_628, %swap3A_629], %mul3A_627 {strides = array<i32>} : memref<80x128xf32, #tpu.memory_space<vmem>>, vector<16xf32>,
          %get3A_631 = arith.index_cast %add3A_586 : i32 to index
          %get3A_632 = arith.constant 96 : index
          %get3A_633 = tpu.vector_load %arg26[%get3A_631, %get3A_632] {strides = array<i32>} : memref<80x128xf32, #tpu.memory_space<vmem>>, vector<16xf32>,
          %mul3A_634 = arith.mulf %get3A_633, %gather3A_588 : vector<16xf32>
          %swap3A_635 = arith.index_cast %add3A_586 : i32 to index
          %swap3A_636 = arith.constant 96 : index
          %swap3A_637 = tpu.vector_load %arg26[%swap3A_635, %swap3A_636] {strides = array<i32>} : memref<80x128xf32, #tpu.memory_space<vmem>>, vector<16xf32>,
          tpu.vector_store %arg26[%swap3A_635, %swap3A_636], %mul3A_634 {strides = array<i32>} : memref<80x128xf32, #tpu.memory_space<vmem>>, vector<16xf32>,
          %get3A_638 = arith.index_cast %add3A_586 : i32 to index
          %get3A_639 = arith.constant 112 : index
          %get3A_640 = tpu.vector_load %arg26[%get3A_638, %get3A_639] {strides = array<i32>} : memref<80x128xf32, #tpu.memory_space<vmem>>, vector<16xf32>,
          %mul3A_641 = arith.mulf %get3A_640, %gather3A_588 : vector<16xf32>
          %swap3A_642 = arith.index_cast %add3A_586 : i32 to index
          %swap3A_643 = arith.constant 112 : index
          %swap3A_644 = tpu.vector_load %arg26[%swap3A_642, %swap3A_643] {strides = array<i32>} : memref<80x128xf32, #tpu.memory_space<vmem>>, vector<16xf32>,
          tpu.vector_store %arg26[%swap3A_642, %swap3A_643], %mul3A_641 {strides = array<i32>} : memref<80x128xf32, #tpu.memory_space<vmem>>, vector<16xf32>,
        }
        %scan3A_382 = arith.constant 10 : i32
        %mul3A_383 = arith.constant 80 : i32
        %mul3A_384 = arith.muli %add3A_339, %mul3A_383 : i32
        %add3A_385 = arith.addi %mul3A_2, %mul3A_384 : i32
        %add3A_386 = arith.constant 40 : i32
        %add3A_387 = arith.addi %add3A_385, %add3A_386 : i32
        %dma_wait3A_388 = tpu.memref_slice %arg4[%add3A_387] : memref<320000xi32, #tpu.memory_space<hbm>> -> memref<40xi32, #tpu.memory_space<hbm>>
        %dma_wait3A_389 = tpu.memref_slice %arg4[%add3A_387] : memref<320000xi32, #tpu.memory_space<hbm>> -> memref<40xi32, #tpu.memory_space<hbm>>
        tpu.wait_dma2 semaphore(%arg39 : memref<!tpu.dma_semaphore, #tpu.memory_space<semaphore_mem>>) src(%dma_wait3A_389 : memref<40xi32, #tpu.memory_space<hbm>>) dst(%arg18 : memref<40xi32, #tpu.memory_space<vmem>>)
        %dma_start3A_390 = arith.constant 40 : i32
        %dma_start3A_391 = arith.constant 0 : i32
        %dma_start3A_392 = tpu.memref_slice %arg26[%dma_start3A_390, %dma_start3A_391] : memref<80x128xf32, #tpu.memory_space<vmem>> -> memref<40x128xf32, #tpu.memory_space<vmem>>
        %dma_start3A_393 = arith.constant 0 : i32
        %dma_start3A_394 = arith.constant 0 : i32
        %dma_start3A_395 = tpu.memref_slice %arg27[%dma_start3A_393, %dma_start3A_394] : memref<10000x128xf32, #tpu.memory_space<vmem_shared>> -> memref<10000x128xf32, #tpu.memory_space<vmem_shared>>
        tpu.enqueue_indirect_dma source(%dma_start3A_392 : memref<40x128xf32, #tpu.memory_space<vmem>>) target(%dma_start3A_395 : memref<10000x128xf32, #tpu.memory_space<vmem_shared>>) offsets(%arg18 : memref<40xi32, #tpu.memory_space<vmem>>) semaphore(%arg55 : memref<!tpu.dma_semaphore, #tpu.memory_space<semaphore_mem>>) {add = true}
        %add3A_396 = arith.constant 4 : i32
        %add3A_397 = arith.addi %add3A_339, %add3A_396 : i32
        %lt3A_398 = arith.constant 125 : i32
        %lt3A_399 = arith.cmpi slt, %add3A_397, %lt3A_398 : i32
        %convert_element_type3A_400 = arith.extui %lt3A_399 : i1 to i32
        %cond3A_401 = arith.constant 0 : i32
        %cond3A_402 = arith.cmpi ne, %convert_element_type3A_400, %cond3A_401 : i32
        scf.if %cond3A_402 {
          %add3A_403 = arith.constant 4 : i32
          %add3A_404 = arith.addi %add3A_339, %add3A_403 : i32
          %mul3A_405 = arith.constant 80 : i32
          %mul3A_406 = arith.muli %add3A_404, %mul3A_405 : i32
          %add3A_407 = arith.addi %mul3A_2, %mul3A_406 : i32
          %dma_start3A_408 = tpu.memref_slice %arg3[%add3A_407] : memref<320000xi32, #tpu.memory_space<hbm>> -> memref<80xi32, #tpu.memory_space<hbm>>
          %dma_start3A_409 = tpu.memref_slice %arg3[%add3A_407] : memref<320000xi32, #tpu.memory_space<hbm>> -> memref<80xi32, #tpu.memory_space<hbm>>
          tpu.enqueue_dma source(%dma_start3A_409 : memref<80xi32, #tpu.memory_space<hbm>>) target(%arg10 : memref<80xi32, #tpu.memory_space<vmem>>) target_semaphore(%arg31 : memref<!tpu.dma_semaphore, #tpu.memory_space<semaphore_mem>>)
          %add3A_410 = arith.constant 4 : i32
          %add3A_411 = arith.addi %add3A_339, %add3A_410 : i32
          %mul3A_412 = arith.constant 80 : i32
          %mul3A_413 = arith.muli %add3A_411, %mul3A_412 : i32
          %add3A_414 = arith.addi %mul3A_2, %mul3A_413 : i32
          %dma_start3A_415 = tpu.memref_slice %arg5[%add3A_414] : memref<320000xf32, #tpu.memory_space<hbm>> -> memref<80xf32, #tpu.memory_space<hbm>>
          %dma_start3A_416 = tpu.memref_slice %arg5[%add3A_414] : memref<320000xf32, #tpu.memory_space<hbm>> -> memref<80xf32, #tpu.memory_space<hbm>>
          tpu.enqueue_dma source(%dma_start3A_416 : memref<80xf32, #tpu.memory_space<hbm>>) target(%arg22 : memref<80xf32, #tpu.memory_space<vmem>>) target_semaphore(%arg43 : memref<!tpu.dma_semaphore, #tpu.memory_space<semaphore_mem>>)
        } else {
        }
      } else {
      }
    }
    %scan3A_161 = arith.constant 32 : i32
    %dma_wait3A_162 = arith.constant 0 : i32
    %dma_wait3A_163 = arith.constant 0 : i32
    %dma_wait3A_164 = tpu.memref_slice %arg24[%dma_wait3A_162, %dma_wait3A_163] : memref<80x128xf32, #tpu.memory_space<vmem>> -> memref<40x128xf32, #tpu.memory_space<vmem>>
    %dma_wait3A_165 = arith.constant 0 : i32
    %dma_wait3A_166 = arith.constant 0 : i32
    %dma_wait3A_167 = tpu.memref_slice %arg27[%dma_wait3A_165, %dma_wait3A_166] : memref<10000x128xf32, #tpu.memory_space<vmem_shared>> -> memref<10000x128xf32, #tpu.memory_space<vmem_shared>>
    tpu.wait_indirect_dma semaphore(%arg50 : memref<!tpu.dma_semaphore, #tpu.memory_space<semaphore_mem>>) src(%dma_wait3A_164 : memref<40x128xf32, #tpu.memory_space<vmem>>) dst(%dma_wait3A_167 : memref<10000x128xf32, #tpu.memory_space<vmem_shared>>)
    %dma_wait3A_168 = arith.constant 40 : i32
    %dma_wait3A_169 = arith.constant 0 : i32
    %dma_wait3A_170 = tpu.memref_slice %arg24[%dma_wait3A_168, %dma_wait3A_169] : memref<80x128xf32, #tpu.memory_space<vmem>> -> memref<40x128xf32, #tpu.memory_space<vmem>>
    %dma_wait3A_171 = arith.constant 0 : i32
    %dma_wait3A_172 = arith.constant 0 : i32
    %dma_wait3A_173 = tpu.memref_slice %arg27[%dma_wait3A_171, %dma_wait3A_172] : memref<10000x128xf32, #tpu.memory_space<vmem_shared>> -> memref<10000x128xf32, #tpu.memory_space<vmem_shared>>
    tpu.wait_indirect_dma semaphore(%arg51 : memref<!tpu.dma_semaphore, #tpu.memory_space<semaphore_mem>>) src(%dma_wait3A_170 : memref<40x128xf32, #tpu.memory_space<vmem>>) dst(%dma_wait3A_173 : memref<10000x128xf32, #tpu.memory_space<vmem_shared>>)
    %dma_wait3A_174 = arith.constant 0 : i32
    %dma_wait3A_175 = arith.constant 0 : i32
    %dma_wait3A_176 = tpu.memref_slice %arg25[%dma_wait3A_174, %dma_wait3A_175] : memref<80x128xf32, #tpu.memory_space<vmem>> -> memref<40x128xf32, #tpu.memory_space<vmem>>
    %dma_wait3A_177 = arith.constant 0 : i32
    %dma_wait3A_178 = arith.constant 0 : i32
    %dma_wait3A_179 = tpu.memref_slice %arg27[%dma_wait3A_177, %dma_wait3A_178] : memref<10000x128xf32, #tpu.memory_space<vmem_shared>> -> memref<10000x128xf32, #tpu.memory_space<vmem_shared>>
    tpu.wait_indirect_dma semaphore(%arg52 : memref<!tpu.dma_semaphore, #tpu.memory_space<semaphore_mem>>) src(%dma_wait3A_176 : memref<40x128xf32, #tpu.memory_space<vmem>>) dst(%dma_wait3A_179 : memref<10000x128xf32, #tpu.memory_space<vmem_shared>>)
    %dma_wait3A_180 = arith.constant 40 : i32
    %dma_wait3A_181 = arith.constant 0 : i32
    %dma_wait3A_182 = tpu.memref_slice %arg25[%dma_wait3A_180, %dma_wait3A_181] : memref<80x128xf32, #tpu.memory_space<vmem>> -> memref<40x128xf32, #tpu.memory_space<vmem>>
    %dma_wait3A_183 = arith.constant 0 : i32
    %dma_wait3A_184 = arith.constant 0 : i32
    %dma_wait3A_185 = tpu.memref_slice %arg27[%dma_wait3A_183, %dma_wait3A_184] : memref<10000x128xf32, #tpu.memory_space<vmem_shared>> -> memref<10000x128xf32, #tpu.memory_space<vmem_shared>>
    tpu.wait_indirect_dma semaphore(%arg53 : memref<!tpu.dma_semaphore, #tpu.memory_space<semaphore_mem>>) src(%dma_wait3A_182 : memref<40x128xf32, #tpu.memory_space<vmem>>) dst(%dma_wait3A_185 : memref<10000x128xf32, #tpu.memory_space<vmem_shared>>)
    %dma_wait3A_186 = arith.constant 0 : i32
    %dma_wait3A_187 = arith.constant 0 : i32
    %dma_wait3A_188 = tpu.memref_slice %arg26[%dma_wait3A_186, %dma_wait3A_187] : memref<80x128xf32, #tpu.memory_space<vmem>> -> memref<40x128xf32, #tpu.memory_space<vmem>>
    %dma_wait3A_189 = arith.constant 0 : i32
    %dma_wait3A_190 = arith.constant 0 : i32
    %dma_wait3A_191 = tpu.memref_slice %arg27[%dma_wait3A_189, %dma_wait3A_190] : memref<10000x128xf32, #tpu.memory_space<vmem_shared>> -> memref<10000x128xf32, #tpu.memory_space<vmem_shared>>
    tpu.wait_indirect_dma semaphore(%arg54 : memref<!tpu.dma_semaphore, #tpu.memory_space<semaphore_mem>>) src(%dma_wait3A_188 : memref<40x128xf32, #tpu.memory_space<vmem>>) dst(%dma_wait3A_191 : memref<10000x128xf32, #tpu.memory_space<vmem_shared>>)
    %dma_wait3A_192 = arith.constant 40 : i32
    %dma_wait3A_193 = arith.constant 0 : i32
    %dma_wait3A_194 = tpu.memref_slice %arg26[%dma_wait3A_192, %dma_wait3A_193] : memref<80x128xf32, #tpu.memory_space<vmem>> -> memref<40x128xf32, #tpu.memory_space<vmem>>
    %dma_wait3A_195 = arith.constant 0 : i32
    %dma_wait3A_196 = arith.constant 0 : i32
    %dma_wait3A_197 = tpu.memref_slice %arg27[%dma_wait3A_195, %dma_wait3A_196] : memref<10000x128xf32, #tpu.memory_space<vmem_shared>> -> memref<10000x128xf32, #tpu.memory_space<vmem_shared>>
    tpu.wait_indirect_dma semaphore(%arg55 : memref<!tpu.dma_semaphore, #tpu.memory_space<semaphore_mem>>) src(%dma_wait3A_194 : memref<40x128xf32, #tpu.memory_space<vmem>>) dst(%dma_wait3A_197 : memref<10000x128xf32, #tpu.memory_space<vmem_shared>>)
    %dma_wait3A_198 = arith.constant 0 : i32
    %dma_wait3A_199 = arith.constant 0 : i32
    %dma_wait3A_200 = tpu.memref_slice %arg23[%dma_wait3A_198, %dma_wait3A_199] : memref<80x128xf32, #tpu.memory_space<vmem>> -> memref<40x128xf32, #tpu.memory_space<vmem>>
    %dma_wait3A_201 = arith.constant 0 : i32
    %dma_wait3A_202 = arith.constant 0 : i32
    %dma_wait3A_203 = tpu.memref_slice %arg27[%dma_wait3A_201, %dma_wait3A_202] : memref<10000x128xf32, #tpu.memory_space<vmem_shared>> -> memref<10000x128xf32, #tpu.memory_space<vmem_shared>>
    tpu.wait_indirect_dma semaphore(%arg48 : memref<!tpu.dma_semaphore, #tpu.memory_space<semaphore_mem>>) src(%dma_wait3A_200 : memref<40x128xf32, #tpu.memory_space<vmem>>) dst(%dma_wait3A_203 : memref<10000x128xf32, #tpu.memory_space<vmem_shared>>)
    %dma_wait3A_204 = arith.constant 40 : i32
    %dma_wait3A_205 = arith.constant 0 : i32
    %dma_wait3A_206 = tpu.memref_slice %arg23[%dma_wait3A_204, %dma_wait3A_205] : memref<80x128xf32, #tpu.memory_space<vmem>> -> memref<40x128xf32, #tpu.memory_space<vmem>>
    %dma_wait3A_207 = arith.constant 0 : i32
    %dma_wait3A_208 = arith.constant 0 : i32
    %dma_wait3A_209 = tpu.memref_slice %arg27[%dma_wait3A_207, %dma_wait3A_208] : memref<10000x128xf32, #tpu.memory_space<vmem_shared>> -> memref<10000x128xf32, #tpu.memory_space<vmem_shared>>
    tpu.wait_indirect_dma semaphore(%arg49 : memref<!tpu.dma_semaphore, #tpu.memory_space<semaphore_mem>>) src(%dma_wait3A_206 : memref<40x128xf32, #tpu.memory_space<vmem>>) dst(%dma_wait3A_209 : memref<10000x128xf32, #tpu.memory_space<vmem_shared>>)
    %barrier3A_210 = arith.constant 0 : index
    tpu.barrier barrier_id(%barrier3A_210)
    %gt3A_211 = arith.constant 0 : i32
    %gt3A_212 = arith.cmpi sgt, %select_n3A, %gt3A_211 : i32
    %convert_element_type3A_213 = arith.extui %gt3A_212 : i1 to i32
    %cond3A_214 = arith.constant 0 : i32
    %cond3A_215 = arith.cmpi ne, %convert_element_type3A_213, %cond3A_214 : i32
    scf.if %cond3A_215 {
      %add3A_291 = arith.constant 0 : i32
      %add3A_292 = arith.addi %mul3A_64, %add3A_291 : i32
      %dma_start3A_293 = arith.constant 0 : i32
      %dma_start3A_294 = arith.constant 0 : i32
      %dma_start3A_295 = tpu.memref_slice %arg6[%arg0, %dma_start3A_293, %dma_start3A_294] : memref<2x10000x128xf32, #tpu.memory_space<hbm>> -> memref<1x10000x128xf32, #tpu.memory_space<hbm>>
      %dma_start3A_296 = tpu.memref_squeeze %dma_start3A_295 : memref<1x10000x128xf32, #tpu.memory_space<hbm>> -> memref<10000x128xf32, #tpu.memory_space<hbm>>
      %dma_start3A_297 = arith.constant 0 : i32
      %dma_start3A_298 = tpu.memref_slice %dma_start3A_296[%add3A_292, %dma_start3A_297] : memref<10000x128xf32, #tpu.memory_space<hbm>> -> memref<80x128xf32, #tpu.memory_space<hbm>>
      %dma_start3A_299 = arith.constant 0 : i32
      %dma_start3A_300 = tpu.memref_slice %arg27[%add3A_292, %dma_start3A_299] : memref<10000x128xf32, #tpu.memory_space<vmem_shared>> -> memref<80x128xf32, #tpu.memory_space<vmem_shared>>
      tpu.enqueue_dma source(%dma_start3A_300 : memref<80x128xf32, #tpu.memory_space<vmem_shared>>) target(%dma_start3A_298 : memref<80x128xf32, #tpu.memory_space<hbm>>) target_semaphore(%arg48 : memref<!tpu.dma_semaphore, #tpu.memory_space<semaphore_mem>>)
    } else {
    }
    %gt3A_216 = arith.constant 1 : i32
    %gt3A_217 = arith.cmpi sgt, %select_n3A, %gt3A_216 : i32
    %convert_element_type3A_218 = arith.extui %gt3A_217 : i1 to i32
    %cond3A_219 = arith.constant 0 : i32
    %cond3A_220 = arith.cmpi ne, %convert_element_type3A_218, %cond3A_219 : i32
    scf.if %cond3A_220 {
      %add3A_291 = arith.constant 80 : i32
      %add3A_292 = arith.addi %mul3A_64, %add3A_291 : i32
      %dma_start3A_293 = arith.constant 0 : i32
      %dma_start3A_294 = arith.constant 0 : i32
      %dma_start3A_295 = tpu.memref_slice %arg6[%arg0, %dma_start3A_293, %dma_start3A_294] : memref<2x10000x128xf32, #tpu.memory_space<hbm>> -> memref<1x10000x128xf32, #tpu.memory_space<hbm>>
      %dma_start3A_296 = tpu.memref_squeeze %dma_start3A_295 : memref<1x10000x128xf32, #tpu.memory_space<hbm>> -> memref<10000x128xf32, #tpu.memory_space<hbm>>
      %dma_start3A_297 = arith.constant 0 : i32
      %dma_start3A_298 = tpu.memref_slice %dma_start3A_296[%add3A_292, %dma_start3A_297] : memref<10000x128xf32, #tpu.memory_space<hbm>> -> memref<80x128xf32, #tpu.memory_space<hbm>>
      %dma_start3A_299 = arith.constant 0 : i32
      %dma_start3A_300 = tpu.memref_slice %arg27[%add3A_292, %dma_start3A_299] : memref<10000x128xf32, #tpu.memory_space<vmem_shared>> -> memref<80x128xf32, #tpu.memory_space<vmem_shared>>
      tpu.enqueue_dma source(%dma_start3A_300 : memref<80x128xf32, #tpu.memory_space<vmem_shared>>) target(%dma_start3A_298 : memref<80x128xf32, #tpu.memory_space<hbm>>) target_semaphore(%arg49 : memref<!tpu.dma_semaphore, #tpu.memory_space<semaphore_mem>>)
    } else {
    }
    %gt3A_221 = arith.constant 2 : i32
    %gt3A_222 = arith.cmpi sgt, %select_n3A, %gt3A_221 : i32
    %convert_element_type3A_223 = arith.extui %gt3A_222 : i1 to i32
    %cond3A_224 = arith.constant 0 : i32
    %cond3A_225 = arith.cmpi ne, %convert_element_type3A_223, %cond3A_224 : i32
    scf.if %cond3A_225 {
      %add3A_291 = arith.constant 160 : i32
      %add3A_292 = arith.addi %mul3A_64, %add3A_291 : i32
      %dma_start3A_293 = arith.constant 0 : i32
      %dma_start3A_294 = arith.constant 0 : i32
      %dma_start3A_295 = tpu.memref_slice %arg6[%arg0, %dma_start3A_293, %dma_start3A_294] : memref<2x10000x128xf32, #tpu.memory_space<hbm>> -> memref<1x10000x128xf32, #tpu.memory_space<hbm>>
      %dma_start3A_296 = tpu.memref_squeeze %dma_start3A_295 : memref<1x10000x128xf32, #tpu.memory_space<hbm>> -> memref<10000x128xf32, #tpu.memory_space<hbm>>
      %dma_start3A_297 = arith.constant 0 : i32
      %dma_start3A_298 = tpu.memref_slice %dma_start3A_296[%add3A_292, %dma_start3A_297] : memref<10000x128xf32, #tpu.memory_space<hbm>> -> memref<80x128xf32, #tpu.memory_space<hbm>>
      %dma_start3A_299 = arith.constant 0 : i32
      %dma_start3A_300 = tpu.memref_slice %arg27[%add3A_292, %dma_start3A_299] : memref<10000x128xf32, #tpu.memory_space<vmem_shared>> -> memref<80x128xf32, #tpu.memory_space<vmem_shared>>
      tpu.enqueue_dma source(%dma_start3A_300 : memref<80x128xf32, #tpu.memory_space<vmem_shared>>) target(%dma_start3A_298 : memref<80x128xf32, #tpu.memory_space<hbm>>) target_semaphore(%arg50 : memref<!tpu.dma_semaphore, #tpu.memory_space<semaphore_mem>>)
    } else {
    }
    %gt3A_226 = arith.constant 3 : i32
    %gt3A_227 = arith.cmpi sgt, %select_n3A, %gt3A_226 : i32
    %convert_element_type3A_228 = arith.extui %gt3A_227 : i1 to i32
    %cond3A_229 = arith.constant 0 : i32
    %cond3A_230 = arith.cmpi ne, %convert_element_type3A_228, %cond3A_229 : i32
    scf.if %cond3A_230 {
      %add3A_291 = arith.constant 240 : i32
      %add3A_292 = arith.addi %mul3A_64, %add3A_291 : i32
      %dma_start3A_293 = arith.constant 0 : i32
      %dma_start3A_294 = arith.constant 0 : i32
      %dma_start3A_295 = tpu.memref_slice %arg6[%arg0, %dma_start3A_293, %dma_start3A_294] : memref<2x10000x128xf32, #tpu.memory_space<hbm>> -> memref<1x10000x128xf32, #tpu.memory_space<hbm>>
      %dma_start3A_296 = tpu.memref_squeeze %dma_start3A_295 : memref<1x10000x128xf32, #tpu.memory_space<hbm>> -> memref<10000x128xf32, #tpu.memory_space<hbm>>
      %dma_start3A_297 = arith.constant 0 : i32
      %dma_start3A_298 = tpu.memref_slice %dma_start3A_296[%add3A_292, %dma_start3A_297] : memref<10000x128xf32, #tpu.memory_space<hbm>> -> memref<80x128xf32, #tpu.memory_space<hbm>>
      %dma_start3A_299 = arith.constant 0 : i32
      %dma_start3A_300 = tpu.memref_slice %arg27[%add3A_292, %dma_start3A_299] : memref<10000x128xf32, #tpu.memory_space<vmem_shared>> -> memref<80x128xf32, #tpu.memory_space<vmem_shared>>
      tpu.enqueue_dma source(%dma_start3A_300 : memref<80x128xf32, #tpu.memory_space<vmem_shared>>) target(%dma_start3A_298 : memref<80x128xf32, #tpu.memory_space<hbm>>) target_semaphore(%arg51 : memref<!tpu.dma_semaphore, #tpu.memory_space<semaphore_mem>>)
    } else {
    }
    %gt3A_231 = arith.constant 4 : i32
    %gt3A_232 = arith.cmpi sgt, %select_n3A, %gt3A_231 : i32
    %convert_element_type3A_233 = arith.extui %gt3A_232 : i1 to i32
    %cond3A_234 = arith.constant 0 : i32
    %cond3A_235 = arith.cmpi ne, %convert_element_type3A_233, %cond3A_234 : i32
    scf.if %cond3A_235 {
      %add3A_291 = arith.constant 320 : i32
      %add3A_292 = arith.addi %mul3A_64, %add3A_291 : i32
      %dma_start3A_293 = arith.constant 0 : i32
      %dma_start3A_294 = arith.constant 0 : i32
      %dma_start3A_295 = tpu.memref_slice %arg6[%arg0, %dma_start3A_293, %dma_start3A_294] : memref<2x10000x128xf32, #tpu.memory_space<hbm>> -> memref<1x10000x128xf32, #tpu.memory_space<hbm>>
      %dma_start3A_296 = tpu.memref_squeeze %dma_start3A_295 : memref<1x10000x128xf32, #tpu.memory_space<hbm>> -> memref<10000x128xf32, #tpu.memory_space<hbm>>
      %dma_start3A_297 = arith.constant 0 : i32
      %dma_start3A_298 = tpu.memref_slice %dma_start3A_296[%add3A_292, %dma_start3A_297] : memref<10000x128xf32, #tpu.memory_space<hbm>> -> memref<80x128xf32, #tpu.memory_space<hbm>>
      %dma_start3A_299 = arith.constant 0 : i32
      %dma_start3A_300 = tpu.memref_slice %arg27[%add3A_292, %dma_start3A_299] : memref<10000x128xf32, #tpu.memory_space<vmem_shared>> -> memref<80x128xf32, #tpu.memory_space<vmem_shared>>
      tpu.enqueue_dma source(%dma_start3A_300 : memref<80x128xf32, #tpu.memory_space<vmem_shared>>) target(%dma_start3A_298 : memref<80x128xf32, #tpu.memory_space<hbm>>) target_semaphore(%arg52 : memref<!tpu.dma_semaphore, #tpu.memory_space<semaphore_mem>>)
    } else {
    }
    %gt3A_236 = arith.constant 5 : i32
    %gt3A_237 = arith.cmpi sgt, %select_n3A, %gt3A_236 : i32
    %convert_element_type3A_238 = arith.extui %gt3A_237 : i1 to i32
    %cond3A_239 = arith.constant 0 : i32
    %cond3A_240 = arith.cmpi ne, %convert_element_type3A_238, %cond3A_239 : i32
    scf.if %cond3A_240 {
      %add3A_291 = arith.constant 400 : i32
      %add3A_292 = arith.addi %mul3A_64, %add3A_291 : i32
      %dma_start3A_293 = arith.constant 0 : i32
      %dma_start3A_294 = arith.constant 0 : i32
      %dma_start3A_295 = tpu.memref_slice %arg6[%arg0, %dma_start3A_293, %dma_start3A_294] : memref<2x10000x128xf32, #tpu.memory_space<hbm>> -> memref<1x10000x128xf32, #tpu.memory_space<hbm>>
      %dma_start3A_296 = tpu.memref_squeeze %dma_start3A_295 : memref<1x10000x128xf32, #tpu.memory_space<hbm>> -> memref<10000x128xf32, #tpu.memory_space<hbm>>
      %dma_start3A_297 = arith.constant 0 : i32
      %dma_start3A_298 = tpu.memref_slice %dma_start3A_296[%add3A_292, %dma_start3A_297] : memref<10000x128xf32, #tpu.memory_space<hbm>> -> memref<80x128xf32, #tpu.memory_space<hbm>>
      %dma_start3A_299 = arith.constant 0 : i32
      %dma_start3A_300 = tpu.memref_slice %arg27[%add3A_292, %dma_start3A_299] : memref<10000x128xf32, #tpu.memory_space<vmem_shared>> -> memref<80x128xf32, #tpu.memory_space<vmem_shared>>
      tpu.enqueue_dma source(%dma_start3A_300 : memref<80x128xf32, #tpu.memory_space<vmem_shared>>) target(%dma_start3A_298 : memref<80x128xf32, #tpu.memory_space<hbm>>) target_semaphore(%arg53 : memref<!tpu.dma_semaphore, #tpu.memory_space<semaphore_mem>>)
    } else {
    }
    %gt3A_241 = arith.constant 6 : i32
    %gt3A_242 = arith.cmpi sgt, %select_n3A, %gt3A_241 : i32
    %convert_element_type3A_243 = arith.extui %gt3A_242 : i1 to i32
    %cond3A_244 = arith.constant 0 : i32
    %cond3A_245 = arith.cmpi ne, %convert_element_type3A_243, %cond3A_244 : i32
    scf.if %cond3A_245 {
      %add3A_291 = arith.constant 480 : i32
      %add3A_292 = arith.addi %mul3A_64, %add3A_291 : i32
      %dma_start3A_293 = arith.constant 0 : i32
      %dma_start3A_294 = arith.constant 0 : i32
      %dma_start3A_295 = tpu.memref_slice %arg6[%arg0, %dma_start3A_293, %dma_start3A_294] : memref<2x10000x128xf32, #tpu.memory_space<hbm>> -> memref<1x10000x128xf32, #tpu.memory_space<hbm>>
      %dma_start3A_296 = tpu.memref_squeeze %dma_start3A_295 : memref<1x10000x128xf32, #tpu.memory_space<hbm>> -> memref<10000x128xf32, #tpu.memory_space<hbm>>
      %dma_start3A_297 = arith.constant 0 : i32
      %dma_start3A_298 = tpu.memref_slice %dma_start3A_296[%add3A_292, %dma_start3A_297] : memref<10000x128xf32, #tpu.memory_space<hbm>> -> memref<80x128xf32, #tpu.memory_space<hbm>>
      %dma_start3A_299 = arith.constant 0 : i32
      %dma_start3A_300 = tpu.memref_slice %arg27[%add3A_292, %dma_start3A_299] : memref<10000x128xf32, #tpu.memory_space<vmem_shared>> -> memref<80x128xf32, #tpu.memory_space<vmem_shared>>
      tpu.enqueue_dma source(%dma_start3A_300 : memref<80x128xf32, #tpu.memory_space<vmem_shared>>) target(%dma_start3A_298 : memref<80x128xf32, #tpu.memory_space<hbm>>) target_semaphore(%arg54 : memref<!tpu.dma_semaphore, #tpu.memory_space<semaphore_mem>>)
    } else {
    }
    %gt3A_246 = arith.constant 7 : i32
    %gt3A_247 = arith.cmpi sgt, %select_n3A, %gt3A_246 : i32
    %convert_element_type3A_248 = arith.extui %gt3A_247 : i1 to i32
    %cond3A_249 = arith.constant 0 : i32
    %cond3A_250 = arith.cmpi ne, %convert_element_type3A_248, %cond3A_249 : i32
    scf.if %cond3A_250 {
      %add3A_291 = arith.constant 560 : i32
      %add3A_292 = arith.addi %mul3A_64, %add3A_291 : i32
      %dma_start3A_293 = arith.constant 0 : i32
      %dma_start3A_294 = arith.constant 0 : i32
      %dma_start3A_295 = tpu.memref_slice %arg6[%arg0, %dma_start3A_293, %dma_start3A_294] : memref<2x10000x128xf32, #tpu.memory_space<hbm>> -> memref<1x10000x128xf32, #tpu.memory_space<hbm>>
      %dma_start3A_296 = tpu.memref_squeeze %dma_start3A_295 : memref<1x10000x128xf32, #tpu.memory_space<hbm>> -> memref<10000x128xf32, #tpu.memory_space<hbm>>
      %dma_start3A_297 = arith.constant 0 : i32
      %dma_start3A_298 = tpu.memref_slice %dma_start3A_296[%add3A_292, %dma_start3A_297] : memref<10000x128xf32, #tpu.memory_space<hbm>> -> memref<80x128xf32, #tpu.memory_space<hbm>>
      %dma_start3A_299 = arith.constant 0 : i32
      %dma_start3A_300 = tpu.memref_slice %arg27[%add3A_292, %dma_start3A_299] : memref<10000x128xf32, #tpu.memory_space<vmem_shared>> -> memref<80x128xf32, #tpu.memory_space<vmem_shared>>
      tpu.enqueue_dma source(%dma_start3A_300 : memref<80x128xf32, #tpu.memory_space<vmem_shared>>) target(%dma_start3A_298 : memref<80x128xf32, #tpu.memory_space<hbm>>) target_semaphore(%arg55 : memref<!tpu.dma_semaphore, #tpu.memory_space<semaphore_mem>>)
    } else {
    }
    %gt3A_251 = arith.constant 0 : i32
    %gt3A_252 = arith.cmpi sgt, %select_n3A, %gt3A_251 : i32
    %convert_element_type3A_253 = arith.extui %gt3A_252 : i1 to i32
    %cond3A_254 = arith.constant 0 : i32
    %cond3A_255 = arith.cmpi ne, %convert_element_type3A_253, %cond3A_254 : i32
    scf.if %cond3A_255 {
      %add3A_291 = arith.constant 0 : i32
      %add3A_292 = arith.addi %mul3A_64, %add3A_291 : i32
      %dma_wait3A_293 = arith.constant 0 : i32
      %dma_wait3A_294 = arith.constant 0 : i32
      %dma_wait3A_295 = tpu.memref_slice %arg6[%arg0, %dma_wait3A_293, %dma_wait3A_294] : memref<2x10000x128xf32, #tpu.memory_space<hbm>> -> memref<1x10000x128xf32, #tpu.memory_space<hbm>>
      %dma_wait3A_296 = tpu.memref_squeeze %dma_wait3A_295 : memref<1x10000x128xf32, #tpu.memory_space<hbm>> -> memref<10000x128xf32, #tpu.memory_space<hbm>>
      %dma_wait3A_297 = arith.constant 0 : i32
      %dma_wait3A_298 = tpu.memref_slice %dma_wait3A_296[%add3A_292, %dma_wait3A_297] : memref<10000x128xf32, #tpu.memory_space<hbm>> -> memref<80x128xf32, #tpu.memory_space<hbm>>
      %dma_wait3A_299 = arith.constant 0 : i32
      %dma_wait3A_300 = tpu.memref_slice %arg27[%add3A_292, %dma_wait3A_299] : memref<10000x128xf32, #tpu.memory_space<vmem_shared>> -> memref<80x128xf32, #tpu.memory_space<vmem_shared>>
      tpu.wait_dma2 semaphore(%arg48 : memref<!tpu.dma_semaphore, #tpu.memory_space<semaphore_mem>>) src(%dma_wait3A_300 : memref<80x128xf32, #tpu.memory_space<vmem_shared>>) dst(%dma_wait3A_298 : memref<80x128xf32, #tpu.memory_space<hbm>>)
    } else {
    }
    %gt3A_256 = arith.constant 1 : i32
    %gt3A_257 = arith.cmpi sgt, %select_n3A, %gt3A_256 : i32
    %convert_element_type3A_258 = arith.extui %gt3A_257 : i1 to i32
    %cond3A_259 = arith.constant 0 : i32
    %cond3A_260 = arith.cmpi ne, %convert_element_type3A_258, %cond3A_259 : i32
    scf.if %cond3A_260 {
      %add3A_291 = arith.constant 80 : i32
      %add3A_292 = arith.addi %mul3A_64, %add3A_291 : i32
      %dma_wait3A_293 = arith.constant 0 : i32
      %dma_wait3A_294 = arith.constant 0 : i32
      %dma_wait3A_295 = tpu.memref_slice %arg6[%arg0, %dma_wait3A_293, %dma_wait3A_294] : memref<2x10000x128xf32, #tpu.memory_space<hbm>> -> memref<1x10000x128xf32, #tpu.memory_space<hbm>>
      %dma_wait3A_296 = tpu.memref_squeeze %dma_wait3A_295 : memref<1x10000x128xf32, #tpu.memory_space<hbm>> -> memref<10000x128xf32, #tpu.memory_space<hbm>>
      %dma_wait3A_297 = arith.constant 0 : i32
      %dma_wait3A_298 = tpu.memref_slice %dma_wait3A_296[%add3A_292, %dma_wait3A_297] : memref<10000x128xf32, #tpu.memory_space<hbm>> -> memref<80x128xf32, #tpu.memory_space<hbm>>
      %dma_wait3A_299 = arith.constant 0 : i32
      %dma_wait3A_300 = tpu.memref_slice %arg27[%add3A_292, %dma_wait3A_299] : memref<10000x128xf32, #tpu.memory_space<vmem_shared>> -> memref<80x128xf32, #tpu.memory_space<vmem_shared>>
      tpu.wait_dma2 semaphore(%arg49 : memref<!tpu.dma_semaphore, #tpu.memory_space<semaphore_mem>>) src(%dma_wait3A_300 : memref<80x128xf32, #tpu.memory_space<vmem_shared>>) dst(%dma_wait3A_298 : memref<80x128xf32, #tpu.memory_space<hbm>>)
    } else {
    }
    %gt3A_261 = arith.constant 2 : i32
    %gt3A_262 = arith.cmpi sgt, %select_n3A, %gt3A_261 : i32
    %convert_element_type3A_263 = arith.extui %gt3A_262 : i1 to i32
    %cond3A_264 = arith.constant 0 : i32
    %cond3A_265 = arith.cmpi ne, %convert_element_type3A_263, %cond3A_264 : i32
    scf.if %cond3A_265 {
      %add3A_291 = arith.constant 160 : i32
      %add3A_292 = arith.addi %mul3A_64, %add3A_291 : i32
      %dma_wait3A_293 = arith.constant 0 : i32
      %dma_wait3A_294 = arith.constant 0 : i32
      %dma_wait3A_295 = tpu.memref_slice %arg6[%arg0, %dma_wait3A_293, %dma_wait3A_294] : memref<2x10000x128xf32, #tpu.memory_space<hbm>> -> memref<1x10000x128xf32, #tpu.memory_space<hbm>>
      %dma_wait3A_296 = tpu.memref_squeeze %dma_wait3A_295 : memref<1x10000x128xf32, #tpu.memory_space<hbm>> -> memref<10000x128xf32, #tpu.memory_space<hbm>>
      %dma_wait3A_297 = arith.constant 0 : i32
      %dma_wait3A_298 = tpu.memref_slice %dma_wait3A_296[%add3A_292, %dma_wait3A_297] : memref<10000x128xf32, #tpu.memory_space<hbm>> -> memref<80x128xf32, #tpu.memory_space<hbm>>
      %dma_wait3A_299 = arith.constant 0 : i32
      %dma_wait3A_300 = tpu.memref_slice %arg27[%add3A_292, %dma_wait3A_299] : memref<10000x128xf32, #tpu.memory_space<vmem_shared>> -> memref<80x128xf32, #tpu.memory_space<vmem_shared>>
      tpu.wait_dma2 semaphore(%arg50 : memref<!tpu.dma_semaphore, #tpu.memory_space<semaphore_mem>>) src(%dma_wait3A_300 : memref<80x128xf32, #tpu.memory_space<vmem_shared>>) dst(%dma_wait3A_298 : memref<80x128xf32, #tpu.memory_space<hbm>>)
    } else {
    }
    %gt3A_266 = arith.constant 3 : i32
    %gt3A_267 = arith.cmpi sgt, %select_n3A, %gt3A_266 : i32
    %convert_element_type3A_268 = arith.extui %gt3A_267 : i1 to i32
    %cond3A_269 = arith.constant 0 : i32
    %cond3A_270 = arith.cmpi ne, %convert_element_type3A_268, %cond3A_269 : i32
    scf.if %cond3A_270 {
      %add3A_291 = arith.constant 240 : i32
      %add3A_292 = arith.addi %mul3A_64, %add3A_291 : i32
      %dma_wait3A_293 = arith.constant 0 : i32
      %dma_wait3A_294 = arith.constant 0 : i32
      %dma_wait3A_295 = tpu.memref_slice %arg6[%arg0, %dma_wait3A_293, %dma_wait3A_294] : memref<2x10000x128xf32, #tpu.memory_space<hbm>> -> memref<1x10000x128xf32, #tpu.memory_space<hbm>>
      %dma_wait3A_296 = tpu.memref_squeeze %dma_wait3A_295 : memref<1x10000x128xf32, #tpu.memory_space<hbm>> -> memref<10000x128xf32, #tpu.memory_space<hbm>>
      %dma_wait3A_297 = arith.constant 0 : i32
      %dma_wait3A_298 = tpu.memref_slice %dma_wait3A_296[%add3A_292, %dma_wait3A_297] : memref<10000x128xf32, #tpu.memory_space<hbm>> -> memref<80x128xf32, #tpu.memory_space<hbm>>
      %dma_wait3A_299 = arith.constant 0 : i32
      %dma_wait3A_300 = tpu.memref_slice %arg27[%add3A_292, %dma_wait3A_299] : memref<10000x128xf32, #tpu.memory_space<vmem_shared>> -> memref<80x128xf32, #tpu.memory_space<vmem_shared>>
      tpu.wait_dma2 semaphore(%arg51 : memref<!tpu.dma_semaphore, #tpu.memory_space<semaphore_mem>>) src(%dma_wait3A_300 : memref<80x128xf32, #tpu.memory_space<vmem_shared>>) dst(%dma_wait3A_298 : memref<80x128xf32, #tpu.memory_space<hbm>>)
    } else {
    }
    %gt3A_271 = arith.constant 4 : i32
    %gt3A_272 = arith.cmpi sgt, %select_n3A, %gt3A_271 : i32
    %convert_element_type3A_273 = arith.extui %gt3A_272 : i1 to i32
    %cond3A_274 = arith.constant 0 : i32
    %cond3A_275 = arith.cmpi ne, %convert_element_type3A_273, %cond3A_274 : i32
    scf.if %cond3A_275 {
      %add3A_291 = arith.constant 320 : i32
      %add3A_292 = arith.addi %mul3A_64, %add3A_291 : i32
      %dma_wait3A_293 = arith.constant 0 : i32
      %dma_wait3A_294 = arith.constant 0 : i32
      %dma_wait3A_295 = tpu.memref_slice %arg6[%arg0, %dma_wait3A_293, %dma_wait3A_294] : memref<2x10000x128xf32, #tpu.memory_space<hbm>> -> memref<1x10000x128xf32, #tpu.memory_space<hbm>>
      %dma_wait3A_296 = tpu.memref_squeeze %dma_wait3A_295 : memref<1x10000x128xf32, #tpu.memory_space<hbm>> -> memref<10000x128xf32, #tpu.memory_space<hbm>>
      %dma_wait3A_297 = arith.constant 0 : i32
      %dma_wait3A_298 = tpu.memref_slice %dma_wait3A_296[%add3A_292, %dma_wait3A_297] : memref<10000x128xf32, #tpu.memory_space<hbm>> -> memref<80x128xf32, #tpu.memory_space<hbm>>
      %dma_wait3A_299 = arith.constant 0 : i32
      %dma_wait3A_300 = tpu.memref_slice %arg27[%add3A_292, %dma_wait3A_299] : memref<10000x128xf32, #tpu.memory_space<vmem_shared>> -> memref<80x128xf32, #tpu.memory_space<vmem_shared>>
      tpu.wait_dma2 semaphore(%arg52 : memref<!tpu.dma_semaphore, #tpu.memory_space<semaphore_mem>>) src(%dma_wait3A_300 : memref<80x128xf32, #tpu.memory_space<vmem_shared>>) dst(%dma_wait3A_298 : memref<80x128xf32, #tpu.memory_space<hbm>>)
    } else {
    }
    %gt3A_276 = arith.constant 5 : i32
    %gt3A_277 = arith.cmpi sgt, %select_n3A, %gt3A_276 : i32
    %convert_element_type3A_278 = arith.extui %gt3A_277 : i1 to i32
    %cond3A_279 = arith.constant 0 : i32
    %cond3A_280 = arith.cmpi ne, %convert_element_type3A_278, %cond3A_279 : i32
    scf.if %cond3A_280 {
      %add3A_291 = arith.constant 400 : i32
      %add3A_292 = arith.addi %mul3A_64, %add3A_291 : i32
      %dma_wait3A_293 = arith.constant 0 : i32
      %dma_wait3A_294 = arith.constant 0 : i32
      %dma_wait3A_295 = tpu.memref_slice %arg6[%arg0, %dma_wait3A_293, %dma_wait3A_294] : memref<2x10000x128xf32, #tpu.memory_space<hbm>> -> memref<1x10000x128xf32, #tpu.memory_space<hbm>>
      %dma_wait3A_296 = tpu.memref_squeeze %dma_wait3A_295 : memref<1x10000x128xf32, #tpu.memory_space<hbm>> -> memref<10000x128xf32, #tpu.memory_space<hbm>>
      %dma_wait3A_297 = arith.constant 0 : i32
      %dma_wait3A_298 = tpu.memref_slice %dma_wait3A_296[%add3A_292, %dma_wait3A_297] : memref<10000x128xf32, #tpu.memory_space<hbm>> -> memref<80x128xf32, #tpu.memory_space<hbm>>
      %dma_wait3A_299 = arith.constant 0 : i32
      %dma_wait3A_300 = tpu.memref_slice %arg27[%add3A_292, %dma_wait3A_299] : memref<10000x128xf32, #tpu.memory_space<vmem_shared>> -> memref<80x128xf32, #tpu.memory_space<vmem_shared>>
      tpu.wait_dma2 semaphore(%arg53 : memref<!tpu.dma_semaphore, #tpu.memory_space<semaphore_mem>>) src(%dma_wait3A_300 : memref<80x128xf32, #tpu.memory_space<vmem_shared>>) dst(%dma_wait3A_298 : memref<80x128xf32, #tpu.memory_space<hbm>>)
    } else {
    }
    %gt3A_281 = arith.constant 6 : i32
    %gt3A_282 = arith.cmpi sgt, %select_n3A, %gt3A_281 : i32
    %convert_element_type3A_283 = arith.extui %gt3A_282 : i1 to i32
    %cond3A_284 = arith.constant 0 : i32
    %cond3A_285 = arith.cmpi ne, %convert_element_type3A_283, %cond3A_284 : i32
    scf.if %cond3A_285 {
      %add3A_291 = arith.constant 480 : i32
      %add3A_292 = arith.addi %mul3A_64, %add3A_291 : i32
      %dma_wait3A_293 = arith.constant 0 : i32
      %dma_wait3A_294 = arith.constant 0 : i32
      %dma_wait3A_295 = tpu.memref_slice %arg6[%arg0, %dma_wait3A_293, %dma_wait3A_294] : memref<2x10000x128xf32, #tpu.memory_space<hbm>> -> memref<1x10000x128xf32, #tpu.memory_space<hbm>>
      %dma_wait3A_296 = tpu.memref_squeeze %dma_wait3A_295 : memref<1x10000x128xf32, #tpu.memory_space<hbm>> -> memref<10000x128xf32, #tpu.memory_space<hbm>>
      %dma_wait3A_297 = arith.constant 0 : i32
      %dma_wait3A_298 = tpu.memref_slice %dma_wait3A_296[%add3A_292, %dma_wait3A_297] : memref<10000x128xf32, #tpu.memory_space<hbm>> -> memref<80x128xf32, #tpu.memory_space<hbm>>
      %dma_wait3A_299 = arith.constant 0 : i32
      %dma_wait3A_300 = tpu.memref_slice %arg27[%add3A_292, %dma_wait3A_299] : memref<10000x128xf32, #tpu.memory_space<vmem_shared>> -> memref<80x128xf32, #tpu.memory_space<vmem_shared>>
      tpu.wait_dma2 semaphore(%arg54 : memref<!tpu.dma_semaphore, #tpu.memory_space<semaphore_mem>>) src(%dma_wait3A_300 : memref<80x128xf32, #tpu.memory_space<vmem_shared>>) dst(%dma_wait3A_298 : memref<80x128xf32, #tpu.memory_space<hbm>>)
    } else {
    }
    %gt3A_286 = arith.constant 7 : i32
    %gt3A_287 = arith.cmpi sgt, %select_n3A, %gt3A_286 : i32
    %convert_element_type3A_288 = arith.extui %gt3A_287 : i1 to i32
    %cond3A_289 = arith.constant 0 : i32
    %cond3A_290 = arith.cmpi ne, %convert_element_type3A_288, %cond3A_289 : i32
    scf.if %cond3A_290 {
      %add3A_291 = arith.constant 560 : i32
      %add3A_292 = arith.addi %mul3A_64, %add3A_291 : i32
      %dma_wait3A_293 = arith.constant 0 : i32
      %dma_wait3A_294 = arith.constant 0 : i32
      %dma_wait3A_295 = tpu.memref_slice %arg6[%arg0, %dma_wait3A_293, %dma_wait3A_294] : memref<2x10000x128xf32, #tpu.memory_space<hbm>> -> memref<1x10000x128xf32, #tpu.memory_space<hbm>>
      %dma_wait3A_296 = tpu.memref_squeeze %dma_wait3A_295 : memref<1x10000x128xf32, #tpu.memory_space<hbm>> -> memref<10000x128xf32, #tpu.memory_space<hbm>>
      %dma_wait3A_297 = arith.constant 0 : i32
      %dma_wait3A_298 = tpu.memref_slice %dma_wait3A_296[%add3A_292, %dma_wait3A_297] : memref<10000x128xf32, #tpu.memory_space<hbm>> -> memref<80x128xf32, #tpu.memory_space<hbm>>
      %dma_wait3A_299 = arith.constant 0 : i32
      %dma_wait3A_300 = tpu.memref_slice %arg27[%add3A_292, %dma_wait3A_299] : memref<10000x128xf32, #tpu.memory_space<vmem_shared>> -> memref<80x128xf32, #tpu.memory_space<vmem_shared>>
      tpu.wait_dma2 semaphore(%arg55 : memref<!tpu.dma_semaphore, #tpu.memory_space<semaphore_mem>>) src(%dma_wait3A_300 : memref<80x128xf32, #tpu.memory_space<vmem_shared>>) dst(%dma_wait3A_298 : memref<80x128xf32, #tpu.memory_space<hbm>>)
    } else {
    }
    return
  }
}

module attributes {stable_mosaic.version = 14 : i64} {
  func.func @_mm_body(%arg0: i32, %arg1: memref<2000x128xf32, #tpu.memory_space<vmem>>, %arg2: memref<128x128xf32, #tpu.memory_space<vmem>>, %arg3: memref<2000x128xf32, #tpu.memory_space<vmem>>) attributes {dimension_semantics = [#tpu.dimension_semantics<arbitrary>], iteration_bounds = array<i64: 5>, scalar_prefetch = 0 : i64, scratch_operands = 0 : i64, tpu.core_type = #tpu.core_type<tc>, window_params = [{transform_indices = @transform_0, window_bounds = array<i64: 2000, 128>}, {pipeline_mode = #tpu.pipeline_mode<synchronous>, transform_indices = @transform_1, window_bounds = array<i64: 128, 128>}, {transform_indices = @transform_2, window_bounds = array<i64: 2000, 128>}]} {
    %get3A = arith.constant 0 : index
    %get3A_0 = arith.constant 0 : index
    %get3A_1 = vector.load %arg1[%get3A, %get3A_0] : memref<2000x128xf32, #tpu.memory_space<vmem>>, vector<2000x128xf32>
    %get3A_2 = arith.constant 0 : index
    %get3A_3 = arith.constant 0 : index
    %get3A_4 = vector.load %arg2[%get3A_2, %get3A_3] : memref<128x128xf32, #tpu.memory_space<vmem>>, vector<128x128xf32>
    %dot_general3A = arith.constant dense<0.000000e+00> : vector<2000x128xf32>
    %dot_general3A_5 = tpu.matmul %get3A_1, %get3A_4, %dot_general3A {dimension_numbers = #tpu.dot_dimension_numbers<[1], [0], [0], [1], [0, 0, 1, 1], [], []>, transpose_lhs_hint = false} : vector<2000x128xf32>, vector<128x128xf32>, vector<2000x128xf32> -> vector<2000x128xf32>
    %swap3A = arith.constant 0 : index
    %swap3A_6 = arith.constant 0 : index
    %swap3A_7 = vector.load %arg3[%swap3A, %swap3A_6] : memref<2000x128xf32, #tpu.memory_space<vmem>>, vector<2000x128xf32>
    tpu.vector_store %arg3[%swap3A, %swap3A_6], %dot_general3A_5 {strides = array<i32>} : memref<2000x128xf32, #tpu.memory_space<vmem>>, vector<2000x128xf32>,
    return
  }
  func.func @transform_0(%arg0: i32) -> (i32, i32) {
    %c0_i32 = arith.constant 0 : i32
    %c0_i32_0 = arith.constant 0 : i32
    return %arg0, %c0_i32 : i32, i32
  }
  func.func @transform_1(%arg0: i32) -> (i32, i32) {
    %c0_i32 = arith.constant 0 : i32
    %c0_i32_0 = arith.constant 0 : i32
    %c0_i32_1 = arith.constant 0 : i32
    return %c0_i32, %c0_i32_0 : i32, i32
  }
  func.func @transform_2(%arg0: i32) -> (i32, i32) {
    %c0_i32 = arith.constant 0 : i32
    %c0_i32_0 = arith.constant 0 : i32
    return %arg0, %c0_i32 : i32, i32
  }
}

module attributes {stable_mosaic.version = 14 : i64} {
  func.func @_comb_body(%arg0: i32, %arg1: memref<2x2000x128xf32, #tpu.memory_space<vmem>>, %arg2: memref<2000x128xf32, #tpu.memory_space<vmem>>) attributes {dimension_semantics = [#tpu.dimension_semantics<arbitrary>], iteration_bounds = array<i64: 5>, scalar_prefetch = 0 : i64, scratch_operands = 0 : i64, tpu.core_type = #tpu.core_type<tc>, window_params = [{transform_indices = @transform_0, window_bounds = array<i64: 2, 2000, 128>}, {transform_indices = @transform_1, window_bounds = array<i64: 2000, 128>}]} {
    %get3A = arith.constant 0 : index
    %get3A_0 = arith.constant 0 : index
    %get3A_1 = arith.constant 0 : index
    %get3A_2 = vector.load %arg1[%get3A, %get3A_0, %get3A_1] : memref<2x2000x128xf32, #tpu.memory_space<vmem>>, vector<1x2000x128xf32>
    %get3A_3 = vector.shape_cast %get3A_2 : vector<1x2000x128xf32> to vector<2000x128xf32>
    %get3A_4 = arith.constant 1 : index
    %get3A_5 = arith.constant 0 : index
    %get3A_6 = arith.constant 0 : index
    %get3A_7 = vector.load %arg1[%get3A_4, %get3A_5, %get3A_6] : memref<2x2000x128xf32, #tpu.memory_space<vmem>>, vector<1x2000x128xf32>
    %get3A_8 = vector.shape_cast %get3A_7 : vector<1x2000x128xf32> to vector<2000x128xf32>
    %add3A = arith.addf %get3A_3, %get3A_8 : vector<2000x128xf32>
    %max3A = arith.constant 0.000000e+00 : f32
    %max3A_9 = vector.broadcast %max3A : f32 to vector<2000x128xf32>
    %max3A_10 = arith.maximumf %add3A, %max3A_9 : vector<2000x128xf32>
    %swap3A = arith.constant 0 : index
    %swap3A_11 = arith.constant 0 : index
    %swap3A_12 = vector.load %arg2[%swap3A, %swap3A_11] : memref<2000x128xf32, #tpu.memory_space<vmem>>, vector<2000x128xf32>
    tpu.vector_store %arg2[%swap3A, %swap3A_11], %max3A_10 {strides = array<i32>} : memref<2000x128xf32, #tpu.memory_space<vmem>>, vector<2000x128xf32>,
    return
  }
  func.func @transform_0(%arg0: i32) -> (i32, i32, i32) {
    %c0_i32 = arith.constant 0 : i32
    %c0_i32_0 = arith.constant 0 : i32
    %c0_i32_1 = arith.constant 0 : i32
    return %c0_i32, %arg0, %c0_i32_0 : i32, i32, i32
  }
  func.func @transform_1(%arg0: i32) -> (i32, i32) {
    %c0_i32 = arith.constant 0 : i32
    %c0_i32_0 = arith.constant 0 : i32
    return %arg0, %c0_i32 : i32, i32
  }
}

</mosaic_0001>

<sc_bundles>
// kernel: kernel.5.cloned.1.call-start
scs
__scs_entry_jumppad:
0x0: {  	(pc) =	sbr.rel $0x88, $3  }
0x1: {  	(tag) =	ssettag $0x0;
	lr =	simm.s32 $0x1  }
0x2: {  	[smem:$0x3F9D] =	sst lr;
	_ =	strace $0xD0000000  }
0x3: {  	_ = 	snop  }
0x4: {  	_ = 	snop  }
0x5: {  	_ = 	snop  }
0x6: {  	_ = 	snop  }
0x7: {  	_ = 	snop  }
__scs_overlays_trampoline_lowered:
0x8: {  	[smem:$0x3FAC] =	sst s0  }
0x9: {  	[smem:$0x3FAD] =	sst s1  }
0xa: {  	[smem:$0x3FAE] =	sst s2  }
0xb: {  	[smem:$0x3FAF] =	sst s3  }
0xc: {  	[smem:$0x3FB0] =	sst s4  }
0xd: {  	[smem:$0x3FB1] =	sst s5  }
0xe: {  	[smem:$0x3FB2] =	sst s6  }
0xf: {  	[smem:$0x3FB3] =	sst s7  }
0x10: {  	[smem:$0x3FB4] =	sst s8  }
0x11: {  	[smem:$0x3FB5] =	sst s9;
	s0 =	simm.s32 @!p0 $0x0  }
0x12: {  	s1 =	sld [smem:$0x3F9B];
	s0 =	simm.s32 @p0 $0x1  }
0x13: {  	[smem:$0x3FB6] =	sst s0;
	s0 =	simm.s32 @!p1 $0x0  }
0x14: {  	s2 =	sld [smem:$0x3F9A];
	s0 =	simm.s32 @p1 $0x1  }
0x15: {  	[smem:$0x3FB7] =	sst s0;
	s0 =	simm.s32 @!p2 $0x0  }
0x16: {  	s3 =	sld [smem:$0x3FDB];
	s0 =	simm.s32 @p2 $0x1  }
0x17: {  	s4 =	simm.s32 $0x1BF5;
	[smem:$0x3FB9] =	sst s0  }
0x18: {  	s0 =	sld [smem:$0x3F9C];
	_ =	swait.ge [sflag:s4], $0x0  }
0x19: {  	s7 =	sld [smem:$0x3F9D]  }
0x1a: {  	s8 =	sadd.s32 $0xFFFFE003, lr  }
0x1b: {  	s9 =	sadd.s32 $0xFFFFFEF7, lr;
	s5 =	simm.s32 $0xFFFFFFFF;
	p2 =	slt.u32 s8, $0xFFFFF086  }
0x1c: {  	p1 =	slt.u32 s9, $0xF7A;
	s5 =	simm.s32 @!p2 $0x0  }
0x1d: {  	s5 =	simm.s32 @p1 $0x1;
	p0 =	seq.s32 s7, s2  }
0x1e: {  	s7 =	smul.u32 @!p0 $0xF7A, s2;
	p2 =	seq.s32 @!p0 s5, $0x0  }
0x1f: {  	s9 =	smul.u32 $0xF7A, s1;
	s8 =	simm.s32 @!p0 $0x1BF5;
	p2 =	por !p2, p0  }
0x20: {  	[sflag:s8] =	ssyncset.s32 @!p0 $0xFFFFF086;
	s6 =	sadd.s32 @!p0 s3, s7;
	s7 =	simm.s32 @!p0 $0x108  }
0x21: {  	s3 =	sadd.s32 s3, s9;
	s6 =	sadd.s32 @!p0 $0x88, s6;
	s7 =	simm.s32 @p2 $0x1082  }
0x22: {  	[simem:s7], [sflag:s8] =	dma.local @!p0 [hbm:s6], $0xF7A  }
0x23: {  	s9 =	sor.u32 $0xD0000000, s2;
	s6 =	simm.s32 $0x108;
	_ =	swait.ge @!p0 [sflag:s8], $0x0  }
0x24: {  	s3 =	sadd.s32 $0x88, s3;
	s6 =	simm.s32 @!p1 $0x1082;
	[sflag:s4] =	ssyncset.s32 $0xFFFFF086  }
0x25: {  	[simem:s6], [sflag:s4] =	dma.local [hbm:s3], $0xF7A  }
0x26: {  	[smem:$0x3F9D] =	sst s1;
	(tag) =	ssettag s2;
	_ =	strace s9  }
0x27: {  	s1 =	sld [smem:$0x3FAD]  }
0x28: {  	s2 =	sld [smem:$0x3FAE]  }
0x29: {  	s4 =	sld [smem:$0x3FB0]  }
0x2a: {  	p0 =	seq.s32 s5, $0x0;
	s5 =	sld [smem:$0x3FB1]  }
0x2b: {  	s6 =	sld [smem:$0x3FB2]  }
0x2c: {  	s7 =	sld [smem:$0x3FB3]  }
0x2d: {  	s3 =	simm.s32 $0x108;
	s8 =	sld [smem:$0x3FB4]  }
0x2e: {  	s3 =	simm.s32 @!p0 $0x1082;
	s9 =	sld [smem:$0x3FB5]  }
0x2f: {  	lr =	sadd.s32 s0, s3;
	s0 =	sld [smem:$0x3FAC]  }
0x30: {  	s3 =	sld [smem:$0x3FAF]  }
0x31: {  	[smem:$0x3FB8] =	sst s10  }
0x32: {  	s10 =	sld [smem:$0x3FB6];
	_ =	sdelay $0x3  }
0x33: {  	p0 =	seq.s32 s10, $0x1;
	s10 =	sld [smem:$0x3FB8];
	_ =	sdelay $0x3  }
0x34: {  	[smem:$0x3FB8] =	sst s10  }
0x35: {  	s10 =	sld [smem:$0x3FB7];
	_ =	sdelay $0x3  }
0x36: {  	p1 =	seq.s32 s10, $0x1;
	s10 =	sld [smem:$0x3FB8];
	_ =	sdelay $0x3  }
0x37: {  	[smem:$0x3FB8] =	sst s10  }
0x38: {  	s10 =	sld [smem:$0x3FB9]  }
0x39: {  	_ = 	snop;
	(pc) =	sbr.ind lr, $3  }
0x3a: {  	_ = 	snop  }
0x3b: {  	_ = 	snop  }
0x3c: {  	p2 =	seq.s32 s10, $0x1;
	s10 =	sld [smem:$0x3FB8]  }
0x3d: {  	_ =	shalt  }
0x3e: {  	_ =	shalt  }
0x3f: {  	_ =	shalt  }
0x40: {  	_ =	shalt  }
0x41: {  	_ =	shalt  }
0x42: {  	_ =	shalt  }
0x43: {  	_ =	shalt  }
0x44: {  	_ =	shalt  }
0x45: {  	_ =	shalt  }
0x46: {  	_ =	shalt  }
0x47: {  	_ =	shalt  }
0x48: {  	_ =	shalt  }
0x49: {  	_ =	shalt  }
0x4a: {  	_ =	shalt  }
0x4b: {  	_ =	shalt  }
0x4c: {  	_ =	shalt  }
0x4d: {  	_ =	shalt  }
0x4e: {  	_ =	shalt  }
0x4f: {  	_ =	shalt  }
0x50: {  	_ =	shalt  }
0x51: {  	_ =	shalt  }
0x52: {  	_ =	shalt  }
0x53: {  	_ =	shalt  }
0x54: {  	_ =	shalt  }
0x55: {  	_ =	shalt  }
0x56: {  	_ =	shalt  }
0x57: {  	_ =	shalt  }
0x58: {  	_ =	shalt  }
0x59: {  	_ =	shalt  }
0x5a: {  	_ =	shalt  }
0x5b: {  	_ =	shalt  }
0x5c: {  	_ =	shalt  }
0x5d: {  	_ =	shalt  }
0x5e: {  	_ =	shalt  }
0x5f: {  	_ =	shalt  }
0x60: {  	_ =	shalt  }
0x61: {  	_ =	shalt  }
0x62: {  	_ =	shalt  }
0x63: {  	_ =	shalt  }
0x64: {  	_ =	shalt  }
0x65: {  	_ =	shalt  }
0x66: {  	_ =	shalt  }
0x67: {  	_ =	shalt  }
0x68: {  	_ =	shalt  }
0x69: {  	_ =	shalt  }
0x6a: {  	_ =	shalt  }
0x6b: {  	_ =	shalt  }
0x6c: {  	_ =	shalt  }
0x6d: {  	_ =	shalt  }
0x6e: {  	_ =	shalt  }
0x6f: {  	_ =	shalt  }
0x70: {  	_ =	shalt  }
0x71: {  	_ =	shalt  }
0x72: {  	_ =	shalt  }
0x73: {  	_ =	shalt  }
0x74: {  	_ =	shalt  }
0x75: {  	_ =	shalt  }
0x76: {  	_ =	shalt  }
0x77: {  	_ =	shalt  }
0x78: {  	_ =	shalt  }
0x79: {  	_ =	shalt  }
0x7a: {  	_ =	shalt  }
0x7b: {  	_ =	shalt  }
0x7c: {  	_ =	shalt  }
0x7d: {  	_ =	shalt  }
0x7e: {  	_ =	shalt  }
0x7f: {  	_ =	shalt  }
0x80: {  	_ =	shalt  }
0x81: {  	_ =	shalt  }
0x82: {  	_ =	shalt  }
0x83: {  	_ =	shalt  }
0x84: {  	_ =	shalt  }
0x85: {  	_ =	shalt  }
0x86: {  	_ =	shalt  }
0x87: {  	_ =	shalt  }
.Lfunc_end0:
.L_simem_size_0:
called_computation_lowered:
.L_overlay_start_0:
0x88: {  	s2 =	sld [smem:$0x3FD9]  }
0x89: {  	s3 =	sld [smem:$0x3FFE];
	_ =	sdelay $0x1  }
0x8a: {  	s1 =	srdreg.scid  }
0x8b: {  	s0 =	sand.u32 $0x1, s1  }
0x8c: {  	s17 =	sshll.u32 s0, $0xA;
	s2 =	sadd.s32 s3, s2  }
0x8d: {  	s2 =	sadd.s32 s2, s17  }
0x8e: {  	[smem:$0x3FC4] =	sst s2  }
0x8f: {  	_ = 	snop  }
0x90: {  	s2 =	sld [smem:$0x3FC7]  }
0x91: {  	s18 =	sld [smem:$0x3FD0];
	(tm) =	ssettm $0x1  }
0x92: {  	s4 =	sld [smem:$0x3FFB];
	_ =	sdelay $0x3  }
0x93: {  	_ =	strace s4  }
0x94: {  	s4 =	sld [smem:$0x3FFC];
	_ =	sdelay $0x3  }
0x95: {  	_ =	strace s4  }
0x96: {  	s4 =	sld [smem:$0x3FFD];
	_ =	sdelay $0x3  }
0x97: {  	_ =	strace s4  }
0x98: {  	_ =	strace $0x8FFFFFFF  }
0x99: {  	s19 =	sld [smem:$0x3FDB];
	_ =	sdelay $0x1  }
0x9a: {  	s5 =	simm.s32 $_scs_section_size  }
0x9b: {  	s6 =	simm.s32 $_size__tile_overlayer_lowered;
	s7 =	simm.s32 $_tile_overlayer_lowered  }
0x9c: {  	s22 =	simm.s32 $0x1BFF;
	s21 =	sshll.u32 s7, $0x1;
	s4 =	sadd.s32 s5, s19  }
0x9d: {  	s8 =	simm.s32 $0x0;
	s20 =	sshll.u32 s6, $0x1;
	s6 =	sadd.s32 s21, s4  }
0x9e: {  	[timem:s8], [sflag:s22] =	dma.local [hbm:s6], s20  }
0x9f: {  	_ =	swait.ge [sflag:s22], s20  }
0xa0: {  	s5 =	ssub.s32 $0x0, s20;
	[sflag:s22] =	ssyncset.done $0x0  }
0xa1: {  	[sflag:s22] =	ssyncadd.s32 s5;
	_ =	sdelay $0x1  }
0xa2: {  	s23 =	simm.s32 $0x1B8B  }
0xa3: {  	_ =	swait.ge [sflag:s23], $0x1  }
0xa4: {  	[sflag:s23] =	ssyncset.done $0x0  }
0xa5: {  	s25 =	simm.s32 $0x1B8E;
	s24 =	sld [smem:$0x3FFE];
	[sflag:s23] =	ssyncadd.s32 $0xFFFFFFFF  }
0xa6: {  	s26 =	simm.s32 $execute0_lowered;
	[smem:$0x3FD2] =	sst s25  }
0xa7: {  	s6 =	sshll.u32 s26, $0x1;
	_ =	strace $0x80000046;
	[dreg:$0x1] =	wrdreg $0xFFFFFFFF  }
0xa8: {  	s28 =	simm.s32 $_size_execute0_lowered;
	s4 =	sadd.s32 s4, s6;
	[dreg:$0x0] =	wrdreg $0x0  }
0xa9: {  	s6 =	sshll.u32 s28, $0x1;
	[dreg:$0x2] =	wrdreg s4  }
0xaa: {  	[dreg:$0x3] =	wrdreg s6  }
0xab: {  	[dreg:$0x4] =	wrdreg $0xC0  }
0xac: {  	_ =	task [dreg:s8], $0x5FFFF  }
0xad: {  	[dreg:$0x1] =	wrdreg $0xFFFFFFFF  }
0xae: {  	[dreg:$0x0] =	wrdreg $0x60  }
0xaf: {  	[dreg:$0x2] =	wrdreg s18  }
0xb0: {  	[dreg:$0x3] =	wrdreg s24  }
0xb1: {  	[dreg:$0x4] =	wrdreg s2  }
0xb2: {  	[dreg:$0x5] =	wrdreg $0xA8000  }
0xb3: {  	[dreg:$0x6] =	wrdreg $0x9  }
0xb4: {  	_ =	task.clear_ibuf [dreg:s8], $0x7FFFF;
	_ =	strace $0x90000046  }
0xb5: {  	s29 =	simm.s32 $0x9;
	_ =	strace $0x80000048  }
0xb6: {  	_ =	swait.ge [sflag:s29], $0x1  }
0xb7: {  	[sflag:s29] =	ssyncadd.s32 $0xFFFFFFFF  }
0xb8: {  	_ =	strace $0x90000048  }
0xb9: {  	_ =	sfence  }
0xba: {  	s30 =	sld [smem:$0x0];
	_ =	sdelay $0x2  }
0xbb: {  	s31 =	sshll.u32 s1, $0xD;
	s1 =	sshrl.u32 s1, $0x2  }
0xbc: {  	s3 =	sand.u32 $0x4000, s31;
	s1 =	sadd.s32 s1, s30  }
0xbd: {  	s0 =	sor.u32 s3, s0;
	s1 =	sshll.u32 s1, $0x11  }
0xbe: {  	s0 =	sor.u32 s1, s0  }
0xbf: {  	s0 =	sadd.s32 $0x8F2B, s0  }
0xc0: {  	[sflag:s0] =	ssyncadd.remote.s32 $0x1  }
0xc1: {  	_ =	sfence.sel $0xFFFF  }
0xc2: {  	[dreg:$0x0] =	wrdreg $0xFFFFFFFF;
	(pc) =	sbr.abs _section_cstart, $3  }
0xc3: {  	[dreg:$0x1] =	wrdreg $0xFFFFFFFF  }
0xc4: {  	_ =	task.clear_ibuf [dreg:s8], $0x2FFFF;
	_ =	strace $0x9FFFFFFF  }
0xc5: {  	(tm) =	ssettm $0x7FFFFFFF  }
tec
execute0_lowered:
.L_overlay_start_1:
0x0: {  	(tag) =	ssettag $0x1  }
0x1: {  	s0 =	rddreg [dreg:$0x0]  }
0x2: {  	s2 =	rddreg [dreg:$0x1]  }
0x3: {  	s1 =	srdreg.scid;
	s3 =	rddreg [dreg:$0x2]  }
0x4: {  	s4 =	rddreg [dreg:$0x3];
	s24 =	stileid.u32  }
0x5: {  	s28 =	simm.s32 $0x680;
	s1 =	sand.u32 $0x1, s1;
	s9 =	smul.u32 $0x280, s24  }
0x6: {  	s10 =	smul.u32 $0x2800, s24;
	p0 =	seq.s32 s24, $0xF;
	s5 =	sshll.u32 s1, $0x4  }
0x7: {  	s7 =	smul.u32 $0x27100, s1;
	s1 =	ssub.s32 $0x2, s1;
	s6 =	sor.u32 s24, s5  }
0x8: {  	s5 =	simm.s32 $0x0;
	s8 =	sshrl.u32 s1, $0x1;
	s11 =	sor.u32 $0x50, s9  }
0x9: {  	s13 =	sadd.s32 $0xA0, s9;
	s14 =	sadd.s32 $0xF0, s9;
	s17 =	sadd.s32 $0x140, s9  }
0xa: {  	s19 =	sadd.s32 $0x190, s9;
	s20 =	sadd.s32 $0x1E0, s9;
	s9 =	sadd.s32 $0x230, s9  }
0xb: {  	s6 =	smul.u32 $0x2710, s6;
	[smem:$0x7FF] =	sst s5;
	s7 =	sadd.s32 s7, s2  }
0xc: {  	s1 =	ssub.s32 s1, s8;
	s12 =	sshll.u32 s11, $0x4;
	s7 =	sadd.s32 $0x14000, s7  }
0xd: {  	s15 =	sshll.u32 s13, $0x4;
	s16 =	sshll.u32 s14, $0x4;
	s10 =	sadd.s32 s10, s7  }
0xe: {  	s18 =	sshll.u32 s17, $0x4;
	s12 =	sadd.s32 s12, s7;
	[dreg:$0x5] =	wrdreg s10  }
0xf: {  	s21 =	sshll.u32 s19, $0x4;
	s15 =	sadd.s32 s15, s7;
	[dreg:$0x6] =	wrdreg s12  }
0x10: {  	s22 =	sshll.u32 s20, $0x4;
	s16 =	sadd.s32 s16, s7;
	[dreg:$0x7] =	wrdreg s15  }
0x11: {  	s23 =	sshll.u32 s9, $0x4;
	s18 =	sadd.s32 s18, s7;
	[dreg:$0x8] =	wrdreg s16  }
0x12: {  	s8 =	sshrl.u32 s6, $0x3;
	[dreg:$0x9] =	wrdreg s18;
	s10 =	sadd.s32 @!p0 s21, s7  }
0x13: {  	s15 =	sadd.s32 $0xA200, s2;
	[dreg:$0xa] =	wrdreg s10;
	s10 =	sadd.s32 @!p0 s22, s7  }
0x14: {  	s21 =	sadd.s32 $0x14, s8;
	s7 =	sadd.s32 @!p0 s23, s7;
	[dreg:$0xb] =	wrdreg s10  }
0x15: {  	s25 =	sadd.s32 $0x1E, s8;
	s22 =	sadd.s32 s15, s21;
	[dreg:$0xc] =	wrdreg s7  }
0x16: {  	s23 =	sadd.s32 s3, s21;
	_ =	strace $0x80000047;
	[dreg:$0xd] =	wrdreg s22  }
0x17: {  	s24 =	smul.u32 $0x50000, s24;
	s12 =	sadd.s32 s15, s25;
	[dreg:$0xe] =	wrdreg s23  }
0x18: {  	s16 =	sadd.s32 $0x400, s2;
	s2 =	sadd.s32 s3, s25;
	[dreg:$0xf] =	wrdreg s12  }
0x19: {  	s26 =	sadd.s32 $0x28, s6;
	s21 =	sadd.s32 s15, s8;
	[dreg:$0x10] =	wrdreg s2  }
0x1a: {  	s1 =	smax.u32 s1, $0x1;
	s18 =	sshrl.u32 s26, $0x3;
	[dreg:$0x11] =	wrdreg s21  }
0x1b: {  	s10 =	sadd.s32 $0x78, s6;
	s22 =	sadd.s32 s3, s8;
	[dreg:$0x1a] =	wrdreg s1  }
0x1c: {  	s23 =	sadd.s32 $0xA, s8;
	s8 =	sadd.s32 s16, s8;
	[dreg:$0x12] =	wrdreg s22  }
0x1d: {  	s2 =	sadd.s32 s16, s18;
	s12 =	sshrl.u32 s10, $0x3;
	[dreg:$0x13] =	wrdreg s8  }
0x1e: {  	s18 =	sshll.u32 s11, $0x7;
	[dreg:$0x14] =	wrdreg s2;
	s25 =	sadd.s32 s15, s23  }
0x1f: {  	s26 =	sadd.s32 s3, s23;
	s7 =	sadd.s32 s16, s23;
	[dreg:$0x15] =	wrdreg s25  }
0x20: {  	s2 =	sshrl.u32 s24, $0x2;
	s23 =	sshll.u32 s14, $0x7;
	[dreg:$0x16] =	wrdreg s26  }
0x21: {  	s24 =	sshll.u32 s17, $0x7;
	[dreg:$0x17] =	wrdreg s7;
	s7 =	sadd.s32 s16, s12  }
0x22: {  	s8 =	sadd.s32 s23, s4;
	s23 =	sadd.s32 $0x140, s6;
	[dreg:$0x18] =	wrdreg s7  }
0x23: {  	s10 =	sadd.s32 s24, s4;
	s24 =	sadd.s32 $0x190, s6;
	[smem:$0x7FA] =	sst s23  }
0x24: {  	s21 =	sadd.s32 s2, s4;
	s2 =	sadd.s32 s18, s4;
	[smem:$0x7FB] =	sst s24  }
0x25: {  	s29 =	simm.s32 $0x700;
	s2 =	sshrl.u32 s2, $0x3;
	[dreg:$0x19] =	wrdreg s21  }
0x26: {  	s31 =	simm.s32 $0x780;
	s8 =	sshrl.u32 s8, $0x3;
	[dreg:$0x1b] =	wrdreg s2  }
0x27: {  	s30 =	simm.s32 $0x5;
	s10 =	sshrl.u32 s10, $0x3;
	[dreg:$0x1d] =	wrdreg s8  }
0x28: {  	s22 =	sshll.u32 s13, $0x7;
	s13 =	sadd.s32 $0x2800, s21;
	[dreg:$0x1e] =	wrdreg s10  }
0x29: {  	s9 =	sshll.u32 s9, $0x7;
	s14 =	sadd.s32 $0x5000, s21;
	[smem:$0x7F3] =	sst s13  }
0x2a: {  	s9 =	sadd.s32 s9, s4;
	s17 =	sadd.s32 $0x7800, s21;
	[smem:$0x7F4] =	sst s14  }
0x2b: {  	s25 =	sshll.u32 s19, $0x7;
	s18 =	sadd.s32 $0xA000, s21;
	[smem:$0x7F5] =	sst s17  }
0x2c: {  	s26 =	sshll.u32 s20, $0x7;
	s19 =	sadd.s32 $0xC800, s21;
	[smem:$0x7F6] =	sst s18  }
0x2d: {  	s7 =	sadd.s32 s22, s4;
	s20 =	sadd.s32 $0xF000, s21;
	[smem:$0x7F7] =	sst s19  }
0x2e: {  	s11 =	sadd.s32 s25, s4;
	s22 =	sadd.s32 $0x11800, s21;
	[smem:$0x7F8] =	sst s20  }
0x2f: {  	s12 =	sadd.s32 s26, s4;
	s25 =	sadd.s32 $0x1E0, s6;
	[smem:$0x7F9] =	sst s22  }
0x30: {  	s26 =	sadd.s32 $0x230, s6;
	s23 =	simm.s32 $0x19;
	[smem:$0x7FC] =	sst s25  }
0x31: {  	s7 =	sshrl.u32 s7, $0x3;
	s1 =	sshrl.u32 @!p0 s11, $0x3;
	[smem:$0x7FD] =	sst s26  }
0x32: {  	s26 =	simm.s32 $0x600;
	s25 =	simm.s32 $0x200;
	s10 =	simm.s32 $0x800  }
0x33: {  	s11 =	simm.s32 $0x15;
	s20 =	simm.s32 $0x17;
	s22 =	simm.s32 $0x18  }
.Ltmp0:
0x34: {  	s18 =	simm.s32 $0x1;
	s2 =	simm.s32 $0x11;
	(pc) =	sbr.rel .LBB2_1-.Ltmp0, $4  }
0x35: {  	s19 =	simm.s32 $0xD;
	s8 =	simm.s32 $0x6;
	[dreg:$0x1c] =	wrdreg s7  }
0x36: {  	s14 =	simm.s32 $0x0;
	[dreg:$0x1f] =	wrdreg s1;
	s1 =	sshrl.u32 @!p0 s12, $0x3  }
0x37: {  	s7 =	simm.s32 $0x80;
	[smem:$0x7F1] =	sst s1;
	s1 =	sshrl.u32 @!p0 s9, $0x3  }
0x38: {  	v0 =	vimm.f32 $0.0e+00;
	s12 =	simm.s32 $0x16;
	s9 =	simm.s32 $0x28;
	[smem:$0x7F2] =	sst s1  }
.LBB2_29:
0x39: {  	s20 =	simm.s32 $0x17  }
0x3a: {  	_ =	swait.ge [sflag:s20], $0x1400  }
0x3b: {  	[sflag:s20] =	ssyncset.done $0x0  }
0x3c: {  	s22 =	simm.s32 $0x18;
	[sflag:s20] =	ssyncadd.s32 $0xFFFFEC00  }
0x3d: {  	_ =	swait.ge [sflag:s22], $0x1400  }
0x3e: {  	[sflag:s22] =	ssyncset.done $0x0  }
0x3f: {  	s23 =	simm.s32 $0x19;
	[sflag:s22] =	ssyncadd.s32 $0xFFFFEC00  }
0x40: {  	_ =	swait.ge [sflag:s23], $0x1400  }
0x41: {  	[sflag:s23] =	ssyncset.done $0x0  }
0x42: {  	s1 =	simm.s32 $0x1A;
	[sflag:s23] =	ssyncadd.s32 $0xFFFFEC00  }
0x43: {  	_ =	swait.ge [sflag:s1], $0x1400  }
0x44: {  	[sflag:s1] =	ssyncset.done $0x0  }
0x45: {  	s17 =	simm.s32 $0x1B;
	[sflag:s1] =	ssyncadd.s32 $0xFFFFEC00  }
0x46: {  	_ =	swait.ge [sflag:s17], $0x1400  }
0x47: {  	[sflag:s17] =	ssyncset.done $0x0  }
0x48: {  	s21 =	simm.s32 $0x1C;
	[sflag:s17] =	ssyncadd.s32 $0xFFFFEC00  }
0x49: {  	_ =	swait.ge [sflag:s21], $0x1400  }
0x4a: {  	[sflag:s21] =	ssyncset.done $0x0  }
0x4b: {  	[sflag:s21] =	ssyncadd.s32 $0xFFFFEC00  }
0x4c: {  	_ =	swait.ge [sflag:s11], $0x1400  }
0x4d: {  	[sflag:s11] =	ssyncset.done $0x0  }
0x4e: {  	[sflag:s11] =	ssyncadd.s32 $0xFFFFEC00  }
0x4f: {  	_ =	swait.ge [sflag:s12], $0x1400  }
0x50: {  	[sflag:s12] =	ssyncset.done $0x0  }
0x51: {  	[sflag:s12] =	ssyncadd.s32 $0xFFFFEC00  }
0x52: {  	s14 =	stileid.u32;
	[bflag:$0x0] =	sbarrier.arrive $0xFFFF  }
0x53: {  	s1 =	sshll.u32 s14, $0x6;
	s21 =	rddreg [dreg:$0x19]  }
0x54: {  	s7 =	sor.u32 $0x1C15, s1;
	s17 =	rddreg [dreg:$0x5];
	s13 =	sshrl.u32 s21, $0x3  }
0x55: {  	[hbm:s17], [sflag:s7] =	dma.local [spmem:s13], $0x500  }
0x56: {  	s13 =	rddreg [dreg:$0x6]  }
0x57: {  	s24 =	sor.u32 $0x1C16, s1;
	s17 =	rddreg [dreg:$0x1b]  }
0x58: {  	[hbm:s13], [sflag:s24] =	dma.local [spmem:s17], $0x500  }
0x59: {  	s13 =	rddreg [dreg:$0x7]  }
0x5a: {  	s24 =	sor.u32 $0x1C17, s1;
	s17 =	rddreg [dreg:$0x1c]  }
0x5b: {  	[hbm:s13], [sflag:s24] =	dma.local [spmem:s17], $0x500  }
0x5c: {  	s13 =	rddreg [dreg:$0x8]  }
0x5d: {  	s24 =	sor.u32 $0x1C18, s1;
	s17 =	rddreg [dreg:$0x1d]  }
0x5e: {  	[hbm:s13], [sflag:s24] =	dma.local [spmem:s17], $0x500  }
0x5f: {  	s7 =	rddreg [dreg:$0x9]  }
0x60: {  	s1 =	sor.u32 $0x1C19, s1;
	s13 =	rddreg [dreg:$0x1e]  }
0x61: {  	[hbm:s7], [sflag:s1] =	dma.local [spmem:s13], $0x500  }
0x62: {  	s1 =	sshll.u32 @!p0 s14, $0x6;
	s14 =	rddreg [dreg:$0xa]  }
0x63: {  	s7 =	sor.u32 @!p0 $0x1C1A, s1;
	s17 =	rddreg [dreg:$0x1f]  }
0x64: {  	[hbm:s14], [sflag:s7] =	dma.local @!p0 [spmem:s17], $0x500  }
0x65: {  	s17 =	sld [smem:$0x7F1];
	_ =	sdelay $0x1  }
0x66: {  	s7 =	sor.u32 @!p0 $0x1C1B, s1;
	s14 =	rddreg [dreg:$0xb]  }
0x67: {  	[hbm:s14], [sflag:s7] =	dma.local @!p0 [spmem:s17], $0x500  }
0x68: {  	s14 =	sld [smem:$0x7F2];
	_ =	sdelay $0x1  }
0x69: {  	s1 =	sor.u32 @!p0 $0x1C1C, s1;
	s7 =	rddreg [dreg:$0xc]  }
0x6a: {  	[hbm:s7], [sflag:s1] =	dma.local @!p0 [spmem:s14], $0x500  }
0x6b: {  	_ =	swait.ge [sflag:s11], $0x500  }
0x6c: {  	[sflag:s11] =	ssyncset.done $0x0  }
0x6d: {  	[sflag:s11] =	ssyncadd.s32 $0xFFFFFB00  }
0x6e: {  	_ =	swait.ge [sflag:s12], $0x500  }
0x6f: {  	[sflag:s12] =	ssyncset.done $0x0  }
0x70: {  	[sflag:s12] =	ssyncadd.s32 $0xFFFFFB00  }
0x71: {  	_ =	swait.ge [sflag:s20], $0x500  }
0x72: {  	[sflag:s20] =	ssyncset.done $0x0  }
0x73: {  	[sflag:s20] =	ssyncadd.s32 $0xFFFFFB00  }
0x74: {  	_ =	swait.ge [sflag:s22], $0x500  }
0x75: {  	[sflag:s22] =	ssyncset.done $0x0  }
0x76: {  	[sflag:s22] =	ssyncadd.s32 $0xFFFFFB00  }
0x77: {  	_ =	swait.ge [sflag:s23], $0x500  }
0x78: {  	[sflag:s23] =	ssyncset.done $0x0  }
0x79: {  	s1 =	simm.s32 @!p0 $0x1A;
	[sflag:s23] =	ssyncadd.s32 $0xFFFFFB00  }
0x7a: {  	_ =	swait.ge @!p0 [sflag:s1], $0x500  }
0x7b: {  	[sflag:s1] =	ssyncset.done @!p0 $0x0  }
0x7c: {  	[sflag:s1] =	ssyncadd.s32 @!p0 $0xFFFFFB00;
	s1 =	simm.s32 @!p0 $0x1B  }
0x7d: {  	_ =	swait.ge @!p0 [sflag:s1], $0x500  }
0x7e: {  	[sflag:s1] =	ssyncset.done @!p0 $0x0  }
0x7f: {  	[sflag:s1] =	ssyncadd.s32 @!p0 $0xFFFFFB00;
	s1 =	simm.s32 @!p0 $0x1C  }
0x80: {  	_ =	swait.ge @!p0 [sflag:s1], $0x500  }
0x81: {  	s17 =	sld [smem:$0x7F0];
	_ =	sdelay $0x2  }
0x82: {  	s24 =	rddreg [dreg:$0x1a];
	s14 =	sadd.s32 $0x1, s17  }
0x83: {  	p1 =	sne.s32 s14, s24  }
.Ltmp1:
0x84: {  	_ = 	snop;
	(pc) =	sbr.rel @!p1 .LBB2_30-.Ltmp1, $3  }
0x85: {  	_ =	sdelay $0x1  }
0x86: {  	[sflag:s1] =	ssyncset.done @!p0 $0x0  }
0x87: {  	s13 =	stileid.u32;
	s7 =	simm.s32 $0x80;
	[sflag:s1] =	ssyncadd.s32 @!p0 $0xFFFFFB00  }
.LBB2_1:
0x88: {  	[smem:$0x7F0] =	sst s14  }
0x89: {  	s1 =	rddreg [dreg:$0x11]  }
0x8a: {  	s13 =	rddreg [dreg:$0x12]  }
0x8b: {  	[tilespmem:s5], [sflag:$0x1] =	stream.linear.gather [hbm4b:s1+s5], $0x50, $0x38;
	[tilespmem:$0x1E080] =	vst v63  }
0x8c: {  	s14 =	rddreg [dreg:$0x15]  }
0x8d: {  	[tilespmem:s26], [sflag:$0xD] =	stream.linear.gather [hbm4b:s13+s5], $0x50, $0x38;
	[tilespmem:$0x1E080] =	vst v63  }
0x8e: {  	s17 =	rddreg [dreg:$0x16]  }
0x8f: {  	[tilespmem:s7], [sflag:$0x2] =	stream.linear.gather [hbm4b:s14+s5], $0x50, $0x38;
	[tilespmem:$0x1E080] =	vst v63  }
0x90: {  	s24 =	rddreg [dreg:$0xd]  }
0x91: {  	[tilespmem:s28], [sflag:$0xE] =	stream.linear.gather [hbm4b:s17+s5], $0x50, $0x38;
	[tilespmem:$0x1E080] =	vst v63  }
0x92: {  	s13 =	simm.s32 $0x100;
	s14 =	rddreg [dreg:$0xe]  }
0x93: {  	[tilespmem:s13], [sflag:$0x3] =	stream.linear.gather [hbm4b:s24+s5], $0x50, $0x38;
	[tilespmem:$0x1E080] =	vst v63  }
0x94: {  	s17 =	rddreg [dreg:$0xf]  }
0x95: {  	[tilespmem:s29], [sflag:$0xF] =	stream.linear.gather [hbm4b:s14+s5], $0x50, $0x38;
	[tilespmem:$0x1E080] =	vst v63  }
0x96: {  	s24 =	simm.s32 $0x180;
	s13 =	rddreg [dreg:$0x10]  }
0x97: {  	[tilespmem:s24], [sflag:$0x4] =	stream.linear.gather [hbm4b:s17+s5], $0x50, $0x38;
	[tilespmem:$0x1E080] =	vst v63  }
0x98: {  	s14 =	rddreg [dreg:$0x13]  }
0x99: {  	[tilespmem:s31], [sflag:$0x10] =	stream.linear.gather [hbm4b:s13+s5], $0x50, $0x38;
	[tilespmem:$0x1E080] =	vst v63  }
0x9a: {  	s17 =	rddreg [dreg:$0x14]  }
0x9b: {  	[tilespmem:s25], [sflag:$0x5] =	stream.linear.gather [hbm4b:s14+s5], $0x28, $0x38;
	[tilespmem:$0x1E080] =	vst v63  }
0x9c: {  	s24 =	simm.s32 $0x280;
	s13 =	rddreg [dreg:$0x17]  }
0x9d: {  	[tilespmem:s24], [sflag:$0x6] =	stream.linear.gather [hbm4b:s17+s5], $0x28, $0x38;
	[tilespmem:$0x1E080] =	vst v63  }
0x9e: {  	s14 =	simm.s32 $0x300;
	s17 =	rddreg [dreg:$0x18]  }
0x9f: {  	[tilespmem:s14], [sflag:$0x7] =	stream.linear.gather [hbm4b:s13+s5], $0x28, $0x38;
	[tilespmem:$0x1E080] =	vst v63  }
0xa0: {  	s24 =	simm.s32 $0x380;
	s13 =	simm.s32 $0x0;
	s14 =	simm.s32 $0x200  }
0xa1: {  	[tilespmem:s24], [sflag:$0x8] =	stream.linear.gather [hbm4b:s17+s5], $0x28, $0x38;
	[tilespmem:$0x1E080] =	vst v63  }
.LBB2_2:
0xa2: {  	p1 =	sne.s32 s14, $0x9E00;
	[tilespmem:s13+$0x870] =	vst v0  }
0xa3: {  	[tilespmem:s13+$0x800] =	vst v0  }
0xa4: {  	[tilespmem:s13+$0x810] =	vst v0  }
.Ltmp2:
0xa5: {  	[tilespmem:s13+$0x820] =	vst v0;
	(pc) =	sbr.rel @p1 .LBB2_2-.Ltmp2, $4  }
0xa6: {  	[tilespmem:s13+$0x830] =	vst v0  }
0xa7: {  	[tilespmem:s13+$0x840] =	vst v0  }
0xa8: {  	[tilespmem:s13+$0x850] =	vst v0  }
0xa9: {  	[tilespmem:s13+$0x860] =	vst v0;
	s13 =	sshra.s32 s14, $0x2;
	s14 =	sadd.s32 $0x200, s14  }
0xaa: {  	[tilespmem:s13+$0x870] =	vst v0  }
0xab: {  	[tilespmem:s13+$0x800] =	vst v0  }
0xac: {  	[tilespmem:s13+$0x810] =	vst v0  }
0xad: {  	[tilespmem:s13+$0x820] =	vst v0  }
0xae: {  	[tilespmem:s13+$0x830] =	vst v0  }
0xaf: {  	[tilespmem:s13+$0x840] =	vst v0  }
0xb0: {  	[tilespmem:s13+$0x850] =	vst v0  }
0xb1: {  	[tilespmem:s13+$0x860] =	vst v0;
	s1 =	sld [smem:$0x7F3]  }
0xb2: {  	[spmem:s21] =	stream.linear.scatter [tilespmem:s10], [sflag:$0x15], $0x2800, $0x38;
	[tilespmem:$0x1E080] =	vst v63  }
0xb3: {  	s13 =	sld [smem:$0x7F4]  }
0xb4: {  	[spmem:s1] =	stream.linear.scatter [tilespmem:s10], [sflag:$0x16], $0x2800, $0x38;
	[tilespmem:$0x1E080] =	vst v63  }
0xb5: {  	s14 =	sld [smem:$0x7F5]  }
0xb6: {  	[spmem:s13] =	stream.linear.scatter [tilespmem:s10], [sflag:$0x17], $0x2800, $0x38;
	[tilespmem:$0x1E080] =	vst v63  }
0xb7: {  	s17 =	sld [smem:$0x7F6]  }
0xb8: {  	[spmem:s14] =	stream.linear.scatter [tilespmem:s10], [sflag:$0x18], $0x2800, $0x38;
	[tilespmem:$0x1E080] =	vst v63  }
0xb9: {  	s1 =	sld [smem:$0x7F7]  }
0xba: {  	[spmem:s17] =	stream.linear.scatter [tilespmem:s10], [sflag:$0x19], $0x2800, $0x38;
	[tilespmem:$0x1E080] =	vst v63  }
0xbb: {  	s13 =	simm.s32 @!p0 $0x800  }
0xbc: {  	[spmem:s1] =	stream.linear.scatter @!p0 [tilespmem:s13], [sflag:$0x1A], $0x2800, $0x38;
	[tilespmem:$0x1E080] =	vst v63  }
0xbd: {  	s1 =	sld [smem:$0x7F8];
	_ =	sdelay $0x2  }
0xbe: {  	[spmem:s1] =	stream.linear.scatter @!p0 [tilespmem:s13], [sflag:$0x1B], $0x2800, $0x38;
	[tilespmem:$0x1E080] =	vst v63  }
0xbf: {  	s1 =	sld [smem:$0x7F9];
	_ =	sdelay $0x2  }
0xc0: {  	[spmem:s1] =	stream.linear.scatter @!p0 [tilespmem:s13], [sflag:$0x1C], $0x2800, $0x38;
	[tilespmem:$0x1E080] =	vst v63  }
0xc1: {  	_ =	swait.ge [sflag:s11], $0x2800  }
0xc2: {  	[sflag:s11] =	ssyncset.done $0x0  }
0xc3: {  	[sflag:s11] =	ssyncadd.s32 $0xFFFFD800  }
0xc4: {  	_ =	swait.ge [sflag:s12], $0x2800  }
0xc5: {  	[sflag:s12] =	ssyncset.done $0x0  }
0xc6: {  	[sflag:s12] =	ssyncadd.s32 $0xFFFFD800  }
0xc7: {  	_ =	swait.ge [sflag:s20], $0x2800  }
0xc8: {  	[sflag:s20] =	ssyncset.done $0x0  }
0xc9: {  	[sflag:s20] =	ssyncadd.s32 $0xFFFFD800  }
0xca: {  	_ =	swait.ge [sflag:s22], $0x2800  }
0xcb: {  	[sflag:s22] =	ssyncset.done $0x0  }
0xcc: {  	[sflag:s22] =	ssyncadd.s32 $0xFFFFD800  }
0xcd: {  	_ =	swait.ge [sflag:s23], $0x2800  }
0xce: {  	[sflag:s23] =	ssyncset.done $0x0  }
0xcf: {  	s13 =	simm.s32 @!p0 $0x1A;
	[sflag:s23] =	ssyncadd.s32 $0xFFFFD800  }
0xd0: {  	_ =	swait.ge @!p0 [sflag:s13], $0x2800  }
0xd1: {  	[sflag:s13] =	ssyncset.done @!p0 $0x0  }
0xd2: {  	[sflag:s13] =	ssyncadd.s32 @!p0 $0xFFFFD800;
	s13 =	simm.s32 @!p0 $0x1B  }
0xd3: {  	_ =	swait.ge @!p0 [sflag:s13], $0x2800  }
0xd4: {  	[sflag:s13] =	ssyncset.done @!p0 $0x0  }
0xd5: {  	[sflag:s13] =	ssyncadd.s32 @!p0 $0xFFFFD800;
	s13 =	simm.s32 @!p0 $0x1C  }
0xd6: {  	_ =	swait.ge @!p0 [sflag:s13], $0x2800  }
0xd7: {  	[sflag:s13] =	ssyncset.done @!p0 $0x0  }
0xd8: {  	[sflag:s13] =	ssyncadd.s32 @!p0 $0xFFFFD800  }
0xd9: {  	[bflag:$0x0] =	sbarrier.arrive $0xFFFF  }
0xda: {  	_ =	swait.ge [sflag:s18], $0x50  }
0xdb: {  	[sflag:s18] =	ssyncset.done $0x0  }
0xdc: {  	s21 =	simm.s32 $0x2;
	[sflag:s18] =	ssyncadd.s32 $0xFFFFFFB0  }
0xdd: {  	_ =	swait.ge [sflag:s21], $0x50  }
.Ltmp3:
0xde: {  	[sflag:s21] =	ssyncset.done $0x0;
	(pc) =	sbr.rel .LBB2_4-.Ltmp3, $4  }
0xdf: {  	s22 =	simm.s32 $0x50;
	s23 =	simm.s32 $0x0;
	[sflag:s21] =	ssyncadd.s32 $0xFFFFFFB0  }
0xe0: {  	[tilespmem:s10], [sflag:$0x11] =	stream.indirect.gather [hbm4b:s0+s22], $0x80, s23, s22, $0xb8;
	[tilespmem:$0x1E080] =	vst v63  }
0xe1: {  	s24 =	simm.s32 $0x3000  }
0xe2: {  	[tilespmem:s24], [sflag:$0x12] =	stream.indirect.gather [hbm4b:s0+s22], $0x80, s7, s22, $0xb8;
	[tilespmem:$0x1E080] =	vst v63  }
.LBB2_28:
0xe3: {  	s23 =	sadd.s32 $0x1, s23  }
0xe4: {  	p1 =	sne.s32 s23, $0x20  }
.Ltmp4:
0xe5: {  	_ = 	snop;
	(pc) =	sbr.rel @!p1 .LBB2_29-.Ltmp4, $1  }
0xe6: {  	_ =	sdelay $0x3  }
.LBB2_4:
0xe7: {  	s14 =	sshll.u32 s23, $0x2  }
0xe8: {  	s13 =	sor.u32 $0x2, s14  }
0xe9: {  	p1 =	sgt.u32 s13, $0x7C  }
0xea: {  	p2 =	seq.s32 @!p1 s23, $0x0  }
0xeb: {  	p2 =	por p2, p1  }
0xec: {  	s17 =	simm.s32 @!p2 $0x19  }
0xed: {  	_ =	swait.ge @!p2 [sflag:s17], $0x1400  }
0xee: {  	[sflag:s17] =	ssyncset.done @!p2 $0x0  }
0xef: {  	s13 =	smul.u32 @!p1 $0x50, s13;
	[sflag:s17] =	ssyncadd.s32 @!p2 $0xFFFFEC00;
	s17 =	simm.s32 @!p2 $0x1A  }
0xf0: {  	_ =	swait.ge @!p2 [sflag:s17], $0x1400  }
0xf1: {  	s20 =	simm.s32 @!p1 $0x0;
	s13 =	sadd.s32 @!p1 s6, s13;
	[sflag:s17] =	ssyncset.done @!p2 $0x0  }
0xf2: {  	[sflag:s17] =	ssyncadd.s32 @!p2 $0xFFFFEC00;
	s17 =	sshrl.u32 @!p1 s13, $0x3;
	s13 =	sadd.s32 @!p1 $0x28, s13  }
0xf3: {  	s21 =	simm.s32 @!p1 $0x400;
	s17 =	sadd.s32 @!p1 s16, s17;
	s13 =	sshrl.u32 @!p1 s13, $0x3  }
0xf4: {  	[tilespmem:s21], [sflag:$0x9] =	stream.linear.gather @!p1 [hbm4b:s17+s20], $0x28, $0x38;
	[tilespmem:$0x1E080] =	vst v63  }
0xf5: {  	s13 =	sadd.s32 @!p1 s16, s13;
	s17 =	simm.s32 @!p1 $0x480  }
0xf6: {  	[tilespmem:s17], [sflag:$0xA] =	stream.linear.gather @!p1 [hbm4b:s13+s20], $0x28, $0x38;
	[tilespmem:$0x1E080] =	vst v63  }
0xf7: {  	s13 =	simm.s32 @!p1 $0x3  }
0xf8: {  	_ =	swait.ge @!p1 [sflag:s13], $0x50  }
0xf9: {  	s21 =	simm.s32 $0x0;
	s17 =	simm.s32 @!p1 $0x100;
	[sflag:s13] =	ssyncset.done @!p1 $0x0  }
0xfa: {  	s20 =	simm.s32 @!p1 $0x5800;
	[sflag:s13] =	ssyncadd.s32 @!p1 $0xFFFFFFB0;
	s13 =	simm.s32 @!p1 $0x50  }
0xfb: {  	v1 =	vmov s21;
	[tilespmem:s20], [sflag:$0x13] =	stream.indirect.gather @!p1 [hbm4b:s0+s13], $0x80, s17, s13, $0xb8;
	[tilespmem:$0x1E080] =	vst v63  }
0xfc: {  	v1 =	vand.u32 $0xFFFFFFFC, v1;
	_ =	swait.ge [sflag:s2], $0x2800  }
0xfd: {  	v1 =	vbroadcast v1, $0x0;
	[sflag:s2] =	ssyncset.done $0x0  }
0xfe: {  	[sflag:s2] =	ssyncadd.s32 $0xFFFFD800  }
0xff: {  	_ =	swait.ge [sflag:s19], $0x50  }
0x100: {  	[sflag:s19] =	ssyncset.done $0x0  }
0x101: {  	s17 =	simm.s32 $0x900;
	[sflag:s19] =	ssyncadd.s32 $0xFFFFFFB0  }
0x102: {  	v3 =	vld [tilespmem:s17+$0xFFFFFF70]  }
0x103: {  	v1 =	vld.idx.msk [tilespmem:v1+s26+$0x0], $0xffff  }
0x104: {  	v4 =	vld [tilespmem:s17+$0xFFFFFF00]  }
0x105: {  	v5 =	vld [tilespmem:s17+$0xFFFFFF20]  }
0x106: {  	v6 =	vld [tilespmem:s17+$0xFFFFFF30]  }
0x107: {  	v2 =	vld [tilespmem:s17+$0xFFFFFF50]  }
0x108: {  	v8 =	vld [tilespmem:s17+$0xFFFFFF10];
	v3 =	vmul.f32 v3, v1  }
0x109: {  	s22 =	simm.s32 $0x1;
	v7 =	vld [tilespmem:s17+$0xFFFFFF60];
	v4 =	vmul.f32 v4, v1  }
0x10a: {  	v9 =	vld [tilespmem:s17+$0xFFFFFF40];
	v5 =	vmul.f32 v5, v1;
	[tilespmem:s17+$0xFFFFFF70] =	vst v3;
	v3 =	vmov s22  }
0x10b: {  	v6 =	vmul.f32 v6, v1;
	[tilespmem:s17+$0xFFFFFF00] =	vst v4;
	v3 =	vand.u32 $0xFFFFFFFD, v3  }
0x10c: {  	v2 =	vmul.f32 v2, v1;
	[tilespmem:s17+$0xFFFFFF20] =	vst v5;
	v3 =	vbroadcast v3, $0x0  }
0x10d: {  	v4 =	vmul.f32 v8, v1;
	[tilespmem:s17+$0xFFFFFF30] =	vst v6  }
0x10e: {  	v5 =	vmul.f32 v7, v1;
	[tilespmem:s17+$0xFFFFFF50] =	vst v2  }
0x10f: {  	v1 =	vmul.f32 v9, v1;
	[tilespmem:s17+$0xFFFFFF10] =	vst v4  }
0x110: {  	[tilespmem:s17+$0xFFFFFF60] =	vst v5  }
0x111: {  	[tilespmem:s17+$0xFFFFFF40] =	vst v1;
	v1 =	vld [tilespmem:s17+$0xFFFFFF80]  }
0x112: {  	v3 =	vld.idx.msk [tilespmem:v3+s26+$0x0], $0xffff  }
0x113: {  	v2 =	vld [tilespmem:s17+$0xFFFFFFA0]  }
0x114: {  	v4 =	vld [tilespmem:s17+$0xFFFFFF90]  }
0x115: {  	v5 =	vld [tilespmem:s17+$0xFFFFFFD0]  }
0x116: {  	v6 =	vld [tilespmem:s17+$0xFFFFFFE0]  }
0x117: {  	v7 =	vld [tilespmem:s17+$0xFFFFFFF0];
	v1 =	vmul.f32 v1, v3  }
0x118: {  	s24 =	simm.s32 $0x2;
	v8 =	vld [tilespmem:s17+$0xFFFFFFB0];
	v2 =	vmul.f32 v2, v3  }
0x119: {  	v63 =	vld [tilespmem:s17+$0xFFFFFFC0];
	v4 =	vmul.f32 v4, v3;
	[tilespmem:s17+$0xFFFFFF80] =	vst v1;
	v1 =	vmov s24  }
0x11a: {  	v5 =	vmul.f32 v5, v3;
	[tilespmem:s17+$0xFFFFFFA0] =	vst v2;
	v1 =	vand.u32 $0xFFFFFFFE, v1  }
0x11b: {  	v2 =	vmul.f32 v6, v3;
	[tilespmem:s17+$0xFFFFFF90] =	vst v4;
	v4 =	vbroadcast v1, $0x0  }
0x11c: {  	v6 =	vmul.f32 v7, v3;
	[tilespmem:s17+$0xFFFFFFD0] =	vst v5;
	v7 =	vld [tilespmem:s17+$0x30]  }
0x11d: {  	v5 =	vmul.f32 v8, v3;
	v1 =	vld [tilespmem:s17+$0x40];
	[tilespmem:s17+$0xFFFFFFE0] =	vst v2  }
0x11e: {  	v3 =	vmul.f32 v63, v3;
	v2 =	vld [tilespmem:s17+$0x70];
	[tilespmem:s17+$0xFFFFFFF0] =	vst v6  }
0x11f: {  	[tilespmem:s17+$0xFFFFFFB0] =	vst v5;
	v5 =	vld [tilespmem:s17+$0x20]  }
0x120: {  	[tilespmem:s17+$0xFFFFFFC0] =	vst v3;
	v6 =	vld [tilespmem:s17+$0x0]  }
0x121: {  	v3 =	vld.idx.msk [tilespmem:v4+s26+$0x0], $0xffff  }
0x122: {  	s21 =	simm.s32 $0x7;
	s20 =	simm.s32 $0x3;
	s22 =	simm.s32 $0x900;
	v4 =	vld [tilespmem:s17+$0x10]  }
.LBB2_5:
0x123: {  	p2 =	sne.s32 s21, $0x27  }
0x124: {  	v8 =	vld [tilespmem:s17+$0x50];
	s22 =	sadd.s32 $0x200, s22;
	s13 =	smov.u32 s21;
	s21 =	sadd.s32 $0x4, s21  }
0x125: {  	v9 =	vld [tilespmem:s17+$0x60];
	_ =	sdelay $0x1  }
0x126: {  	v6 =	vmul.f32 v6, v3;
	v4 =	vmul.f32 v4, v3  }
0x127: {  	v5 =	vmul.f32 v5, v3;
	v7 =	vmul.f32 v7, v3  }
0x128: {  	v1 =	vmul.f32 v1, v3;
	v2 =	vmul.f32 v2, v3;
	[tilespmem:s17+$0x0] =	vst v6  }
0x129: {  	[tilespmem:s17+$0x20] =	vst v5;
	v5 =	vmul.f32 v8, v3;
	v3 =	vmul.f32 v9, v3  }
0x12a: {  	[tilespmem:s17+$0x30] =	vst v7;
	v6 =	vld [tilespmem:s17+$0x80]  }
0x12b: {  	[tilespmem:s17+$0x60] =	vst v3;
	v3 =	vmov s20;
	v7 =	vld [tilespmem:s17+$0xD0];
	s20 =	smov.u32 s13  }
0x12c: {  	[tilespmem:s17+$0x50] =	vst v5;
	v5 =	vld [tilespmem:s17+$0xE0]  }
0x12d: {  	[tilespmem:s17+$0x40] =	vst v1;
	v8 =	vld [tilespmem:s17+$0xB0]  }
0x12e: {  	v1 =	vld [tilespmem:s22+$0x40];
	[tilespmem:s17+$0x70] =	vst v2  }
0x12f: {  	v2 =	vld [tilespmem:s22+$0x70];
	[tilespmem:s17+$0x10] =	vst v4  }
0x130: {  	v3 =	vld.idx.msk [tilespmem:v3+s26+$0x0], $0xffff  }
0x131: {  	v4 =	vld [tilespmem:s17+$0x90]  }
0x132: {  	v9 =	vld [tilespmem:s17+$0xA0]  }
0x133: {  	v10 =	vld [tilespmem:s17+$0xC0]  }
0x134: {  	v11 =	vld [tilespmem:s17+$0xF0];
	_ =	sdelay $0x1  }
0x135: {  	v6 =	vmul.f32 v6, v3;
	v4 =	vmul.f32 v4, v3  }
0x136: {  	s13 =	sadd.s32 $0xFFFFFFFD, s20;
	v8 =	vmul.f32 v8, v3;
	v9 =	vmul.f32 v9, v3  }
0x137: {  	v12 =	vmov s13;
	v7 =	vmul.f32 v7, v3;
	[tilespmem:s17+$0x80] =	vst v6;
	v6 =	vmul.f32 v10, v3  }
0x138: {  	v10 =	vand.u32 $0xFFFFFFFC, v12;
	[tilespmem:s17+$0x90] =	vst v4;
	v4 =	vmul.f32 v5, v3;
	v3 =	vmul.f32 v11, v3  }
0x139: {  	v5 =	vbroadcast v10, $0x0;
	[tilespmem:s17+$0xA0] =	vst v9  }
0x13a: {  	[tilespmem:s17+$0xD0] =	vst v7  }
0x13b: {  	v7 =	vld [tilespmem:s22+$0xFFFFFF50];
	[tilespmem:s17+$0xB0] =	vst v8  }
0x13c: {  	v8 =	vld [tilespmem:s22+$0xFFFFFF30];
	[tilespmem:s17+$0xC0] =	vst v6  }
0x13d: {  	v6 =	vld [tilespmem:s22+$0xFFFFFF60];
	[tilespmem:s17+$0xE0] =	vst v4  }
0x13e: {  	v4 =	vld [tilespmem:s22+$0xFFFFFF70];
	[tilespmem:s17+$0xF0] =	vst v3;
	s17 =	smov.u32 s22  }
0x13f: {  	v3 =	vld.idx.msk [tilespmem:v5+s26+$0x0], $0xffff  }
0x140: {  	v5 =	vld [tilespmem:s22+$0xFFFFFF00]  }
0x141: {  	v9 =	vld [tilespmem:s22+$0xFFFFFF20]  }
0x142: {  	v10 =	vld [tilespmem:s22+$0xFFFFFF10]  }
0x143: {  	v11 =	vld [tilespmem:s22+$0xFFFFFF40];
	_ =	sdelay $0x1  }
0x144: {  	v4 =	vmul.f32 v4, v3;
	v5 =	vmul.f32 v5, v3  }
0x145: {  	s13 =	sadd.s32 $0xFFFFFFFE, s20;
	v6 =	vmul.f32 v6, v3;
	v9 =	vmul.f32 v9, v3  }
0x146: {  	v8 =	vmul.f32 v8, v3;
	v10 =	vmul.f32 v10, v3;
	[tilespmem:s22+$0xFFFFFF70] =	vst v4;
	v4 =	vmov s13  }
0x147: {  	[tilespmem:s22+$0xFFFFFF00] =	vst v5;
	v5 =	vmul.f32 v11, v3;
	v3 =	vmul.f32 v7, v3;
	v4 =	vand.u32 $0xFFFFFFFD, v4  }
0x148: {  	[tilespmem:s22+$0xFFFFFF20] =	vst v9;
	v4 =	vbroadcast v4, $0x0  }
0x149: {  	[tilespmem:s22+$0xFFFFFF30] =	vst v8  }
0x14a: {  	[tilespmem:s22+$0xFFFFFF50] =	vst v3;
	v3 =	vld [tilespmem:s22+$0xFFFFFFF0]  }
0x14b: {  	[tilespmem:s22+$0xFFFFFF10] =	vst v10;
	v7 =	vld [tilespmem:s22+$0xFFFFFFD0]  }
0x14c: {  	[tilespmem:s22+$0xFFFFFF60] =	vst v6;
	v6 =	vld [tilespmem:s22+$0xFFFFFFB0]  }
0x14d: {  	[tilespmem:s22+$0xFFFFFF40] =	vst v5;
	v5 =	vld [tilespmem:s22+$0xFFFFFF90]  }
0x14e: {  	v4 =	vld.idx.msk [tilespmem:v4+s26+$0x0], $0xffff  }
0x14f: {  	v8 =	vld [tilespmem:s22+$0xFFFFFF80]  }
0x150: {  	v9 =	vld [tilespmem:s22+$0xFFFFFFA0]  }
0x151: {  	v10 =	vld [tilespmem:s22+$0xFFFFFFC0]  }
0x152: {  	v11 =	vld [tilespmem:s22+$0xFFFFFFE0];
	_ =	sdelay $0x1  }
0x153: {  	v5 =	vmul.f32 v5, v4;
	v8 =	vmul.f32 v8, v4  }
0x154: {  	s13 =	sadd.s32 $0xFFFFFFFF, s20;
	v6 =	vmul.f32 v6, v4;
	v9 =	vmul.f32 v9, v4  }
0x155: {  	v7 =	vmul.f32 v7, v4;
	[tilespmem:s22+$0xFFFFFF80] =	vst v8;
	v8 =	vmul.f32 v10, v4;
	v10 =	vmov s13  }
0x156: {  	v3 =	vmul.f32 v3, v4;
	[tilespmem:s22+$0xFFFFFFA0] =	vst v9;
	v9 =	vmul.f32 v11, v4;
	v4 =	vand.u32 $0xFFFFFFFE, v10  }
0x157: {  	[tilespmem:s22+$0xFFFFFF90] =	vst v5;
	v4 =	vbroadcast v4, $0x0  }
0x158: {  	[tilespmem:s22+$0xFFFFFFD0] =	vst v7  }
0x159: {  	[tilespmem:s22+$0xFFFFFFE0] =	vst v9  }
0x15a: {  	[tilespmem:s22+$0xFFFFFFB0] =	vst v6  }
.Ltmp5:
0x15b: {  	[tilespmem:s22+$0xFFFFFFF0] =	vst v3;
	v5 =	vld [tilespmem:s22+$0x20];
	(pc) =	sbr.rel @p2 .LBB2_5-.Ltmp5, $4  }
0x15c: {  	[tilespmem:s22+$0xFFFFFFC0] =	vst v8;
	v6 =	vld [tilespmem:s22+$0x0]  }
0x15d: {  	v3 =	vld.idx.msk [tilespmem:v4+s26+$0x0], $0xffff  }
0x15e: {  	v4 =	vld [tilespmem:s22+$0x10]  }
0x15f: {  	v7 =	vld [tilespmem:s22+$0x30]  }
0x160: {  	v8 =	vld [tilespmem:s17+$0x60];
	_ =	sdelay $0x1  }
0x161: {  	v6 =	vmul.f32 v6, v3  }
0x162: {  	v9 =	vld [tilespmem:s17+$0x50];
	v5 =	vmul.f32 v5, v3  }
0x163: {  	v1 =	vmul.f32 v1, v3;
	[tilespmem:s17+$0x0] =	vst v6  }
0x164: {  	[tilespmem:s17+$0x20] =	vst v5;
	v5 =	vmul.f32 v8, v3  }
0x165: {  	v2 =	vmul.f32 v2, v3;
	[tilespmem:s17+$0x40] =	vst v1  }
0x166: {  	v7 =	vmul.f32 v7, v3;
	[tilespmem:s17+$0x60] =	vst v5;
	v5 =	vmov s20  }
0x167: {  	[tilespmem:s17+$0x70] =	vst v2;
	v6 =	vmul.f32 v9, v3  }
0x168: {  	v3 =	vmul.f32 v4, v3;
	[tilespmem:s17+$0x30] =	vst v7  }
0x169: {  	v61 =	vld [tilespmem:s17+$0xF0];
	[tilespmem:s17+$0x50] =	vst v6  }
0x16a: {  	v7 =	vld [tilespmem:s17+$0x80];
	[tilespmem:s17+$0x10] =	vst v3  }
0x16b: {  	v1 =	vld.idx.msk [tilespmem:v5+s26+$0x0], $0xffff  }
0x16c: {  	v2 =	vld [tilespmem:s17+$0x90]  }
0x16d: {  	v3 =	vld [tilespmem:s17+$0xA0]  }
0x16e: {  	v4 =	vld [tilespmem:s17+$0xD0]  }
0x16f: {  	v5 =	vld [tilespmem:s17+$0xB0]  }
0x170: {  	v6 =	vld [tilespmem:s17+$0xC0];
	v7 =	vmul.f32 v7, v1  }
0x171: {  	v8 =	vld [tilespmem:s17+$0xE0];
	v2 =	vmul.f32 v2, v1  }
0x172: {  	v3 =	vmul.f32 v3, v1;
	[tilespmem:s17+$0x80] =	vst v7  }
0x173: {  	v4 =	vmul.f32 v4, v1;
	[tilespmem:s17+$0x90] =	vst v2  }
0x174: {  	v2 =	vmul.f32 v5, v1;
	[tilespmem:s17+$0xA0] =	vst v3  }
0x175: {  	v3 =	vmul.f32 v6, v1;
	[tilespmem:s17+$0xD0] =	vst v4  }
0x176: {  	s20 =	simm.s32 $0x28;
	v4 =	vmul.f32 v8, v1;
	v1 =	vmul.f32 v61, v1;
	[tilespmem:s17+$0xB0] =	vst v2  }
0x177: {  	[tilespmem:s17+$0xC0] =	vst v3;
	v2 =	vmov s20  }
0x178: {  	[tilespmem:s17+$0xF0] =	vst v1;
	v1 =	vand.u32 $0xFFFFFFFC, v2  }
0x179: {  	[tilespmem:s17+$0xE0] =	vst v4;
	v1 =	vbroadcast v1, $0x0  }
0x17a: {  	_ =	swait.ge [sflag:s30], $0x28  }
0x17b: {  	[sflag:s30] =	ssyncset.done $0x0  }
0x17c: {  	s17 =	simm.s32 $0x1DF0;
	[sflag:s30] =	ssyncadd.s32 $0xFFFFFFD8  }
0x17d: {  	[spmem:s4] =	stream.indirect.scatter.add.f32 [tilespmem:s10], [sflag:$0x15], $0x80, s25, s20, $0xb8;
	[tilespmem:$0x1E080] =	vst v63  }
0x17e: {  	v2 =	vld [tilespmem:s17+$0xFFFFFE80]  }
0x17f: {  	v1 =	vld.idx.msk [tilespmem:v1+s26+$0x0], $0xffff  }
0x180: {  	v3 =	vld [tilespmem:s17+$0xFFFFFE10]  }
0x181: {  	v4 =	vld [tilespmem:s17+$0xFFFFFE30]  }
0x182: {  	v5 =	vld [tilespmem:s17+$0xFFFFFE60]  }
0x183: {  	v6 =	vld [tilespmem:s17+$0xFFFFFE50]  }
0x184: {  	v7 =	vld [tilespmem:s17+$0xFFFFFE70];
	v2 =	vmul.f32 v2, v1  }
0x185: {  	s13 =	simm.s32 $0x29;
	v8 =	vld [tilespmem:s17+$0xFFFFFE40];
	v3 =	vmul.f32 v3, v1  }
0x186: {  	v62 =	vld [tilespmem:s17+$0xFFFFFE20];
	v4 =	vmul.f32 v4, v1;
	[tilespmem:s17+$0xFFFFFE80] =	vst v2;
	v2 =	vmov s13  }
0x187: {  	v5 =	vmul.f32 v5, v1;
	[tilespmem:s17+$0xFFFFFE10] =	vst v3;
	v2 =	vand.u32 $0xFFFFFFFD, v2  }
0x188: {  	v3 =	vmul.f32 v6, v1;
	[tilespmem:s17+$0xFFFFFE30] =	vst v4;
	v2 =	vbroadcast v2, $0x0  }
0x189: {  	v4 =	vmul.f32 v7, v1;
	[tilespmem:s17+$0xFFFFFE60] =	vst v5  }
0x18a: {  	v5 =	vmul.f32 v8, v1;
	[tilespmem:s17+$0xFFFFFE50] =	vst v3  }
0x18b: {  	v1 =	vmul.f32 v62, v1;
	[tilespmem:s17+$0xFFFFFE70] =	vst v4  }
0x18c: {  	[tilespmem:s17+$0xFFFFFE40] =	vst v5  }
0x18d: {  	[tilespmem:s17+$0xFFFFFE20] =	vst v1;
	v1 =	vld [tilespmem:s17+$0xFFFFFEA0]  }
0x18e: {  	v3 =	vld.idx.msk [tilespmem:v2+s26+$0x0], $0xffff  }
0x18f: {  	v2 =	vld [tilespmem:s17+$0xFFFFFEB0]  }
0x190: {  	v4 =	vld [tilespmem:s17+$0xFFFFFE90]  }
0x191: {  	v5 =	vld [tilespmem:s17+$0xFFFFFEC0]  }
0x192: {  	v6 =	vld [tilespmem:s17+$0xFFFFFED0]  }
0x193: {  	v7 =	vld [tilespmem:s17+$0xFFFFFEE0];
	v1 =	vmul.f32 v1, v3  }
0x194: {  	s24 =	simm.s32 $0x2A;
	v8 =	vld [tilespmem:s17+$0xFFFFFF00];
	v2 =	vmul.f32 v2, v3  }
0x195: {  	v63 =	vld [tilespmem:s17+$0xFFFFFEF0];
	v4 =	vmul.f32 v4, v3;
	[tilespmem:s17+$0xFFFFFEA0] =	vst v1;
	v1 =	vmov s24  }
0x196: {  	v5 =	vmul.f32 v5, v3;
	[tilespmem:s17+$0xFFFFFEB0] =	vst v2;
	v1 =	vand.u32 $0xFFFFFFFE, v1  }
0x197: {  	v2 =	vmul.f32 v6, v3;
	[tilespmem:s17+$0xFFFFFE90] =	vst v4;
	v6 =	vld [tilespmem:s17+$0xFFFFFF70];
	v10 =	vbroadcast v1, $0x0  }
0x198: {  	v4 =	vmul.f32 v7, v3;
	[tilespmem:s17+$0xFFFFFEC0] =	vst v5;
	v7 =	vld [tilespmem:s17+$0xFFFFFF10]  }
0x199: {  	v5 =	vmul.f32 v8, v3;
	v1 =	vld [tilespmem:s17+$0xFFFFFF30];
	[tilespmem:s17+$0xFFFFFED0] =	vst v2  }
0x19a: {  	v3 =	vmul.f32 v63, v3;
	v2 =	vld [tilespmem:s17+$0xFFFFFF40];
	[tilespmem:s17+$0xFFFFFEE0] =	vst v4  }
0x19b: {  	[tilespmem:s17+$0xFFFFFF00] =	vst v5;
	v4 =	vld [tilespmem:s17+$0xFFFFFF50]  }
0x19c: {  	[tilespmem:s17+$0xFFFFFEF0] =	vst v3;
	v5 =	vld [tilespmem:s17+$0xFFFFFF20]  }
0x19d: {  	s21 =	simm.s32 $0x2C;
	s22 =	simm.s32 $0x1DF0;
	v3 =	vld.idx.msk [tilespmem:v10+s26+$0x0], $0xffff  }
.LBB2_7:
0x19e: {  	p2 =	sne.s32 s21, $0x4C  }
0x19f: {  	v8 =	vld [tilespmem:s17+$0xFFFFFF60];
	s22 =	sadd.s32 $0x200, s22;
	s13 =	smov.u32 s21;
	s21 =	sadd.s32 $0x4, s21  }
0x1a0: {  	v9 =	vld [tilespmem:s17+$0xFFFFFF80];
	_ =	sdelay $0x1  }
0x1a1: {  	v6 =	vmul.f32 v6, v3;
	v7 =	vmul.f32 v7, v3  }
0x1a2: {  	v4 =	vmul.f32 v4, v3;
	v5 =	vmul.f32 v5, v3  }
0x1a3: {  	v1 =	vmul.f32 v1, v3;
	v2 =	vmul.f32 v2, v3;
	[tilespmem:s17+$0xFFFFFF70] =	vst v6  }
0x1a4: {  	[tilespmem:s17+$0xFFFFFF50] =	vst v4;
	v4 =	vmul.f32 v8, v3;
	v3 =	vmul.f32 v9, v3  }
0x1a5: {  	s24 =	sadd.s32 $0x3, s20;
	s20 =	smov.u32 s13;
	[tilespmem:s17+$0xFFFFFF30] =	vst v1;
	v6 =	vld [tilespmem:s17+$0xFFFFFFF0]  }
0x1a6: {  	v1 =	vld [tilespmem:s22+$0xFFFFFF30];
	[tilespmem:s17+$0xFFFFFF10] =	vst v7;
	v7 =	vmov s24  }
0x1a7: {  	[tilespmem:s17+$0xFFFFFF60] =	vst v4;
	v4 =	vld [tilespmem:s17+$0xFFFFFF90]  }
0x1a8: {  	[tilespmem:s17+$0xFFFFFF40] =	vst v2;
	v8 =	vld [tilespmem:s17+$0xFFFFFFD0]  }
0x1a9: {  	v2 =	vld [tilespmem:s22+$0xFFFFFF40];
	[tilespmem:s17+$0xFFFFFF20] =	vst v5  }
0x1aa: {  	[tilespmem:s17+$0xFFFFFF80] =	vst v3;
	v3 =	vld [tilespmem:s17+$0xFFFFFFB0]  }
0x1ab: {  	v5 =	vld.idx.msk [tilespmem:v7+s26+$0x0], $0xffff  }
0x1ac: {  	v7 =	vld [tilespmem:s17+$0xFFFFFFA0]  }
0x1ad: {  	v9 =	vld [tilespmem:s17+$0xFFFFFFC0]  }
0x1ae: {  	v10 =	vld [tilespmem:s17+$0xFFFFFFE0]  }
0x1af: {  	v11 =	vld [tilespmem:s17+$0x0];
	_ =	sdelay $0x1  }
0x1b0: {  	v4 =	vmul.f32 v4, v5;
	v7 =	vmul.f32 v7, v5  }
0x1b1: {  	v3 =	vmul.f32 v3, v5;
	v9 =	vmul.f32 v9, v5  }
0x1b2: {  	v12 =	vmov s20;
	[tilespmem:s17+$0xFFFFFF90] =	vst v4;
	v4 =	vmul.f32 v8, v5;
	v8 =	vmul.f32 v10, v5  }
0x1b3: {  	v10 =	vand.u32 $0xFFFFFFFC, v12;
	[tilespmem:s17+$0xFFFFFFB0] =	vst v3;
	v3 =	vmul.f32 v6, v5;
	v5 =	vmul.f32 v11, v5  }
0x1b4: {  	v6 =	vbroadcast v10, $0x0;
	[tilespmem:s17+$0xFFFFFFD0] =	vst v4  }
0x1b5: {  	[tilespmem:s17+$0x0] =	vst v5  }
0x1b6: {  	v4 =	vld [tilespmem:s22+$0xFFFFFE50];
	[tilespmem:s17+$0xFFFFFFF0] =	vst v3  }
0x1b7: {  	v3 =	vld [tilespmem:s22+$0xFFFFFE60];
	[tilespmem:s17+$0xFFFFFFA0] =	vst v7  }
0x1b8: {  	v5 =	vld [tilespmem:s22+$0xFFFFFE70];
	[tilespmem:s17+$0xFFFFFFC0] =	vst v9  }
0x1b9: {  	v7 =	vld [tilespmem:s22+$0xFFFFFE80];
	[tilespmem:s17+$0xFFFFFFE0] =	vst v8;
	s17 =	smov.u32 s22  }
0x1ba: {  	v6 =	vld.idx.msk [tilespmem:v6+s26+$0x0], $0xffff  }
0x1bb: {  	v8 =	vld [tilespmem:s22+$0xFFFFFE10]  }
0x1bc: {  	v9 =	vld [tilespmem:s22+$0xFFFFFE30]  }
0x1bd: {  	v10 =	vld [tilespmem:s22+$0xFFFFFE20]  }
0x1be: {  	v11 =	vld [tilespmem:s22+$0xFFFFFE40];
	_ =	sdelay $0x1  }
0x1bf: {  	v7 =	vmul.f32 v7, v6;
	v8 =	vmul.f32 v8, v6  }
0x1c0: {  	s13 =	sadd.s32 $0x1, s20;
	v5 =	vmul.f32 v5, v6;
	v9 =	vmul.f32 v9, v6  }
0x1c1: {  	v3 =	vmul.f32 v3, v6;
	v10 =	vmul.f32 v10, v6;
	[tilespmem:s22+$0xFFFFFE80] =	vst v7;
	v7 =	vmov s13  }
0x1c2: {  	v4 =	vmul.f32 v4, v6;
	[tilespmem:s22+$0xFFFFFE10] =	vst v8;
	v8 =	vmul.f32 v11, v6;
	v6 =	vand.u32 $0xFFFFFFFD, v7  }
0x1c3: {  	[tilespmem:s22+$0xFFFFFE30] =	vst v9;
	v6 =	vbroadcast v6, $0x0  }
0x1c4: {  	[tilespmem:s22+$0xFFFFFE60] =	vst v3  }
0x1c5: {  	[tilespmem:s22+$0xFFFFFE50] =	vst v4;
	v3 =	vld [tilespmem:s22+$0xFFFFFF00]  }
0x1c6: {  	[tilespmem:s22+$0xFFFFFE70] =	vst v5;
	v4 =	vld [tilespmem:s22+$0xFFFFFED0]  }
0x1c7: {  	[tilespmem:s22+$0xFFFFFE40] =	vst v8;
	v5 =	vld [tilespmem:s22+$0xFFFFFEE0]  }
0x1c8: {  	[tilespmem:s22+$0xFFFFFE20] =	vst v10;
	v7 =	vld [tilespmem:s22+$0xFFFFFEA0]  }
0x1c9: {  	v6 =	vld.idx.msk [tilespmem:v6+s26+$0x0], $0xffff  }
0x1ca: {  	v8 =	vld [tilespmem:s22+$0xFFFFFE90]  }
0x1cb: {  	v9 =	vld [tilespmem:s22+$0xFFFFFEB0]  }
0x1cc: {  	v10 =	vld [tilespmem:s22+$0xFFFFFEC0]  }
0x1cd: {  	v11 =	vld [tilespmem:s22+$0xFFFFFEF0];
	_ =	sdelay $0x1  }
0x1ce: {  	v7 =	vmul.f32 v7, v6;
	v8 =	vmul.f32 v8, v6  }
0x1cf: {  	s13 =	sadd.s32 $0x2, s20;
	v5 =	vmul.f32 v5, v6;
	v9 =	vmul.f32 v9, v6  }
0x1d0: {  	v4 =	vmul.f32 v4, v6;
	[tilespmem:s22+$0xFFFFFEA0] =	vst v7;
	v7 =	vmul.f32 v10, v6;
	v10 =	vmov s13  }
0x1d1: {  	v3 =	vmul.f32 v3, v6;
	[tilespmem:s22+$0xFFFFFEB0] =	vst v9;
	v9 =	vmul.f32 v11, v6;
	v6 =	vand.u32 $0xFFFFFFFE, v10  }
0x1d2: {  	[tilespmem:s22+$0xFFFFFE90] =	vst v8;
	v8 =	vbroadcast v6, $0x0  }
0x1d3: {  	[tilespmem:s22+$0xFFFFFEC0] =	vst v7  }
0x1d4: {  	[tilespmem:s22+$0xFFFFFED0] =	vst v4  }
0x1d5: {  	[tilespmem:s22+$0xFFFFFEE0] =	vst v5  }
.Ltmp6:
0x1d6: {  	[tilespmem:s22+$0xFFFFFF00] =	vst v3;
	v4 =	vld [tilespmem:s22+$0xFFFFFF50];
	(pc) =	sbr.rel @p2 .LBB2_7-.Ltmp6, $4  }
0x1d7: {  	[tilespmem:s22+$0xFFFFFEF0] =	vst v9;
	v6 =	vld [tilespmem:s22+$0xFFFFFF70]  }
0x1d8: {  	v3 =	vld.idx.msk [tilespmem:v8+s26+$0x0], $0xffff  }
0x1d9: {  	v7 =	vld [tilespmem:s22+$0xFFFFFF10]  }
0x1da: {  	v5 =	vld [tilespmem:s22+$0xFFFFFF20]  }
0x1db: {  	_ =	sdelay $0x1  }
0x1dc: {  	v6 =	vmul.f32 v6, v3  }
0x1dd: {  	v8 =	vld [tilespmem:s17+$0xFFFFFF60];
	v4 =	vmul.f32 v4, v3  }
0x1de: {  	v9 =	vld [tilespmem:s17+$0xFFFFFF80];
	v1 =	vmul.f32 v1, v3;
	[tilespmem:s17+$0xFFFFFF70] =	vst v6  }
0x1df: {  	v55 =	vmul.f32 v7, v3;
	[tilespmem:s17+$0xFFFFFF50] =	vst v4  }
0x1e0: {  	s13 =	sadd.s32 $0x3, s20;
	[tilespmem:s17+$0xFFFFFF30] =	vst v1;
	v1 =	vmul.f32 v2, v3  }
0x1e1: {  	v2 =	vmov s13;
	v5 =	vmul.f32 v5, v3;
	[tilespmem:s17+$0xFFFFFF10] =	vst v55  }
0x1e2: {  	v56 =	vmul.f32 v8, v3;
	[tilespmem:s17+$0xFFFFFF40] =	vst v1  }
0x1e3: {  	v3 =	vmul.f32 v9, v3;
	[tilespmem:s17+$0xFFFFFF20] =	vst v5  }
0x1e4: {  	[tilespmem:s17+$0xFFFFFF60] =	vst v56  }
0x1e5: {  	v1 =	vld [tilespmem:s17+$0xFFFFFF90];
	[tilespmem:s17+$0xFFFFFF80] =	vst v3  }
0x1e6: {  	v2 =	vld.idx.msk [tilespmem:v2+s26+$0x0], $0xffff  }
0x1e7: {  	v3 =	vld [tilespmem:s17+$0xFFFFFFB0]  }
0x1e8: {  	v59 =	vld [tilespmem:s17+$0xFFFFFFF0]  }
0x1e9: {  	v57 =	vld [tilespmem:s17+$0xFFFFFFD0]  }
0x1ea: {  	v58 =	vld [tilespmem:s17+$0x0]  }
0x1eb: {  	v60 =	vld [tilespmem:s17+$0xFFFFFFA0];
	v1 =	vmul.f32 v1, v2  }
0x1ec: {  	v61 =	vld [tilespmem:s17+$0xFFFFFFC0];
	v3 =	vmul.f32 v3, v2  }
0x1ed: {  	v62 =	vld [tilespmem:s17+$0xFFFFFFE0];
	v63 =	vmul.f32 v59, v2;
	[tilespmem:s17+$0xFFFFFF90] =	vst v1  }
0x1ee: {  	v1 =	vmul.f32 v57, v2;
	[tilespmem:s17+$0xFFFFFFB0] =	vst v3  }
0x1ef: {  	v3 =	vmul.f32 v58, v2;
	[tilespmem:s17+$0xFFFFFFF0] =	vst v63  }
0x1f0: {  	[tilespmem:s17+$0xFFFFFFD0] =	vst v1;
	v1 =	vmul.f32 v60, v2  }
0x1f1: {  	[tilespmem:s17+$0x0] =	vst v3;
	v3 =	vmul.f32 v61, v2  }
0x1f2: {  	v2 =	vmul.f32 v62, v2;
	[tilespmem:s17+$0xFFFFFFA0] =	vst v1  }
0x1f3: {  	p4 =	seq.s32 s23, $0x1F;
	[tilespmem:s17+$0xFFFFFFC0] =	vst v3  }
.Ltmp7:
0x1f4: {  	[tilespmem:s17+$0xFFFFFFE0] =	vst v2;
	(pc) =	sbr.rel @p4 .LBB2_16-.Ltmp7, $4  }
0x1f5: {  	_ =	swait.ge [sflag:s8], $0x28  }
0x1f6: {  	s1 =	simm.s32 $0x280;
	s7 =	simm.s32 $0x1C00;
	[sflag:s8] =	ssyncset.done $0x0  }
0x1f7: {  	p2 =	por $0x0, $0x0;
	p3 =	por $0x0, $0x0;
	[sflag:s8] =	ssyncadd.s32 $0xFFFFFFD8  }
0x1f8: {  	[spmem:s4] =	stream.indirect.scatter.add.f32 [tilespmem:s7], [sflag:$0x16], $0x80, s1, s9, $0xb8;
	[tilespmem:$0x1E080] =	vst v63  }
0x1f9: {  	s1 =	sld [smem:$0x7FA]  }
0x1fa: {  	s20 =	smul.u32 $0x140, s23  }
0x1fb: {  	s14 =	sor.u32 $0x3, s14  }
0x1fc: {  	p3 =	sgt.u32 s14, $0x7C;
	s17 =	sadd.s32 s20, s1  }
0x1fd: {  	p4 =	seq.s32 @!p3 s23, $0x0;
	s21 =	sshrl.u32 s17, $0x3  }
0x1fe: {  	p4 =	por p4, p3;
	s13 =	sadd.s32 s15, s21  }
0x1ff: {  	[tilespmem:s5], [sflag:$0x1] =	stream.linear.gather [hbm4b:s13+s5], $0x50, $0x38;
	[tilespmem:$0x1E080] =	vst v63  }
0x200: {  	s25 =	sadd.s32 s3, s21;
	s13 =	simm.s32 @!p4 $0x1B  }
0x201: {  	[tilespmem:s26], [sflag:$0xD] =	stream.linear.gather [hbm4b:s25+s5], $0x50, $0x38;
	[tilespmem:$0x1E080] =	vst v63  }
0x202: {  	_ =	swait.ge @!p4 [sflag:s13], $0x1400  }
0x203: {  	[sflag:s13] =	ssyncset.done @!p4 $0x0  }
0x204: {  	s22 =	smul.u32 @!p3 $0x50, s14;
	[sflag:s13] =	ssyncadd.s32 @!p4 $0xFFFFEC00;
	s13 =	simm.s32 @!p4 $0x1C  }
0x205: {  	_ =	swait.ge @!p4 [sflag:s13], $0x1400  }
0x206: {  	s22 =	sadd.s32 @!p3 s6, s22;
	[sflag:s13] =	ssyncset.done @!p4 $0x0  }
0x207: {  	[sflag:s13] =	ssyncadd.s32 @!p4 $0xFFFFEC00;
	s13 =	sshrl.u32 @!p3 s22, $0x3  }
0x208: {  	s24 =	simm.s32 @!p3 $0x0;
	s25 =	simm.s32 @!p3 $0x500;
	s13 =	sadd.s32 @!p3 s16, s13  }
0x209: {  	[tilespmem:s25], [sflag:$0xB] =	stream.linear.gather @!p3 [hbm4b:s13+s24], $0x28, $0x38;
	[tilespmem:$0x1E080] =	vst v63  }
0x20a: {  	s13 =	sadd.s32 @!p3 $0x28, s22  }
0x20b: {  	s13 =	sshrl.u32 @!p3 s13, $0x3  }
0x20c: {  	s22 =	simm.s32 @!p3 $0x580;
	s13 =	sadd.s32 @!p3 s16, s13  }
0x20d: {  	[tilespmem:s22], [sflag:$0xC] =	stream.linear.gather @!p3 [hbm4b:s13+s24], $0x28, $0x38;
	[tilespmem:$0x1E080] =	vst v63  }
0x20e: {  	s13 =	simm.s32 @!p3 $0x4  }
0x20f: {  	_ =	swait.ge @!p3 [sflag:s13], $0x50  }
0x210: {  	s22 =	simm.s32 @!p3 $0x180;
	[sflag:s13] =	ssyncset.done @!p3 $0x0  }
0x211: {  	s24 =	simm.s32 @!p3 $0x8000;
	[sflag:s13] =	ssyncadd.s32 @!p3 $0xFFFFFFB0;
	s13 =	simm.s32 @!p3 $0x50  }
0x212: {  	[tilespmem:s24], [sflag:$0x14] =	stream.indirect.gather @!p3 [hbm4b:s0+s13], $0x80, s22, s13, $0xb8;
	[tilespmem:$0x1E080] =	vst v63  }
0x213: {  	p3 =	sgt.u32 s23, $0x1E  }
.Ltmp8:
0x214: {  	_ = 	snop;
	(pc) =	sbr.rel @p3 .LBB2_15-.Ltmp8, $1  }
0x215: {  	_ =	sdelay $0x3  }
0x216: {  	s13 =	simm.s32 $0x0  }
0x217: {  	s1 =	simm.s32 $0x12;
	v1 =	vmov s13  }
0x218: {  	_ =	swait.ge [sflag:s1], $0x2800;
	v1 =	vand.u32 $0xFFFFFFFC, v1  }
0x219: {  	[sflag:s1] =	ssyncset.done $0x0;
	v1 =	vbroadcast v1, $0x0  }
0x21a: {  	s22 =	simm.s32 $0xE;
	[sflag:s1] =	ssyncadd.s32 $0xFFFFD800  }
0x21b: {  	_ =	swait.ge [sflag:s22], $0x50  }
0x21c: {  	[sflag:s22] =	ssyncset.done $0x0  }
0x21d: {  	[sflag:s22] =	ssyncadd.s32 $0xFFFFFFB0;
	s22 =	simm.s32 $0x3100  }
0x21e: {  	v3 =	vld [tilespmem:s22+$0xFFFFFF70]  }
0x21f: {  	v1 =	vld.idx.msk [tilespmem:v1+s28+$0x0], $0xffff  }
0x220: {  	v4 =	vld [tilespmem:s22+$0xFFFFFF00]  }
0x221: {  	v5 =	vld [tilespmem:s22+$0xFFFFFF20]  }
0x222: {  	v6 =	vld [tilespmem:s22+$0xFFFFFF30]  }
0x223: {  	v2 =	vld [tilespmem:s22+$0xFFFFFF50]  }
0x224: {  	v8 =	vld [tilespmem:s22+$0xFFFFFF10];
	v3 =	vmul.f32 v3, v1  }
0x225: {  	s24 =	simm.s32 $0x1;
	v7 =	vld [tilespmem:s22+$0xFFFFFF60];
	v4 =	vmul.f32 v4, v1  }
0x226: {  	v9 =	vld [tilespmem:s22+$0xFFFFFF40];
	v5 =	vmul.f32 v5, v1;
	[tilespmem:s22+$0xFFFFFF70] =	vst v3;
	v3 =	vmov s24  }
0x227: {  	v6 =	vmul.f32 v6, v1;
	[tilespmem:s22+$0xFFFFFF00] =	vst v4;
	v3 =	vand.u32 $0xFFFFFFFD, v3  }
0x228: {  	v2 =	vmul.f32 v2, v1;
	[tilespmem:s22+$0xFFFFFF20] =	vst v5;
	v3 =	vbroadcast v3, $0x0  }
0x229: {  	v4 =	vmul.f32 v8, v1;
	[tilespmem:s22+$0xFFFFFF30] =	vst v6  }
0x22a: {  	v5 =	vmul.f32 v7, v1;
	[tilespmem:s22+$0xFFFFFF50] =	vst v2  }
0x22b: {  	v1 =	vmul.f32 v9, v1;
	[tilespmem:s22+$0xFFFFFF10] =	vst v4  }
0x22c: {  	[tilespmem:s22+$0xFFFFFF60] =	vst v5  }
0x22d: {  	[tilespmem:s22+$0xFFFFFF40] =	vst v1;
	v1 =	vld [tilespmem:s22+$0xFFFFFF80]  }
0x22e: {  	v3 =	vld.idx.msk [tilespmem:v3+s28+$0x0], $0xffff  }
0x22f: {  	v2 =	vld [tilespmem:s22+$0xFFFFFFA0]  }
0x230: {  	v4 =	vld [tilespmem:s22+$0xFFFFFF90]  }
0x231: {  	v5 =	vld [tilespmem:s22+$0xFFFFFFD0]  }
0x232: {  	v6 =	vld [tilespmem:s22+$0xFFFFFFE0]  }
0x233: {  	v7 =	vld [tilespmem:s22+$0xFFFFFFF0];
	v1 =	vmul.f32 v1, v3  }
0x234: {  	s25 =	simm.s32 $0x2;
	v8 =	vld [tilespmem:s22+$0xFFFFFFB0];
	v2 =	vmul.f32 v2, v3  }
0x235: {  	v63 =	vld [tilespmem:s22+$0xFFFFFFC0];
	v4 =	vmul.f32 v4, v3;
	[tilespmem:s22+$0xFFFFFF80] =	vst v1;
	v1 =	vmov s25  }
0x236: {  	v5 =	vmul.f32 v5, v3;
	[tilespmem:s22+$0xFFFFFFA0] =	vst v2;
	v1 =	vand.u32 $0xFFFFFFFE, v1  }
0x237: {  	v2 =	vmul.f32 v6, v3;
	[tilespmem:s22+$0xFFFFFF90] =	vst v4;
	v4 =	vbroadcast v1, $0x0  }
0x238: {  	v6 =	vmul.f32 v7, v3;
	[tilespmem:s22+$0xFFFFFFD0] =	vst v5;
	v7 =	vld [tilespmem:s22+$0x30]  }
0x239: {  	v5 =	vmul.f32 v8, v3;
	v1 =	vld [tilespmem:s22+$0x40];
	[tilespmem:s22+$0xFFFFFFE0] =	vst v2  }
0x23a: {  	v3 =	vmul.f32 v63, v3;
	v2 =	vld [tilespmem:s22+$0x70];
	[tilespmem:s22+$0xFFFFFFF0] =	vst v6  }
0x23b: {  	[tilespmem:s22+$0xFFFFFFB0] =	vst v5;
	v5 =	vld [tilespmem:s22+$0x20]  }
0x23c: {  	[tilespmem:s22+$0xFFFFFFC0] =	vst v3;
	v6 =	vld [tilespmem:s22+$0x0]  }
0x23d: {  	v3 =	vld.idx.msk [tilespmem:v4+s28+$0x0], $0xffff  }
0x23e: {  	s13 =	simm.s32 $0x3100;
	s24 =	simm.s32 $0x3;
	s25 =	simm.s32 $0x7;
	v4 =	vld [tilespmem:s22+$0x10]  }
.LBB2_11:
0x23f: {  	p3 =	sne.s32 s25, $0x27  }
0x240: {  	v8 =	vld [tilespmem:s22+$0x50];
	s13 =	sadd.s32 $0x200, s13;
	s1 =	smov.u32 s25;
	s25 =	sadd.s32 $0x4, s25  }
0x241: {  	v9 =	vld [tilespmem:s22+$0x60];
	_ =	sdelay $0x1  }
0x242: {  	v6 =	vmul.f32 v6, v3;
	v4 =	vmul.f32 v4, v3  }
0x243: {  	v5 =	vmul.f32 v5, v3;
	v7 =	vmul.f32 v7, v3  }
0x244: {  	v1 =	vmul.f32 v1, v3;
	v2 =	vmul.f32 v2, v3;
	[tilespmem:s22+$0x0] =	vst v6  }
0x245: {  	[tilespmem:s22+$0x20] =	vst v5;
	v5 =	vmul.f32 v8, v3;
	v3 =	vmul.f32 v9, v3  }
0x246: {  	[tilespmem:s22+$0x30] =	vst v7;
	v6 =	vld [tilespmem:s22+$0x80]  }
0x247: {  	[tilespmem:s22+$0x60] =	vst v3;
	v3 =	vmov s24;
	v7 =	vld [tilespmem:s22+$0xD0];
	s24 =	smov.u32 s1  }
0x248: {  	[tilespmem:s22+$0x50] =	vst v5;
	v5 =	vld [tilespmem:s22+$0xE0]  }
0x249: {  	[tilespmem:s22+$0x40] =	vst v1;
	v8 =	vld [tilespmem:s22+$0xB0]  }
0x24a: {  	v1 =	vld [tilespmem:s13+$0x40];
	[tilespmem:s22+$0x70] =	vst v2  }
0x24b: {  	v2 =	vld [tilespmem:s13+$0x70];
	[tilespmem:s22+$0x10] =	vst v4  }
0x24c: {  	v3 =	vld.idx.msk [tilespmem:v3+s28+$0x0], $0xffff  }
0x24d: {  	v4 =	vld [tilespmem:s22+$0x90]  }
0x24e: {  	v9 =	vld [tilespmem:s22+$0xA0]  }
0x24f: {  	v10 =	vld [tilespmem:s22+$0xC0]  }
0x250: {  	v11 =	vld [tilespmem:s22+$0xF0];
	_ =	sdelay $0x1  }
0x251: {  	v6 =	vmul.f32 v6, v3;
	v4 =	vmul.f32 v4, v3  }
0x252: {  	s1 =	sadd.s32 $0xFFFFFFFD, s24;
	v8 =	vmul.f32 v8, v3;
	v9 =	vmul.f32 v9, v3  }
0x253: {  	v12 =	vmov s1;
	v7 =	vmul.f32 v7, v3;
	[tilespmem:s22+$0x80] =	vst v6;
	v6 =	vmul.f32 v10, v3  }
0x254: {  	v10 =	vand.u32 $0xFFFFFFFC, v12;
	[tilespmem:s22+$0x90] =	vst v4;
	v4 =	vmul.f32 v5, v3;
	v3 =	vmul.f32 v11, v3  }
0x255: {  	v5 =	vbroadcast v10, $0x0;
	[tilespmem:s22+$0xA0] =	vst v9  }
0x256: {  	[tilespmem:s22+$0xD0] =	vst v7  }
0x257: {  	v7 =	vld [tilespmem:s13+$0xFFFFFF50];
	[tilespmem:s22+$0xB0] =	vst v8  }
0x258: {  	v8 =	vld [tilespmem:s13+$0xFFFFFF30];
	[tilespmem:s22+$0xC0] =	vst v6  }
0x259: {  	v6 =	vld [tilespmem:s13+$0xFFFFFF60];
	[tilespmem:s22+$0xE0] =	vst v4  }
0x25a: {  	v4 =	vld [tilespmem:s13+$0xFFFFFF70];
	[tilespmem:s22+$0xF0] =	vst v3;
	s22 =	smov.u32 s13  }
0x25b: {  	v3 =	vld.idx.msk [tilespmem:v5+s28+$0x0], $0xffff  }
0x25c: {  	v5 =	vld [tilespmem:s13+$0xFFFFFF00]  }
0x25d: {  	v9 =	vld [tilespmem:s13+$0xFFFFFF20]  }
0x25e: {  	v10 =	vld [tilespmem:s13+$0xFFFFFF10]  }
0x25f: {  	v11 =	vld [tilespmem:s13+$0xFFFFFF40];
	_ =	sdelay $0x1  }
0x260: {  	v4 =	vmul.f32 v4, v3;
	v5 =	vmul.f32 v5, v3  }
0x261: {  	s1 =	sadd.s32 $0xFFFFFFFE, s24;
	v6 =	vmul.f32 v6, v3;
	v9 =	vmul.f32 v9, v3  }
0x262: {  	v8 =	vmul.f32 v8, v3;
	v10 =	vmul.f32 v10, v3;
	[tilespmem:s13+$0xFFFFFF70] =	vst v4;
	v4 =	vmov s1  }
0x263: {  	[tilespmem:s13+$0xFFFFFF00] =	vst v5;
	v5 =	vmul.f32 v11, v3;
	v3 =	vmul.f32 v7, v3;
	v4 =	vand.u32 $0xFFFFFFFD, v4  }
0x264: {  	[tilespmem:s13+$0xFFFFFF20] =	vst v9;
	v4 =	vbroadcast v4, $0x0  }
0x265: {  	[tilespmem:s13+$0xFFFFFF30] =	vst v8  }
0x266: {  	[tilespmem:s13+$0xFFFFFF50] =	vst v3;
	v3 =	vld [tilespmem:s13+$0xFFFFFFF0]  }
0x267: {  	[tilespmem:s13+$0xFFFFFF10] =	vst v10;
	v7 =	vld [tilespmem:s13+$0xFFFFFFD0]  }
0x268: {  	[tilespmem:s13+$0xFFFFFF60] =	vst v6;
	v6 =	vld [tilespmem:s13+$0xFFFFFFB0]  }
0x269: {  	[tilespmem:s13+$0xFFFFFF40] =	vst v5;
	v5 =	vld [tilespmem:s13+$0xFFFFFF90]  }
0x26a: {  	v4 =	vld.idx.msk [tilespmem:v4+s28+$0x0], $0xffff  }
0x26b: {  	v8 =	vld [tilespmem:s13+$0xFFFFFF80]  }
0x26c: {  	v9 =	vld [tilespmem:s13+$0xFFFFFFA0]  }
0x26d: {  	v10 =	vld [tilespmem:s13+$0xFFFFFFC0]  }
0x26e: {  	v11 =	vld [tilespmem:s13+$0xFFFFFFE0];
	_ =	sdelay $0x1  }
0x26f: {  	v5 =	vmul.f32 v5, v4;
	v8 =	vmul.f32 v8, v4  }
0x270: {  	s1 =	sadd.s32 $0xFFFFFFFF, s24;
	v6 =	vmul.f32 v6, v4;
	v9 =	vmul.f32 v9, v4  }
0x271: {  	v7 =	vmul.f32 v7, v4;
	[tilespmem:s13+$0xFFFFFF80] =	vst v8;
	v8 =	vmul.f32 v10, v4;
	v10 =	vmov s1  }
0x272: {  	v3 =	vmul.f32 v3, v4;
	[tilespmem:s13+$0xFFFFFFA0] =	vst v9;
	v9 =	vmul.f32 v11, v4;
	v4 =	vand.u32 $0xFFFFFFFE, v10  }
0x273: {  	[tilespmem:s13+$0xFFFFFF90] =	vst v5;
	v4 =	vbroadcast v4, $0x0  }
0x274: {  	[tilespmem:s13+$0xFFFFFFD0] =	vst v7  }
0x275: {  	[tilespmem:s13+$0xFFFFFFE0] =	vst v9  }
0x276: {  	[tilespmem:s13+$0xFFFFFFB0] =	vst v6  }
.Ltmp9:
0x277: {  	[tilespmem:s13+$0xFFFFFFF0] =	vst v3;
	v5 =	vld [tilespmem:s13+$0x20];
	(pc) =	sbr.rel @p3 .LBB2_11-.Ltmp9, $4  }
0x278: {  	[tilespmem:s13+$0xFFFFFFC0] =	vst v8;
	v6 =	vld [tilespmem:s13+$0x0]  }
0x279: {  	v3 =	vld.idx.msk [tilespmem:v4+s28+$0x0], $0xffff  }
0x27a: {  	v4 =	vld [tilespmem:s13+$0x10]  }
0x27b: {  	v7 =	vld [tilespmem:s13+$0x30]  }
0x27c: {  	v8 =	vld [tilespmem:s22+$0x60];
	_ =	sdelay $0x1  }
0x27d: {  	v6 =	vmul.f32 v6, v3  }
0x27e: {  	v9 =	vld [tilespmem:s22+$0x50];
	v5 =	vmul.f32 v5, v3  }
0x27f: {  	v1 =	vmul.f32 v1, v3;
	[tilespmem:s22+$0x0] =	vst v6  }
0x280: {  	[tilespmem:s22+$0x20] =	vst v5;
	v5 =	vmul.f32 v8, v3  }
0x281: {  	v2 =	vmul.f32 v2, v3;
	[tilespmem:s22+$0x40] =	vst v1  }
0x282: {  	v7 =	vmul.f32 v7, v3;
	[tilespmem:s22+$0x60] =	vst v5;
	v5 =	vmov s24  }
0x283: {  	[tilespmem:s22+$0x70] =	vst v2;
	v6 =	vmul.f32 v9, v3  }
0x284: {  	v3 =	vmul.f32 v4, v3;
	[tilespmem:s22+$0x30] =	vst v7  }
0x285: {  	v61 =	vld [tilespmem:s22+$0xF0];
	[tilespmem:s22+$0x50] =	vst v6  }
0x286: {  	v7 =	vld [tilespmem:s22+$0x80];
	[tilespmem:s22+$0x10] =	vst v3  }
0x287: {  	v1 =	vld.idx.msk [tilespmem:v5+s28+$0x0], $0xffff  }
0x288: {  	v2 =	vld [tilespmem:s22+$0x90]  }
0x289: {  	v3 =	vld [tilespmem:s22+$0xA0]  }
0x28a: {  	v4 =	vld [tilespmem:s22+$0xD0]  }
0x28b: {  	v5 =	vld [tilespmem:s22+$0xB0]  }
0x28c: {  	v6 =	vld [tilespmem:s22+$0xC0];
	v7 =	vmul.f32 v7, v1  }
0x28d: {  	v8 =	vld [tilespmem:s22+$0xE0];
	v2 =	vmul.f32 v2, v1  }
0x28e: {  	v3 =	vmul.f32 v3, v1;
	[tilespmem:s22+$0x80] =	vst v7  }
0x28f: {  	v4 =	vmul.f32 v4, v1;
	[tilespmem:s22+$0x90] =	vst v2  }
0x290: {  	v2 =	vmul.f32 v5, v1;
	[tilespmem:s22+$0xA0] =	vst v3  }
0x291: {  	v3 =	vmul.f32 v6, v1;
	[tilespmem:s22+$0xD0] =	vst v4  }
0x292: {  	s24 =	simm.s32 $0x28;
	v4 =	vmul.f32 v8, v1;
	v1 =	vmul.f32 v61, v1;
	[tilespmem:s22+$0xB0] =	vst v2  }
0x293: {  	[tilespmem:s22+$0xC0] =	vst v3;
	v2 =	vmov s24  }
0x294: {  	[tilespmem:s22+$0xF0] =	vst v1;
	v1 =	vand.u32 $0xFFFFFFFC, v2  }
0x295: {  	s1 =	simm.s32 $0x7;
	[tilespmem:s22+$0xE0] =	vst v4;
	v1 =	vbroadcast v1, $0x0  }
0x296: {  	_ =	swait.ge [sflag:s1], $0x28  }
0x297: {  	s25 =	simm.s32 $0x300;
	[sflag:s1] =	ssyncset.done $0x0  }
0x298: {  	s7 =	simm.s32 $0x3000;
	s22 =	simm.s32 $0x45F0;
	[sflag:s1] =	ssyncadd.s32 $0xFFFFFFD8  }
0x299: {  	[spmem:s4] =	stream.indirect.scatter.add.f32 [tilespmem:s7], [sflag:$0x17], $0x80, s25, s24, $0xb8;
	[tilespmem:$0x1E080] =	vst v63  }
0x29a: {  	v2 =	vld [tilespmem:s22+$0xFFFFFE80]  }
0x29b: {  	v1 =	vld.idx.msk [tilespmem:v1+s28+$0x0], $0xffff  }
0x29c: {  	v3 =	vld [tilespmem:s22+$0xFFFFFE10]  }
0x29d: {  	v4 =	vld [tilespmem:s22+$0xFFFFFE30]  }
0x29e: {  	v5 =	vld [tilespmem:s22+$0xFFFFFE60]  }
0x29f: {  	v6 =	vld [tilespmem:s22+$0xFFFFFE50]  }
0x2a0: {  	v7 =	vld [tilespmem:s22+$0xFFFFFE70];
	v2 =	vmul.f32 v2, v1  }
0x2a1: {  	s13 =	simm.s32 $0x29;
	v8 =	vld [tilespmem:s22+$0xFFFFFE40];
	v3 =	vmul.f32 v3, v1  }
0x2a2: {  	v62 =	vld [tilespmem:s22+$0xFFFFFE20];
	v4 =	vmul.f32 v4, v1;
	[tilespmem:s22+$0xFFFFFE80] =	vst v2;
	v2 =	vmov s13  }
0x2a3: {  	v5 =	vmul.f32 v5, v1;
	[tilespmem:s22+$0xFFFFFE10] =	vst v3;
	v2 =	vand.u32 $0xFFFFFFFD, v2  }
0x2a4: {  	v3 =	vmul.f32 v6, v1;
	[tilespmem:s22+$0xFFFFFE30] =	vst v4;
	v2 =	vbroadcast v2, $0x0  }
0x2a5: {  	v4 =	vmul.f32 v7, v1;
	[tilespmem:s22+$0xFFFFFE60] =	vst v5  }
0x2a6: {  	v5 =	vmul.f32 v8, v1;
	[tilespmem:s22+$0xFFFFFE50] =	vst v3  }
0x2a7: {  	v1 =	vmul.f32 v62, v1;
	[tilespmem:s22+$0xFFFFFE70] =	vst v4  }
0x2a8: {  	[tilespmem:s22+$0xFFFFFE40] =	vst v5  }
0x2a9: {  	[tilespmem:s22+$0xFFFFFE20] =	vst v1;
	v1 =	vld [tilespmem:s22+$0xFFFFFEA0]  }
0x2aa: {  	v3 =	vld.idx.msk [tilespmem:v2+s28+$0x0], $0xffff  }
0x2ab: {  	v2 =	vld [tilespmem:s22+$0xFFFFFEB0]  }
0x2ac: {  	v4 =	vld [tilespmem:s22+$0xFFFFFE90]  }
0x2ad: {  	v5 =	vld [tilespmem:s22+$0xFFFFFEC0]  }
0x2ae: {  	v6 =	vld [tilespmem:s22+$0xFFFFFED0]  }
0x2af: {  	v7 =	vld [tilespmem:s22+$0xFFFFFEE0];
	v1 =	vmul.f32 v1, v3  }
0x2b0: {  	s25 =	simm.s32 $0x2A;
	v8 =	vld [tilespmem:s22+$0xFFFFFF00];
	v2 =	vmul.f32 v2, v3  }
0x2b1: {  	v63 =	vld [tilespmem:s22+$0xFFFFFEF0];
	v4 =	vmul.f32 v4, v3;
	[tilespmem:s22+$0xFFFFFEA0] =	vst v1;
	v1 =	vmov s25  }
0x2b2: {  	v5 =	vmul.f32 v5, v3;
	[tilespmem:s22+$0xFFFFFEB0] =	vst v2;
	v1 =	vand.u32 $0xFFFFFFFE, v1  }
0x2b3: {  	v2 =	vmul.f32 v6, v3;
	[tilespmem:s22+$0xFFFFFE90] =	vst v4;
	v6 =	vld [tilespmem:s22+$0xFFFFFF70];
	v10 =	vbroadcast v1, $0x0  }
0x2b4: {  	v4 =	vmul.f32 v7, v3;
	[tilespmem:s22+$0xFFFFFEC0] =	vst v5;
	v7 =	vld [tilespmem:s22+$0xFFFFFF10]  }
0x2b5: {  	v5 =	vmul.f32 v8, v3;
	v1 =	vld [tilespmem:s22+$0xFFFFFF30];
	[tilespmem:s22+$0xFFFFFED0] =	vst v2  }
0x2b6: {  	v3 =	vmul.f32 v63, v3;
	v2 =	vld [tilespmem:s22+$0xFFFFFF40];
	[tilespmem:s22+$0xFFFFFEE0] =	vst v4  }
0x2b7: {  	[tilespmem:s22+$0xFFFFFF00] =	vst v5;
	v4 =	vld [tilespmem:s22+$0xFFFFFF50]  }
0x2b8: {  	[tilespmem:s22+$0xFFFFFEF0] =	vst v3;
	v5 =	vld [tilespmem:s22+$0xFFFFFF20]  }
0x2b9: {  	s13 =	simm.s32 $0x45F0;
	s25 =	simm.s32 $0x2C;
	v3 =	vld.idx.msk [tilespmem:v10+s28+$0x0], $0xffff  }
.LBB2_13:
0x2ba: {  	p3 =	sne.s32 s25, $0x4C  }
0x2bb: {  	v8 =	vld [tilespmem:s22+$0xFFFFFF60];
	s13 =	sadd.s32 $0x200, s13;
	s1 =	smov.u32 s25;
	s25 =	sadd.s32 $0x4, s25  }
0x2bc: {  	v9 =	vld [tilespmem:s22+$0xFFFFFF80];
	_ =	sdelay $0x1  }
0x2bd: {  	v6 =	vmul.f32 v6, v3;
	v7 =	vmul.f32 v7, v3  }
0x2be: {  	v4 =	vmul.f32 v4, v3;
	v5 =	vmul.f32 v5, v3  }
0x2bf: {  	v1 =	vmul.f32 v1, v3;
	v2 =	vmul.f32 v2, v3;
	[tilespmem:s22+$0xFFFFFF70] =	vst v6  }
0x2c0: {  	[tilespmem:s22+$0xFFFFFF50] =	vst v4;
	v4 =	vmul.f32 v8, v3;
	v3 =	vmul.f32 v9, v3  }
0x2c1: {  	s7 =	sadd.s32 $0x3, s24;
	s24 =	smov.u32 s1;
	[tilespmem:s22+$0xFFFFFF30] =	vst v1;
	v6 =	vld [tilespmem:s22+$0xFFFFFFF0]  }
0x2c2: {  	v1 =	vld [tilespmem:s13+$0xFFFFFF30];
	[tilespmem:s22+$0xFFFFFF10] =	vst v7;
	v7 =	vmov s7  }
0x2c3: {  	[tilespmem:s22+$0xFFFFFF60] =	vst v4;
	v4 =	vld [tilespmem:s22+$0xFFFFFF90]  }
0x2c4: {  	[tilespmem:s22+$0xFFFFFF40] =	vst v2;
	v8 =	vld [tilespmem:s22+$0xFFFFFFD0]  }
0x2c5: {  	v2 =	vld [tilespmem:s13+$0xFFFFFF40];
	[tilespmem:s22+$0xFFFFFF20] =	vst v5  }
0x2c6: {  	[tilespmem:s22+$0xFFFFFF80] =	vst v3;
	v3 =	vld [tilespmem:s22+$0xFFFFFFB0]  }
0x2c7: {  	v5 =	vld.idx.msk [tilespmem:v7+s28+$0x0], $0xffff  }
0x2c8: {  	v7 =	vld [tilespmem:s22+$0xFFFFFFA0]  }
0x2c9: {  	v9 =	vld [tilespmem:s22+$0xFFFFFFC0]  }
0x2ca: {  	v10 =	vld [tilespmem:s22+$0xFFFFFFE0]  }
0x2cb: {  	v11 =	vld [tilespmem:s22+$0x0];
	_ =	sdelay $0x1  }
0x2cc: {  	v4 =	vmul.f32 v4, v5;
	v7 =	vmul.f32 v7, v5  }
0x2cd: {  	v3 =	vmul.f32 v3, v5;
	v9 =	vmul.f32 v9, v5  }
0x2ce: {  	v12 =	vmov s24;
	[tilespmem:s22+$0xFFFFFF90] =	vst v4;
	v4 =	vmul.f32 v8, v5;
	v8 =	vmul.f32 v10, v5  }
0x2cf: {  	v10 =	vand.u32 $0xFFFFFFFC, v12;
	[tilespmem:s22+$0xFFFFFFB0] =	vst v3;
	v3 =	vmul.f32 v6, v5;
	v5 =	vmul.f32 v11, v5  }
0x2d0: {  	v6 =	vbroadcast v10, $0x0;
	[tilespmem:s22+$0xFFFFFFD0] =	vst v4  }
0x2d1: {  	[tilespmem:s22+$0x0] =	vst v5  }
0x2d2: {  	v4 =	vld [tilespmem:s13+$0xFFFFFE50];
	[tilespmem:s22+$0xFFFFFFF0] =	vst v3  }
0x2d3: {  	v3 =	vld [tilespmem:s13+$0xFFFFFE60];
	[tilespmem:s22+$0xFFFFFFA0] =	vst v7  }
0x2d4: {  	v5 =	vld [tilespmem:s13+$0xFFFFFE70];
	[tilespmem:s22+$0xFFFFFFC0] =	vst v9  }
0x2d5: {  	v7 =	vld [tilespmem:s13+$0xFFFFFE80];
	[tilespmem:s22+$0xFFFFFFE0] =	vst v8;
	s22 =	smov.u32 s13  }
0x2d6: {  	v6 =	vld.idx.msk [tilespmem:v6+s28+$0x0], $0xffff  }
0x2d7: {  	v8 =	vld [tilespmem:s13+$0xFFFFFE10]  }
0x2d8: {  	v9 =	vld [tilespmem:s13+$0xFFFFFE30]  }
0x2d9: {  	v10 =	vld [tilespmem:s13+$0xFFFFFE20]  }
0x2da: {  	v11 =	vld [tilespmem:s13+$0xFFFFFE40];
	_ =	sdelay $0x1  }
0x2db: {  	v7 =	vmul.f32 v7, v6;
	v8 =	vmul.f32 v8, v6  }
0x2dc: {  	s1 =	sadd.s32 $0x1, s24;
	v5 =	vmul.f32 v5, v6;
	v9 =	vmul.f32 v9, v6  }
0x2dd: {  	v3 =	vmul.f32 v3, v6;
	v10 =	vmul.f32 v10, v6;
	[tilespmem:s13+$0xFFFFFE80] =	vst v7;
	v7 =	vmov s1  }
0x2de: {  	v4 =	vmul.f32 v4, v6;
	[tilespmem:s13+$0xFFFFFE10] =	vst v8;
	v8 =	vmul.f32 v11, v6;
	v6 =	vand.u32 $0xFFFFFFFD, v7  }
0x2df: {  	[tilespmem:s13+$0xFFFFFE30] =	vst v9;
	v6 =	vbroadcast v6, $0x0  }
0x2e0: {  	[tilespmem:s13+$0xFFFFFE60] =	vst v3  }
0x2e1: {  	[tilespmem:s13+$0xFFFFFE50] =	vst v4;
	v3 =	vld [tilespmem:s13+$0xFFFFFF00]  }
0x2e2: {  	[tilespmem:s13+$0xFFFFFE70] =	vst v5;
	v4 =	vld [tilespmem:s13+$0xFFFFFED0]  }
0x2e3: {  	[tilespmem:s13+$0xFFFFFE40] =	vst v8;
	v5 =	vld [tilespmem:s13+$0xFFFFFEE0]  }
0x2e4: {  	[tilespmem:s13+$0xFFFFFE20] =	vst v10;
	v7 =	vld [tilespmem:s13+$0xFFFFFEA0]  }
0x2e5: {  	v6 =	vld.idx.msk [tilespmem:v6+s28+$0x0], $0xffff  }
0x2e6: {  	v8 =	vld [tilespmem:s13+$0xFFFFFE90]  }
0x2e7: {  	v9 =	vld [tilespmem:s13+$0xFFFFFEB0]  }
0x2e8: {  	v10 =	vld [tilespmem:s13+$0xFFFFFEC0]  }
0x2e9: {  	v11 =	vld [tilespmem:s13+$0xFFFFFEF0];
	_ =	sdelay $0x1  }
0x2ea: {  	v7 =	vmul.f32 v7, v6;
	v8 =	vmul.f32 v8, v6  }
0x2eb: {  	s1 =	sadd.s32 $0x2, s24;
	v5 =	vmul.f32 v5, v6;
	v9 =	vmul.f32 v9, v6  }
0x2ec: {  	v4 =	vmul.f32 v4, v6;
	[tilespmem:s13+$0xFFFFFEA0] =	vst v7;
	v7 =	vmul.f32 v10, v6;
	v10 =	vmov s1  }
0x2ed: {  	v3 =	vmul.f32 v3, v6;
	[tilespmem:s13+$0xFFFFFEB0] =	vst v9;
	v9 =	vmul.f32 v11, v6;
	v6 =	vand.u32 $0xFFFFFFFE, v10  }
0x2ee: {  	[tilespmem:s13+$0xFFFFFE90] =	vst v8;
	v8 =	vbroadcast v6, $0x0  }
0x2ef: {  	[tilespmem:s13+$0xFFFFFEC0] =	vst v7  }
0x2f0: {  	[tilespmem:s13+$0xFFFFFED0] =	vst v4  }
0x2f1: {  	[tilespmem:s13+$0xFFFFFEE0] =	vst v5  }
.Ltmp10:
0x2f2: {  	[tilespmem:s13+$0xFFFFFF00] =	vst v3;
	v4 =	vld [tilespmem:s13+$0xFFFFFF50];
	(pc) =	sbr.rel @p3 .LBB2_13-.Ltmp10, $4  }
0x2f3: {  	[tilespmem:s13+$0xFFFFFEF0] =	vst v9;
	v6 =	vld [tilespmem:s13+$0xFFFFFF70]  }
0x2f4: {  	v3 =	vld.idx.msk [tilespmem:v8+s28+$0x0], $0xffff  }
0x2f5: {  	v7 =	vld [tilespmem:s13+$0xFFFFFF10]  }
0x2f6: {  	v5 =	vld [tilespmem:s13+$0xFFFFFF20]  }
0x2f7: {  	_ =	sdelay $0x1  }
0x2f8: {  	v6 =	vmul.f32 v6, v3  }
0x2f9: {  	v8 =	vld [tilespmem:s22+$0xFFFFFF60];
	v4 =	vmul.f32 v4, v3  }
0x2fa: {  	v9 =	vld [tilespmem:s22+$0xFFFFFF80];
	v1 =	vmul.f32 v1, v3;
	[tilespmem:s22+$0xFFFFFF70] =	vst v6  }
0x2fb: {  	v55 =	vmul.f32 v7, v3;
	[tilespmem:s22+$0xFFFFFF50] =	vst v4  }
0x2fc: {  	s1 =	sadd.s32 $0x3, s24;
	[tilespmem:s22+$0xFFFFFF30] =	vst v1;
	v1 =	vmul.f32 v2, v3  }
0x2fd: {  	v2 =	vmov s1;
	v5 =	vmul.f32 v5, v3;
	[tilespmem:s22+$0xFFFFFF10] =	vst v55  }
0x2fe: {  	v56 =	vmul.f32 v8, v3;
	[tilespmem:s22+$0xFFFFFF40] =	vst v1  }
0x2ff: {  	v3 =	vmul.f32 v9, v3;
	[tilespmem:s22+$0xFFFFFF20] =	vst v5  }
0x300: {  	[tilespmem:s22+$0xFFFFFF60] =	vst v56  }
0x301: {  	v1 =	vld [tilespmem:s22+$0xFFFFFF90];
	[tilespmem:s22+$0xFFFFFF80] =	vst v3  }
0x302: {  	v2 =	vld.idx.msk [tilespmem:v2+s28+$0x0], $0xffff  }
0x303: {  	v3 =	vld [tilespmem:s22+$0xFFFFFFB0]  }
0x304: {  	v59 =	vld [tilespmem:s22+$0xFFFFFFF0]  }
0x305: {  	v57 =	vld [tilespmem:s22+$0xFFFFFFD0]  }
0x306: {  	v58 =	vld [tilespmem:s22+$0x0]  }
0x307: {  	v60 =	vld [tilespmem:s22+$0xFFFFFFA0];
	v1 =	vmul.f32 v1, v2  }
0x308: {  	v61 =	vld [tilespmem:s22+$0xFFFFFFC0];
	v3 =	vmul.f32 v3, v2  }
0x309: {  	v62 =	vld [tilespmem:s22+$0xFFFFFFE0];
	v63 =	vmul.f32 v59, v2;
	[tilespmem:s22+$0xFFFFFF90] =	vst v1  }
0x30a: {  	v1 =	vmul.f32 v57, v2;
	[tilespmem:s22+$0xFFFFFFB0] =	vst v3  }
0x30b: {  	v3 =	vmul.f32 v58, v2;
	[tilespmem:s22+$0xFFFFFFF0] =	vst v63  }
0x30c: {  	[tilespmem:s22+$0xFFFFFFD0] =	vst v1;
	v1 =	vmul.f32 v60, v2  }
0x30d: {  	[tilespmem:s22+$0x0] =	vst v3;
	v3 =	vmul.f32 v61, v2  }
0x30e: {  	v2 =	vmul.f32 v62, v2;
	[tilespmem:s22+$0xFFFFFFA0] =	vst v1  }
0x30f: {  	[tilespmem:s22+$0xFFFFFFC0] =	vst v3  }
0x310: {  	s24 =	simm.s32 $0x8;
	[tilespmem:s22+$0xFFFFFFE0] =	vst v2  }
0x311: {  	_ =	swait.ge [sflag:s24], $0x28  }
0x312: {  	s25 =	simm.s32 $0x380;
	[sflag:s24] =	ssyncset.done $0x0;
	s1 =	sld [smem:$0x7FB]  }
0x313: {  	s7 =	simm.s32 $0x4400;
	p3 =	seq.s32 s23, $0x1E;
	[sflag:s24] =	ssyncadd.s32 $0xFFFFFFD8  }
0x314: {  	[spmem:s4] =	stream.indirect.scatter.add.f32 [tilespmem:s7], [sflag:$0x18], $0x80, s25, s9, $0xb8;
	[tilespmem:$0x1E080] =	vst v63  }
0x315: {  	s1 =	sadd.s32 @!p3 s20, s1  }
0x316: {  	s1 =	sshrl.u32 @!p3 s1, $0x3  }
0x317: {  	s13 =	simm.s32 @!p3 $0x0;
	s20 =	simm.s32 @!p3 $0x80;
	s7 =	sadd.s32 @!p3 s15, s1  }
0x318: {  	[tilespmem:s20], [sflag:$0x2] =	stream.linear.gather @!p3 [hbm4b:s7+s13], $0x50, $0x38;
	[tilespmem:$0x1E080] =	vst v63  }
0x319: {  	s1 =	sadd.s32 @!p3 s3, s1;
	s7 =	simm.s32 @!p3 $0x680  }
0x31a: {  	[tilespmem:s7], [sflag:$0xE] =	stream.linear.gather @!p3 [hbm4b:s1+s13], $0x50, $0x38;
	[tilespmem:$0x1E080] =	vst v63  }
.LBB2_15:
0x31b: {  	_ =	swait.ge [sflag:s11], $0x1400  }
0x31c: {  	[sflag:s11] =	ssyncset.done $0x0  }
0x31d: {  	[sflag:s11] =	ssyncadd.s32 $0xFFFFEC00  }
0x31e: {  	_ =	swait.ge [sflag:s12], $0x1400  }
0x31f: {  	s1 =	sadd.s32 s16, s21;
	[sflag:s12] =	ssyncset.done $0x0  }
0x320: {  	s25 =	simm.s32 $0x200;
	s22 =	sadd.s32 $0x28, s17;
	[sflag:s12] =	ssyncadd.s32 $0xFFFFEC00  }
0x321: {  	[tilespmem:s25], [sflag:$0x5] =	stream.linear.gather [hbm4b:s1+s5], $0x28, $0x38;
	[tilespmem:$0x1E080] =	vst v63  }
0x322: {  	s1 =	sshrl.u32 s22, $0x3  }
0x323: {  	s7 =	simm.s32 $0x280;
	s1 =	sadd.s32 s16, s1  }
0x324: {  	[tilespmem:s7], [sflag:$0x6] =	stream.linear.gather [hbm4b:s1+s5], $0x28, $0x38;
	[tilespmem:$0x1E080] =	vst v63  }
0x325: {  	_ =	swait.ge [sflag:s18], $0x50  }
0x326: {  	[sflag:s18] =	ssyncset.done $0x0  }
0x327: {  	s24 =	simm.s32 $0x50;
	p3 =	slt.u32 s14, $0x7D;
	[sflag:s18] =	ssyncadd.s32 $0xFFFFFFB0  }
0x328: {  	[tilespmem:s10], [sflag:$0x11] =	stream.indirect.gather [hbm4b:s0+s24], $0x80, s5, s24, $0xb8;
	[tilespmem:$0x1E080] =	vst v63  }
.LBB2_16:
.Ltmp11:
0x329: {  	(pc) =	sbr.rel @p1 .LBB2_22-.Ltmp11, $1  }
0x32a: {  	_ =	sdelay $0x3  }
0x32b: {  	s1 =	simm.s32 $0x0  }
0x32c: {  	s7 =	simm.s32 $0x13;
	v1 =	vmov s1  }
0x32d: {  	_ =	swait.ge [sflag:s7], $0x2800;
	v1 =	vand.u32 $0xFFFFFFFC, v1  }
0x32e: {  	[sflag:s7] =	ssyncset.done $0x0;
	v1 =	vbroadcast v1, $0x0  }
0x32f: {  	s21 =	simm.s32 $0xF;
	[sflag:s7] =	ssyncadd.s32 $0xFFFFD800  }
0x330: {  	_ =	swait.ge [sflag:s21], $0x50  }
0x331: {  	[sflag:s21] =	ssyncset.done $0x0  }
0x332: {  	s14 =	simm.s32 $0x5900;
	[sflag:s21] =	ssyncadd.s32 $0xFFFFFFB0  }
0x333: {  	v3 =	vld [tilespmem:s14+$0xFFFFFF70]  }
0x334: {  	v1 =	vld.idx.msk [tilespmem:v1+s29+$0x0], $0xffff  }
0x335: {  	v4 =	vld [tilespmem:s14+$0xFFFFFF00]  }
0x336: {  	v5 =	vld [tilespmem:s14+$0xFFFFFF20]  }
0x337: {  	v6 =	vld [tilespmem:s14+$0xFFFFFF30]  }
0x338: {  	v2 =	vld [tilespmem:s14+$0xFFFFFF50]  }
0x339: {  	v8 =	vld [tilespmem:s14+$0xFFFFFF10];
	v3 =	vmul.f32 v3, v1  }
0x33a: {  	s22 =	simm.s32 $0x1;
	v7 =	vld [tilespmem:s14+$0xFFFFFF60];
	v4 =	vmul.f32 v4, v1  }
0x33b: {  	v9 =	vld [tilespmem:s14+$0xFFFFFF40];
	v5 =	vmul.f32 v5, v1;
	[tilespmem:s14+$0xFFFFFF70] =	vst v3;
	v3 =	vmov s22  }
0x33c: {  	v6 =	vmul.f32 v6, v1;
	[tilespmem:s14+$0xFFFFFF00] =	vst v4;
	v3 =	vand.u32 $0xFFFFFFFD, v3  }
0x33d: {  	v2 =	vmul.f32 v2, v1;
	[tilespmem:s14+$0xFFFFFF20] =	vst v5;
	v3 =	vbroadcast v3, $0x0  }
0x33e: {  	v4 =	vmul.f32 v8, v1;
	[tilespmem:s14+$0xFFFFFF30] =	vst v6  }
0x33f: {  	v5 =	vmul.f32 v7, v1;
	[tilespmem:s14+$0xFFFFFF50] =	vst v2  }
0x340: {  	v1 =	vmul.f32 v9, v1;
	[tilespmem:s14+$0xFFFFFF10] =	vst v4  }
0x341: {  	[tilespmem:s14+$0xFFFFFF60] =	vst v5  }
0x342: {  	[tilespmem:s14+$0xFFFFFF40] =	vst v1;
	v1 =	vld [tilespmem:s14+$0xFFFFFF80]  }
0x343: {  	v3 =	vld.idx.msk [tilespmem:v3+s29+$0x0], $0xffff  }
0x344: {  	v2 =	vld [tilespmem:s14+$0xFFFFFFA0]  }
0x345: {  	v4 =	vld [tilespmem:s14+$0xFFFFFF90]  }
0x346: {  	v5 =	vld [tilespmem:s14+$0xFFFFFFD0]  }
0x347: {  	v6 =	vld [tilespmem:s14+$0xFFFFFFE0]  }
0x348: {  	v7 =	vld [tilespmem:s14+$0xFFFFFFF0];
	v1 =	vmul.f32 v1, v3  }
0x349: {  	s24 =	simm.s32 $0x2;
	v8 =	vld [tilespmem:s14+$0xFFFFFFB0];
	v2 =	vmul.f32 v2, v3  }
0x34a: {  	v63 =	vld [tilespmem:s14+$0xFFFFFFC0];
	v4 =	vmul.f32 v4, v3;
	[tilespmem:s14+$0xFFFFFF80] =	vst v1;
	v1 =	vmov s24  }
0x34b: {  	v5 =	vmul.f32 v5, v3;
	[tilespmem:s14+$0xFFFFFFA0] =	vst v2;
	v1 =	vand.u32 $0xFFFFFFFE, v1  }
0x34c: {  	v2 =	vmul.f32 v6, v3;
	[tilespmem:s14+$0xFFFFFF90] =	vst v4;
	v4 =	vbroadcast v1, $0x0  }
0x34d: {  	v6 =	vmul.f32 v7, v3;
	[tilespmem:s14+$0xFFFFFFD0] =	vst v5;
	v7 =	vld [tilespmem:s14+$0x30]  }
0x34e: {  	v5 =	vmul.f32 v8, v3;
	v1 =	vld [tilespmem:s14+$0x40];
	[tilespmem:s14+$0xFFFFFFE0] =	vst v2  }
0x34f: {  	v3 =	vmul.f32 v63, v3;
	v2 =	vld [tilespmem:s14+$0x70];
	[tilespmem:s14+$0xFFFFFFF0] =	vst v6  }
0x350: {  	[tilespmem:s14+$0xFFFFFFB0] =	vst v5;
	v5 =	vld [tilespmem:s14+$0x20]  }
0x351: {  	[tilespmem:s14+$0xFFFFFFC0] =	vst v3;
	v6 =	vld [tilespmem:s14+$0x0]  }
0x352: {  	v3 =	vld.idx.msk [tilespmem:v4+s29+$0x0], $0xffff  }
0x353: {  	s17 =	simm.s32 $0x3;
	s20 =	simm.s32 $0x7;
	s13 =	simm.s32 $0x5900;
	v4 =	vld [tilespmem:s14+$0x10]  }
.LBB2_18:
0x354: {  	p1 =	sne.s32 s20, $0x27  }
0x355: {  	v8 =	vld [tilespmem:s14+$0x50];
	s13 =	sadd.s32 $0x200, s13;
	s1 =	smov.u32 s20;
	s20 =	sadd.s32 $0x4, s20  }
0x356: {  	v9 =	vld [tilespmem:s14+$0x60];
	_ =	sdelay $0x1  }
0x357: {  	v6 =	vmul.f32 v6, v3;
	v4 =	vmul.f32 v4, v3  }
0x358: {  	v5 =	vmul.f32 v5, v3;
	v7 =	vmul.f32 v7, v3  }
0x359: {  	v1 =	vmul.f32 v1, v3;
	v2 =	vmul.f32 v2, v3;
	[tilespmem:s14+$0x0] =	vst v6  }
0x35a: {  	[tilespmem:s14+$0x20] =	vst v5;
	v5 =	vmul.f32 v8, v3;
	v3 =	vmul.f32 v9, v3  }
0x35b: {  	[tilespmem:s14+$0x30] =	vst v7;
	v6 =	vld [tilespmem:s14+$0x80]  }
0x35c: {  	[tilespmem:s14+$0x60] =	vst v3;
	v3 =	vmov s17;
	v7 =	vld [tilespmem:s14+$0xD0];
	s17 =	smov.u32 s1  }
0x35d: {  	[tilespmem:s14+$0x50] =	vst v5;
	v5 =	vld [tilespmem:s14+$0xE0]  }
0x35e: {  	[tilespmem:s14+$0x40] =	vst v1;
	v8 =	vld [tilespmem:s14+$0xB0]  }
0x35f: {  	v1 =	vld [tilespmem:s13+$0x40];
	[tilespmem:s14+$0x70] =	vst v2  }
0x360: {  	v2 =	vld [tilespmem:s13+$0x70];
	[tilespmem:s14+$0x10] =	vst v4  }
0x361: {  	v3 =	vld.idx.msk [tilespmem:v3+s29+$0x0], $0xffff  }
0x362: {  	v4 =	vld [tilespmem:s14+$0x90]  }
0x363: {  	v9 =	vld [tilespmem:s14+$0xA0]  }
0x364: {  	v10 =	vld [tilespmem:s14+$0xC0]  }
0x365: {  	v11 =	vld [tilespmem:s14+$0xF0];
	_ =	sdelay $0x1  }
0x366: {  	v6 =	vmul.f32 v6, v3;
	v4 =	vmul.f32 v4, v3  }
0x367: {  	s1 =	sadd.s32 $0xFFFFFFFD, s17;
	v8 =	vmul.f32 v8, v3;
	v9 =	vmul.f32 v9, v3  }
0x368: {  	v12 =	vmov s1;
	v7 =	vmul.f32 v7, v3;
	[tilespmem:s14+$0x80] =	vst v6;
	v6 =	vmul.f32 v10, v3  }
0x369: {  	v10 =	vand.u32 $0xFFFFFFFC, v12;
	[tilespmem:s14+$0x90] =	vst v4;
	v4 =	vmul.f32 v5, v3;
	v3 =	vmul.f32 v11, v3  }
0x36a: {  	v5 =	vbroadcast v10, $0x0;
	[tilespmem:s14+$0xA0] =	vst v9  }
0x36b: {  	[tilespmem:s14+$0xD0] =	vst v7  }
0x36c: {  	v7 =	vld [tilespmem:s13+$0xFFFFFF50];
	[tilespmem:s14+$0xB0] =	vst v8  }
0x36d: {  	v8 =	vld [tilespmem:s13+$0xFFFFFF30];
	[tilespmem:s14+$0xC0] =	vst v6  }
0x36e: {  	v6 =	vld [tilespmem:s13+$0xFFFFFF60];
	[tilespmem:s14+$0xE0] =	vst v4  }
0x36f: {  	v4 =	vld [tilespmem:s13+$0xFFFFFF70];
	[tilespmem:s14+$0xF0] =	vst v3;
	s14 =	smov.u32 s13  }
0x370: {  	v3 =	vld.idx.msk [tilespmem:v5+s29+$0x0], $0xffff  }
0x371: {  	v5 =	vld [tilespmem:s13+$0xFFFFFF00]  }
0x372: {  	v9 =	vld [tilespmem:s13+$0xFFFFFF20]  }
0x373: {  	v10 =	vld [tilespmem:s13+$0xFFFFFF10]  }
0x374: {  	v11 =	vld [tilespmem:s13+$0xFFFFFF40];
	_ =	sdelay $0x1  }
0x375: {  	v4 =	vmul.f32 v4, v3;
	v5 =	vmul.f32 v5, v3  }
0x376: {  	s1 =	sadd.s32 $0xFFFFFFFE, s17;
	v6 =	vmul.f32 v6, v3;
	v9 =	vmul.f32 v9, v3  }
0x377: {  	v8 =	vmul.f32 v8, v3;
	v10 =	vmul.f32 v10, v3;
	[tilespmem:s13+$0xFFFFFF70] =	vst v4;
	v4 =	vmov s1  }
0x378: {  	[tilespmem:s13+$0xFFFFFF00] =	vst v5;
	v5 =	vmul.f32 v11, v3;
	v3 =	vmul.f32 v7, v3;
	v4 =	vand.u32 $0xFFFFFFFD, v4  }
0x379: {  	[tilespmem:s13+$0xFFFFFF20] =	vst v9;
	v4 =	vbroadcast v4, $0x0  }
0x37a: {  	[tilespmem:s13+$0xFFFFFF30] =	vst v8  }
0x37b: {  	[tilespmem:s13+$0xFFFFFF50] =	vst v3;
	v3 =	vld [tilespmem:s13+$0xFFFFFFF0]  }
0x37c: {  	[tilespmem:s13+$0xFFFFFF10] =	vst v10;
	v7 =	vld [tilespmem:s13+$0xFFFFFFD0]  }
0x37d: {  	[tilespmem:s13+$0xFFFFFF60] =	vst v6;
	v6 =	vld [tilespmem:s13+$0xFFFFFFB0]  }
0x37e: {  	[tilespmem:s13+$0xFFFFFF40] =	vst v5;
	v5 =	vld [tilespmem:s13+$0xFFFFFF90]  }
0x37f: {  	v4 =	vld.idx.msk [tilespmem:v4+s29+$0x0], $0xffff  }
0x380: {  	v8 =	vld [tilespmem:s13+$0xFFFFFF80]  }
0x381: {  	v9 =	vld [tilespmem:s13+$0xFFFFFFA0]  }
0x382: {  	v10 =	vld [tilespmem:s13+$0xFFFFFFC0]  }
0x383: {  	v11 =	vld [tilespmem:s13+$0xFFFFFFE0];
	_ =	sdelay $0x1  }
0x384: {  	v5 =	vmul.f32 v5, v4;
	v8 =	vmul.f32 v8, v4  }
0x385: {  	s1 =	sadd.s32 $0xFFFFFFFF, s17;
	v6 =	vmul.f32 v6, v4;
	v9 =	vmul.f32 v9, v4  }
0x386: {  	v7 =	vmul.f32 v7, v4;
	[tilespmem:s13+$0xFFFFFF80] =	vst v8;
	v8 =	vmul.f32 v10, v4;
	v10 =	vmov s1  }
0x387: {  	v3 =	vmul.f32 v3, v4;
	[tilespmem:s13+$0xFFFFFFA0] =	vst v9;
	v9 =	vmul.f32 v11, v4;
	v4 =	vand.u32 $0xFFFFFFFE, v10  }
0x388: {  	[tilespmem:s13+$0xFFFFFF90] =	vst v5;
	v4 =	vbroadcast v4, $0x0  }
0x389: {  	[tilespmem:s13+$0xFFFFFFD0] =	vst v7  }
0x38a: {  	[tilespmem:s13+$0xFFFFFFE0] =	vst v9  }
0x38b: {  	[tilespmem:s13+$0xFFFFFFB0] =	vst v6  }
.Ltmp12:
0x38c: {  	[tilespmem:s13+$0xFFFFFFF0] =	vst v3;
	v5 =	vld [tilespmem:s13+$0x20];
	(pc) =	sbr.rel @p1 .LBB2_18-.Ltmp12, $4  }
0x38d: {  	[tilespmem:s13+$0xFFFFFFC0] =	vst v8;
	v6 =	vld [tilespmem:s13+$0x0]  }
0x38e: {  	v3 =	vld.idx.msk [tilespmem:v4+s29+$0x0], $0xffff  }
0x38f: {  	v4 =	vld [tilespmem:s13+$0x10]  }
0x390: {  	v7 =	vld [tilespmem:s13+$0x30]  }
0x391: {  	v8 =	vld [tilespmem:s14+$0x60];
	_ =	sdelay $0x1  }
0x392: {  	v6 =	vmul.f32 v6, v3  }
0x393: {  	v9 =	vld [tilespmem:s14+$0x50];
	v5 =	vmul.f32 v5, v3  }
0x394: {  	v1 =	vmul.f32 v1, v3;
	[tilespmem:s14+$0x0] =	vst v6  }
0x395: {  	[tilespmem:s14+$0x20] =	vst v5;
	v5 =	vmul.f32 v8, v3  }
0x396: {  	v2 =	vmul.f32 v2, v3;
	[tilespmem:s14+$0x40] =	vst v1  }
0x397: {  	v7 =	vmul.f32 v7, v3;
	[tilespmem:s14+$0x60] =	vst v5;
	v5 =	vmov s17  }
0x398: {  	[tilespmem:s14+$0x70] =	vst v2;
	v6 =	vmul.f32 v9, v3  }
0x399: {  	v3 =	vmul.f32 v4, v3;
	[tilespmem:s14+$0x30] =	vst v7  }
0x39a: {  	v61 =	vld [tilespmem:s14+$0xF0];
	[tilespmem:s14+$0x50] =	vst v6  }
0x39b: {  	v7 =	vld [tilespmem:s14+$0x80];
	[tilespmem:s14+$0x10] =	vst v3  }
0x39c: {  	v1 =	vld.idx.msk [tilespmem:v5+s29+$0x0], $0xffff  }
0x39d: {  	v2 =	vld [tilespmem:s14+$0x90]  }
0x39e: {  	v3 =	vld [tilespmem:s14+$0xA0]  }
0x39f: {  	v4 =	vld [tilespmem:s14+$0xD0]  }
0x3a0: {  	v5 =	vld [tilespmem:s14+$0xB0]  }
0x3a1: {  	v6 =	vld [tilespmem:s14+$0xC0];
	v7 =	vmul.f32 v7, v1  }
0x3a2: {  	v8 =	vld [tilespmem:s14+$0xE0];
	v2 =	vmul.f32 v2, v1  }
0x3a3: {  	v3 =	vmul.f32 v3, v1;
	[tilespmem:s14+$0x80] =	vst v7  }
0x3a4: {  	v4 =	vmul.f32 v4, v1;
	[tilespmem:s14+$0x90] =	vst v2  }
0x3a5: {  	v2 =	vmul.f32 v5, v1;
	[tilespmem:s14+$0xA0] =	vst v3  }
0x3a6: {  	v3 =	vmul.f32 v6, v1;
	[tilespmem:s14+$0xD0] =	vst v4  }
0x3a7: {  	s17 =	simm.s32 $0x28;
	v4 =	vmul.f32 v8, v1;
	v1 =	vmul.f32 v61, v1;
	[tilespmem:s14+$0xB0] =	vst v2  }
0x3a8: {  	[tilespmem:s14+$0xC0] =	vst v3;
	v2 =	vmov s17  }
0x3a9: {  	[tilespmem:s14+$0xF0] =	vst v1;
	v1 =	vand.u32 $0xFFFFFFFC, v2  }
0x3aa: {  	s1 =	simm.s32 $0x9;
	[tilespmem:s14+$0xE0] =	vst v4;
	v1 =	vbroadcast v1, $0x0  }
0x3ab: {  	_ =	swait.ge [sflag:s1], $0x28  }
0x3ac: {  	s21 =	simm.s32 $0x400;
	[sflag:s1] =	ssyncset.done $0x0  }
0x3ad: {  	s7 =	simm.s32 $0x5800;
	s14 =	simm.s32 $0x6DF0;
	[sflag:s1] =	ssyncadd.s32 $0xFFFFFFD8  }
0x3ae: {  	[spmem:s4] =	stream.indirect.scatter.add.f32 [tilespmem:s7], [sflag:$0x19], $0x80, s21, s17, $0xb8;
	[tilespmem:$0x1E080] =	vst v63  }
0x3af: {  	v2 =	vld [tilespmem:s14+$0xFFFFFE80]  }
0x3b0: {  	v1 =	vld.idx.msk [tilespmem:v1+s29+$0x0], $0xffff  }
0x3b1: {  	v3 =	vld [tilespmem:s14+$0xFFFFFE10]  }
0x3b2: {  	v4 =	vld [tilespmem:s14+$0xFFFFFE30]  }
0x3b3: {  	v5 =	vld [tilespmem:s14+$0xFFFFFE60]  }
0x3b4: {  	v6 =	vld [tilespmem:s14+$0xFFFFFE50]  }
0x3b5: {  	v7 =	vld [tilespmem:s14+$0xFFFFFE70];
	v2 =	vmul.f32 v2, v1  }
0x3b6: {  	s22 =	simm.s32 $0x29;
	v8 =	vld [tilespmem:s14+$0xFFFFFE40];
	v3 =	vmul.f32 v3, v1  }
0x3b7: {  	v62 =	vld [tilespmem:s14+$0xFFFFFE20];
	v4 =	vmul.f32 v4, v1;
	[tilespmem:s14+$0xFFFFFE80] =	vst v2;
	v2 =	vmov s22  }
0x3b8: {  	v5 =	vmul.f32 v5, v1;
	[tilespmem:s14+$0xFFFFFE10] =	vst v3;
	v2 =	vand.u32 $0xFFFFFFFD, v2  }
0x3b9: {  	v3 =	vmul.f32 v6, v1;
	[tilespmem:s14+$0xFFFFFE30] =	vst v4;
	v2 =	vbroadcast v2, $0x0  }
0x3ba: {  	v4 =	vmul.f32 v7, v1;
	[tilespmem:s14+$0xFFFFFE60] =	vst v5  }
0x3bb: {  	v5 =	vmul.f32 v8, v1;
	[tilespmem:s14+$0xFFFFFE50] =	vst v3  }
0x3bc: {  	v1 =	vmul.f32 v62, v1;
	[tilespmem:s14+$0xFFFFFE70] =	vst v4  }
0x3bd: {  	[tilespmem:s14+$0xFFFFFE40] =	vst v5  }
0x3be: {  	[tilespmem:s14+$0xFFFFFE20] =	vst v1;
	v1 =	vld [tilespmem:s14+$0xFFFFFEA0]  }
0x3bf: {  	v3 =	vld.idx.msk [tilespmem:v2+s29+$0x0], $0xffff  }
0x3c0: {  	v2 =	vld [tilespmem:s14+$0xFFFFFEB0]  }
0x3c1: {  	v4 =	vld [tilespmem:s14+$0xFFFFFE90]  }
0x3c2: {  	v5 =	vld [tilespmem:s14+$0xFFFFFEC0]  }
0x3c3: {  	v6 =	vld [tilespmem:s14+$0xFFFFFED0]  }
0x3c4: {  	v7 =	vld [tilespmem:s14+$0xFFFFFEE0];
	v1 =	vmul.f32 v1, v3  }
0x3c5: {  	s24 =	simm.s32 $0x2A;
	v8 =	vld [tilespmem:s14+$0xFFFFFF00];
	v2 =	vmul.f32 v2, v3  }
0x3c6: {  	v63 =	vld [tilespmem:s14+$0xFFFFFEF0];
	v4 =	vmul.f32 v4, v3;
	[tilespmem:s14+$0xFFFFFEA0] =	vst v1;
	v1 =	vmov s24  }
0x3c7: {  	v5 =	vmul.f32 v5, v3;
	[tilespmem:s14+$0xFFFFFEB0] =	vst v2;
	v1 =	vand.u32 $0xFFFFFFFE, v1  }
0x3c8: {  	v2 =	vmul.f32 v6, v3;
	[tilespmem:s14+$0xFFFFFE90] =	vst v4;
	v6 =	vld [tilespmem:s14+$0xFFFFFF70];
	v10 =	vbroadcast v1, $0x0  }
0x3c9: {  	v4 =	vmul.f32 v7, v3;
	[tilespmem:s14+$0xFFFFFEC0] =	vst v5;
	v7 =	vld [tilespmem:s14+$0xFFFFFF10]  }
0x3ca: {  	v5 =	vmul.f32 v8, v3;
	v1 =	vld [tilespmem:s14+$0xFFFFFF30];
	[tilespmem:s14+$0xFFFFFED0] =	vst v2  }
0x3cb: {  	v3 =	vmul.f32 v63, v3;
	v2 =	vld [tilespmem:s14+$0xFFFFFF40];
	[tilespmem:s14+$0xFFFFFEE0] =	vst v4  }
0x3cc: {  	[tilespmem:s14+$0xFFFFFF00] =	vst v5;
	v4 =	vld [tilespmem:s14+$0xFFFFFF50]  }
0x3cd: {  	[tilespmem:s14+$0xFFFFFEF0] =	vst v3;
	v5 =	vld [tilespmem:s14+$0xFFFFFF20]  }
0x3ce: {  	s20 =	simm.s32 $0x2C;
	s13 =	simm.s32 $0x6DF0;
	v3 =	vld.idx.msk [tilespmem:v10+s29+$0x0], $0xffff  }
.LBB2_20:
0x3cf: {  	p1 =	sne.s32 s20, $0x4C  }
0x3d0: {  	v8 =	vld [tilespmem:s14+$0xFFFFFF60];
	s13 =	sadd.s32 $0x200, s13;
	s1 =	smov.u32 s20;
	s20 =	sadd.s32 $0x4, s20  }
0x3d1: {  	v9 =	vld [tilespmem:s14+$0xFFFFFF80];
	_ =	sdelay $0x1  }
0x3d2: {  	v6 =	vmul.f32 v6, v3;
	v7 =	vmul.f32 v7, v3  }
0x3d3: {  	v4 =	vmul.f32 v4, v3;
	v5 =	vmul.f32 v5, v3  }
0x3d4: {  	v1 =	vmul.f32 v1, v3;
	v2 =	vmul.f32 v2, v3;
	[tilespmem:s14+$0xFFFFFF70] =	vst v6  }
0x3d5: {  	[tilespmem:s14+$0xFFFFFF50] =	vst v4;
	v4 =	vmul.f32 v8, v3;
	v3 =	vmul.f32 v9, v3  }
0x3d6: {  	s7 =	sadd.s32 $0x3, s17;
	s17 =	smov.u32 s1;
	[tilespmem:s14+$0xFFFFFF30] =	vst v1;
	v6 =	vld [tilespmem:s14+$0xFFFFFFF0]  }
0x3d7: {  	v1 =	vld [tilespmem:s13+$0xFFFFFF30];
	[tilespmem:s14+$0xFFFFFF10] =	vst v7;
	v7 =	vmov s7  }
0x3d8: {  	[tilespmem:s14+$0xFFFFFF60] =	vst v4;
	v4 =	vld [tilespmem:s14+$0xFFFFFF90]  }
0x3d9: {  	[tilespmem:s14+$0xFFFFFF40] =	vst v2;
	v8 =	vld [tilespmem:s14+$0xFFFFFFD0]  }
0x3da: {  	v2 =	vld [tilespmem:s13+$0xFFFFFF40];
	[tilespmem:s14+$0xFFFFFF20] =	vst v5  }
0x3db: {  	[tilespmem:s14+$0xFFFFFF80] =	vst v3;
	v3 =	vld [tilespmem:s14+$0xFFFFFFB0]  }
0x3dc: {  	v5 =	vld.idx.msk [tilespmem:v7+s29+$0x0], $0xffff  }
0x3dd: {  	v7 =	vld [tilespmem:s14+$0xFFFFFFA0]  }
0x3de: {  	v9 =	vld [tilespmem:s14+$0xFFFFFFC0]  }
0x3df: {  	v10 =	vld [tilespmem:s14+$0xFFFFFFE0]  }
0x3e0: {  	v11 =	vld [tilespmem:s14+$0x0];
	_ =	sdelay $0x1  }
0x3e1: {  	v4 =	vmul.f32 v4, v5;
	v7 =	vmul.f32 v7, v5  }
0x3e2: {  	v3 =	vmul.f32 v3, v5;
	v9 =	vmul.f32 v9, v5  }
0x3e3: {  	v12 =	vmov s17;
	[tilespmem:s14+$0xFFFFFF90] =	vst v4;
	v4 =	vmul.f32 v8, v5;
	v8 =	vmul.f32 v10, v5  }
0x3e4: {  	v10 =	vand.u32 $0xFFFFFFFC, v12;
	[tilespmem:s14+$0xFFFFFFB0] =	vst v3;
	v3 =	vmul.f32 v6, v5;
	v5 =	vmul.f32 v11, v5  }
0x3e5: {  	v6 =	vbroadcast v10, $0x0;
	[tilespmem:s14+$0xFFFFFFD0] =	vst v4  }
0x3e6: {  	[tilespmem:s14+$0x0] =	vst v5  }
0x3e7: {  	v4 =	vld [tilespmem:s13+$0xFFFFFE50];
	[tilespmem:s14+$0xFFFFFFF0] =	vst v3  }
0x3e8: {  	v3 =	vld [tilespmem:s13+$0xFFFFFE60];
	[tilespmem:s14+$0xFFFFFFA0] =	vst v7  }
0x3e9: {  	v5 =	vld [tilespmem:s13+$0xFFFFFE70];
	[tilespmem:s14+$0xFFFFFFC0] =	vst v9  }
0x3ea: {  	v7 =	vld [tilespmem:s13+$0xFFFFFE80];
	[tilespmem:s14+$0xFFFFFFE0] =	vst v8;
	s14 =	smov.u32 s13  }
0x3eb: {  	v6 =	vld.idx.msk [tilespmem:v6+s29+$0x0], $0xffff  }
0x3ec: {  	v8 =	vld [tilespmem:s13+$0xFFFFFE10]  }
0x3ed: {  	v9 =	vld [tilespmem:s13+$0xFFFFFE30]  }
0x3ee: {  	v10 =	vld [tilespmem:s13+$0xFFFFFE20]  }
0x3ef: {  	v11 =	vld [tilespmem:s13+$0xFFFFFE40];
	_ =	sdelay $0x1  }
0x3f0: {  	v7 =	vmul.f32 v7, v6;
	v8 =	vmul.f32 v8, v6  }
0x3f1: {  	s1 =	sadd.s32 $0x1, s17;
	v5 =	vmul.f32 v5, v6;
	v9 =	vmul.f32 v9, v6  }
0x3f2: {  	v3 =	vmul.f32 v3, v6;
	v10 =	vmul.f32 v10, v6;
	[tilespmem:s13+$0xFFFFFE80] =	vst v7;
	v7 =	vmov s1  }
0x3f3: {  	v4 =	vmul.f32 v4, v6;
	[tilespmem:s13+$0xFFFFFE10] =	vst v8;
	v8 =	vmul.f32 v11, v6;
	v6 =	vand.u32 $0xFFFFFFFD, v7  }
0x3f4: {  	[tilespmem:s13+$0xFFFFFE30] =	vst v9;
	v6 =	vbroadcast v6, $0x0  }
0x3f5: {  	[tilespmem:s13+$0xFFFFFE60] =	vst v3  }
0x3f6: {  	[tilespmem:s13+$0xFFFFFE50] =	vst v4;
	v3 =	vld [tilespmem:s13+$0xFFFFFF00]  }
0x3f7: {  	[tilespmem:s13+$0xFFFFFE70] =	vst v5;
	v4 =	vld [tilespmem:s13+$0xFFFFFED0]  }
0x3f8: {  	[tilespmem:s13+$0xFFFFFE40] =	vst v8;
	v5 =	vld [tilespmem:s13+$0xFFFFFEE0]  }
0x3f9: {  	[tilespmem:s13+$0xFFFFFE20] =	vst v10;
	v7 =	vld [tilespmem:s13+$0xFFFFFEA0]  }
0x3fa: {  	v6 =	vld.idx.msk [tilespmem:v6+s29+$0x0], $0xffff  }
0x3fb: {  	v8 =	vld [tilespmem:s13+$0xFFFFFE90]  }
0x3fc: {  	v9 =	vld [tilespmem:s13+$0xFFFFFEB0]  }
0x3fd: {  	v10 =	vld [tilespmem:s13+$0xFFFFFEC0]  }
0x3fe: {  	v11 =	vld [tilespmem:s13+$0xFFFFFEF0];
	_ =	sdelay $0x1  }
0x3ff: {  	v7 =	vmul.f32 v7, v6;
	v8 =	vmul.f32 v8, v6  }
0x400: {  	s1 =	sadd.s32 $0x2, s17;
	v5 =	vmul.f32 v5, v6;
	v9 =	vmul.f32 v9, v6  }
0x401: {  	v4 =	vmul.f32 v4, v6;
	[tilespmem:s13+$0xFFFFFEA0] =	vst v7;
	v7 =	vmul.f32 v10, v6;
	v10 =	vmov s1  }
0x402: {  	v3 =	vmul.f32 v3, v6;
	[tilespmem:s13+$0xFFFFFEB0] =	vst v9;
	v9 =	vmul.f32 v11, v6;
	v6 =	vand.u32 $0xFFFFFFFE, v10  }
0x403: {  	[tilespmem:s13+$0xFFFFFE90] =	vst v8;
	v8 =	vbroadcast v6, $0x0  }
0x404: {  	[tilespmem:s13+$0xFFFFFEC0] =	vst v7  }
0x405: {  	[tilespmem:s13+$0xFFFFFED0] =	vst v4  }
0x406: {  	[tilespmem:s13+$0xFFFFFEE0] =	vst v5  }
.Ltmp13:
0x407: {  	[tilespmem:s13+$0xFFFFFF00] =	vst v3;
	v4 =	vld [tilespmem:s13+$0xFFFFFF50];
	(pc) =	sbr.rel @p1 .LBB2_20-.Ltmp13, $4  }
0x408: {  	[tilespmem:s13+$0xFFFFFEF0] =	vst v9;
	v6 =	vld [tilespmem:s13+$0xFFFFFF70]  }
0x409: {  	v3 =	vld.idx.msk [tilespmem:v8+s29+$0x0], $0xffff  }
0x40a: {  	v7 =	vld [tilespmem:s13+$0xFFFFFF10]  }
0x40b: {  	v5 =	vld [tilespmem:s13+$0xFFFFFF20]  }
0x40c: {  	_ =	sdelay $0x1  }
0x40d: {  	v6 =	vmul.f32 v6, v3  }
0x40e: {  	v8 =	vld [tilespmem:s14+$0xFFFFFF60];
	v4 =	vmul.f32 v4, v3  }
0x40f: {  	v9 =	vld [tilespmem:s14+$0xFFFFFF80];
	v1 =	vmul.f32 v1, v3;
	[tilespmem:s14+$0xFFFFFF70] =	vst v6  }
0x410: {  	v55 =	vmul.f32 v7, v3;
	[tilespmem:s14+$0xFFFFFF50] =	vst v4  }
0x411: {  	s1 =	sadd.s32 $0x3, s17;
	[tilespmem:s14+$0xFFFFFF30] =	vst v1;
	v1 =	vmul.f32 v2, v3  }
0x412: {  	v2 =	vmov s1;
	v5 =	vmul.f32 v5, v3;
	[tilespmem:s14+$0xFFFFFF10] =	vst v55  }
0x413: {  	v56 =	vmul.f32 v8, v3;
	[tilespmem:s14+$0xFFFFFF40] =	vst v1  }
0x414: {  	v3 =	vmul.f32 v9, v3;
	[tilespmem:s14+$0xFFFFFF20] =	vst v5  }
0x415: {  	[tilespmem:s14+$0xFFFFFF60] =	vst v56  }
0x416: {  	v1 =	vld [tilespmem:s14+$0xFFFFFF90];
	[tilespmem:s14+$0xFFFFFF80] =	vst v3  }
0x417: {  	v2 =	vld.idx.msk [tilespmem:v2+s29+$0x0], $0xffff  }
0x418: {  	v3 =	vld [tilespmem:s14+$0xFFFFFFB0]  }
0x419: {  	v59 =	vld [tilespmem:s14+$0xFFFFFFF0]  }
0x41a: {  	v57 =	vld [tilespmem:s14+$0xFFFFFFD0]  }
0x41b: {  	v58 =	vld [tilespmem:s14+$0x0]  }
0x41c: {  	v60 =	vld [tilespmem:s14+$0xFFFFFFA0];
	v1 =	vmul.f32 v1, v2  }
0x41d: {  	v61 =	vld [tilespmem:s14+$0xFFFFFFC0];
	v3 =	vmul.f32 v3, v2  }
0x41e: {  	v62 =	vld [tilespmem:s14+$0xFFFFFFE0];
	v63 =	vmul.f32 v59, v2;
	[tilespmem:s14+$0xFFFFFF90] =	vst v1  }
0x41f: {  	v1 =	vmul.f32 v57, v2;
	[tilespmem:s14+$0xFFFFFFB0] =	vst v3  }
0x420: {  	v3 =	vmul.f32 v58, v2;
	[tilespmem:s14+$0xFFFFFFF0] =	vst v63  }
0x421: {  	[tilespmem:s14+$0xFFFFFFD0] =	vst v1;
	v1 =	vmul.f32 v60, v2  }
0x422: {  	[tilespmem:s14+$0x0] =	vst v3;
	v3 =	vmul.f32 v61, v2  }
0x423: {  	v2 =	vmul.f32 v62, v2;
	[tilespmem:s14+$0xFFFFFFA0] =	vst v1  }
0x424: {  	[tilespmem:s14+$0xFFFFFFC0] =	vst v3  }
0x425: {  	s24 =	simm.s32 $0xA;
	[tilespmem:s14+$0xFFFFFFE0] =	vst v2  }
0x426: {  	_ =	swait.ge [sflag:s24], $0x28  }
0x427: {  	[sflag:s24] =	ssyncset.done $0x0  }
0x428: {  	s7 =	simm.s32 $0x480;
	s13 =	simm.s32 $0x6C00;
	[sflag:s24] =	ssyncadd.s32 $0xFFFFFFD8  }
0x429: {  	[spmem:s4] =	stream.indirect.scatter.add.f32 [tilespmem:s13], [sflag:$0x1A], $0x80, s7, s9, $0xb8;
	[tilespmem:$0x1E080] =	vst v63  }
0x42a: {  	p1 =	sgt.u32 s23, $0x1D;
	s7 =	sld [smem:$0x7FC]  }
0x42b: {  	s1 =	smul.u32 @!p1 $0x140, s23;
	_ =	sdelay $0x1  }
0x42c: {  	s7 =	sadd.s32 @!p1 s1, s7  }
0x42d: {  	s7 =	sshrl.u32 @!p1 s7, $0x3  }
0x42e: {  	s17 =	simm.s32 @!p1 $0x100;
	s14 =	simm.s32 @!p1 $0x0;
	s13 =	sadd.s32 @!p1 s15, s7  }
0x42f: {  	[tilespmem:s17], [sflag:$0x3] =	stream.linear.gather @!p1 [hbm4b:s13+s14], $0x50, $0x38;
	[tilespmem:$0x1E080] =	vst v63  }
0x430: {  	s7 =	sadd.s32 @!p1 s3, s7;
	s13 =	simm.s32 @!p1 $0x700  }
0x431: {  	[tilespmem:s13], [sflag:$0xF] =	stream.linear.gather @!p1 [hbm4b:s7+s14], $0x50, $0x38;
	[tilespmem:$0x1E080] =	vst v63  }
0x432: {  	s7 =	simm.s32 @!p1 $0x17  }
0x433: {  	_ =	swait.ge @!p1 [sflag:s7], $0x1400  }
0x434: {  	[sflag:s7] =	ssyncset.done @!p1 $0x0  }
0x435: {  	[sflag:s7] =	ssyncadd.s32 @!p1 $0xFFFFEC00;
	s7 =	simm.s32 @!p1 $0x18  }
0x436: {  	_ =	swait.ge @!p1 [sflag:s7], $0x1400  }
0x437: {  	s13 =	sld [smem:$0x7FB];
	_ =	sdelay $0x2  }
0x438: {  	[sflag:s7] =	ssyncset.done @!p1 $0x0;
	s1 =	sadd.s32 @!p1 s1, s13  }
0x439: {  	[sflag:s7] =	ssyncadd.s32 @!p1 $0xFFFFEC00;
	s13 =	sshrl.u32 @!p1 s1, $0x3;
	s1 =	sadd.s32 @!p1 $0x28, s1  }
0x43a: {  	s7 =	sadd.s32 @!p1 s16, s13;
	s13 =	simm.s32 @!p1 $0x300;
	s1 =	sshrl.u32 @!p1 s1, $0x3  }
0x43b: {  	[tilespmem:s13], [sflag:$0x7] =	stream.linear.gather @!p1 [hbm4b:s7+s14], $0x28, $0x38;
	[tilespmem:$0x1E080] =	vst v63  }
0x43c: {  	s1 =	sadd.s32 @!p1 s16, s1;
	s7 =	simm.s32 @!p1 $0x380  }
0x43d: {  	[tilespmem:s7], [sflag:$0x8] =	stream.linear.gather @!p1 [hbm4b:s1+s14], $0x28, $0x38;
	[tilespmem:$0x1E080] =	vst v63  }
0x43e: {  	s1 =	simm.s32 @!p1 $0x2  }
0x43f: {  	p2 =	por $0x0, $0x0;
	p4 =	por @!p1 $0x1, $0x1;
	_ =	swait.ge @!p1 [sflag:s1], $0x50  }
0x440: {  	p2 =	por @!p1 p4, p4;
	s13 =	simm.s32 @!p1 $0x3000;
	[sflag:s1] =	ssyncset.done @!p1 $0x0  }
0x441: {  	s7 =	simm.s32 @!p1 $0x80;
	[sflag:s1] =	ssyncadd.s32 @!p1 $0xFFFFFFB0;
	s1 =	simm.s32 @!p1 $0x50  }
0x442: {  	[tilespmem:s13], [sflag:$0x12] =	stream.indirect.gather @!p1 [hbm4b:s0+s1], $0x80, s7, s1, $0xb8;
	[tilespmem:$0x1E080] =	vst v63  }
.LBB2_22:
.Ltmp14:
0x443: {  	(pc) =	sbr.rel @!p3 .LBB2_28-.Ltmp14, $1  }
0x444: {  	_ =	sdelay $0x3  }
0x445: {  	s1 =	simm.s32 $0x0  }
0x446: {  	s7 =	simm.s32 $0x14;
	v1 =	vmov s1  }
0x447: {  	_ =	swait.ge [sflag:s7], $0x2800;
	v1 =	vand.u32 $0xFFFFFFFC, v1  }
0x448: {  	[sflag:s7] =	ssyncset.done $0x0;
	v1 =	vbroadcast v1, $0x0  }
0x449: {  	s21 =	simm.s32 $0x10;
	[sflag:s7] =	ssyncadd.s32 $0xFFFFD800  }
0x44a: {  	_ =	swait.ge [sflag:s21], $0x50  }
0x44b: {  	[sflag:s21] =	ssyncset.done $0x0  }
0x44c: {  	s14 =	simm.s32 $0x8100;
	[sflag:s21] =	ssyncadd.s32 $0xFFFFFFB0  }
0x44d: {  	v3 =	vld [tilespmem:s14+$0xFFFFFF70]  }
0x44e: {  	v1 =	vld.idx.msk [tilespmem:v1+s31+$0x0], $0xffff  }
0x44f: {  	v4 =	vld [tilespmem:s14+$0xFFFFFF00]  }
0x450: {  	v5 =	vld [tilespmem:s14+$0xFFFFFF20]  }
0x451: {  	v6 =	vld [tilespmem:s14+$0xFFFFFF30]  }
0x452: {  	v2 =	vld [tilespmem:s14+$0xFFFFFF50]  }
0x453: {  	v8 =	vld [tilespmem:s14+$0xFFFFFF10];
	v3 =	vmul.f32 v3, v1  }
0x454: {  	s22 =	simm.s32 $0x1;
	v7 =	vld [tilespmem:s14+$0xFFFFFF60];
	v4 =	vmul.f32 v4, v1  }
0x455: {  	v9 =	vld [tilespmem:s14+$0xFFFFFF40];
	v5 =	vmul.f32 v5, v1;
	[tilespmem:s14+$0xFFFFFF70] =	vst v3;
	v3 =	vmov s22  }
0x456: {  	v6 =	vmul.f32 v6, v1;
	[tilespmem:s14+$0xFFFFFF00] =	vst v4;
	v3 =	vand.u32 $0xFFFFFFFD, v3  }
0x457: {  	v2 =	vmul.f32 v2, v1;
	[tilespmem:s14+$0xFFFFFF20] =	vst v5;
	v3 =	vbroadcast v3, $0x0  }
0x458: {  	v4 =	vmul.f32 v8, v1;
	[tilespmem:s14+$0xFFFFFF30] =	vst v6  }
0x459: {  	v5 =	vmul.f32 v7, v1;
	[tilespmem:s14+$0xFFFFFF50] =	vst v2  }
0x45a: {  	v1 =	vmul.f32 v9, v1;
	[tilespmem:s14+$0xFFFFFF10] =	vst v4  }
0x45b: {  	[tilespmem:s14+$0xFFFFFF60] =	vst v5  }
0x45c: {  	[tilespmem:s14+$0xFFFFFF40] =	vst v1;
	v1 =	vld [tilespmem:s14+$0xFFFFFF80]  }
0x45d: {  	v3 =	vld.idx.msk [tilespmem:v3+s31+$0x0], $0xffff  }
0x45e: {  	v2 =	vld [tilespmem:s14+$0xFFFFFFA0]  }
0x45f: {  	v4 =	vld [tilespmem:s14+$0xFFFFFF90]  }
0x460: {  	v5 =	vld [tilespmem:s14+$0xFFFFFFD0]  }
0x461: {  	v6 =	vld [tilespmem:s14+$0xFFFFFFE0]  }
0x462: {  	v7 =	vld [tilespmem:s14+$0xFFFFFFF0];
	v1 =	vmul.f32 v1, v3  }
0x463: {  	s24 =	simm.s32 $0x2;
	v8 =	vld [tilespmem:s14+$0xFFFFFFB0];
	v2 =	vmul.f32 v2, v3  }
0x464: {  	v63 =	vld [tilespmem:s14+$0xFFFFFFC0];
	v4 =	vmul.f32 v4, v3;
	[tilespmem:s14+$0xFFFFFF80] =	vst v1;
	v1 =	vmov s24  }
0x465: {  	v5 =	vmul.f32 v5, v3;
	[tilespmem:s14+$0xFFFFFFA0] =	vst v2;
	v1 =	vand.u32 $0xFFFFFFFE, v1  }
0x466: {  	v2 =	vmul.f32 v6, v3;
	[tilespmem:s14+$0xFFFFFF90] =	vst v4;
	v4 =	vbroadcast v1, $0x0  }
0x467: {  	v6 =	vmul.f32 v7, v3;
	[tilespmem:s14+$0xFFFFFFD0] =	vst v5;
	v7 =	vld [tilespmem:s14+$0x30]  }
0x468: {  	v5 =	vmul.f32 v8, v3;
	v1 =	vld [tilespmem:s14+$0x40];
	[tilespmem:s14+$0xFFFFFFE0] =	vst v2  }
0x469: {  	v3 =	vmul.f32 v63, v3;
	v2 =	vld [tilespmem:s14+$0x70];
	[tilespmem:s14+$0xFFFFFFF0] =	vst v6  }
0x46a: {  	[tilespmem:s14+$0xFFFFFFB0] =	vst v5;
	v5 =	vld [tilespmem:s14+$0x20]  }
0x46b: {  	[tilespmem:s14+$0xFFFFFFC0] =	vst v3;
	v6 =	vld [tilespmem:s14+$0x0]  }
0x46c: {  	v3 =	vld.idx.msk [tilespmem:v4+s31+$0x0], $0xffff  }
0x46d: {  	s17 =	simm.s32 $0x3;
	s20 =	simm.s32 $0x7;
	s13 =	simm.s32 $0x8100;
	v4 =	vld [tilespmem:s14+$0x10]  }
.LBB2_24:
0x46e: {  	p1 =	sne.s32 s20, $0x27  }
0x46f: {  	v8 =	vld [tilespmem:s14+$0x50];
	s13 =	sadd.s32 $0x200, s13;
	s1 =	smov.u32 s20;
	s20 =	sadd.s32 $0x4, s20  }
0x470: {  	v9 =	vld [tilespmem:s14+$0x60];
	_ =	sdelay $0x1  }
0x471: {  	v6 =	vmul.f32 v6, v3;
	v4 =	vmul.f32 v4, v3  }
0x472: {  	v5 =	vmul.f32 v5, v3;
	v7 =	vmul.f32 v7, v3  }
0x473: {  	v1 =	vmul.f32 v1, v3;
	v2 =	vmul.f32 v2, v3;
	[tilespmem:s14+$0x0] =	vst v6  }
0x474: {  	[tilespmem:s14+$0x20] =	vst v5;
	v5 =	vmul.f32 v8, v3;
	v3 =	vmul.f32 v9, v3  }
0x475: {  	[tilespmem:s14+$0x30] =	vst v7;
	v6 =	vld [tilespmem:s14+$0x80]  }
0x476: {  	[tilespmem:s14+$0x60] =	vst v3;
	v3 =	vmov s17;
	v7 =	vld [tilespmem:s14+$0xD0];
	s17 =	smov.u32 s1  }
0x477: {  	[tilespmem:s14+$0x50] =	vst v5;
	v5 =	vld [tilespmem:s14+$0xE0]  }
0x478: {  	[tilespmem:s14+$0x40] =	vst v1;
	v8 =	vld [tilespmem:s14+$0xB0]  }
0x479: {  	v1 =	vld [tilespmem:s13+$0x40];
	[tilespmem:s14+$0x70] =	vst v2  }
0x47a: {  	v2 =	vld [tilespmem:s13+$0x70];
	[tilespmem:s14+$0x10] =	vst v4  }
0x47b: {  	v3 =	vld.idx.msk [tilespmem:v3+s31+$0x0], $0xffff  }
0x47c: {  	v4 =	vld [tilespmem:s14+$0x90]  }
0x47d: {  	v9 =	vld [tilespmem:s14+$0xA0]  }
0x47e: {  	v10 =	vld [tilespmem:s14+$0xC0]  }
0x47f: {  	v11 =	vld [tilespmem:s14+$0xF0];
	_ =	sdelay $0x1  }
0x480: {  	v6 =	vmul.f32 v6, v3;
	v4 =	vmul.f32 v4, v3  }
0x481: {  	s1 =	sadd.s32 $0xFFFFFFFD, s17;
	v8 =	vmul.f32 v8, v3;
	v9 =	vmul.f32 v9, v3  }
0x482: {  	v12 =	vmov s1;
	v7 =	vmul.f32 v7, v3;
	[tilespmem:s14+$0x80] =	vst v6;
	v6 =	vmul.f32 v10, v3  }
0x483: {  	v10 =	vand.u32 $0xFFFFFFFC, v12;
	[tilespmem:s14+$0x90] =	vst v4;
	v4 =	vmul.f32 v5, v3;
	v3 =	vmul.f32 v11, v3  }
0x484: {  	v5 =	vbroadcast v10, $0x0;
	[tilespmem:s14+$0xA0] =	vst v9  }
0x485: {  	[tilespmem:s14+$0xD0] =	vst v7  }
0x486: {  	v7 =	vld [tilespmem:s13+$0xFFFFFF50];
	[tilespmem:s14+$0xB0] =	vst v8  }
0x487: {  	v8 =	vld [tilespmem:s13+$0xFFFFFF30];
	[tilespmem:s14+$0xC0] =	vst v6  }
0x488: {  	v6 =	vld [tilespmem:s13+$0xFFFFFF60];
	[tilespmem:s14+$0xE0] =	vst v4  }
0x489: {  	v4 =	vld [tilespmem:s13+$0xFFFFFF70];
	[tilespmem:s14+$0xF0] =	vst v3;
	s14 =	smov.u32 s13  }
0x48a: {  	v3 =	vld.idx.msk [tilespmem:v5+s31+$0x0], $0xffff  }
0x48b: {  	v5 =	vld [tilespmem:s13+$0xFFFFFF00]  }
0x48c: {  	v9 =	vld [tilespmem:s13+$0xFFFFFF20]  }
0x48d: {  	v10 =	vld [tilespmem:s13+$0xFFFFFF10]  }
0x48e: {  	v11 =	vld [tilespmem:s13+$0xFFFFFF40];
	_ =	sdelay $0x1  }
0x48f: {  	v4 =	vmul.f32 v4, v3;
	v5 =	vmul.f32 v5, v3  }
0x490: {  	s1 =	sadd.s32 $0xFFFFFFFE, s17;
	v6 =	vmul.f32 v6, v3;
	v9 =	vmul.f32 v9, v3  }
0x491: {  	v8 =	vmul.f32 v8, v3;
	v10 =	vmul.f32 v10, v3;
	[tilespmem:s13+$0xFFFFFF70] =	vst v4;
	v4 =	vmov s1  }
0x492: {  	[tilespmem:s13+$0xFFFFFF00] =	vst v5;
	v5 =	vmul.f32 v11, v3;
	v3 =	vmul.f32 v7, v3;
	v4 =	vand.u32 $0xFFFFFFFD, v4  }
0x493: {  	[tilespmem:s13+$0xFFFFFF20] =	vst v9;
	v4 =	vbroadcast v4, $0x0  }
0x494: {  	[tilespmem:s13+$0xFFFFFF30] =	vst v8  }
0x495: {  	[tilespmem:s13+$0xFFFFFF50] =	vst v3;
	v3 =	vld [tilespmem:s13+$0xFFFFFFF0]  }
0x496: {  	[tilespmem:s13+$0xFFFFFF10] =	vst v10;
	v7 =	vld [tilespmem:s13+$0xFFFFFFD0]  }
0x497: {  	[tilespmem:s13+$0xFFFFFF60] =	vst v6;
	v6 =	vld [tilespmem:s13+$0xFFFFFFB0]  }
0x498: {  	[tilespmem:s13+$0xFFFFFF40] =	vst v5;
	v5 =	vld [tilespmem:s13+$0xFFFFFF90]  }
0x499: {  	v4 =	vld.idx.msk [tilespmem:v4+s31+$0x0], $0xffff  }
0x49a: {  	v8 =	vld [tilespmem:s13+$0xFFFFFF80]  }
0x49b: {  	v9 =	vld [tilespmem:s13+$0xFFFFFFA0]  }
0x49c: {  	v10 =	vld [tilespmem:s13+$0xFFFFFFC0]  }
0x49d: {  	v11 =	vld [tilespmem:s13+$0xFFFFFFE0];
	_ =	sdelay $0x1  }
0x49e: {  	v5 =	vmul.f32 v5, v4;
	v8 =	vmul.f32 v8, v4  }
0x49f: {  	s1 =	sadd.s32 $0xFFFFFFFF, s17;
	v6 =	vmul.f32 v6, v4;
	v9 =	vmul.f32 v9, v4  }
0x4a0: {  	v7 =	vmul.f32 v7, v4;
	[tilespmem:s13+$0xFFFFFF80] =	vst v8;
	v8 =	vmul.f32 v10, v4;
	v10 =	vmov s1  }
0x4a1: {  	v3 =	vmul.f32 v3, v4;
	[tilespmem:s13+$0xFFFFFFA0] =	vst v9;
	v9 =	vmul.f32 v11, v4;
	v4 =	vand.u32 $0xFFFFFFFE, v10  }
0x4a2: {  	[tilespmem:s13+$0xFFFFFF90] =	vst v5;
	v4 =	vbroadcast v4, $0x0  }
0x4a3: {  	[tilespmem:s13+$0xFFFFFFD0] =	vst v7  }
0x4a4: {  	[tilespmem:s13+$0xFFFFFFE0] =	vst v9  }
0x4a5: {  	[tilespmem:s13+$0xFFFFFFB0] =	vst v6  }
.Ltmp15:
0x4a6: {  	[tilespmem:s13+$0xFFFFFFF0] =	vst v3;
	v5 =	vld [tilespmem:s13+$0x20];
	(pc) =	sbr.rel @p1 .LBB2_24-.Ltmp15, $4  }
0x4a7: {  	[tilespmem:s13+$0xFFFFFFC0] =	vst v8;
	v6 =	vld [tilespmem:s13+$0x0]  }
0x4a8: {  	v3 =	vld.idx.msk [tilespmem:v4+s31+$0x0], $0xffff  }
0x4a9: {  	v4 =	vld [tilespmem:s13+$0x10]  }
0x4aa: {  	v7 =	vld [tilespmem:s13+$0x30]  }
0x4ab: {  	v8 =	vld [tilespmem:s14+$0x60];
	_ =	sdelay $0x1  }
0x4ac: {  	v6 =	vmul.f32 v6, v3  }
0x4ad: {  	v9 =	vld [tilespmem:s14+$0x50];
	v5 =	vmul.f32 v5, v3  }
0x4ae: {  	v1 =	vmul.f32 v1, v3;
	[tilespmem:s14+$0x0] =	vst v6  }
0x4af: {  	[tilespmem:s14+$0x20] =	vst v5;
	v5 =	vmul.f32 v8, v3  }
0x4b0: {  	v2 =	vmul.f32 v2, v3;
	[tilespmem:s14+$0x40] =	vst v1  }
0x4b1: {  	v7 =	vmul.f32 v7, v3;
	[tilespmem:s14+$0x60] =	vst v5;
	v5 =	vmov s17  }
0x4b2: {  	[tilespmem:s14+$0x70] =	vst v2;
	v6 =	vmul.f32 v9, v3  }
0x4b3: {  	v3 =	vmul.f32 v4, v3;
	[tilespmem:s14+$0x30] =	vst v7  }
0x4b4: {  	v61 =	vld [tilespmem:s14+$0xF0];
	[tilespmem:s14+$0x50] =	vst v6  }
0x4b5: {  	v7 =	vld [tilespmem:s14+$0x80];
	[tilespmem:s14+$0x10] =	vst v3  }
0x4b6: {  	v1 =	vld.idx.msk [tilespmem:v5+s31+$0x0], $0xffff  }
0x4b7: {  	v2 =	vld [tilespmem:s14+$0x90]  }
0x4b8: {  	v3 =	vld [tilespmem:s14+$0xA0]  }
0x4b9: {  	v4 =	vld [tilespmem:s14+$0xD0]  }
0x4ba: {  	v5 =	vld [tilespmem:s14+$0xB0]  }
0x4bb: {  	v6 =	vld [tilespmem:s14+$0xC0];
	v7 =	vmul.f32 v7, v1  }
0x4bc: {  	v8 =	vld [tilespmem:s14+$0xE0];
	v2 =	vmul.f32 v2, v1  }
0x4bd: {  	v3 =	vmul.f32 v3, v1;
	[tilespmem:s14+$0x80] =	vst v7  }
0x4be: {  	v4 =	vmul.f32 v4, v1;
	[tilespmem:s14+$0x90] =	vst v2  }
0x4bf: {  	v2 =	vmul.f32 v5, v1;
	[tilespmem:s14+$0xA0] =	vst v3  }
0x4c0: {  	v3 =	vmul.f32 v6, v1;
	[tilespmem:s14+$0xD0] =	vst v4  }
0x4c1: {  	s17 =	simm.s32 $0x28;
	v4 =	vmul.f32 v8, v1;
	v1 =	vmul.f32 v61, v1;
	[tilespmem:s14+$0xB0] =	vst v2  }
0x4c2: {  	[tilespmem:s14+$0xC0] =	vst v3;
	v2 =	vmov s17  }
0x4c3: {  	[tilespmem:s14+$0xF0] =	vst v1;
	v1 =	vand.u32 $0xFFFFFFFC, v2  }
0x4c4: {  	s1 =	simm.s32 $0xB;
	[tilespmem:s14+$0xE0] =	vst v4;
	v1 =	vbroadcast v1, $0x0  }
0x4c5: {  	_ =	swait.ge [sflag:s1], $0x28  }
0x4c6: {  	s21 =	simm.s32 $0x500;
	[sflag:s1] =	ssyncset.done $0x0  }
0x4c7: {  	s7 =	simm.s32 $0x8000;
	s14 =	simm.s32 $0x95F0;
	[sflag:s1] =	ssyncadd.s32 $0xFFFFFFD8  }
0x4c8: {  	[spmem:s4] =	stream.indirect.scatter.add.f32 [tilespmem:s7], [sflag:$0x1B], $0x80, s21, s17, $0xb8;
	[tilespmem:$0x1E080] =	vst v63  }
0x4c9: {  	v2 =	vld [tilespmem:s14+$0xFFFFFE80]  }
0x4ca: {  	v1 =	vld.idx.msk [tilespmem:v1+s31+$0x0], $0xffff  }
0x4cb: {  	v3 =	vld [tilespmem:s14+$0xFFFFFE10]  }
0x4cc: {  	v4 =	vld [tilespmem:s14+$0xFFFFFE30]  }
0x4cd: {  	v5 =	vld [tilespmem:s14+$0xFFFFFE60]  }
0x4ce: {  	v6 =	vld [tilespmem:s14+$0xFFFFFE50]  }
0x4cf: {  	v7 =	vld [tilespmem:s14+$0xFFFFFE70];
	v2 =	vmul.f32 v2, v1  }
0x4d0: {  	s22 =	simm.s32 $0x29;
	v8 =	vld [tilespmem:s14+$0xFFFFFE40];
	v3 =	vmul.f32 v3, v1  }
0x4d1: {  	v62 =	vld [tilespmem:s14+$0xFFFFFE20];
	v4 =	vmul.f32 v4, v1;
	[tilespmem:s14+$0xFFFFFE80] =	vst v2;
	v2 =	vmov s22  }
0x4d2: {  	v5 =	vmul.f32 v5, v1;
	[tilespmem:s14+$0xFFFFFE10] =	vst v3;
	v2 =	vand.u32 $0xFFFFFFFD, v2  }
0x4d3: {  	v3 =	vmul.f32 v6, v1;
	[tilespmem:s14+$0xFFFFFE30] =	vst v4;
	v2 =	vbroadcast v2, $0x0  }
0x4d4: {  	v4 =	vmul.f32 v7, v1;
	[tilespmem:s14+$0xFFFFFE60] =	vst v5  }
0x4d5: {  	v5 =	vmul.f32 v8, v1;
	[tilespmem:s14+$0xFFFFFE50] =	vst v3  }
0x4d6: {  	v1 =	vmul.f32 v62, v1;
	[tilespmem:s14+$0xFFFFFE70] =	vst v4  }
0x4d7: {  	[tilespmem:s14+$0xFFFFFE40] =	vst v5  }
0x4d8: {  	[tilespmem:s14+$0xFFFFFE20] =	vst v1;
	v1 =	vld [tilespmem:s14+$0xFFFFFEA0]  }
0x4d9: {  	v3 =	vld.idx.msk [tilespmem:v2+s31+$0x0], $0xffff  }
0x4da: {  	v2 =	vld [tilespmem:s14+$0xFFFFFEB0]  }
0x4db: {  	v4 =	vld [tilespmem:s14+$0xFFFFFE90]  }
0x4dc: {  	v5 =	vld [tilespmem:s14+$0xFFFFFEC0]  }
0x4dd: {  	v6 =	vld [tilespmem:s14+$0xFFFFFED0]  }
0x4de: {  	v7 =	vld [tilespmem:s14+$0xFFFFFEE0];
	v1 =	vmul.f32 v1, v3  }
0x4df: {  	s24 =	simm.s32 $0x2A;
	v8 =	vld [tilespmem:s14+$0xFFFFFF00];
	v2 =	vmul.f32 v2, v3  }
0x4e0: {  	v63 =	vld [tilespmem:s14+$0xFFFFFEF0];
	v4 =	vmul.f32 v4, v3;
	[tilespmem:s14+$0xFFFFFEA0] =	vst v1;
	v1 =	vmov s24  }
0x4e1: {  	v5 =	vmul.f32 v5, v3;
	[tilespmem:s14+$0xFFFFFEB0] =	vst v2;
	v1 =	vand.u32 $0xFFFFFFFE, v1  }
0x4e2: {  	v2 =	vmul.f32 v6, v3;
	[tilespmem:s14+$0xFFFFFE90] =	vst v4;
	v6 =	vld [tilespmem:s14+$0xFFFFFF70];
	v10 =	vbroadcast v1, $0x0  }
0x4e3: {  	v4 =	vmul.f32 v7, v3;
	[tilespmem:s14+$0xFFFFFEC0] =	vst v5;
	v7 =	vld [tilespmem:s14+$0xFFFFFF10]  }
0x4e4: {  	v5 =	vmul.f32 v8, v3;
	v1 =	vld [tilespmem:s14+$0xFFFFFF30];
	[tilespmem:s14+$0xFFFFFED0] =	vst v2  }
0x4e5: {  	v3 =	vmul.f32 v63, v3;
	v2 =	vld [tilespmem:s14+$0xFFFFFF40];
	[tilespmem:s14+$0xFFFFFEE0] =	vst v4  }
0x4e6: {  	[tilespmem:s14+$0xFFFFFF00] =	vst v5;
	v4 =	vld [tilespmem:s14+$0xFFFFFF50]  }
0x4e7: {  	[tilespmem:s14+$0xFFFFFEF0] =	vst v3;
	v5 =	vld [tilespmem:s14+$0xFFFFFF20]  }
0x4e8: {  	s20 =	simm.s32 $0x2C;
	s13 =	simm.s32 $0x95F0;
	v3 =	vld.idx.msk [tilespmem:v10+s31+$0x0], $0xffff  }
.LBB2_26:
0x4e9: {  	p1 =	sne.s32 s20, $0x4C  }
0x4ea: {  	v8 =	vld [tilespmem:s14+$0xFFFFFF60];
	s13 =	sadd.s32 $0x200, s13;
	s1 =	smov.u32 s20;
	s20 =	sadd.s32 $0x4, s20  }
0x4eb: {  	v9 =	vld [tilespmem:s14+$0xFFFFFF80];
	_ =	sdelay $0x1  }
0x4ec: {  	v6 =	vmul.f32 v6, v3;
	v7 =	vmul.f32 v7, v3  }
0x4ed: {  	v4 =	vmul.f32 v4, v3;
	v5 =	vmul.f32 v5, v3  }
0x4ee: {  	v1 =	vmul.f32 v1, v3;
	v2 =	vmul.f32 v2, v3;
	[tilespmem:s14+$0xFFFFFF70] =	vst v6  }
0x4ef: {  	[tilespmem:s14+$0xFFFFFF50] =	vst v4;
	v4 =	vmul.f32 v8, v3;
	v3 =	vmul.f32 v9, v3  }
0x4f0: {  	s7 =	sadd.s32 $0x3, s17;
	s17 =	smov.u32 s1;
	[tilespmem:s14+$0xFFFFFF30] =	vst v1;
	v6 =	vld [tilespmem:s14+$0xFFFFFFF0]  }
0x4f1: {  	v1 =	vld [tilespmem:s13+$0xFFFFFF30];
	[tilespmem:s14+$0xFFFFFF10] =	vst v7;
	v7 =	vmov s7  }
0x4f2: {  	[tilespmem:s14+$0xFFFFFF60] =	vst v4;
	v4 =	vld [tilespmem:s14+$0xFFFFFF90]  }
0x4f3: {  	[tilespmem:s14+$0xFFFFFF40] =	vst v2;
	v8 =	vld [tilespmem:s14+$0xFFFFFFD0]  }
0x4f4: {  	v2 =	vld [tilespmem:s13+$0xFFFFFF40];
	[tilespmem:s14+$0xFFFFFF20] =	vst v5  }
0x4f5: {  	[tilespmem:s14+$0xFFFFFF80] =	vst v3;
	v3 =	vld [tilespmem:s14+$0xFFFFFFB0]  }
0x4f6: {  	v5 =	vld.idx.msk [tilespmem:v7+s31+$0x0], $0xffff  }
0x4f7: {  	v7 =	vld [tilespmem:s14+$0xFFFFFFA0]  }
0x4f8: {  	v9 =	vld [tilespmem:s14+$0xFFFFFFC0]  }
0x4f9: {  	v10 =	vld [tilespmem:s14+$0xFFFFFFE0]  }
0x4fa: {  	v11 =	vld [tilespmem:s14+$0x0];
	_ =	sdelay $0x1  }
0x4fb: {  	v4 =	vmul.f32 v4, v5;
	v7 =	vmul.f32 v7, v5  }
0x4fc: {  	v3 =	vmul.f32 v3, v5;
	v9 =	vmul.f32 v9, v5  }
0x4fd: {  	v12 =	vmov s17;
	[tilespmem:s14+$0xFFFFFF90] =	vst v4;
	v4 =	vmul.f32 v8, v5;
	v8 =	vmul.f32 v10, v5  }
0x4fe: {  	v10 =	vand.u32 $0xFFFFFFFC, v12;
	[tilespmem:s14+$0xFFFFFFB0] =	vst v3;
	v3 =	vmul.f32 v6, v5;
	v5 =	vmul.f32 v11, v5  }
0x4ff: {  	v6 =	vbroadcast v10, $0x0;
	[tilespmem:s14+$0xFFFFFFD0] =	vst v4  }
0x500: {  	[tilespmem:s14+$0x0] =	vst v5  }
0x501: {  	v4 =	vld [tilespmem:s13+$0xFFFFFE50];
	[tilespmem:s14+$0xFFFFFFF0] =	vst v3  }
0x502: {  	v3 =	vld [tilespmem:s13+$0xFFFFFE60];
	[tilespmem:s14+$0xFFFFFFA0] =	vst v7  }
0x503: {  	v5 =	vld [tilespmem:s13+$0xFFFFFE70];
	[tilespmem:s14+$0xFFFFFFC0] =	vst v9  }
0x504: {  	v7 =	vld [tilespmem:s13+$0xFFFFFE80];
	[tilespmem:s14+$0xFFFFFFE0] =	vst v8;
	s14 =	smov.u32 s13  }
0x505: {  	v6 =	vld.idx.msk [tilespmem:v6+s31+$0x0], $0xffff  }
0x506: {  	v8 =	vld [tilespmem:s13+$0xFFFFFE10]  }
0x507: {  	v9 =	vld [tilespmem:s13+$0xFFFFFE30]  }
0x508: {  	v10 =	vld [tilespmem:s13+$0xFFFFFE20]  }
0x509: {  	v11 =	vld [tilespmem:s13+$0xFFFFFE40];
	_ =	sdelay $0x1  }
0x50a: {  	v7 =	vmul.f32 v7, v6;
	v8 =	vmul.f32 v8, v6  }
0x50b: {  	s1 =	sadd.s32 $0x1, s17;
	v5 =	vmul.f32 v5, v6;
	v9 =	vmul.f32 v9, v6  }
0x50c: {  	v3 =	vmul.f32 v3, v6;
	v10 =	vmul.f32 v10, v6;
	[tilespmem:s13+$0xFFFFFE80] =	vst v7;
	v7 =	vmov s1  }
0x50d: {  	v4 =	vmul.f32 v4, v6;
	[tilespmem:s13+$0xFFFFFE10] =	vst v8;
	v8 =	vmul.f32 v11, v6;
	v6 =	vand.u32 $0xFFFFFFFD, v7  }
0x50e: {  	[tilespmem:s13+$0xFFFFFE30] =	vst v9;
	v6 =	vbroadcast v6, $0x0  }
0x50f: {  	[tilespmem:s13+$0xFFFFFE60] =	vst v3  }
0x510: {  	[tilespmem:s13+$0xFFFFFE50] =	vst v4;
	v3 =	vld [tilespmem:s13+$0xFFFFFF00]  }
0x511: {  	[tilespmem:s13+$0xFFFFFE70] =	vst v5;
	v4 =	vld [tilespmem:s13+$0xFFFFFED0]  }
0x512: {  	[tilespmem:s13+$0xFFFFFE40] =	vst v8;
	v5 =	vld [tilespmem:s13+$0xFFFFFEE0]  }
0x513: {  	[tilespmem:s13+$0xFFFFFE20] =	vst v10;
	v7 =	vld [tilespmem:s13+$0xFFFFFEA0]  }
0x514: {  	v6 =	vld.idx.msk [tilespmem:v6+s31+$0x0], $0xffff  }
0x515: {  	v8 =	vld [tilespmem:s13+$0xFFFFFE90]  }
0x516: {  	v9 =	vld [tilespmem:s13+$0xFFFFFEB0]  }
0x517: {  	v10 =	vld [tilespmem:s13+$0xFFFFFEC0]  }
0x518: {  	v11 =	vld [tilespmem:s13+$0xFFFFFEF0];
	_ =	sdelay $0x1  }
0x519: {  	v7 =	vmul.f32 v7, v6;
	v8 =	vmul.f32 v8, v6  }
0x51a: {  	s1 =	sadd.s32 $0x2, s17;
	v5 =	vmul.f32 v5, v6;
	v9 =	vmul.f32 v9, v6  }
0x51b: {  	v4 =	vmul.f32 v4, v6;
	[tilespmem:s13+$0xFFFFFEA0] =	vst v7;
	v7 =	vmul.f32 v10, v6;
	v10 =	vmov s1  }
0x51c: {  	v3 =	vmul.f32 v3, v6;
	[tilespmem:s13+$0xFFFFFEB0] =	vst v9;
	v9 =	vmul.f32 v11, v6;
	v6 =	vand.u32 $0xFFFFFFFE, v10  }
0x51d: {  	[tilespmem:s13+$0xFFFFFE90] =	vst v8;
	v8 =	vbroadcast v6, $0x0  }
0x51e: {  	[tilespmem:s13+$0xFFFFFEC0] =	vst v7  }
0x51f: {  	[tilespmem:s13+$0xFFFFFED0] =	vst v4  }
0x520: {  	[tilespmem:s13+$0xFFFFFEE0] =	vst v5  }
.Ltmp16:
0x521: {  	[tilespmem:s13+$0xFFFFFF00] =	vst v3;
	v4 =	vld [tilespmem:s13+$0xFFFFFF50];
	(pc) =	sbr.rel @p1 .LBB2_26-.Ltmp16, $4  }
0x522: {  	[tilespmem:s13+$0xFFFFFEF0] =	vst v9;
	v6 =	vld [tilespmem:s13+$0xFFFFFF70]  }
0x523: {  	v3 =	vld.idx.msk [tilespmem:v8+s31+$0x0], $0xffff  }
0x524: {  	v7 =	vld [tilespmem:s13+$0xFFFFFF10]  }
0x525: {  	v5 =	vld [tilespmem:s13+$0xFFFFFF20]  }
0x526: {  	_ =	sdelay $0x1  }
0x527: {  	v6 =	vmul.f32 v6, v3  }
0x528: {  	v8 =	vld [tilespmem:s14+$0xFFFFFF60];
	v4 =	vmul.f32 v4, v3  }
0x529: {  	v9 =	vld [tilespmem:s14+$0xFFFFFF80];
	v1 =	vmul.f32 v1, v3;
	[tilespmem:s14+$0xFFFFFF70] =	vst v6  }
0x52a: {  	v55 =	vmul.f32 v7, v3;
	[tilespmem:s14+$0xFFFFFF50] =	vst v4  }
0x52b: {  	s1 =	sadd.s32 $0x3, s17;
	[tilespmem:s14+$0xFFFFFF30] =	vst v1;
	v1 =	vmul.f32 v2, v3  }
0x52c: {  	v2 =	vmov s1;
	v5 =	vmul.f32 v5, v3;
	[tilespmem:s14+$0xFFFFFF10] =	vst v55  }
0x52d: {  	v56 =	vmul.f32 v8, v3;
	[tilespmem:s14+$0xFFFFFF40] =	vst v1  }
0x52e: {  	v3 =	vmul.f32 v9, v3;
	[tilespmem:s14+$0xFFFFFF20] =	vst v5  }
0x52f: {  	[tilespmem:s14+$0xFFFFFF60] =	vst v56  }
0x530: {  	v1 =	vld [tilespmem:s14+$0xFFFFFF90];
	[tilespmem:s14+$0xFFFFFF80] =	vst v3  }
0x531: {  	v2 =	vld.idx.msk [tilespmem:v2+s31+$0x0], $0xffff  }
0x532: {  	v3 =	vld [tilespmem:s14+$0xFFFFFFB0]  }
0x533: {  	v59 =	vld [tilespmem:s14+$0xFFFFFFF0]  }
0x534: {  	v57 =	vld [tilespmem:s14+$0xFFFFFFD0]  }
0x535: {  	v58 =	vld [tilespmem:s14+$0x0]  }
0x536: {  	v60 =	vld [tilespmem:s14+$0xFFFFFFA0];
	v1 =	vmul.f32 v1, v2  }
0x537: {  	v61 =	vld [tilespmem:s14+$0xFFFFFFC0];
	v3 =	vmul.f32 v3, v2  }
0x538: {  	v62 =	vld [tilespmem:s14+$0xFFFFFFE0];
	v63 =	vmul.f32 v59, v2;
	[tilespmem:s14+$0xFFFFFF90] =	vst v1  }
0x539: {  	v1 =	vmul.f32 v57, v2;
	[tilespmem:s14+$0xFFFFFFB0] =	vst v3  }
0x53a: {  	v3 =	vmul.f32 v58, v2;
	[tilespmem:s14+$0xFFFFFFF0] =	vst v63  }
0x53b: {  	[tilespmem:s14+$0xFFFFFFD0] =	vst v1;
	v1 =	vmul.f32 v60, v2  }
0x53c: {  	[tilespmem:s14+$0x0] =	vst v3;
	v3 =	vmul.f32 v61, v2  }
0x53d: {  	v2 =	vmul.f32 v62, v2;
	[tilespmem:s14+$0xFFFFFFA0] =	vst v1  }
0x53e: {  	[tilespmem:s14+$0xFFFFFFC0] =	vst v3  }
0x53f: {  	s24 =	simm.s32 $0xC;
	[tilespmem:s14+$0xFFFFFFE0] =	vst v2  }
0x540: {  	_ =	swait.ge [sflag:s24], $0x28  }
0x541: {  	[sflag:s24] =	ssyncset.done $0x0  }
0x542: {  	s7 =	simm.s32 $0x580;
	s13 =	simm.s32 $0x9400;
	[sflag:s24] =	ssyncadd.s32 $0xFFFFFFD8  }
0x543: {  	[spmem:s4] =	stream.indirect.scatter.add.f32 [tilespmem:s13], [sflag:$0x1C], $0x80, s7, s9, $0xb8;
	[tilespmem:$0x1E080] =	vst v63  }
0x544: {  	s7 =	sld [smem:$0x7FD]  }
0x545: {  	s1 =	smul.u32 @p2 $0x140, s23;
	_ =	sdelay $0x1  }
0x546: {  	s1 =	sadd.s32 @p2 s1, s7  }
.Ltmp17:
0x547: {  	s1 =	sshrl.u32 @p2 s1, $0x3;
	(pc) =	sbr.rel .LBB2_28-.Ltmp17, $4  }
0x548: {  	s14 =	simm.s32 @p2 $0x180;
	s13 =	simm.s32 @p2 $0x0;
	s7 =	sadd.s32 @p2 s15, s1  }
0x549: {  	[tilespmem:s14], [sflag:$0x4] =	stream.linear.gather @p2 [hbm4b:s7+s13], $0x50, $0x38;
	[tilespmem:$0x1E080] =	vst v63  }
0x54a: {  	s1 =	sadd.s32 @p2 s3, s1;
	s7 =	simm.s32 @p2 $0x780  }
0x54b: {  	[tilespmem:s7], [sflag:$0x10] =	stream.linear.gather @p2 [hbm4b:s1+s13], $0x50, $0x38;
	[tilespmem:$0x1E080] =	vst v63  }
.LBB2_30:
0x54c: {  	_ =	sfence.sel $0x180000  }
0x54d: {  	[bflag:$0x0] =	sbarrier.arrive $0xFFFF  }
0x54e: {  	_ =	strace $0x90000047  }
0x54f: {  	[bflag:$0x2] =	sbarrier.arrive $0xFFFF  }
0x550: {  	p0 =	sne.s32 s13, $0x0;
	s0 =	rddreg [dreg:$0x4]  }
0x551: {  	s0 =	sadd.s32 @!p0 $0x100000, s0  }
0x552: {  	[sflag:s0] =	ssyncadd.tile.s32 @!p0 $0x1;
	_ =	shalt  }
.Lfunc_end2:
_tile_overlayer_lowered:
.L_overlay_start_2:
0x553: {  	(tag) =	ssettag $0x2  }
0x554: {  	s0 =	rddreg [dreg:$0x0];
	s2 =	stileid.u32  }
0x555: {  	s1 =	rddreg [dreg:$0x1];
	p0 =	sne.s32 s2, $0x0  }
0x556: {  	s3 =	rddreg [dreg:$0x2];
	[bflag:$0x3] =	sbarrier.arrive $0xFFFF;
	s2 =	simm.s32 @!p0 $0x1C1D  }
0x557: {  	[timem:s3], [sflag:s2] =	dma.local @!p0 [hbm:s0], s1  }
0x558: {  	s0 =	simm.s32 @!p0 $0x1D  }
0x559: {  	_ =	swait.ge @!p0 [sflag:s0], s1  }
0x55a: {  	s1 =	ssub.s32 @!p0 $0x0, s1;
	[sflag:s0] =	ssyncset.done @!p0 $0x0  }
0x55b: {  	[sflag:s0] =	ssyncadd.s32 @!p0 s1  }
0x55c: {  	[bflag:$0x3] =	sbarrier.arrive $0xFFFF  }
0x55d: {  	_ =	shalt  }

</sc_bundles>
